<compile_context>
chip_gen: v7x
topology: tpu7x:2x2x1
jax: 0.10.2.dev20260603
libtpu: 0.0.44.dev20260713+nightly
codegen_flags: <defaults>
</compile_context>

<pallas_src>
import functools

import jax
import jax.numpy as jnp
from jax import lax
from jax.experimental import pallas as pl
from jax.experimental.pallas import tpu as pltpu
from jax.experimental.pallas import tpu_sc as plsc

N = 10000
E = 320000
F = 128
NCLASS = 64
KAPPA = 0.99
THRESHOLD = 30

NC = 2
NS = 16
NW = NC * NS

FH = F // 2
HB = N // 2
HNP = 5120
CH = 80
SCHUNK = 136
EH = NS * SCHUNK * CH
RPT = HNP // NS
NP2 = 10240

EPT = E // NS
PCH = EPT // CH
RSL = NP2 // NS

_BCAST_DNUMS = lax.GatherDimensionNumbers(
    offset_dims=(), collapsed_slice_dims=(0,), start_index_map=(0,))


def _lane_bcast(vec16, lane):
  idx = jnp.full((16, 1), lane, jnp.int32)
  return lax.gather(vec16, idx, _BCAST_DNUMS, (1,),
                    mode=lax.GatherScatterMode.PROMISE_IN_BOUNDS)


def _scale_rows(rows, val2, ch):
  def grp(g, _):
    vv = val2[ch, pl.ds(g * 16, 16)]
    for l in range(16):
      vb = _lane_bcast(vv, l)
      r = g * 16 + l
      for j in range(FH // 16):
        rows[r, pl.ds(j * 16, 16)] = rows[r, pl.ds(j * 16, 16)] * vb
    return 0
  lax.fori_loop(0, CH // 16, grp, 0)


def _spmm_pipeline(x_hbm, code2, val2, sv0, sv1, dv, rows0, rows1, acc_sh,
                   sem0, sem1):

  def decode_src(ch, sv):
    def g_(g, _):
      cv = code2[ch, pl.ds(g * 16, 16)]
      sv[pl.ds(g * 16, 16)] = jnp.bitwise_and(cv, 16383)
      return 0
    lax.fori_loop(0, CH // 16, g_, 0)

  def decode_dst(ch):
    def g_(g, _):
      cv = code2[ch, pl.ds(g * 16, 16)]
      dv[pl.ds(g * 16, 16)] = jnp.right_shift(cv, 14)
      return 0
    lax.fori_loop(0, CH // 16, g_, 0)

  def finish(ch, rows):
    _scale_rows(rows, val2, ch)
    decode_dst(ch)
    pltpu.sync_copy(rows, acc_sh.at[dv], add=True)

  def pair_body(p, _):
    ch0 = p * 2
    decode_src(ch0, sv0)
    decode_src(ch0 + 1, sv1)
    cp0 = pltpu.async_copy(x_hbm.at[sv0], rows0, sem0)
    cp1 = pltpu.async_copy(x_hbm.at[sv1], rows1, sem1)
    cp0.wait()
    finish(ch0, rows0)
    cp1.wait()
    finish(ch0 + 1, rows1)
    return 0
  lax.fori_loop(0, SCHUNK // 2, pair_body, 0)


def _spmm_body(x_hbm, code_hbm, val_hbm, out_hbm,
               rows0, rows1, code2, val2, sv0, sv1, dv, acc_sh,
               sem0, sem1, isem):
  c = lax.axis_index("c")
  s = lax.axis_index("s")

  pltpu.sync_copy(code_hbm.at[c, s], code2)
  pltpu.sync_copy(val_hbm.at[c, s], val2)

  z16 = jnp.zeros((16,), jnp.float32)
  def zrow(r, _):
    for j in range(F // 16):
      rows0[r, pl.ds(j * 16, 16)] = z16
    return 0
  lax.fori_loop(0, CH, zrow, 0)
  def zcp(k, _):
    pltpu.sync_copy(rows0, acc_sh.at[pl.ds(s * RPT + k * CH, CH)])
    return 0
  lax.fori_loop(0, RPT // CH, zcp, 0)

  plsc.subcore_barrier()

  _spmm_pipeline(x_hbm, code2, val2, sv0, sv1, dv, rows0, rows1, acc_sh,
                 sem0, sem1)

  plsc.subcore_barrier()
  pltpu.sync_copy(acc_sh.at[pl.ds(s * RPT, RPT)],
                  out_hbm.at[c, pl.ds(s * RPT, RPT)])


@functools.partial(
    pl.kernel,
    out_type=jax.ShapeDtypeStruct((NC, HNP, F), jnp.float32),
    mesh=plsc.VectorSubcoreMesh(core_axis_name="c", subcore_axis_name="s"),
    scratch_types=[
        pltpu.VMEM((CH, F), jnp.float32),
        pltpu.VMEM((CH, F), jnp.float32),
        pltpu.VMEM((SCHUNK, CH), jnp.int32),
        pltpu.VMEM((SCHUNK, CH), jnp.float32),
        pltpu.VMEM((CH,), jnp.int32),
        pltpu.VMEM((CH,), jnp.int32),
        pltpu.VMEM((CH,), jnp.int32),
        pltpu.VMEM_SHARED((HNP, F), jnp.float32),
        pltpu.SemaphoreType.DMA,
        pltpu.SemaphoreType.DMA,
        pltpu.SemaphoreType.DMA,
    ],
)
def _spmm_sc(x_hbm, code_hbm, val_hbm, out_hbm,
             rows0, rows1, code2, val2, sv0, sv1, dv, acc_sh,
             sem0, sem1, isem):
  _spmm_body(x_hbm, code_hbm, val_hbm, out_hbm,
             rows0, rows1, code2, val2, sv0, sv1, dv, acc_sh,
             sem0, sem1, isem)


def _power_body(src_hbm, dst_hbm, val_hbm, v30_hbm, v31_hbm,
                src2, dst2, val2, gv, zb, cb, a_sh, b_sh, sem):
  c = lax.axis_index("c")
  s = lax.axis_index("s")

  pltpu.sync_copy(src_hbm.at[s], src2)
  pltpu.sync_copy(dst_hbm.at[s], dst2)
  pltpu.sync_copy(val_hbm.at[s], val2)

  z16 = jnp.zeros((16,), jnp.float32)
  c16 = jnp.full((16,), 1.0 / 100.0, jnp.float32)
  def init_bufs(i, _):
    zb[pl.ds(i * 16, 16)] = z16
    cb[pl.ds(i * 16, 16)] = jnp.where(s * RSL + i * 16 < N, c16, z16)
    return 0
  lax.fori_loop(0, RSL // 16, init_bufs, 0)
  pltpu.sync_copy(cb, a_sh.at[pl.ds(s * RSL, RSL)])
  plsc.subcore_barrier()

  def do_step(step, r_sh, w_sh):
    pltpu.sync_copy(zb, w_sh.at[pl.ds(s * RSL, RSL)])
    plsc.subcore_barrier()
    def chunk(ch, _):
      pltpu.async_copy(r_sh.at[src2.at[ch]], gv, sem).wait()
      def grp(g, _):
        gv[pl.ds(g * 16, 16)] = gv[pl.ds(g * 16, 16)] * val2[ch, pl.ds(g * 16, 16)]
        return 0
      lax.fori_loop(0, CH // 16, grp, 0)
      pltpu.sync_copy(gv, w_sh.at[dst2.at[ch]], add=True)
      return 0
    lax.fori_loop(0, PCH, chunk, 0)
    plsc.subcore_barrier()
    @pl.when((step == THRESHOLD - 1) & (c == 0))
    def _():
      pltpu.sync_copy(w_sh.at[pl.ds(s * RSL, RSL)],
                      v30_hbm.at[pl.ds(s * RSL, RSL)])
    @pl.when((step == THRESHOLD) & (c == 0))
    def _():
      pltpu.sync_copy(w_sh.at[pl.ds(s * RSL, RSL)],
                      v31_hbm.at[pl.ds(s * RSL, RSL)])

  def step_body(step, _):
    @pl.when(step % 2 == 0)
    def _():
      do_step(step, a_sh, b_sh)
    @pl.when(step % 2 == 1)
    def _():
      do_step(step, b_sh, a_sh)
    return 0
  lax.fori_loop(0, THRESHOLD + 1, step_body, 0)


@functools.partial(
    pl.kernel,
    out_type=(jax.ShapeDtypeStruct((NP2,), jnp.float32),
              jax.ShapeDtypeStruct((NP2,), jnp.float32)),
    mesh=plsc.VectorSubcoreMesh(core_axis_name="c", subcore_axis_name="s"),
    scratch_types=[
        pltpu.VMEM((PCH, CH), jnp.int32),
        pltpu.VMEM((PCH, CH), jnp.int32),
        pltpu.VMEM((PCH, CH), jnp.float32),
        pltpu.VMEM((CH,), jnp.float32),
        pltpu.VMEM((RSL,), jnp.float32),
        pltpu.VMEM((RSL,), jnp.float32),
        pltpu.VMEM_SHARED((NP2,), jnp.float32),
        pltpu.VMEM_SHARED((NP2,), jnp.float32),
        pltpu.SemaphoreType.DMA,
    ],
)
def _power_sc(src_hbm, dst_hbm, val_hbm, v30_hbm, v31_hbm,
              src2, dst2, val2, gv, zb, cb, a_sh, b_sh, sem):
  _power_body(src_hbm, dst_hbm, val_hbm, v30_hbm, v31_hbm,
              src2, dst2, val2, gv, zb, cb, a_sh, b_sh, sem)



def _proj_body(v30_ref, v31_ref, w_ref, out_ref):
  a30 = v30_ref[...]
  a31 = v31_ref[...]
  m = jnp.maximum(jnp.max(jnp.abs(a30)), 1e-30)
  a30 = a30 / m
  a31 = a31 / m
  rho = jnp.sqrt(jnp.sum(a31 * a31) / jnp.maximum(jnp.sum(a30 * a30), 1e-30))
  rho = jnp.maximum(rho, 1e-6)
  vrad = KAPPA / rho

  w = w_ref[...]
  absw = jnp.abs(w)
  rowsum = jnp.sum(absw, axis=1, keepdims=True)
  hi0 = jnp.max(absw, axis=1, keepdims=True)
  lo0 = jnp.zeros_like(hi0)
  def bis(i, carry):
    lo, hi = carry
    mid = 0.5 * (lo + hi)
    srow = jnp.sum(jnp.maximum(absw - mid, 0.0), axis=1, keepdims=True)
    pred = srow > vrad
    return (jnp.where(pred, mid, lo), jnp.where(pred, hi, mid))
  lo, hi = lax.fori_loop(0, 50, bis, (lo0, hi0))
  theta = 0.5 * (lo + hi)
  wproj = jnp.sign(w) * jnp.maximum(absw - theta, 0.0)
  out_ref[...] = jnp.where(rowsum > vrad, wproj, w)


def _proj_tc(v30, v31, w):
  return pl.pallas_call(
      _proj_body,
      out_shape=jax.ShapeDtypeStruct((F, F), jnp.float32),
  )(v30.reshape(100, 100), v31.reshape(100, 100), w)


BLK = 2000


def _init_body(au_ref, u_ref, b_ref, wi_ref, aub_ref, z0_ref):
  aub_ref[...] = jnp.dot(au_ref[...], b_ref[...],
                         preferred_element_type=jnp.float32,
                         precision=lax.Precision.HIGHEST)
  z0_ref[...] = jnp.dot(u_ref[...], wi_ref[...],
                        preferred_element_type=jnp.float32,
                        precision=lax.Precision.HIGHEST)


def _init_tc(au, u, b, w_init):
  row = pl.BlockSpec((BLK, F), lambda i: (i, 0))
  full = pl.BlockSpec((F, F), lambda i: (0, 0))
  return pl.pallas_call(
      _init_body,
      grid=(N // BLK,),
      in_specs=[row, row, full, full],
      out_specs=[row, row],
      out_shape=[jax.ShapeDtypeStruct((N, F), jnp.float32),
                 jax.ShapeDtypeStruct((N, F), jnp.float32)],
  )(au, u, b, w_init)


def _iter_body(s_ref, wp_ref, aub_ref, z_ref):
  z = jnp.dot(s_ref[...], wp_ref[...], preferred_element_type=jnp.float32,
              precision=lax.Precision.HIGHEST)
  z_ref[...] = jnp.maximum(z + aub_ref[...], 0.0)


def _iter_tc(sv, wp, aub):
  row = pl.BlockSpec((BLK, F), lambda i: (i, 0))
  full = pl.BlockSpec((F, F), lambda i: (0, 0))
  return pl.pallas_call(
      _iter_body,
      grid=(N // BLK,),
      in_specs=[row, full, row],
      out_specs=row,
      out_shape=jax.ShapeDtypeStruct((N, F), jnp.float32),
  )(sv, wp, aub)


def _out_body(z_ref, vt_ref, o_ref):
  o_ref[...] = jnp.dot(z_ref[...], vt_ref[...],
                       preferred_element_type=jnp.float32,
                       precision=lax.Precision.HIGHEST)


def _out_tc(z, vt):
  return pl.pallas_call(
      _out_body,
      grid=(N // BLK,),
      in_specs=[pl.BlockSpec((BLK, F), lambda i: (i, 0)),
                pl.BlockSpec((F, NCLASS), lambda i: (0, 0))],
      out_specs=pl.BlockSpec((BLK, NCLASS), lambda i: (i, 0)),
      out_shape=jax.ShapeDtypeStruct((N, NCLASS), jnp.float32),
  )(z, vt)


def kernel(U, edge_index, edge_values, W, B, W_init, V_w):
  dst = edge_index[0]
  src = edge_index[1]

  src3 = src.reshape(NS, PCH, CH)
  dst3 = dst.reshape(NS, PCH, CH)
  val3 = edge_values.reshape(NS, PCH, CH)

  lower = dst < HB
  rl = jnp.cumsum(lower.astype(jnp.int32)) - lower.astype(jnp.int32)
  upper = ~lower
  ru = jnp.cumsum(upper.astype(jnp.int32)) - upper.astype(jnp.int32)
  pos = jnp.where(lower, rl, EH + ru)
  ok = jnp.where(lower, rl < EH, ru < EH)
  pos = jnp.where(ok, pos, 2 * EH - 1)
  dloc = jnp.where(lower, dst, dst - HB)
  code = dloc * 16384 + src
  vals = jnp.where(ok, edge_values, 0.0)
  codeP = jnp.zeros((2 * EH,), jnp.int32).at[pos].set(code, mode="drop")
  valP = jnp.zeros((2 * EH,), jnp.float32).at[pos].set(vals, mode="drop")
  code4 = codeP.reshape(NC, NS, SCHUNK, CH)
  val4 = valP.reshape(NC, NS, SCHUNK, CH)

  v30p, v31p = _power_sc(src3, dst3, val3)
  wp = _proj_tc(v30p[:N], v31p[:N], W)

  au = _spmm_sc(U, code4, val4)
  sfull = jnp.concatenate([au[0, :HB], au[1, :HB]], axis=0)
  aub, z = _init_tc(sfull, U, B, W_init)

  def body(i, z):
    st = _spmm_sc(z, code4, val4)
    sf = jnp.concatenate([st[0, :HB], st[1, :HB]], axis=0)
    return _iter_tc(sf, wp, aub)
  z = lax.fori_loop(0, THRESHOLD, body, z)

  return _out_tc(z, V_w.T)

# --- scband reference (transcript-rebuilt; emitter-appended) ---
"""Pipeline reference for scband-ignn-solver-plus-24919400251505 (READ-ONLY COPY).

The authoritative reference and input builder live on the scoring server;
editing this copy changes nothing except your own understanding.
"""

import jax, jax.numpy as jnp
import numpy as np

N = 10000
E = 320000
NFEAT = 128
NHID = 128
NCLASS = 64
KAPPA = 0.99
THRESHOLD = 30

def setup_inputs(seed: int = 0):
    key = jax.random.key(seed)
    k0, k1, k2, k3, k4, k5, k6 = jax.random.split(key, 7)
    U = jax.random.normal(k0, (N, NFEAT), dtype=jnp.float32)
    edge_index = jax.random.randint(k1, (2, E), 0, N, dtype=jnp.int32)
    # row-normalized-ish adjacency values so spectral radius < 1 scale
    edge_values = jax.random.uniform(k2, (E,), dtype=jnp.float32) * (2.0 / 32.0)
    stdv = 1.0 / np.sqrt(NHID)
    W = jax.random.uniform(k3, (NHID, NHID), dtype=jnp.float32, minval=-stdv, maxval=stdv)
    B = jax.random.uniform(k4, (NFEAT, NHID), dtype=jnp.float32, minval=-stdv, maxval=stdv)
    W_init = jax.random.uniform(k5, (NFEAT, NHID), dtype=jnp.float32, minval=-stdv, maxval=stdv)
    V_w = jax.random.uniform(k6, (NCLASS, NHID), dtype=jnp.float32, minval=-stdv, maxval=stdv)
    return {"U": U, "edge_index": edge_index, "edge_values": edge_values, "W": W, "B": B, "W_init": W_init, "V_w": V_w}

def _spmm(edge_index, edge_values, X, n):
    dst = edge_index[0]
    src = edge_index[1]
    return jax.ops.segment_sum(edge_values[:, None] * X[src], dst, num_segments=n)

def _spectral_rad(edge_index, edge_values, n, iters=30):
    dst = edge_index[0]
    src = edge_index[1]
    v = jnp.ones((n,), jnp.float32) / jnp.sqrt(float(n))
    def body(i, v):
        w = jax.ops.segment_sum(edge_values * v[src], dst, num_segments=n)
        return w / (jnp.linalg.norm(w) + 1e-12)
    v = jax.lax.fori_loop(0, iters, body, v)
    Av = jax.ops.segment_sum(edge_values * v[src], dst, num_segments=n)
    return jnp.maximum(jnp.linalg.norm(Av), 1e-6)

def _proj_norm_inf(W, v):
    # project each row of W onto the L1-ball of radius v (=> ||W||_inf <= v)
    m = W.shape[1]
    def proj_row(row):
        absr = jnp.abs(row)
        u = jnp.sort(absr)[::-1]
        css = jnp.cumsum(u)
        jf = jnp.arange(1, m + 1, dtype=jnp.float32)
        cond = (u - (css - v) / jf) > 0
        rho_i = jnp.max(jnp.where(cond, jnp.arange(1, m + 1), 0))
        theta = (css[rho_i - 1] - v) / rho_i.astype(jnp.float32)
        wproj = jnp.sign(row) * jnp.maximum(absr - theta, 0.0)
        return jnp.where(jnp.sum(absr) > v, wproj, row)
    return jax.vmap(proj_row)(W)

def reference(U, edge_index, edge_values, W, B, W_init, V_w):
    n = U.shape[0]
    # projection_norm_inf(W, kappa / rho(A))
    rho = _spectral_rad(edge_index, edge_values, n)
    Wp = _proj_norm_inf(W, KAPPA / rho)
    # A @ U @ B (constant across fixed-point iterations)
    AUB = _spmm(edge_index, edge_values, U, n) @ B
    # initializer (Embedding4Initializer ~ linear map nfeat -> nhid)
    z = U @ W_init
    # fixed-point solve of z = relu(A @ (z @ W) + A @ U @ B)
    def body(i, z):
        return jax.nn.relu(_spmm(edge_index, edge_values, z @ Wp, n) + AUB)
    z = jax.lax.fori_loop(0, THRESHOLD, body, z)
    # eval-mode dropout is identity; V is bias-free linear nhid -> nclass
    out = z @ V_w.T
    return out

if __name__ == "__main__":
    import jax
    _d = setup_inputs()
    print(jax.jit(kernel)(*tuple(_d.values())))

</pallas_src>

<mosaic_0001>
#map = affine_map<(d0, d1) -> (0, 0)>
#map1 = affine_map<(d0, d1) -> (0, 0, 0, 0)>
#map2 = affine_map<(d0, d1) -> (0, 0, 0)>
module attributes {stable_mosaic.version = 14 : i64} {
  func.func @_spmm_sc(%arg0: i32, %arg1: i32, %arg2: memref<10000x128xf32, #tpu.memory_space<hbm>>, %arg3: memref<2x16x136x80xi32, #tpu.memory_space<hbm>>, %arg4: memref<2x16x136x80xf32, #tpu.memory_space<hbm>>, %arg5: memref<2x5120x128xf32, #tpu.memory_space<hbm>>, %arg6: memref<80x128xf32, #tpu.memory_space<vmem>>, %arg7: memref<80x128xf32, #tpu.memory_space<vmem>>, %arg8: memref<136x80xi32, #tpu.memory_space<vmem>>, %arg9: memref<136x80xf32, #tpu.memory_space<vmem>>, %arg10: memref<80xi32, #tpu.memory_space<vmem>>, %arg11: memref<80xi32, #tpu.memory_space<vmem>>, %arg12: memref<80xi32, #tpu.memory_space<vmem>>, %arg13: memref<5120x128xf32, #tpu.memory_space<vmem_shared>>, %arg14: memref<!tpu.dma_semaphore, #tpu.memory_space<semaphore_mem>>, %arg15: memref<!tpu.dma_semaphore, #tpu.memory_space<semaphore_mem>>, %arg16: memref<!tpu.dma_semaphore, #tpu.memory_space<semaphore_mem>>) attributes {dimension_semantics = [#tpu.dimension_semantics<core_parallel>, #tpu.dimension_semantics<subcore_parallel>], iteration_bounds = array<i64: 2, 16>, scalar_prefetch = 0 : i64, scratch_operands = 11 : i64, tpu.core_type = #tpu.core_type<sc_vector_subcore>, window_params = [{transform_indices = #map}, {transform_indices = #map1}, {transform_indices = #map1}, {transform_indices = #map2}]} {
    "tpu.region"() ({
      %run_scoped3A = tpu.sem_alloc : memref<!tpu.dma_semaphore, #tpu.memory_space<semaphore_mem>>
      %dma_start3A = arith.constant 0 : i32
      %dma_start3A_25 = arith.constant 0 : i32
      %dma_start3A_26 = tpu.memref_slice %arg3[%arg0, %arg1, %dma_start3A, %dma_start3A_25] : memref<2x16x136x80xi32, #tpu.memory_space<hbm>> -> memref<1x1x136x80xi32, #tpu.memory_space<hbm>>
      %dma_start3A_27 = tpu.memref_squeeze %dma_start3A_26 : memref<1x1x136x80xi32, #tpu.memory_space<hbm>> -> memref<136x80xi32, #tpu.memory_space<hbm>>
      %dma_start3A_28 = arith.constant 0 : i32
      %dma_start3A_29 = arith.constant 0 : i32
      %dma_start3A_30 = tpu.memref_slice %arg3[%arg0, %arg1, %dma_start3A_28, %dma_start3A_29] : memref<2x16x136x80xi32, #tpu.memory_space<hbm>> -> memref<1x1x136x80xi32, #tpu.memory_space<hbm>>
      %dma_start3A_31 = tpu.memref_squeeze %dma_start3A_30 : memref<1x1x136x80xi32, #tpu.memory_space<hbm>> -> memref<136x80xi32, #tpu.memory_space<hbm>>
      tpu.enqueue_dma source(%dma_start3A_31 : memref<136x80xi32, #tpu.memory_space<hbm>>) target(%arg8 : memref<136x80xi32, #tpu.memory_space<vmem>>) target_semaphore(%run_scoped3A : memref<!tpu.dma_semaphore, #tpu.memory_space<semaphore_mem>>)
      %dma_wait3A = arith.constant 0 : i32
      %dma_wait3A_32 = arith.constant 0 : i32
      %dma_wait3A_33 = tpu.memref_slice %arg3[%arg0, %arg1, %dma_wait3A, %dma_wait3A_32] : memref<2x16x136x80xi32, #tpu.memory_space<hbm>> -> memref<1x1x136x80xi32, #tpu.memory_space<hbm>>
      %dma_wait3A_34 = tpu.memref_squeeze %dma_wait3A_33 : memref<1x1x136x80xi32, #tpu.memory_space<hbm>> -> memref<136x80xi32, #tpu.memory_space<hbm>>
      %dma_wait3A_35 = arith.constant 0 : i32
      %dma_wait3A_36 = arith.constant 0 : i32
      %dma_wait3A_37 = tpu.memref_slice %arg3[%arg0, %arg1, %dma_wait3A_35, %dma_wait3A_36] : memref<2x16x136x80xi32, #tpu.memory_space<hbm>> -> memref<1x1x136x80xi32, #tpu.memory_space<hbm>>
      %dma_wait3A_38 = tpu.memref_squeeze %dma_wait3A_37 : memref<1x1x136x80xi32, #tpu.memory_space<hbm>> -> memref<136x80xi32, #tpu.memory_space<hbm>>
      tpu.wait_dma2 semaphore(%run_scoped3A : memref<!tpu.dma_semaphore, #tpu.memory_space<semaphore_mem>>) src(%dma_wait3A_38 : memref<136x80xi32, #tpu.memory_space<hbm>>) dst(%arg8 : memref<136x80xi32, #tpu.memory_space<vmem>>)
      tpu.yield
    }) : () -> ()
    "tpu.region"() ({
      %run_scoped3A = tpu.sem_alloc : memref<!tpu.dma_semaphore, #tpu.memory_space<semaphore_mem>>
      %dma_start3A = arith.constant 0 : i32
      %dma_start3A_25 = arith.constant 0 : i32
      %dma_start3A_26 = tpu.memref_slice %arg4[%arg0, %arg1, %dma_start3A, %dma_start3A_25] : memref<2x16x136x80xf32, #tpu.memory_space<hbm>> -> memref<1x1x136x80xf32, #tpu.memory_space<hbm>>
      %dma_start3A_27 = tpu.memref_squeeze %dma_start3A_26 : memref<1x1x136x80xf32, #tpu.memory_space<hbm>> -> memref<136x80xf32, #tpu.memory_space<hbm>>
      %dma_start3A_28 = arith.constant 0 : i32
      %dma_start3A_29 = arith.constant 0 : i32
      %dma_start3A_30 = tpu.memref_slice %arg4[%arg0, %arg1, %dma_start3A_28, %dma_start3A_29] : memref<2x16x136x80xf32, #tpu.memory_space<hbm>> -> memref<1x1x136x80xf32, #tpu.memory_space<hbm>>
      %dma_start3A_31 = tpu.memref_squeeze %dma_start3A_30 : memref<1x1x136x80xf32, #tpu.memory_space<hbm>> -> memref<136x80xf32, #tpu.memory_space<hbm>>
      tpu.enqueue_dma source(%dma_start3A_31 : memref<136x80xf32, #tpu.memory_space<hbm>>) target(%arg9 : memref<136x80xf32, #tpu.memory_space<vmem>>) target_semaphore(%run_scoped3A : memref<!tpu.dma_semaphore, #tpu.memory_space<semaphore_mem>>)
      %dma_wait3A = arith.constant 0 : i32
      %dma_wait3A_32 = arith.constant 0 : i32
      %dma_wait3A_33 = tpu.memref_slice %arg4[%arg0, %arg1, %dma_wait3A, %dma_wait3A_32] : memref<2x16x136x80xf32, #tpu.memory_space<hbm>> -> memref<1x1x136x80xf32, #tpu.memory_space<hbm>>
      %dma_wait3A_34 = tpu.memref_squeeze %dma_wait3A_33 : memref<1x1x136x80xf32, #tpu.memory_space<hbm>> -> memref<136x80xf32, #tpu.memory_space<hbm>>
      %dma_wait3A_35 = arith.constant 0 : i32
      %dma_wait3A_36 = arith.constant 0 : i32
      %dma_wait3A_37 = tpu.memref_slice %arg4[%arg0, %arg1, %dma_wait3A_35, %dma_wait3A_36] : memref<2x16x136x80xf32, #tpu.memory_space<hbm>> -> memref<1x1x136x80xf32, #tpu.memory_space<hbm>>
      %dma_wait3A_38 = tpu.memref_squeeze %dma_wait3A_37 : memref<1x1x136x80xf32, #tpu.memory_space<hbm>> -> memref<136x80xf32, #tpu.memory_space<hbm>>
      tpu.wait_dma2 semaphore(%run_scoped3A : memref<!tpu.dma_semaphore, #tpu.memory_space<semaphore_mem>>) src(%dma_wait3A_38 : memref<136x80xf32, #tpu.memory_space<hbm>>) dst(%arg9 : memref<136x80xf32, #tpu.memory_space<vmem>>)
      tpu.yield
    }) : () -> ()
    %broadcast_in_dim3A = arith.constant 0.000000e+00 : f32
    %broadcast_in_dim3A_0 = vector.broadcast %broadcast_in_dim3A : f32 to vector<16xf32>
    %scan3A = arith.constant 0 : i32
    %scan3A_1 = arith.constant 0 : i32
    %scan3A_2 = arith.constant 80 : i32
    %scan3A_3 = arith.addi %scan3A_1, %scan3A_2 : i32
    %scan3A_4 = arith.constant 1 : i32
    %scan3A_5 = scf.for %scan3A_25 = %scan3A_1 to %scan3A_3 step %scan3A_4 iter_args(%scan3A_26 = %scan3A) -> (i32)  : i32 {
      %swap3A = arith.index_cast %scan3A_25 : i32 to index
      %swap3A_27 = arith.constant 0 : index
      %swap3A_28 = tpu.vector_load %arg6[%swap3A, %swap3A_27] {strides = array<i32>} : memref<80x128xf32, #tpu.memory_space<vmem>>, vector<1x16xf32>,
      %swap3A_29 = vector.shape_cast %swap3A_28 : vector<1x16xf32> to vector<16xf32>
      %swap3A_30 = vector.shape_cast %broadcast_in_dim3A_0 : vector<16xf32> to vector<1x16xf32>
      tpu.vector_store %arg6[%swap3A, %swap3A_27], %swap3A_30 {strides = array<i32>} : memref<80x128xf32, #tpu.memory_space<vmem>>, vector<1x16xf32>,
      %swap3A_31 = arith.index_cast %scan3A_25 : i32 to index
      %swap3A_32 = arith.constant 16 : index
      %swap3A_33 = tpu.vector_load %arg6[%swap3A_31, %swap3A_32] {strides = array<i32>} : memref<80x128xf32, #tpu.memory_space<vmem>>, vector<1x16xf32>,
      %swap3A_34 = vector.shape_cast %swap3A_33 : vector<1x16xf32> to vector<16xf32>
      %swap3A_35 = vector.shape_cast %broadcast_in_dim3A_0 : vector<16xf32> to vector<1x16xf32>
      tpu.vector_store %arg6[%swap3A_31, %swap3A_32], %swap3A_35 {strides = array<i32>} : memref<80x128xf32, #tpu.memory_space<vmem>>, vector<1x16xf32>,
      %swap3A_36 = arith.index_cast %scan3A_25 : i32 to index
      %swap3A_37 = arith.constant 32 : index
      %swap3A_38 = tpu.vector_load %arg6[%swap3A_36, %swap3A_37] {strides = array<i32>} : memref<80x128xf32, #tpu.memory_space<vmem>>, vector<1x16xf32>,
      %swap3A_39 = vector.shape_cast %swap3A_38 : vector<1x16xf32> to vector<16xf32>
      %swap3A_40 = vector.shape_cast %broadcast_in_dim3A_0 : vector<16xf32> to vector<1x16xf32>
      tpu.vector_store %arg6[%swap3A_36, %swap3A_37], %swap3A_40 {strides = array<i32>} : memref<80x128xf32, #tpu.memory_space<vmem>>, vector<1x16xf32>,
      %swap3A_41 = arith.index_cast %scan3A_25 : i32 to index
      %swap3A_42 = arith.constant 48 : index
      %swap3A_43 = tpu.vector_load %arg6[%swap3A_41, %swap3A_42] {strides = array<i32>} : memref<80x128xf32, #tpu.memory_space<vmem>>, vector<1x16xf32>,
      %swap3A_44 = vector.shape_cast %swap3A_43 : vector<1x16xf32> to vector<16xf32>
      %swap3A_45 = vector.shape_cast %broadcast_in_dim3A_0 : vector<16xf32> to vector<1x16xf32>
      tpu.vector_store %arg6[%swap3A_41, %swap3A_42], %swap3A_45 {strides = array<i32>} : memref<80x128xf32, #tpu.memory_space<vmem>>, vector<1x16xf32>,
      %swap3A_46 = arith.index_cast %scan3A_25 : i32 to index
      %swap3A_47 = arith.constant 64 : index
      %swap3A_48 = tpu.vector_load %arg6[%swap3A_46, %swap3A_47] {strides = array<i32>} : memref<80x128xf32, #tpu.memory_space<vmem>>, vector<1x16xf32>,
      %swap3A_49 = vector.shape_cast %swap3A_48 : vector<1x16xf32> to vector<16xf32>
      %swap3A_50 = vector.shape_cast %broadcast_in_dim3A_0 : vector<16xf32> to vector<1x16xf32>
      tpu.vector_store %arg6[%swap3A_46, %swap3A_47], %swap3A_50 {strides = array<i32>} : memref<80x128xf32, #tpu.memory_space<vmem>>, vector<1x16xf32>,
      %swap3A_51 = arith.index_cast %scan3A_25 : i32 to index
      %swap3A_52 = arith.constant 80 : index
      %swap3A_53 = tpu.vector_load %arg6[%swap3A_51, %swap3A_52] {strides = array<i32>} : memref<80x128xf32, #tpu.memory_space<vmem>>, vector<1x16xf32>,
      %swap3A_54 = vector.shape_cast %swap3A_53 : vector<1x16xf32> to vector<16xf32>
      %swap3A_55 = vector.shape_cast %broadcast_in_dim3A_0 : vector<16xf32> to vector<1x16xf32>
      tpu.vector_store %arg6[%swap3A_51, %swap3A_52], %swap3A_55 {strides = array<i32>} : memref<80x128xf32, #tpu.memory_space<vmem>>, vector<1x16xf32>,
      %swap3A_56 = arith.index_cast %scan3A_25 : i32 to index
      %swap3A_57 = arith.constant 96 : index
      %swap3A_58 = tpu.vector_load %arg6[%swap3A_56, %swap3A_57] {strides = array<i32>} : memref<80x128xf32, #tpu.memory_space<vmem>>, vector<1x16xf32>,
      %swap3A_59 = vector.shape_cast %swap3A_58 : vector<1x16xf32> to vector<16xf32>
      %swap3A_60 = vector.shape_cast %broadcast_in_dim3A_0 : vector<16xf32> to vector<1x16xf32>
      tpu.vector_store %arg6[%swap3A_56, %swap3A_57], %swap3A_60 {strides = array<i32>} : memref<80x128xf32, #tpu.memory_space<vmem>>, vector<1x16xf32>,
      %swap3A_61 = arith.index_cast %scan3A_25 : i32 to index
      %swap3A_62 = arith.constant 112 : index
      %swap3A_63 = tpu.vector_load %arg6[%swap3A_61, %swap3A_62] {strides = array<i32>} : memref<80x128xf32, #tpu.memory_space<vmem>>, vector<1x16xf32>,
      %swap3A_64 = vector.shape_cast %swap3A_63 : vector<1x16xf32> to vector<16xf32>
      %swap3A_65 = vector.shape_cast %broadcast_in_dim3A_0 : vector<16xf32> to vector<1x16xf32>
      tpu.vector_store %arg6[%swap3A_61, %swap3A_62], %swap3A_65 {strides = array<i32>} : memref<80x128xf32, #tpu.memory_space<vmem>>, vector<1x16xf32>,
      %scan3A_66 = arith.constant 0 : i32
      scf.yield %scan3A_66 : i32
    }
    %scan3A_6 = arith.constant 80 : i32
    %scan3A_7 = arith.constant 0 : i32
    %scan3A_8 = arith.constant 0 : i32
    %scan3A_9 = arith.constant 4 : i32
    %scan3A_10 = arith.addi %scan3A_8, %scan3A_9 : i32
    %scan3A_11 = arith.constant 1 : i32
    %scan3A_12 = scf.for %scan3A_25 = %scan3A_8 to %scan3A_10 step %scan3A_11 iter_args(%scan3A_26 = %scan3A_7) -> (i32)  : i32 {
      %mul3A_27 = arith.constant 320 : i32
      %mul3A_28 = arith.muli %arg1, %mul3A_27 : i32
      %mul3A_29 = arith.constant 80 : i32
      %mul3A_30 = arith.muli %scan3A_25, %mul3A_29 : i32
      %add3A = arith.addi %mul3A_28, %mul3A_30 : i32
      "tpu.region"() ({
        %run_scoped3A = tpu.sem_alloc : memref<!tpu.dma_semaphore, #tpu.memory_space<semaphore_mem>>
        %dma_start3A = arith.constant 0 : i32
        %dma_start3A_32 = tpu.memref_slice %arg13[%add3A, %dma_start3A] : memref<5120x128xf32, #tpu.memory_space<vmem_shared>> -> memref<80x128xf32, #tpu.memory_space<vmem_shared>>
        %dma_start3A_33 = arith.constant 0 : i32
        %dma_start3A_34 = tpu.memref_slice %arg13[%add3A, %dma_start3A_33] : memref<5120x128xf32, #tpu.memory_space<vmem_shared>> -> memref<80x128xf32, #tpu.memory_space<vmem_shared>>
        tpu.enqueue_dma source(%arg6 : memref<80x128xf32, #tpu.memory_space<vmem>>) target(%dma_start3A_34 : memref<80x128xf32, #tpu.memory_space<vmem_shared>>) target_semaphore(%run_scoped3A : memref<!tpu.dma_semaphore, #tpu.memory_space<semaphore_mem>>)
        %dma_wait3A = arith.constant 0 : i32
        %dma_wait3A_35 = tpu.memref_slice %arg13[%add3A, %dma_wait3A] : memref<5120x128xf32, #tpu.memory_space<vmem_shared>> -> memref<80x128xf32, #tpu.memory_space<vmem_shared>>
        %dma_wait3A_36 = arith.constant 0 : i32
        %dma_wait3A_37 = tpu.memref_slice %arg13[%add3A, %dma_wait3A_36] : memref<5120x128xf32, #tpu.memory_space<vmem_shared>> -> memref<80x128xf32, #tpu.memory_space<vmem_shared>>
        tpu.wait_dma2 semaphore(%run_scoped3A : memref<!tpu.dma_semaphore, #tpu.memory_space<semaphore_mem>>) src(%arg6 : memref<80x128xf32, #tpu.memory_space<vmem>>) dst(%dma_wait3A_37 : memref<80x128xf32, #tpu.memory_space<vmem_shared>>)
        tpu.yield
      }) : () -> ()
      %scan3A_31 = arith.constant 0 : i32
      scf.yield %scan3A_31 : i32
    }
    %scan3A_13 = arith.constant 4 : i32
    %barrier3A = arith.constant 0 : index
    tpu.barrier barrier_id(%barrier3A)
    %scan3A_14 = arith.constant 0 : i32
    %scan3A_15 = arith.constant 0 : i32
    %scan3A_16 = arith.constant 68 : i32
    %scan3A_17 = arith.addi %scan3A_15, %scan3A_16 : i32
    %scan3A_18 = arith.constant 1 : i32
    %scan3A_19 = scf.for %scan3A_25 = %scan3A_15 to %scan3A_17 step %scan3A_18 iter_args(%scan3A_26 = %scan3A_14) -> (i32)  : i32 {
      %mul3A_27 = arith.constant 2 : i32
      %mul3A_28 = arith.muli %scan3A_25, %mul3A_27 : i32
      %scan3A_29 = arith.constant 0 : i32
      %scan3A_30 = arith.constant 0 : i32
      %scan3A_31 = arith.constant 5 : i32
      %scan3A_32 = arith.addi %scan3A_30, %scan3A_31 : i32
      %scan3A_33 = arith.constant 1 : i32
      %scan3A_34 = scf.for %scan3A_85 = %scan3A_30 to %scan3A_32 step %scan3A_33 iter_args(%scan3A_86 = %scan3A_29) -> (i32)  : i32 {
        %mul3A_87 = arith.constant 16 : i32
        %mul3A_88 = arith.muli %scan3A_85, %mul3A_87 : i32
        %get3A = arith.index_cast %mul3A_28 : i32 to index
        %get3A_89 = arith.index_cast %mul3A_88 : i32 to index
        %get3A_90 = tpu.vector_load %arg8[%get3A, %get3A_89] {strides = array<i32>} : memref<136x80xi32, #tpu.memory_space<vmem>>, vector<1x16xi32>,
        %get3A_91 = vector.shape_cast %get3A_90 : vector<1x16xi32> to vector<16xi32>
        %and3A = arith.constant 16383 : i32
        %and3A_92 = vector.broadcast %and3A : i32 to vector<16xi32>
        %and3A_93 = arith.andi %get3A_91, %and3A_92 : vector<16xi32>
        %mul3A_94 = arith.constant 16 : i32
        %mul3A_95 = arith.muli %scan3A_85, %mul3A_94 : i32
        %swap3A = arith.index_cast %mul3A_95 : i32 to index
        %swap3A_96 = tpu.vector_load %arg10[%swap3A] {strides = array<i32>} : memref<80xi32, #tpu.memory_space<vmem>>, vector<16xi32>,
        %swap3A_97 = vector.shape_cast %swap3A_96 : vector<16xi32> to vector<16xi32>
        %swap3A_98 = vector.shape_cast %and3A_93 : vector<16xi32> to vector<16xi32>
        tpu.vector_store %arg10[%swap3A], %swap3A_98 {strides = array<i32>} : memref<80xi32, #tpu.memory_space<vmem>>, vector<16xi32>,
        %scan3A_99 = arith.constant 0 : i32
        scf.yield %scan3A_99 : i32
      }
      %scan3A_35 = arith.constant 5 : i32
      %add3A = arith.constant 1 : i32
      %add3A_36 = arith.addi %mul3A_28, %add3A : i32
      %scan3A_37 = arith.constant 0 : i32
      %scan3A_38 = arith.constant 0 : i32
      %scan3A_39 = arith.constant 5 : i32
      %scan3A_40 = arith.addi %scan3A_38, %scan3A_39 : i32
      %scan3A_41 = arith.constant 1 : i32
      %scan3A_42 = scf.for %scan3A_85 = %scan3A_38 to %scan3A_40 step %scan3A_41 iter_args(%scan3A_86 = %scan3A_37) -> (i32)  : i32 {
        %mul3A_87 = arith.constant 16 : i32
        %mul3A_88 = arith.muli %scan3A_85, %mul3A_87 : i32
        %get3A = arith.index_cast %add3A_36 : i32 to index
        %get3A_89 = arith.index_cast %mul3A_88 : i32 to index
        %get3A_90 = tpu.vector_load %arg8[%get3A, %get3A_89] {strides = array<i32>} : memref<136x80xi32, #tpu.memory_space<vmem>>, vector<1x16xi32>,
        %get3A_91 = vector.shape_cast %get3A_90 : vector<1x16xi32> to vector<16xi32>
        %and3A = arith.constant 16383 : i32
        %and3A_92 = vector.broadcast %and3A : i32 to vector<16xi32>
        %and3A_93 = arith.andi %get3A_91, %and3A_92 : vector<16xi32>
        %mul3A_94 = arith.constant 16 : i32
        %mul3A_95 = arith.muli %scan3A_85, %mul3A_94 : i32
        %swap3A = arith.index_cast %mul3A_95 : i32 to index
        %swap3A_96 = tpu.vector_load %arg11[%swap3A] {strides = array<i32>} : memref<80xi32, #tpu.memory_space<vmem>>, vector<16xi32>,
        %swap3A_97 = vector.shape_cast %swap3A_96 : vector<16xi32> to vector<16xi32>
        %swap3A_98 = vector.shape_cast %and3A_93 : vector<16xi32> to vector<16xi32>
        tpu.vector_store %arg11[%swap3A], %swap3A_98 {strides = array<i32>} : memref<80xi32, #tpu.memory_space<vmem>>, vector<16xi32>,
        %scan3A_99 = arith.constant 0 : i32
        scf.yield %scan3A_99 : i32
      }
      %scan3A_43 = arith.constant 5 : i32
      %dma_start3A = arith.constant 0 : i32
      %dma_start3A_44 = arith.constant 0 : i32
      %dma_start3A_45 = tpu.memref_slice %arg2[%dma_start3A, %dma_start3A_44] : memref<10000x128xf32, #tpu.memory_space<hbm>> -> memref<10000x128xf32, #tpu.memory_space<hbm>>
      tpu.enqueue_indirect_dma source(%dma_start3A_45 : memref<10000x128xf32, #tpu.memory_space<hbm>>) target(%arg6 : memref<80x128xf32, #tpu.memory_space<vmem>>) offsets(%arg10 : memref<80xi32, #tpu.memory_space<vmem>>) semaphore(%arg14 : memref<!tpu.dma_semaphore, #tpu.memory_space<semaphore_mem>>)
      %dma_start3A_46 = arith.constant 0 : i32
      %dma_start3A_47 = arith.constant 0 : i32
      %dma_start3A_48 = tpu.memref_slice %arg2[%dma_start3A_46, %dma_start3A_47] : memref<10000x128xf32, #tpu.memory_space<hbm>> -> memref<10000x128xf32, #tpu.memory_space<hbm>>
      tpu.enqueue_indirect_dma source(%dma_start3A_48 : memref<10000x128xf32, #tpu.memory_space<hbm>>) target(%arg7 : memref<80x128xf32, #tpu.memory_space<vmem>>) offsets(%arg11 : memref<80xi32, #tpu.memory_space<vmem>>) semaphore(%arg15 : memref<!tpu.dma_semaphore, #tpu.memory_space<semaphore_mem>>)
      %dma_wait3A = arith.constant 0 : i32
      %dma_wait3A_49 = arith.constant 0 : i32
      %dma_wait3A_50 = tpu.memref_slice %arg2[%dma_wait3A, %dma_wait3A_49] : memref<10000x128xf32, #tpu.memory_space<hbm>> -> memref<10000x128xf32, #tpu.memory_space<hbm>>
      tpu.wait_indirect_dma semaphore(%arg14 : memref<!tpu.dma_semaphore, #tpu.memory_space<semaphore_mem>>) src(%dma_wait3A_50 : memref<10000x128xf32, #tpu.memory_space<hbm>>) dst(%arg6 : memref<80x128xf32, #tpu.memory_space<vmem>>)
      %scan3A_51 = arith.constant 0 : i32
      %scan3A_52 = arith.constant 0 : i32
      %scan3A_53 = arith.constant 5 : i32
      %scan3A_54 = arith.addi %scan3A_52, %scan3A_53 : i32
      %scan3A_55 = arith.constant 1 : i32
      %scan3A_56 = scf.for %scan3A_85 = %scan3A_52 to %scan3A_54 step %scan3A_55 iter_args(%scan3A_86 = %scan3A_51) -> (i32)  : i32 {
        %mul3A_87 = arith.constant 16 : i32
        %mul3A_88 = arith.muli %scan3A_85, %mul3A_87 : i32
        %get3A = arith.index_cast %mul3A_28 : i32 to index
        %get3A_89 = arith.index_cast %mul3A_88 : i32 to index
        %get3A_90 = tpu.vector_load %arg9[%get3A, %get3A_89] {strides = array<i32>} : memref<136x80xf32, #tpu.memory_space<vmem>>, vector<1x16xf32>,
        %get3A_91 = vector.shape_cast %get3A_90 : vector<1x16xf32> to vector<16xf32>
        %broadcast_in_dim3A_92 = arith.constant 0 : i32
        %broadcast_in_dim3A_93 = vector.broadcast %broadcast_in_dim3A_92 : i32 to vector<16x1xi32>
        %gather3A = vector.shape_cast %broadcast_in_dim3A_93 : vector<16x1xi32> to vector<16xi32>
        %gather3A_94 = tpu.dynamic_gather %get3A_91[%gather3A] in [0] : vector<16xf32>, vector<16xi32> -> vector<16xf32>
        %mul3A_95 = arith.constant 16 : i32
        %mul3A_96 = arith.muli %scan3A_85, %mul3A_95 : i32
        %add3A_97 = arith.constant 0 : i32
        %add3A_98 = arith.addi %mul3A_96, %add3A_97 : i32
        %get3A_99 = arith.index_cast %add3A_98 : i32 to index
        %get3A_100 = arith.constant 0 : index
        %get3A_101 = tpu.vector_load %arg6[%get3A_99, %get3A_100] {strides = array<i32>} : memref<80x128xf32, #tpu.memory_space<vmem>>, vector<1x16xf32>,
        %get3A_102 = vector.shape_cast %get3A_101 : vector<1x16xf32> to vector<16xf32>
        %mul3A_103 = arith.mulf %get3A_102, %gather3A_94 : vector<16xf32>
        %swap3A = arith.index_cast %add3A_98 : i32 to index
        %swap3A_104 = arith.constant 0 : index
        %swap3A_105 = tpu.vector_load %arg6[%swap3A, %swap3A_104] {strides = array<i32>} : memref<80x128xf32, #tpu.memory_space<vmem>>, vector<1x16xf32>,
        %swap3A_106 = vector.shape_cast %swap3A_105 : vector<1x16xf32> to vector<16xf32>
        %swap3A_107 = vector.shape_cast %mul3A_103 : vector<16xf32> to vector<1x16xf32>
        tpu.vector_store %arg6[%swap3A, %swap3A_104], %swap3A_107 {strides = array<i32>} : memref<80x128xf32, #tpu.memory_space<vmem>>, vector<1x16xf32>,
        %get3A_108 = arith.index_cast %add3A_98 : i32 to index
        %get3A_109 = arith.constant 16 : index
        %get3A_110 = tpu.vector_load %arg6[%get3A_108, %get3A_109] {strides = array<i32>} : memref<80x128xf32, #tpu.memory_space<vmem>>, vector<1x16xf32>,
        %get3A_111 = vector.shape_cast %get3A_110 : vector<1x16xf32> to vector<16xf32>
        %mul3A_112 = arith.mulf %get3A_111, %gather3A_94 : vector<16xf32>
        %swap3A_113 = arith.index_cast %add3A_98 : i32 to index
        %swap3A_114 = arith.constant 16 : index
        %swap3A_115 = tpu.vector_load %arg6[%swap3A_113, %swap3A_114] {strides = array<i32>} : memref<80x128xf32, #tpu.memory_space<vmem>>, vector<1x16xf32>,
        %swap3A_116 = vector.shape_cast %swap3A_115 : vector<1x16xf32> to vector<16xf32>
        %swap3A_117 = vector.shape_cast %mul3A_112 : vector<16xf32> to vector<1x16xf32>
        tpu.vector_store %arg6[%swap3A_113, %swap3A_114], %swap3A_117 {strides = array<i32>} : memref<80x128xf32, #tpu.memory_space<vmem>>, vector<1x16xf32>,
        %get3A_118 = arith.index_cast %add3A_98 : i32 to index
        %get3A_119 = arith.constant 32 : index
        %get3A_120 = tpu.vector_load %arg6[%get3A_118, %get3A_119] {strides = array<i32>} : memref<80x128xf32, #tpu.memory_space<vmem>>, vector<1x16xf32>,
        %get3A_121 = vector.shape_cast %get3A_120 : vector<1x16xf32> to vector<16xf32>
        %mul3A_122 = arith.mulf %get3A_121, %gather3A_94 : vector<16xf32>
        %swap3A_123 = arith.index_cast %add3A_98 : i32 to index
        %swap3A_124 = arith.constant 32 : index
        %swap3A_125 = tpu.vector_load %arg6[%swap3A_123, %swap3A_124] {strides = array<i32>} : memref<80x128xf32, #tpu.memory_space<vmem>>, vector<1x16xf32>,
        %swap3A_126 = vector.shape_cast %swap3A_125 : vector<1x16xf32> to vector<16xf32>
        %swap3A_127 = vector.shape_cast %mul3A_122 : vector<16xf32> to vector<1x16xf32>
        tpu.vector_store %arg6[%swap3A_123, %swap3A_124], %swap3A_127 {strides = array<i32>} : memref<80x128xf32, #tpu.memory_space<vmem>>, vector<1x16xf32>,
        %get3A_128 = arith.index_cast %add3A_98 : i32 to index
        %get3A_129 = arith.constant 48 : index
        %get3A_130 = tpu.vector_load %arg6[%get3A_128, %get3A_129] {strides = array<i32>} : memref<80x128xf32, #tpu.memory_space<vmem>>, vector<1x16xf32>,
        %get3A_131 = vector.shape_cast %get3A_130 : vector<1x16xf32> to vector<16xf32>
        %mul3A_132 = arith.mulf %get3A_131, %gather3A_94 : vector<16xf32>
        %swap3A_133 = arith.index_cast %add3A_98 : i32 to index
        %swap3A_134 = arith.constant 48 : index
        %swap3A_135 = tpu.vector_load %arg6[%swap3A_133, %swap3A_134] {strides = array<i32>} : memref<80x128xf32, #tpu.memory_space<vmem>>, vector<1x16xf32>,
        %swap3A_136 = vector.shape_cast %swap3A_135 : vector<1x16xf32> to vector<16xf32>
        %swap3A_137 = vector.shape_cast %mul3A_132 : vector<16xf32> to vector<1x16xf32>
        tpu.vector_store %arg6[%swap3A_133, %swap3A_134], %swap3A_137 {strides = array<i32>} : memref<80x128xf32, #tpu.memory_space<vmem>>, vector<1x16xf32>,
        %broadcast_in_dim3A_138 = arith.constant 1 : i32
        %broadcast_in_dim3A_139 = vector.broadcast %broadcast_in_dim3A_138 : i32 to vector<16x1xi32>
        %gather3A_140 = vector.shape_cast %broadcast_in_dim3A_139 : vector<16x1xi32> to vector<16xi32>
        %gather3A_141 = tpu.dynamic_gather %get3A_91[%gather3A_140] in [0] : vector<16xf32>, vector<16xi32> -> vector<16xf32>
        %mul3A_142 = arith.constant 16 : i32
        %mul3A_143 = arith.muli %scan3A_85, %mul3A_142 : i32
        %add3A_144 = arith.constant 1 : i32
        %add3A_145 = arith.addi %mul3A_143, %add3A_144 : i32
        %get3A_146 = arith.index_cast %add3A_145 : i32 to index
        %get3A_147 = arith.constant 0 : index
        %get3A_148 = tpu.vector_load %arg6[%get3A_146, %get3A_147] {strides = array<i32>} : memref<80x128xf32, #tpu.memory_space<vmem>>, vector<1x16xf32>,
        %get3A_149 = vector.shape_cast %get3A_148 : vector<1x16xf32> to vector<16xf32>
        %mul3A_150 = arith.mulf %get3A_149, %gather3A_141 : vector<16xf32>
        %swap3A_151 = arith.index_cast %add3A_145 : i32 to index
        %swap3A_152 = arith.constant 0 : index
        %swap3A_153 = tpu.vector_load %arg6[%swap3A_151, %swap3A_152] {strides = array<i32>} : memref<80x128xf32, #tpu.memory_space<vmem>>, vector<1x16xf32>,
        %swap3A_154 = vector.shape_cast %swap3A_153 : vector<1x16xf32> to vector<16xf32>
        %swap3A_155 = vector.shape_cast %mul3A_150 : vector<16xf32> to vector<1x16xf32>
        tpu.vector_store %arg6[%swap3A_151, %swap3A_152], %swap3A_155 {strides = array<i32>} : memref<80x128xf32, #tpu.memory_space<vmem>>, vector<1x16xf32>,
        %get3A_156 = arith.index_cast %add3A_145 : i32 to index
        %get3A_157 = arith.constant 16 : index
        %get3A_158 = tpu.vector_load %arg6[%get3A_156, %get3A_157] {strides = array<i32>} : memref<80x128xf32, #tpu.memory_space<vmem>>, vector<1x16xf32>,
        %get3A_159 = vector.shape_cast %get3A_158 : vector<1x16xf32> to vector<16xf32>
        %mul3A_160 = arith.mulf %get3A_159, %gather3A_141 : vector<16xf32>
        %swap3A_161 = arith.index_cast %add3A_145 : i32 to index
        %swap3A_162 = arith.constant 16 : index
        %swap3A_163 = tpu.vector_load %arg6[%swap3A_161, %swap3A_162] {strides = array<i32>} : memref<80x128xf32, #tpu.memory_space<vmem>>, vector<1x16xf32>,
        %swap3A_164 = vector.shape_cast %swap3A_163 : vector<1x16xf32> to vector<16xf32>
        %swap3A_165 = vector.shape_cast %mul3A_160 : vector<16xf32> to vector<1x16xf32>
        tpu.vector_store %arg6[%swap3A_161, %swap3A_162], %swap3A_165 {strides = array<i32>} : memref<80x128xf32, #tpu.memory_space<vmem>>, vector<1x16xf32>,
        %get3A_166 = arith.index_cast %add3A_145 : i32 to index
        %get3A_167 = arith.constant 32 : index
        %get3A_168 = tpu.vector_load %arg6[%get3A_166, %get3A_167] {strides = array<i32>} : memref<80x128xf32, #tpu.memory_space<vmem>>, vector<1x16xf32>,
        %get3A_169 = vector.shape_cast %get3A_168 : vector<1x16xf32> to vector<16xf32>
        %mul3A_170 = arith.mulf %get3A_169, %gather3A_141 : vector<16xf32>
        %swap3A_171 = arith.index_cast %add3A_145 : i32 to index
        %swap3A_172 = arith.constant 32 : index
        %swap3A_173 = tpu.vector_load %arg6[%swap3A_171, %swap3A_172] {strides = array<i32>} : memref<80x128xf32, #tpu.memory_space<vmem>>, vector<1x16xf32>,
        %swap3A_174 = vector.shape_cast %swap3A_173 : vector<1x16xf32> to vector<16xf32>
        %swap3A_175 = vector.shape_cast %mul3A_170 : vector<16xf32> to vector<1x16xf32>
        tpu.vector_store %arg6[%swap3A_171, %swap3A_172], %swap3A_175 {strides = array<i32>} : memref<80x128xf32, #tpu.memory_space<vmem>>, vector<1x16xf32>,
        %get3A_176 = arith.index_cast %add3A_145 : i32 to index
        %get3A_177 = arith.constant 48 : index
        %get3A_178 = tpu.vector_load %arg6[%get3A_176, %get3A_177] {strides = array<i32>} : memref<80x128xf32, #tpu.memory_space<vmem>>, vector<1x16xf32>,
        %get3A_179 = vector.shape_cast %get3A_178 : vector<1x16xf32> to vector<16xf32>
        %mul3A_180 = arith.mulf %get3A_179, %gather3A_141 : vector<16xf32>
        %swap3A_181 = arith.index_cast %add3A_145 : i32 to index
        %swap3A_182 = arith.constant 48 : index
        %swap3A_183 = tpu.vector_load %arg6[%swap3A_181, %swap3A_182] {strides = array<i32>} : memref<80x128xf32, #tpu.memory_space<vmem>>, vector<1x16xf32>,
        %swap3A_184 = vector.shape_cast %swap3A_183 : vector<1x16xf32> to vector<16xf32>
        %swap3A_185 = vector.shape_cast %mul3A_180 : vector<16xf32> to vector<1x16xf32>
        tpu.vector_store %arg6[%swap3A_181, %swap3A_182], %swap3A_185 {strides = array<i32>} : memref<80x128xf32, #tpu.memory_space<vmem>>, vector<1x16xf32>,
        %broadcast_in_dim3A_186 = arith.constant 2 : i32
        %broadcast_in_dim3A_187 = vector.broadcast %broadcast_in_dim3A_186 : i32 to vector<16x1xi32>
        %gather3A_188 = vector.shape_cast %broadcast_in_dim3A_187 : vector<16x1xi32> to vector<16xi32>
        %gather3A_189 = tpu.dynamic_gather %get3A_91[%gather3A_188] in [0] : vector<16xf32>, vector<16xi32> -> vector<16xf32>
        %mul3A_190 = arith.constant 16 : i32
        %mul3A_191 = arith.muli %scan3A_85, %mul3A_190 : i32
        %add3A_192 = arith.constant 2 : i32
        %add3A_193 = arith.addi %mul3A_191, %add3A_192 : i32
        %get3A_194 = arith.index_cast %add3A_193 : i32 to index
        %get3A_195 = arith.constant 0 : index
        %get3A_196 = tpu.vector_load %arg6[%get3A_194, %get3A_195] {strides = array<i32>} : memref<80x128xf32, #tpu.memory_space<vmem>>, vector<1x16xf32>,
        %get3A_197 = vector.shape_cast %get3A_196 : vector<1x16xf32> to vector<16xf32>
        %mul3A_198 = arith.mulf %get3A_197, %gather3A_189 : vector<16xf32>
        %swap3A_199 = arith.index_cast %add3A_193 : i32 to index
        %swap3A_200 = arith.constant 0 : index
        %swap3A_201 = tpu.vector_load %arg6[%swap3A_199, %swap3A_200] {strides = array<i32>} : memref<80x128xf32, #tpu.memory_space<vmem>>, vector<1x16xf32>,
        %swap3A_202 = vector.shape_cast %swap3A_201 : vector<1x16xf32> to vector<16xf32>
        %swap3A_203 = vector.shape_cast %mul3A_198 : vector<16xf32> to vector<1x16xf32>
        tpu.vector_store %arg6[%swap3A_199, %swap3A_200], %swap3A_203 {strides = array<i32>} : memref<80x128xf32, #tpu.memory_space<vmem>>, vector<1x16xf32>,
        %get3A_204 = arith.index_cast %add3A_193 : i32 to index
        %get3A_205 = arith.constant 16 : index
        %get3A_206 = tpu.vector_load %arg6[%get3A_204, %get3A_205] {strides = array<i32>} : memref<80x128xf32, #tpu.memory_space<vmem>>, vector<1x16xf32>,
        %get3A_207 = vector.shape_cast %get3A_206 : vector<1x16xf32> to vector<16xf32>
        %mul3A_208 = arith.mulf %get3A_207, %gather3A_189 : vector<16xf32>
        %swap3A_209 = arith.index_cast %add3A_193 : i32 to index
        %swap3A_210 = arith.constant 16 : index
        %swap3A_211 = tpu.vector_load %arg6[%swap3A_209, %swap3A_210] {strides = array<i32>} : memref<80x128xf32, #tpu.memory_space<vmem>>, vector<1x16xf32>,
        %swap3A_212 = vector.shape_cast %swap3A_211 : vector<1x16xf32> to vector<16xf32>
        %swap3A_213 = vector.shape_cast %mul3A_208 : vector<16xf32> to vector<1x16xf32>
        tpu.vector_store %arg6[%swap3A_209, %swap3A_210], %swap3A_213 {strides = array<i32>} : memref<80x128xf32, #tpu.memory_space<vmem>>, vector<1x16xf32>,
        %get3A_214 = arith.index_cast %add3A_193 : i32 to index
        %get3A_215 = arith.constant 32 : index
        %get3A_216 = tpu.vector_load %arg6[%get3A_214, %get3A_215] {strides = array<i32>} : memref<80x128xf32, #tpu.memory_space<vmem>>, vector<1x16xf32>,
        %get3A_217 = vector.shape_cast %get3A_216 : vector<1x16xf32> to vector<16xf32>
        %mul3A_218 = arith.mulf %get3A_217, %gather3A_189 : vector<16xf32>
        %swap3A_219 = arith.index_cast %add3A_193 : i32 to index
        %swap3A_220 = arith.constant 32 : index
        %swap3A_221 = tpu.vector_load %arg6[%swap3A_219, %swap3A_220] {strides = array<i32>} : memref<80x128xf32, #tpu.memory_space<vmem>>, vector<1x16xf32>,
        %swap3A_222 = vector.shape_cast %swap3A_221 : vector<1x16xf32> to vector<16xf32>
        %swap3A_223 = vector.shape_cast %mul3A_218 : vector<16xf32> to vector<1x16xf32>
        tpu.vector_store %arg6[%swap3A_219, %swap3A_220], %swap3A_223 {strides = array<i32>} : memref<80x128xf32, #tpu.memory_space<vmem>>, vector<1x16xf32>,
        %get3A_224 = arith.index_cast %add3A_193 : i32 to index
        %get3A_225 = arith.constant 48 : index
        %get3A_226 = tpu.vector_load %arg6[%get3A_224, %get3A_225] {strides = array<i32>} : memref<80x128xf32, #tpu.memory_space<vmem>>, vector<1x16xf32>,
        %get3A_227 = vector.shape_cast %get3A_226 : vector<1x16xf32> to vector<16xf32>
        %mul3A_228 = arith.mulf %get3A_227, %gather3A_189 : vector<16xf32>
        %swap3A_229 = arith.index_cast %add3A_193 : i32 to index
        %swap3A_230 = arith.constant 48 : index
        %swap3A_231 = tpu.vector_load %arg6[%swap3A_229, %swap3A_230] {strides = array<i32>} : memref<80x128xf32, #tpu.memory_space<vmem>>, vector<1x16xf32>,
        %swap3A_232 = vector.shape_cast %swap3A_231 : vector<1x16xf32> to vector<16xf32>
        %swap3A_233 = vector.shape_cast %mul3A_228 : vector<16xf32> to vector<1x16xf32>
        tpu.vector_store %arg6[%swap3A_229, %swap3A_230], %swap3A_233 {strides = array<i32>} : memref<80x128xf32, #tpu.memory_space<vmem>>, vector<1x16xf32>,
        %broadcast_in_dim3A_234 = arith.constant 3 : i32
        %broadcast_in_dim3A_235 = vector.broadcast %broadcast_in_dim3A_234 : i32 to vector<16x1xi32>
        %gather3A_236 = vector.shape_cast %broadcast_in_dim3A_235 : vector<16x1xi32> to vector<16xi32>
        %gather3A_237 = tpu.dynamic_gather %get3A_91[%gather3A_236] in [0] : vector<16xf32>, vector<16xi32> -> vector<16xf32>
        %mul3A_238 = arith.constant 16 : i32
        %mul3A_239 = arith.muli %scan3A_85, %mul3A_238 : i32
        %add3A_240 = arith.constant 3 : i32
        %add3A_241 = arith.addi %mul3A_239, %add3A_240 : i32
        %get3A_242 = arith.index_cast %add3A_241 : i32 to index
        %get3A_243 = arith.constant 0 : index
        %get3A_244 = tpu.vector_load %arg6[%get3A_242, %get3A_243] {strides = array<i32>} : memref<80x128xf32, #tpu.memory_space<vmem>>, vector<1x16xf32>,
        %get3A_245 = vector.shape_cast %get3A_244 : vector<1x16xf32> to vector<16xf32>
        %mul3A_246 = arith.mulf %get3A_245, %gather3A_237 : vector<16xf32>
        %swap3A_247 = arith.index_cast %add3A_241 : i32 to index
        %swap3A_248 = arith.constant 0 : index
        %swap3A_249 = tpu.vector_load %arg6[%swap3A_247, %swap3A_248] {strides = array<i32>} : memref<80x128xf32, #tpu.memory_space<vmem>>, vector<1x16xf32>,
        %swap3A_250 = vector.shape_cast %swap3A_249 : vector<1x16xf32> to vector<16xf32>
        %swap3A_251 = vector.shape_cast %mul3A_246 : vector<16xf32> to vector<1x16xf32>
        tpu.vector_store %arg6[%swap3A_247, %swap3A_248], %swap3A_251 {strides = array<i32>} : memref<80x128xf32, #tpu.memory_space<vmem>>, vector<1x16xf32>,
        %get3A_252 = arith.index_cast %add3A_241 : i32 to index
        %get3A_253 = arith.constant 16 : index
        %get3A_254 = tpu.vector_load %arg6[%get3A_252, %get3A_253] {strides = array<i32>} : memref<80x128xf32, #tpu.memory_space<vmem>>, vector<1x16xf32>,
        %get3A_255 = vector.shape_cast %get3A_254 : vector<1x16xf32> to vector<16xf32>
        %mul3A_256 = arith.mulf %get3A_255, %gather3A_237 : vector<16xf32>
        %swap3A_257 = arith.index_cast %add3A_241 : i32 to index
        %swap3A_258 = arith.constant 16 : index
        %swap3A_259 = tpu.vector_load %arg6[%swap3A_257, %swap3A_258] {strides = array<i32>} : memref<80x128xf32, #tpu.memory_space<vmem>>, vector<1x16xf32>,
        %swap3A_260 = vector.shape_cast %swap3A_259 : vector<1x16xf32> to vector<16xf32>
        %swap3A_261 = vector.shape_cast %mul3A_256 : vector<16xf32> to vector<1x16xf32>
        tpu.vector_store %arg6[%swap3A_257, %swap3A_258], %swap3A_261 {strides = array<i32>} : memref<80x128xf32, #tpu.memory_space<vmem>>, vector<1x16xf32>,
        %get3A_262 = arith.index_cast %add3A_241 : i32 to index
        %get3A_263 = arith.constant 32 : index
        %get3A_264 = tpu.vector_load %arg6[%get3A_262, %get3A_263] {strides = array<i32>} : memref<80x128xf32, #tpu.memory_space<vmem>>, vector<1x16xf32>,
        %get3A_265 = vector.shape_cast %get3A_264 : vector<1x16xf32> to vector<16xf32>
        %mul3A_266 = arith.mulf %get3A_265, %gather3A_237 : vector<16xf32>
        %swap3A_267 = arith.index_cast %add3A_241 : i32 to index
        %swap3A_268 = arith.constant 32 : index
        %swap3A_269 = tpu.vector_load %arg6[%swap3A_267, %swap3A_268] {strides = array<i32>} : memref<80x128xf32, #tpu.memory_space<vmem>>, vector<1x16xf32>,
        %swap3A_270 = vector.shape_cast %swap3A_269 : vector<1x16xf32> to vector<16xf32>
        %swap3A_271 = vector.shape_cast %mul3A_266 : vector<16xf32> to vector<1x16xf32>
        tpu.vector_store %arg6[%swap3A_267, %swap3A_268], %swap3A_271 {strides = array<i32>} : memref<80x128xf32, #tpu.memory_space<vmem>>, vector<1x16xf32>,
        %get3A_272 = arith.index_cast %add3A_241 : i32 to index
        %get3A_273 = arith.constant 48 : index
        %get3A_274 = tpu.vector_load %arg6[%get3A_272, %get3A_273] {strides = array<i32>} : memref<80x128xf32, #tpu.memory_space<vmem>>, vector<1x16xf32>,
        %get3A_275 = vector.shape_cast %get3A_274 : vector<1x16xf32> to vector<16xf32>
        %mul3A_276 = arith.mulf %get3A_275, %gather3A_237 : vector<16xf32>
        %swap3A_277 = arith.index_cast %add3A_241 : i32 to index
        %swap3A_278 = arith.constant 48 : index
        %swap3A_279 = tpu.vector_load %arg6[%swap3A_277, %swap3A_278] {strides = array<i32>} : memref<80x128xf32, #tpu.memory_space<vmem>>, vector<1x16xf32>,
        %swap3A_280 = vector.shape_cast %swap3A_279 : vector<1x16xf32> to vector<16xf32>
        %swap3A_281 = vector.shape_cast %mul3A_276 : vector<16xf32> to vector<1x16xf32>
        tpu.vector_store %arg6[%swap3A_277, %swap3A_278], %swap3A_281 {strides = array<i32>} : memref<80x128xf32, #tpu.memory_space<vmem>>, vector<1x16xf32>,
        %broadcast_in_dim3A_282 = arith.constant 4 : i32
        %broadcast_in_dim3A_283 = vector.broadcast %broadcast_in_dim3A_282 : i32 to vector<16x1xi32>
        %gather3A_284 = vector.shape_cast %broadcast_in_dim3A_283 : vector<16x1xi32> to vector<16xi32>
        %gather3A_285 = tpu.dynamic_gather %get3A_91[%gather3A_284] in [0] : vector<16xf32>, vector<16xi32> -> vector<16xf32>
        %mul3A_286 = arith.constant 16 : i32
        %mul3A_287 = arith.muli %scan3A_85, %mul3A_286 : i32
        %add3A_288 = arith.constant 4 : i32
        %add3A_289 = arith.addi %mul3A_287, %add3A_288 : i32
        %get3A_290 = arith.index_cast %add3A_289 : i32 to index
        %get3A_291 = arith.constant 0 : index
        %get3A_292 = tpu.vector_load %arg6[%get3A_290, %get3A_291] {strides = array<i32>} : memref<80x128xf32, #tpu.memory_space<vmem>>, vector<1x16xf32>,
        %get3A_293 = vector.shape_cast %get3A_292 : vector<1x16xf32> to vector<16xf32>
        %mul3A_294 = arith.mulf %get3A_293, %gather3A_285 : vector<16xf32>
        %swap3A_295 = arith.index_cast %add3A_289 : i32 to index
        %swap3A_296 = arith.constant 0 : index
        %swap3A_297 = tpu.vector_load %arg6[%swap3A_295, %swap3A_296] {strides = array<i32>} : memref<80x128xf32, #tpu.memory_space<vmem>>, vector<1x16xf32>,
        %swap3A_298 = vector.shape_cast %swap3A_297 : vector<1x16xf32> to vector<16xf32>
        %swap3A_299 = vector.shape_cast %mul3A_294 : vector<16xf32> to vector<1x16xf32>
        tpu.vector_store %arg6[%swap3A_295, %swap3A_296], %swap3A_299 {strides = array<i32>} : memref<80x128xf32, #tpu.memory_space<vmem>>, vector<1x16xf32>,
        %get3A_300 = arith.index_cast %add3A_289 : i32 to index
        %get3A_301 = arith.constant 16 : index
        %get3A_302 = tpu.vector_load %arg6[%get3A_300, %get3A_301] {strides = array<i32>} : memref<80x128xf32, #tpu.memory_space<vmem>>, vector<1x16xf32>,
        %get3A_303 = vector.shape_cast %get3A_302 : vector<1x16xf32> to vector<16xf32>
        %mul3A_304 = arith.mulf %get3A_303, %gather3A_285 : vector<16xf32>
        %swap3A_305 = arith.index_cast %add3A_289 : i32 to index
        %swap3A_306 = arith.constant 16 : index
        %swap3A_307 = tpu.vector_load %arg6[%swap3A_305, %swap3A_306] {strides = array<i32>} : memref<80x128xf32, #tpu.memory_space<vmem>>, vector<1x16xf32>,
        %swap3A_308 = vector.shape_cast %swap3A_307 : vector<1x16xf32> to vector<16xf32>
        %swap3A_309 = vector.shape_cast %mul3A_304 : vector<16xf32> to vector<1x16xf32>
        tpu.vector_store %arg6[%swap3A_305, %swap3A_306], %swap3A_309 {strides = array<i32>} : memref<80x128xf32, #tpu.memory_space<vmem>>, vector<1x16xf32>,
        %get3A_310 = arith.index_cast %add3A_289 : i32 to index
        %get3A_311 = arith.constant 32 : index
        %get3A_312 = tpu.vector_load %arg6[%get3A_310, %get3A_311] {strides = array<i32>} : memref<80x128xf32, #tpu.memory_space<vmem>>, vector<1x16xf32>,
        %get3A_313 = vector.shape_cast %get3A_312 : vector<1x16xf32> to vector<16xf32>
        %mul3A_314 = arith.mulf %get3A_313, %gather3A_285 : vector<16xf32>
        %swap3A_315 = arith.index_cast %add3A_289 : i32 to index
        %swap3A_316 = arith.constant 32 : index
        %swap3A_317 = tpu.vector_load %arg6[%swap3A_315, %swap3A_316] {strides = array<i32>} : memref<80x128xf32, #tpu.memory_space<vmem>>, vector<1x16xf32>,
        %swap3A_318 = vector.shape_cast %swap3A_317 : vector<1x16xf32> to vector<16xf32>
        %swap3A_319 = vector.shape_cast %mul3A_314 : vector<16xf32> to vector<1x16xf32>
        tpu.vector_store %arg6[%swap3A_315, %swap3A_316], %swap3A_319 {strides = array<i32>} : memref<80x128xf32, #tpu.memory_space<vmem>>, vector<1x16xf32>,
        %get3A_320 = arith.index_cast %add3A_289 : i32 to index
        %get3A_321 = arith.constant 48 : index
        %get3A_322 = tpu.vector_load %arg6[%get3A_320, %get3A_321] {strides = array<i32>} : memref<80x128xf32, #tpu.memory_space<vmem>>, vector<1x16xf32>,
        %get3A_323 = vector.shape_cast %get3A_322 : vector<1x16xf32> to vector<16xf32>
        %mul3A_324 = arith.mulf %get3A_323, %gather3A_285 : vector<16xf32>
        %swap3A_325 = arith.index_cast %add3A_289 : i32 to index
        %swap3A_326 = arith.constant 48 : index
        %swap3A_327 = tpu.vector_load %arg6[%swap3A_325, %swap3A_326] {strides = array<i32>} : memref<80x128xf32, #tpu.memory_space<vmem>>, vector<1x16xf32>,
        %swap3A_328 = vector.shape_cast %swap3A_327 : vector<1x16xf32> to vector<16xf32>
        %swap3A_329 = vector.shape_cast %mul3A_324 : vector<16xf32> to vector<1x16xf32>
        tpu.vector_store %arg6[%swap3A_325, %swap3A_326], %swap3A_329 {strides = array<i32>} : memref<80x128xf32, #tpu.memory_space<vmem>>, vector<1x16xf32>,
        %broadcast_in_dim3A_330 = arith.constant 5 : i32
        %broadcast_in_dim3A_331 = vector.broadcast %broadcast_in_dim3A_330 : i32 to vector<16x1xi32>
        %gather3A_332 = vector.shape_cast %broadcast_in_dim3A_331 : vector<16x1xi32> to vector<16xi32>
        %gather3A_333 = tpu.dynamic_gather %get3A_91[%gather3A_332] in [0] : vector<16xf32>, vector<16xi32> -> vector<16xf32>
        %mul3A_334 = arith.constant 16 : i32
        %mul3A_335 = arith.muli %scan3A_85, %mul3A_334 : i32
        %add3A_336 = arith.constant 5 : i32
        %add3A_337 = arith.addi %mul3A_335, %add3A_336 : i32
        %get3A_338 = arith.index_cast %add3A_337 : i32 to index
        %get3A_339 = arith.constant 0 : index
        %get3A_340 = tpu.vector_load %arg6[%get3A_338, %get3A_339] {strides = array<i32>} : memref<80x128xf32, #tpu.memory_space<vmem>>, vector<1x16xf32>,
        %get3A_341 = vector.shape_cast %get3A_340 : vector<1x16xf32> to vector<16xf32>
        %mul3A_342 = arith.mulf %get3A_341, %gather3A_333 : vector<16xf32>
        %swap3A_343 = arith.index_cast %add3A_337 : i32 to index
        %swap3A_344 = arith.constant 0 : index
        %swap3A_345 = tpu.vector_load %arg6[%swap3A_343, %swap3A_344] {strides = array<i32>} : memref<80x128xf32, #tpu.memory_space<vmem>>, vector<1x16xf32>,
        %swap3A_346 = vector.shape_cast %swap3A_345 : vector<1x16xf32> to vector<16xf32>
        %swap3A_347 = vector.shape_cast %mul3A_342 : vector<16xf32> to vector<1x16xf32>
        tpu.vector_store %arg6[%swap3A_343, %swap3A_344], %swap3A_347 {strides = array<i32>} : memref<80x128xf32, #tpu.memory_space<vmem>>, vector<1x16xf32>,
        %get3A_348 = arith.index_cast %add3A_337 : i32 to index
        %get3A_349 = arith.constant 16 : index
        %get3A_350 = tpu.vector_load %arg6[%get3A_348, %get3A_349] {strides = array<i32>} : memref<80x128xf32, #tpu.memory_space<vmem>>, vector<1x16xf32>,
        %get3A_351 = vector.shape_cast %get3A_350 : vector<1x16xf32> to vector<16xf32>
        %mul3A_352 = arith.mulf %get3A_351, %gather3A_333 : vector<16xf32>
        %swap3A_353 = arith.index_cast %add3A_337 : i32 to index
        %swap3A_354 = arith.constant 16 : index
        %swap3A_355 = tpu.vector_load %arg6[%swap3A_353, %swap3A_354] {strides = array<i32>} : memref<80x128xf32, #tpu.memory_space<vmem>>, vector<1x16xf32>,
        %swap3A_356 = vector.shape_cast %swap3A_355 : vector<1x16xf32> to vector<16xf32>
        %swap3A_357 = vector.shape_cast %mul3A_352 : vector<16xf32> to vector<1x16xf32>
        tpu.vector_store %arg6[%swap3A_353, %swap3A_354], %swap3A_357 {strides = array<i32>} : memref<80x128xf32, #tpu.memory_space<vmem>>, vector<1x16xf32>,
        %get3A_358 = arith.index_cast %add3A_337 : i32 to index
        %get3A_359 = arith.constant 32 : index
        %get3A_360 = tpu.vector_load %arg6[%get3A_358, %get3A_359] {strides = array<i32>} : memref<80x128xf32, #tpu.memory_space<vmem>>, vector<1x16xf32>,
        %get3A_361 = vector.shape_cast %get3A_360 : vector<1x16xf32> to vector<16xf32>
        %mul3A_362 = arith.mulf %get3A_361, %gather3A_333 : vector<16xf32>
        %swap3A_363 = arith.index_cast %add3A_337 : i32 to index
        %swap3A_364 = arith.constant 32 : index
        %swap3A_365 = tpu.vector_load %arg6[%swap3A_363, %swap3A_364] {strides = array<i32>} : memref<80x128xf32, #tpu.memory_space<vmem>>, vector<1x16xf32>,
        %swap3A_366 = vector.shape_cast %swap3A_365 : vector<1x16xf32> to vector<16xf32>
        %swap3A_367 = vector.shape_cast %mul3A_362 : vector<16xf32> to vector<1x16xf32>
        tpu.vector_store %arg6[%swap3A_363, %swap3A_364], %swap3A_367 {strides = array<i32>} : memref<80x128xf32, #tpu.memory_space<vmem>>, vector<1x16xf32>,
        %get3A_368 = arith.index_cast %add3A_337 : i32 to index
        %get3A_369 = arith.constant 48 : index
        %get3A_370 = tpu.vector_load %arg6[%get3A_368, %get3A_369] {strides = array<i32>} : memref<80x128xf32, #tpu.memory_space<vmem>>, vector<1x16xf32>,
        %get3A_371 = vector.shape_cast %get3A_370 : vector<1x16xf32> to vector<16xf32>
        %mul3A_372 = arith.mulf %get3A_371, %gather3A_333 : vector<16xf32>
        %swap3A_373 = arith.index_cast %add3A_337 : i32 to index
        %swap3A_374 = arith.constant 48 : index
        %swap3A_375 = tpu.vector_load %arg6[%swap3A_373, %swap3A_374] {strides = array<i32>} : memref<80x128xf32, #tpu.memory_space<vmem>>, vector<1x16xf32>,
        %swap3A_376 = vector.shape_cast %swap3A_375 : vector<1x16xf32> to vector<16xf32>
        %swap3A_377 = vector.shape_cast %mul3A_372 : vector<16xf32> to vector<1x16xf32>
        tpu.vector_store %arg6[%swap3A_373, %swap3A_374], %swap3A_377 {strides = array<i32>} : memref<80x128xf32, #tpu.memory_space<vmem>>, vector<1x16xf32>,
        %broadcast_in_dim3A_378 = arith.constant 6 : i32
        %broadcast_in_dim3A_379 = vector.broadcast %broadcast_in_dim3A_378 : i32 to vector<16x1xi32>
        %gather3A_380 = vector.shape_cast %broadcast_in_dim3A_379 : vector<16x1xi32> to vector<16xi32>
        %gather3A_381 = tpu.dynamic_gather %get3A_91[%gather3A_380] in [0] : vector<16xf32>, vector<16xi32> -> vector<16xf32>
        %mul3A_382 = arith.constant 16 : i32
        %mul3A_383 = arith.muli %scan3A_85, %mul3A_382 : i32
        %add3A_384 = arith.constant 6 : i32
        %add3A_385 = arith.addi %mul3A_383, %add3A_384 : i32
        %get3A_386 = arith.index_cast %add3A_385 : i32 to index
        %get3A_387 = arith.constant 0 : index
        %get3A_388 = tpu.vector_load %arg6[%get3A_386, %get3A_387] {strides = array<i32>} : memref<80x128xf32, #tpu.memory_space<vmem>>, vector<1x16xf32>,
        %get3A_389 = vector.shape_cast %get3A_388 : vector<1x16xf32> to vector<16xf32>
        %mul3A_390 = arith.mulf %get3A_389, %gather3A_381 : vector<16xf32>
        %swap3A_391 = arith.index_cast %add3A_385 : i32 to index
        %swap3A_392 = arith.constant 0 : index
        %swap3A_393 = tpu.vector_load %arg6[%swap3A_391, %swap3A_392] {strides = array<i32>} : memref<80x128xf32, #tpu.memory_space<vmem>>, vector<1x16xf32>,
        %swap3A_394 = vector.shape_cast %swap3A_393 : vector<1x16xf32> to vector<16xf32>
        %swap3A_395 = vector.shape_cast %mul3A_390 : vector<16xf32> to vector<1x16xf32>
        tpu.vector_store %arg6[%swap3A_391, %swap3A_392], %swap3A_395 {strides = array<i32>} : memref<80x128xf32, #tpu.memory_space<vmem>>, vector<1x16xf32>,
        %get3A_396 = arith.index_cast %add3A_385 : i32 to index
        %get3A_397 = arith.constant 16 : index
        %get3A_398 = tpu.vector_load %arg6[%get3A_396, %get3A_397] {strides = array<i32>} : memref<80x128xf32, #tpu.memory_space<vmem>>, vector<1x16xf32>,
        %get3A_399 = vector.shape_cast %get3A_398 : vector<1x16xf32> to vector<16xf32>
        %mul3A_400 = arith.mulf %get3A_399, %gather3A_381 : vector<16xf32>
        %swap3A_401 = arith.index_cast %add3A_385 : i32 to index
        %swap3A_402 = arith.constant 16 : index
        %swap3A_403 = tpu.vector_load %arg6[%swap3A_401, %swap3A_402] {strides = array<i32>} : memref<80x128xf32, #tpu.memory_space<vmem>>, vector<1x16xf32>,
        %swap3A_404 = vector.shape_cast %swap3A_403 : vector<1x16xf32> to vector<16xf32>
        %swap3A_405 = vector.shape_cast %mul3A_400 : vector<16xf32> to vector<1x16xf32>
        tpu.vector_store %arg6[%swap3A_401, %swap3A_402], %swap3A_405 {strides = array<i32>} : memref<80x128xf32, #tpu.memory_space<vmem>>, vector<1x16xf32>,
        %get3A_406 = arith.index_cast %add3A_385 : i32 to index
        %get3A_407 = arith.constant 32 : index
        %get3A_408 = tpu.vector_load %arg6[%get3A_406, %get3A_407] {strides = array<i32>} : memref<80x128xf32, #tpu.memory_space<vmem>>, vector<1x16xf32>,
        %get3A_409 = vector.shape_cast %get3A_408 : vector<1x16xf32> to vector<16xf32>
        %mul3A_410 = arith.mulf %get3A_409, %gather3A_381 : vector<16xf32>
        %swap3A_411 = arith.index_cast %add3A_385 : i32 to index
        %swap3A_412 = arith.constant 32 : index
        %swap3A_413 = tpu.vector_load %arg6[%swap3A_411, %swap3A_412] {strides = array<i32>} : memref<80x128xf32, #tpu.memory_space<vmem>>, vector<1x16xf32>,
        %swap3A_414 = vector.shape_cast %swap3A_413 : vector<1x16xf32> to vector<16xf32>
        %swap3A_415 = vector.shape_cast %mul3A_410 : vector<16xf32> to vector<1x16xf32>
        tpu.vector_store %arg6[%swap3A_411, %swap3A_412], %swap3A_415 {strides = array<i32>} : memref<80x128xf32, #tpu.memory_space<vmem>>, vector<1x16xf32>,
        %get3A_416 = arith.index_cast %add3A_385 : i32 to index
        %get3A_417 = arith.constant 48 : index
        %get3A_418 = tpu.vector_load %arg6[%get3A_416, %get3A_417] {strides = array<i32>} : memref<80x128xf32, #tpu.memory_space<vmem>>, vector<1x16xf32>,
        %get3A_419 = vector.shape_cast %get3A_418 : vector<1x16xf32> to vector<16xf32>
        %mul3A_420 = arith.mulf %get3A_419, %gather3A_381 : vector<16xf32>
        %swap3A_421 = arith.index_cast %add3A_385 : i32 to index
        %swap3A_422 = arith.constant 48 : index
        %swap3A_423 = tpu.vector_load %arg6[%swap3A_421, %swap3A_422] {strides = array<i32>} : memref<80x128xf32, #tpu.memory_space<vmem>>, vector<1x16xf32>,
        %swap3A_424 = vector.shape_cast %swap3A_423 : vector<1x16xf32> to vector<16xf32>
        %swap3A_425 = vector.shape_cast %mul3A_420 : vector<16xf32> to vector<1x16xf32>
        tpu.vector_store %arg6[%swap3A_421, %swap3A_422], %swap3A_425 {strides = array<i32>} : memref<80x128xf32, #tpu.memory_space<vmem>>, vector<1x16xf32>,
        %broadcast_in_dim3A_426 = arith.constant 7 : i32
        %broadcast_in_dim3A_427 = vector.broadcast %broadcast_in_dim3A_426 : i32 to vector<16x1xi32>
        %gather3A_428 = vector.shape_cast %broadcast_in_dim3A_427 : vector<16x1xi32> to vector<16xi32>
        %gather3A_429 = tpu.dynamic_gather %get3A_91[%gather3A_428] in [0] : vector<16xf32>, vector<16xi32> -> vector<16xf32>
        %mul3A_430 = arith.constant 16 : i32
        %mul3A_431 = arith.muli %scan3A_85, %mul3A_430 : i32
        %add3A_432 = arith.constant 7 : i32
        %add3A_433 = arith.addi %mul3A_431, %add3A_432 : i32
        %get3A_434 = arith.index_cast %add3A_433 : i32 to index
        %get3A_435 = arith.constant 0 : index
        %get3A_436 = tpu.vector_load %arg6[%get3A_434, %get3A_435] {strides = array<i32>} : memref<80x128xf32, #tpu.memory_space<vmem>>, vector<1x16xf32>,
        %get3A_437 = vector.shape_cast %get3A_436 : vector<1x16xf32> to vector<16xf32>
        %mul3A_438 = arith.mulf %get3A_437, %gather3A_429 : vector<16xf32>
        %swap3A_439 = arith.index_cast %add3A_433 : i32 to index
        %swap3A_440 = arith.constant 0 : index
        %swap3A_441 = tpu.vector_load %arg6[%swap3A_439, %swap3A_440] {strides = array<i32>} : memref<80x128xf32, #tpu.memory_space<vmem>>, vector<1x16xf32>,
        %swap3A_442 = vector.shape_cast %swap3A_441 : vector<1x16xf32> to vector<16xf32>
        %swap3A_443 = vector.shape_cast %mul3A_438 : vector<16xf32> to vector<1x16xf32>
        tpu.vector_store %arg6[%swap3A_439, %swap3A_440], %swap3A_443 {strides = array<i32>} : memref<80x128xf32, #tpu.memory_space<vmem>>, vector<1x16xf32>,
        %get3A_444 = arith.index_cast %add3A_433 : i32 to index
        %get3A_445 = arith.constant 16 : index
        %get3A_446 = tpu.vector_load %arg6[%get3A_444, %get3A_445] {strides = array<i32>} : memref<80x128xf32, #tpu.memory_space<vmem>>, vector<1x16xf32>,
        %get3A_447 = vector.shape_cast %get3A_446 : vector<1x16xf32> to vector<16xf32>
        %mul3A_448 = arith.mulf %get3A_447, %gather3A_429 : vector<16xf32>
        %swap3A_449 = arith.index_cast %add3A_433 : i32 to index
        %swap3A_450 = arith.constant 16 : index
        %swap3A_451 = tpu.vector_load %arg6[%swap3A_449, %swap3A_450] {strides = array<i32>} : memref<80x128xf32, #tpu.memory_space<vmem>>, vector<1x16xf32>,
        %swap3A_452 = vector.shape_cast %swap3A_451 : vector<1x16xf32> to vector<16xf32>
        %swap3A_453 = vector.shape_cast %mul3A_448 : vector<16xf32> to vector<1x16xf32>
        tpu.vector_store %arg6[%swap3A_449, %swap3A_450], %swap3A_453 {strides = array<i32>} : memref<80x128xf32, #tpu.memory_space<vmem>>, vector<1x16xf32>,
        %get3A_454 = arith.index_cast %add3A_433 : i32 to index
        %get3A_455 = arith.constant 32 : index
        %get3A_456 = tpu.vector_load %arg6[%get3A_454, %get3A_455] {strides = array<i32>} : memref<80x128xf32, #tpu.memory_space<vmem>>, vector<1x16xf32>,
        %get3A_457 = vector.shape_cast %get3A_456 : vector<1x16xf32> to vector<16xf32>
        %mul3A_458 = arith.mulf %get3A_457, %gather3A_429 : vector<16xf32>
        %swap3A_459 = arith.index_cast %add3A_433 : i32 to index
        %swap3A_460 = arith.constant 32 : index
        %swap3A_461 = tpu.vector_load %arg6[%swap3A_459, %swap3A_460] {strides = array<i32>} : memref<80x128xf32, #tpu.memory_space<vmem>>, vector<1x16xf32>,
        %swap3A_462 = vector.shape_cast %swap3A_461 : vector<1x16xf32> to vector<16xf32>
        %swap3A_463 = vector.shape_cast %mul3A_458 : vector<16xf32> to vector<1x16xf32>
        tpu.vector_store %arg6[%swap3A_459, %swap3A_460], %swap3A_463 {strides = array<i32>} : memref<80x128xf32, #tpu.memory_space<vmem>>, vector<1x16xf32>,
        %get3A_464 = arith.index_cast %add3A_433 : i32 to index
        %get3A_465 = arith.constant 48 : index
        %get3A_466 = tpu.vector_load %arg6[%get3A_464, %get3A_465] {strides = array<i32>} : memref<80x128xf32, #tpu.memory_space<vmem>>, vector<1x16xf32>,
        %get3A_467 = vector.shape_cast %get3A_466 : vector<1x16xf32> to vector<16xf32>
        %mul3A_468 = arith.mulf %get3A_467, %gather3A_429 : vector<16xf32>
        %swap3A_469 = arith.index_cast %add3A_433 : i32 to index
        %swap3A_470 = arith.constant 48 : index
        %swap3A_471 = tpu.vector_load %arg6[%swap3A_469, %swap3A_470] {strides = array<i32>} : memref<80x128xf32, #tpu.memory_space<vmem>>, vector<1x16xf32>,
        %swap3A_472 = vector.shape_cast %swap3A_471 : vector<1x16xf32> to vector<16xf32>
        %swap3A_473 = vector.shape_cast %mul3A_468 : vector<16xf32> to vector<1x16xf32>
        tpu.vector_store %arg6[%swap3A_469, %swap3A_470], %swap3A_473 {strides = array<i32>} : memref<80x128xf32, #tpu.memory_space<vmem>>, vector<1x16xf32>,
        %broadcast_in_dim3A_474 = arith.constant 8 : i32
        %broadcast_in_dim3A_475 = vector.broadcast %broadcast_in_dim3A_474 : i32 to vector<16x1xi32>
        %gather3A_476 = vector.shape_cast %broadcast_in_dim3A_475 : vector<16x1xi32> to vector<16xi32>
        %gather3A_477 = tpu.dynamic_gather %get3A_91[%gather3A_476] in [0] : vector<16xf32>, vector<16xi32> -> vector<16xf32>
        %mul3A_478 = arith.constant 16 : i32
        %mul3A_479 = arith.muli %scan3A_85, %mul3A_478 : i32
        %add3A_480 = arith.constant 8 : i32
        %add3A_481 = arith.addi %mul3A_479, %add3A_480 : i32
        %get3A_482 = arith.index_cast %add3A_481 : i32 to index
        %get3A_483 = arith.constant 0 : index
        %get3A_484 = tpu.vector_load %arg6[%get3A_482, %get3A_483] {strides = array<i32>} : memref<80x128xf32, #tpu.memory_space<vmem>>, vector<1x16xf32>,
        %get3A_485 = vector.shape_cast %get3A_484 : vector<1x16xf32> to vector<16xf32>
        %mul3A_486 = arith.mulf %get3A_485, %gather3A_477 : vector<16xf32>
        %swap3A_487 = arith.index_cast %add3A_481 : i32 to index
        %swap3A_488 = arith.constant 0 : index
        %swap3A_489 = tpu.vector_load %arg6[%swap3A_487, %swap3A_488] {strides = array<i32>} : memref<80x128xf32, #tpu.memory_space<vmem>>, vector<1x16xf32>,
        %swap3A_490 = vector.shape_cast %swap3A_489 : vector<1x16xf32> to vector<16xf32>
        %swap3A_491 = vector.shape_cast %mul3A_486 : vector<16xf32> to vector<1x16xf32>
        tpu.vector_store %arg6[%swap3A_487, %swap3A_488], %swap3A_491 {strides = array<i32>} : memref<80x128xf32, #tpu.memory_space<vmem>>, vector<1x16xf32>,
        %get3A_492 = arith.index_cast %add3A_481 : i32 to index
        %get3A_493 = arith.constant 16 : index
        %get3A_494 = tpu.vector_load %arg6[%get3A_492, %get3A_493] {strides = array<i32>} : memref<80x128xf32, #tpu.memory_space<vmem>>, vector<1x16xf32>,
        %get3A_495 = vector.shape_cast %get3A_494 : vector<1x16xf32> to vector<16xf32>
        %mul3A_496 = arith.mulf %get3A_495, %gather3A_477 : vector<16xf32>
        %swap3A_497 = arith.index_cast %add3A_481 : i32 to index
        %swap3A_498 = arith.constant 16 : index
        %swap3A_499 = tpu.vector_load %arg6[%swap3A_497, %swap3A_498] {strides = array<i32>} : memref<80x128xf32, #tpu.memory_space<vmem>>, vector<1x16xf32>,
        %swap3A_500 = vector.shape_cast %swap3A_499 : vector<1x16xf32> to vector<16xf32>
        %swap3A_501 = vector.shape_cast %mul3A_496 : vector<16xf32> to vector<1x16xf32>
        tpu.vector_store %arg6[%swap3A_497, %swap3A_498], %swap3A_501 {strides = array<i32>} : memref<80x128xf32, #tpu.memory_space<vmem>>, vector<1x16xf32>,
        %get3A_502 = arith.index_cast %add3A_481 : i32 to index
        %get3A_503 = arith.constant 32 : index
        %get3A_504 = tpu.vector_load %arg6[%get3A_502, %get3A_503] {strides = array<i32>} : memref<80x128xf32, #tpu.memory_space<vmem>>, vector<1x16xf32>,
        %get3A_505 = vector.shape_cast %get3A_504 : vector<1x16xf32> to vector<16xf32>
        %mul3A_506 = arith.mulf %get3A_505, %gather3A_477 : vector<16xf32>
        %swap3A_507 = arith.index_cast %add3A_481 : i32 to index
        %swap3A_508 = arith.constant 32 : index
        %swap3A_509 = tpu.vector_load %arg6[%swap3A_507, %swap3A_508] {strides = array<i32>} : memref<80x128xf32, #tpu.memory_space<vmem>>, vector<1x16xf32>,
        %swap3A_510 = vector.shape_cast %swap3A_509 : vector<1x16xf32> to vector<16xf32>
        %swap3A_511 = vector.shape_cast %mul3A_506 : vector<16xf32> to vector<1x16xf32>
        tpu.vector_store %arg6[%swap3A_507, %swap3A_508], %swap3A_511 {strides = array<i32>} : memref<80x128xf32, #tpu.memory_space<vmem>>, vector<1x16xf32>,
        %get3A_512 = arith.index_cast %add3A_481 : i32 to index
        %get3A_513 = arith.constant 48 : index
        %get3A_514 = tpu.vector_load %arg6[%get3A_512, %get3A_513] {strides = array<i32>} : memref<80x128xf32, #tpu.memory_space<vmem>>, vector<1x16xf32>,
        %get3A_515 = vector.shape_cast %get3A_514 : vector<1x16xf32> to vector<16xf32>
        %mul3A_516 = arith.mulf %get3A_515, %gather3A_477 : vector<16xf32>
        %swap3A_517 = arith.index_cast %add3A_481 : i32 to index
        %swap3A_518 = arith.constant 48 : index
        %swap3A_519 = tpu.vector_load %arg6[%swap3A_517, %swap3A_518] {strides = array<i32>} : memref<80x128xf32, #tpu.memory_space<vmem>>, vector<1x16xf32>,
        %swap3A_520 = vector.shape_cast %swap3A_519 : vector<1x16xf32> to vector<16xf32>
        %swap3A_521 = vector.shape_cast %mul3A_516 : vector<16xf32> to vector<1x16xf32>
        tpu.vector_store %arg6[%swap3A_517, %swap3A_518], %swap3A_521 {strides = array<i32>} : memref<80x128xf32, #tpu.memory_space<vmem>>, vector<1x16xf32>,
        %broadcast_in_dim3A_522 = arith.constant 9 : i32
        %broadcast_in_dim3A_523 = vector.broadcast %broadcast_in_dim3A_522 : i32 to vector<16x1xi32>
        %gather3A_524 = vector.shape_cast %broadcast_in_dim3A_523 : vector<16x1xi32> to vector<16xi32>
        %gather3A_525 = tpu.dynamic_gather %get3A_91[%gather3A_524] in [0] : vector<16xf32>, vector<16xi32> -> vector<16xf32>
        %mul3A_526 = arith.constant 16 : i32
        %mul3A_527 = arith.muli %scan3A_85, %mul3A_526 : i32
        %add3A_528 = arith.constant 9 : i32
        %add3A_529 = arith.addi %mul3A_527, %add3A_528 : i32
        %get3A_530 = arith.index_cast %add3A_529 : i32 to index
        %get3A_531 = arith.constant 0 : index
        %get3A_532 = tpu.vector_load %arg6[%get3A_530, %get3A_531] {strides = array<i32>} : memref<80x128xf32, #tpu.memory_space<vmem>>, vector<1x16xf32>,
        %get3A_533 = vector.shape_cast %get3A_532 : vector<1x16xf32> to vector<16xf32>
        %mul3A_534 = arith.mulf %get3A_533, %gather3A_525 : vector<16xf32>
        %swap3A_535 = arith.index_cast %add3A_529 : i32 to index
        %swap3A_536 = arith.constant 0 : index
        %swap3A_537 = tpu.vector_load %arg6[%swap3A_535, %swap3A_536] {strides = array<i32>} : memref<80x128xf32, #tpu.memory_space<vmem>>, vector<1x16xf32>,
        %swap3A_538 = vector.shape_cast %swap3A_537 : vector<1x16xf32> to vector<16xf32>
        %swap3A_539 = vector.shape_cast %mul3A_534 : vector<16xf32> to vector<1x16xf32>
        tpu.vector_store %arg6[%swap3A_535, %swap3A_536], %swap3A_539 {strides = array<i32>} : memref<80x128xf32, #tpu.memory_space<vmem>>, vector<1x16xf32>,
        %get3A_540 = arith.index_cast %add3A_529 : i32 to index
        %get3A_541 = arith.constant 16 : index
        %get3A_542 = tpu.vector_load %arg6[%get3A_540, %get3A_541] {strides = array<i32>} : memref<80x128xf32, #tpu.memory_space<vmem>>, vector<1x16xf32>,
        %get3A_543 = vector.shape_cast %get3A_542 : vector<1x16xf32> to vector<16xf32>
        %mul3A_544 = arith.mulf %get3A_543, %gather3A_525 : vector<16xf32>
        %swap3A_545 = arith.index_cast %add3A_529 : i32 to index
        %swap3A_546 = arith.constant 16 : index
        %swap3A_547 = tpu.vector_load %arg6[%swap3A_545, %swap3A_546] {strides = array<i32>} : memref<80x128xf32, #tpu.memory_space<vmem>>, vector<1x16xf32>,
        %swap3A_548 = vector.shape_cast %swap3A_547 : vector<1x16xf32> to vector<16xf32>
        %swap3A_549 = vector.shape_cast %mul3A_544 : vector<16xf32> to vector<1x16xf32>
        tpu.vector_store %arg6[%swap3A_545, %swap3A_546], %swap3A_549 {strides = array<i32>} : memref<80x128xf32, #tpu.memory_space<vmem>>, vector<1x16xf32>,
        %get3A_550 = arith.index_cast %add3A_529 : i32 to index
        %get3A_551 = arith.constant 32 : index
        %get3A_552 = tpu.vector_load %arg6[%get3A_550, %get3A_551] {strides = array<i32>} : memref<80x128xf32, #tpu.memory_space<vmem>>, vector<1x16xf32>,
        %get3A_553 = vector.shape_cast %get3A_552 : vector<1x16xf32> to vector<16xf32>
        %mul3A_554 = arith.mulf %get3A_553, %gather3A_525 : vector<16xf32>
        %swap3A_555 = arith.index_cast %add3A_529 : i32 to index
        %swap3A_556 = arith.constant 32 : index
        %swap3A_557 = tpu.vector_load %arg6[%swap3A_555, %swap3A_556] {strides = array<i32>} : memref<80x128xf32, #tpu.memory_space<vmem>>, vector<1x16xf32>,
        %swap3A_558 = vector.shape_cast %swap3A_557 : vector<1x16xf32> to vector<16xf32>
        %swap3A_559 = vector.shape_cast %mul3A_554 : vector<16xf32> to vector<1x16xf32>
        tpu.vector_store %arg6[%swap3A_555, %swap3A_556], %swap3A_559 {strides = array<i32>} : memref<80x128xf32, #tpu.memory_space<vmem>>, vector<1x16xf32>,
        %get3A_560 = arith.index_cast %add3A_529 : i32 to index
        %get3A_561 = arith.constant 48 : index
        %get3A_562 = tpu.vector_load %arg6[%get3A_560, %get3A_561] {strides = array<i32>} : memref<80x128xf32, #tpu.memory_space<vmem>>, vector<1x16xf32>,
        %get3A_563 = vector.shape_cast %get3A_562 : vector<1x16xf32> to vector<16xf32>
        %mul3A_564 = arith.mulf %get3A_563, %gather3A_525 : vector<16xf32>
        %swap3A_565 = arith.index_cast %add3A_529 : i32 to index
        %swap3A_566 = arith.constant 48 : index
        %swap3A_567 = tpu.vector_load %arg6[%swap3A_565, %swap3A_566] {strides = array<i32>} : memref<80x128xf32, #tpu.memory_space<vmem>>, vector<1x16xf32>,
        %swap3A_568 = vector.shape_cast %swap3A_567 : vector<1x16xf32> to vector<16xf32>
        %swap3A_569 = vector.shape_cast %mul3A_564 : vector<16xf32> to vector<1x16xf32>
        tpu.vector_store %arg6[%swap3A_565, %swap3A_566], %swap3A_569 {strides = array<i32>} : memref<80x128xf32, #tpu.memory_space<vmem>>, vector<1x16xf32>,
        %broadcast_in_dim3A_570 = arith.constant 10 : i32
        %broadcast_in_dim3A_571 = vector.broadcast %broadcast_in_dim3A_570 : i32 to vector<16x1xi32>
        %gather3A_572 = vector.shape_cast %broadcast_in_dim3A_571 : vector<16x1xi32> to vector<16xi32>
        %gather3A_573 = tpu.dynamic_gather %get3A_91[%gather3A_572] in [0] : vector<16xf32>, vector<16xi32> -> vector<16xf32>
        %mul3A_574 = arith.constant 16 : i32
        %mul3A_575 = arith.muli %scan3A_85, %mul3A_574 : i32
        %add3A_576 = arith.constant 10 : i32
        %add3A_577 = arith.addi %mul3A_575, %add3A_576 : i32
        %get3A_578 = arith.index_cast %add3A_577 : i32 to index
        %get3A_579 = arith.constant 0 : index
        %get3A_580 = tpu.vector_load %arg6[%get3A_578, %get3A_579] {strides = array<i32>} : memref<80x128xf32, #tpu.memory_space<vmem>>, vector<1x16xf32>,
        %get3A_581 = vector.shape_cast %get3A_580 : vector<1x16xf32> to vector<16xf32>
        %mul3A_582 = arith.mulf %get3A_581, %gather3A_573 : vector<16xf32>
        %swap3A_583 = arith.index_cast %add3A_577 : i32 to index
        %swap3A_584 = arith.constant 0 : index
        %swap3A_585 = tpu.vector_load %arg6[%swap3A_583, %swap3A_584] {strides = array<i32>} : memref<80x128xf32, #tpu.memory_space<vmem>>, vector<1x16xf32>,
        %swap3A_586 = vector.shape_cast %swap3A_585 : vector<1x16xf32> to vector<16xf32>
        %swap3A_587 = vector.shape_cast %mul3A_582 : vector<16xf32> to vector<1x16xf32>
        tpu.vector_store %arg6[%swap3A_583, %swap3A_584], %swap3A_587 {strides = array<i32>} : memref<80x128xf32, #tpu.memory_space<vmem>>, vector<1x16xf32>,
        %get3A_588 = arith.index_cast %add3A_577 : i32 to index
        %get3A_589 = arith.constant 16 : index
        %get3A_590 = tpu.vector_load %arg6[%get3A_588, %get3A_589] {strides = array<i32>} : memref<80x128xf32, #tpu.memory_space<vmem>>, vector<1x16xf32>,
        %get3A_591 = vector.shape_cast %get3A_590 : vector<1x16xf32> to vector<16xf32>
        %mul3A_592 = arith.mulf %get3A_591, %gather3A_573 : vector<16xf32>
        %swap3A_593 = arith.index_cast %add3A_577 : i32 to index
        %swap3A_594 = arith.constant 16 : index
        %swap3A_595 = tpu.vector_load %arg6[%swap3A_593, %swap3A_594] {strides = array<i32>} : memref<80x128xf32, #tpu.memory_space<vmem>>, vector<1x16xf32>,
        %swap3A_596 = vector.shape_cast %swap3A_595 : vector<1x16xf32> to vector<16xf32>
        %swap3A_597 = vector.shape_cast %mul3A_592 : vector<16xf32> to vector<1x16xf32>
        tpu.vector_store %arg6[%swap3A_593, %swap3A_594], %swap3A_597 {strides = array<i32>} : memref<80x128xf32, #tpu.memory_space<vmem>>, vector<1x16xf32>,
        %get3A_598 = arith.index_cast %add3A_577 : i32 to index
        %get3A_599 = arith.constant 32 : index
        %get3A_600 = tpu.vector_load %arg6[%get3A_598, %get3A_599] {strides = array<i32>} : memref<80x128xf32, #tpu.memory_space<vmem>>, vector<1x16xf32>,
        %get3A_601 = vector.shape_cast %get3A_600 : vector<1x16xf32> to vector<16xf32>
        %mul3A_602 = arith.mulf %get3A_601, %gather3A_573 : vector<16xf32>
        %swap3A_603 = arith.index_cast %add3A_577 : i32 to index
        %swap3A_604 = arith.constant 32 : index
        %swap3A_605 = tpu.vector_load %arg6[%swap3A_603, %swap3A_604] {strides = array<i32>} : memref<80x128xf32, #tpu.memory_space<vmem>>, vector<1x16xf32>,
        %swap3A_606 = vector.shape_cast %swap3A_605 : vector<1x16xf32> to vector<16xf32>
        %swap3A_607 = vector.shape_cast %mul3A_602 : vector<16xf32> to vector<1x16xf32>
        tpu.vector_store %arg6[%swap3A_603, %swap3A_604], %swap3A_607 {strides = array<i32>} : memref<80x128xf32, #tpu.memory_space<vmem>>, vector<1x16xf32>,
        %get3A_608 = arith.index_cast %add3A_577 : i32 to index
        %get3A_609 = arith.constant 48 : index
        %get3A_610 = tpu.vector_load %arg6[%get3A_608, %get3A_609] {strides = array<i32>} : memref<80x128xf32, #tpu.memory_space<vmem>>, vector<1x16xf32>,
        %get3A_611 = vector.shape_cast %get3A_610 : vector<1x16xf32> to vector<16xf32>
        %mul3A_612 = arith.mulf %get3A_611, %gather3A_573 : vector<16xf32>
        %swap3A_613 = arith.index_cast %add3A_577 : i32 to index
        %swap3A_614 = arith.constant 48 : index
        %swap3A_615 = tpu.vector_load %arg6[%swap3A_613, %swap3A_614] {strides = array<i32>} : memref<80x128xf32, #tpu.memory_space<vmem>>, vector<1x16xf32>,
        %swap3A_616 = vector.shape_cast %swap3A_615 : vector<1x16xf32> to vector<16xf32>
        %swap3A_617 = vector.shape_cast %mul3A_612 : vector<16xf32> to vector<1x16xf32>
        tpu.vector_store %arg6[%swap3A_613, %swap3A_614], %swap3A_617 {strides = array<i32>} : memref<80x128xf32, #tpu.memory_space<vmem>>, vector<1x16xf32>,
        %broadcast_in_dim3A_618 = arith.constant 11 : i32
        %broadcast_in_dim3A_619 = vector.broadcast %broadcast_in_dim3A_618 : i32 to vector<16x1xi32>
        %gather3A_620 = vector.shape_cast %broadcast_in_dim3A_619 : vector<16x1xi32> to vector<16xi32>
        %gather3A_621 = tpu.dynamic_gather %get3A_91[%gather3A_620] in [0] : vector<16xf32>, vector<16xi32> -> vector<16xf32>
        %mul3A_622 = arith.constant 16 : i32
        %mul3A_623 = arith.muli %scan3A_85, %mul3A_622 : i32
        %add3A_624 = arith.constant 11 : i32
        %add3A_625 = arith.addi %mul3A_623, %add3A_624 : i32
        %get3A_626 = arith.index_cast %add3A_625 : i32 to index
        %get3A_627 = arith.constant 0 : index
        %get3A_628 = tpu.vector_load %arg6[%get3A_626, %get3A_627] {strides = array<i32>} : memref<80x128xf32, #tpu.memory_space<vmem>>, vector<1x16xf32>,
        %get3A_629 = vector.shape_cast %get3A_628 : vector<1x16xf32> to vector<16xf32>
        %mul3A_630 = arith.mulf %get3A_629, %gather3A_621 : vector<16xf32>
        %swap3A_631 = arith.index_cast %add3A_625 : i32 to index
        %swap3A_632 = arith.constant 0 : index
        %swap3A_633 = tpu.vector_load %arg6[%swap3A_631, %swap3A_632] {strides = array<i32>} : memref<80x128xf32, #tpu.memory_space<vmem>>, vector<1x16xf32>,
        %swap3A_634 = vector.shape_cast %swap3A_633 : vector<1x16xf32> to vector<16xf32>
        %swap3A_635 = vector.shape_cast %mul3A_630 : vector<16xf32> to vector<1x16xf32>
        tpu.vector_store %arg6[%swap3A_631, %swap3A_632], %swap3A_635 {strides = array<i32>} : memref<80x128xf32, #tpu.memory_space<vmem>>, vector<1x16xf32>,
        %get3A_636 = arith.index_cast %add3A_625 : i32 to index
        %get3A_637 = arith.constant 16 : index
        %get3A_638 = tpu.vector_load %arg6[%get3A_636, %get3A_637] {strides = array<i32>} : memref<80x128xf32, #tpu.memory_space<vmem>>, vector<1x16xf32>,
        %get3A_639 = vector.shape_cast %get3A_638 : vector<1x16xf32> to vector<16xf32>
        %mul3A_640 = arith.mulf %get3A_639, %gather3A_621 : vector<16xf32>
        %swap3A_641 = arith.index_cast %add3A_625 : i32 to index
        %swap3A_642 = arith.constant 16 : index
        %swap3A_643 = tpu.vector_load %arg6[%swap3A_641, %swap3A_642] {strides = array<i32>} : memref<80x128xf32, #tpu.memory_space<vmem>>, vector<1x16xf32>,
        %swap3A_644 = vector.shape_cast %swap3A_643 : vector<1x16xf32> to vector<16xf32>
        %swap3A_645 = vector.shape_cast %mul3A_640 : vector<16xf32> to vector<1x16xf32>
        tpu.vector_store %arg6[%swap3A_641, %swap3A_642], %swap3A_645 {strides = array<i32>} : memref<80x128xf32, #tpu.memory_space<vmem>>, vector<1x16xf32>,
        %get3A_646 = arith.index_cast %add3A_625 : i32 to index
        %get3A_647 = arith.constant 32 : index
        %get3A_648 = tpu.vector_load %arg6[%get3A_646, %get3A_647] {strides = array<i32>} : memref<80x128xf32, #tpu.memory_space<vmem>>, vector<1x16xf32>,
        %get3A_649 = vector.shape_cast %get3A_648 : vector<1x16xf32> to vector<16xf32>
        %mul3A_650 = arith.mulf %get3A_649, %gather3A_621 : vector<16xf32>
        %swap3A_651 = arith.index_cast %add3A_625 : i32 to index
        %swap3A_652 = arith.constant 32 : index
        %swap3A_653 = tpu.vector_load %arg6[%swap3A_651, %swap3A_652] {strides = array<i32>} : memref<80x128xf32, #tpu.memory_space<vmem>>, vector<1x16xf32>,
        %swap3A_654 = vector.shape_cast %swap3A_653 : vector<1x16xf32> to vector<16xf32>
        %swap3A_655 = vector.shape_cast %mul3A_650 : vector<16xf32> to vector<1x16xf32>
        tpu.vector_store %arg6[%swap3A_651, %swap3A_652], %swap3A_655 {strides = array<i32>} : memref<80x128xf32, #tpu.memory_space<vmem>>, vector<1x16xf32>,
        %get3A_656 = arith.index_cast %add3A_625 : i32 to index
        %get3A_657 = arith.constant 48 : index
        %get3A_658 = tpu.vector_load %arg6[%get3A_656, %get3A_657] {strides = array<i32>} : memref<80x128xf32, #tpu.memory_space<vmem>>, vector<1x16xf32>,
        %get3A_659 = vector.shape_cast %get3A_658 : vector<1x16xf32> to vector<16xf32>
        %mul3A_660 = arith.mulf %get3A_659, %gather3A_621 : vector<16xf32>
        %swap3A_661 = arith.index_cast %add3A_625 : i32 to index
        %swap3A_662 = arith.constant 48 : index
        %swap3A_663 = tpu.vector_load %arg6[%swap3A_661, %swap3A_662] {strides = array<i32>} : memref<80x128xf32, #tpu.memory_space<vmem>>, vector<1x16xf32>,
        %swap3A_664 = vector.shape_cast %swap3A_663 : vector<1x16xf32> to vector<16xf32>
        %swap3A_665 = vector.shape_cast %mul3A_660 : vector<16xf32> to vector<1x16xf32>
        tpu.vector_store %arg6[%swap3A_661, %swap3A_662], %swap3A_665 {strides = array<i32>} : memref<80x128xf32, #tpu.memory_space<vmem>>, vector<1x16xf32>,
        %broadcast_in_dim3A_666 = arith.constant 12 : i32
        %broadcast_in_dim3A_667 = vector.broadcast %broadcast_in_dim3A_666 : i32 to vector<16x1xi32>
        %gather3A_668 = vector.shape_cast %broadcast_in_dim3A_667 : vector<16x1xi32> to vector<16xi32>
        %gather3A_669 = tpu.dynamic_gather %get3A_91[%gather3A_668] in [0] : vector<16xf32>, vector<16xi32> -> vector<16xf32>
        %mul3A_670 = arith.constant 16 : i32
        %mul3A_671 = arith.muli %scan3A_85, %mul3A_670 : i32
        %add3A_672 = arith.constant 12 : i32
        %add3A_673 = arith.addi %mul3A_671, %add3A_672 : i32
        %get3A_674 = arith.index_cast %add3A_673 : i32 to index
        %get3A_675 = arith.constant 0 : index
        %get3A_676 = tpu.vector_load %arg6[%get3A_674, %get3A_675] {strides = array<i32>} : memref<80x128xf32, #tpu.memory_space<vmem>>, vector<1x16xf32>,
        %get3A_677 = vector.shape_cast %get3A_676 : vector<1x16xf32> to vector<16xf32>
        %mul3A_678 = arith.mulf %get3A_677, %gather3A_669 : vector<16xf32>
        %swap3A_679 = arith.index_cast %add3A_673 : i32 to index
        %swap3A_680 = arith.constant 0 : index
        %swap3A_681 = tpu.vector_load %arg6[%swap3A_679, %swap3A_680] {strides = array<i32>} : memref<80x128xf32, #tpu.memory_space<vmem>>, vector<1x16xf32>,
        %swap3A_682 = vector.shape_cast %swap3A_681 : vector<1x16xf32> to vector<16xf32>
        %swap3A_683 = vector.shape_cast %mul3A_678 : vector<16xf32> to vector<1x16xf32>
        tpu.vector_store %arg6[%swap3A_679, %swap3A_680], %swap3A_683 {strides = array<i32>} : memref<80x128xf32, #tpu.memory_space<vmem>>, vector<1x16xf32>,
        %get3A_684 = arith.index_cast %add3A_673 : i32 to index
        %get3A_685 = arith.constant 16 : index
        %get3A_686 = tpu.vector_load %arg6[%get3A_684, %get3A_685] {strides = array<i32>} : memref<80x128xf32, #tpu.memory_space<vmem>>, vector<1x16xf32>,
        %get3A_687 = vector.shape_cast %get3A_686 : vector<1x16xf32> to vector<16xf32>
        %mul3A_688 = arith.mulf %get3A_687, %gather3A_669 : vector<16xf32>
        %swap3A_689 = arith.index_cast %add3A_673 : i32 to index
        %swap3A_690 = arith.constant 16 : index
        %swap3A_691 = tpu.vector_load %arg6[%swap3A_689, %swap3A_690] {strides = array<i32>} : memref<80x128xf32, #tpu.memory_space<vmem>>, vector<1x16xf32>,
        %swap3A_692 = vector.shape_cast %swap3A_691 : vector<1x16xf32> to vector<16xf32>
        %swap3A_693 = vector.shape_cast %mul3A_688 : vector<16xf32> to vector<1x16xf32>
        tpu.vector_store %arg6[%swap3A_689, %swap3A_690], %swap3A_693 {strides = array<i32>} : memref<80x128xf32, #tpu.memory_space<vmem>>, vector<1x16xf32>,
        %get3A_694 = arith.index_cast %add3A_673 : i32 to index
        %get3A_695 = arith.constant 32 : index
        %get3A_696 = tpu.vector_load %arg6[%get3A_694, %get3A_695] {strides = array<i32>} : memref<80x128xf32, #tpu.memory_space<vmem>>, vector<1x16xf32>,
        %get3A_697 = vector.shape_cast %get3A_696 : vector<1x16xf32> to vector<16xf32>
        %mul3A_698 = arith.mulf %get3A_697, %gather3A_669 : vector<16xf32>
        %swap3A_699 = arith.index_cast %add3A_673 : i32 to index
        %swap3A_700 = arith.constant 32 : index
        %swap3A_701 = tpu.vector_load %arg6[%swap3A_699, %swap3A_700] {strides = array<i32>} : memref<80x128xf32, #tpu.memory_space<vmem>>, vector<1x16xf32>,
        %swap3A_702 = vector.shape_cast %swap3A_701 : vector<1x16xf32> to vector<16xf32>
        %swap3A_703 = vector.shape_cast %mul3A_698 : vector<16xf32> to vector<1x16xf32>
        tpu.vector_store %arg6[%swap3A_699, %swap3A_700], %swap3A_703 {strides = array<i32>} : memref<80x128xf32, #tpu.memory_space<vmem>>, vector<1x16xf32>,
        %get3A_704 = arith.index_cast %add3A_673 : i32 to index
        %get3A_705 = arith.constant 48 : index
        %get3A_706 = tpu.vector_load %arg6[%get3A_704, %get3A_705] {strides = array<i32>} : memref<80x128xf32, #tpu.memory_space<vmem>>, vector<1x16xf32>,
        %get3A_707 = vector.shape_cast %get3A_706 : vector<1x16xf32> to vector<16xf32>
        %mul3A_708 = arith.mulf %get3A_707, %gather3A_669 : vector<16xf32>
        %swap3A_709 = arith.index_cast %add3A_673 : i32 to index
        %swap3A_710 = arith.constant 48 : index
        %swap3A_711 = tpu.vector_load %arg6[%swap3A_709, %swap3A_710] {strides = array<i32>} : memref<80x128xf32, #tpu.memory_space<vmem>>, vector<1x16xf32>,
        %swap3A_712 = vector.shape_cast %swap3A_711 : vector<1x16xf32> to vector<16xf32>
        %swap3A_713 = vector.shape_cast %mul3A_708 : vector<16xf32> to vector<1x16xf32>
        tpu.vector_store %arg6[%swap3A_709, %swap3A_710], %swap3A_713 {strides = array<i32>} : memref<80x128xf32, #tpu.memory_space<vmem>>, vector<1x16xf32>,
        %broadcast_in_dim3A_714 = arith.constant 13 : i32
        %broadcast_in_dim3A_715 = vector.broadcast %broadcast_in_dim3A_714 : i32 to vector<16x1xi32>
        %gather3A_716 = vector.shape_cast %broadcast_in_dim3A_715 : vector<16x1xi32> to vector<16xi32>
        %gather3A_717 = tpu.dynamic_gather %get3A_91[%gather3A_716] in [0] : vector<16xf32>, vector<16xi32> -> vector<16xf32>
        %mul3A_718 = arith.constant 16 : i32
        %mul3A_719 = arith.muli %scan3A_85, %mul3A_718 : i32
        %add3A_720 = arith.constant 13 : i32
        %add3A_721 = arith.addi %mul3A_719, %add3A_720 : i32
        %get3A_722 = arith.index_cast %add3A_721 : i32 to index
        %get3A_723 = arith.constant 0 : index
        %get3A_724 = tpu.vector_load %arg6[%get3A_722, %get3A_723] {strides = array<i32>} : memref<80x128xf32, #tpu.memory_space<vmem>>, vector<1x16xf32>,
        %get3A_725 = vector.shape_cast %get3A_724 : vector<1x16xf32> to vector<16xf32>
        %mul3A_726 = arith.mulf %get3A_725, %gather3A_717 : vector<16xf32>
        %swap3A_727 = arith.index_cast %add3A_721 : i32 to index
        %swap3A_728 = arith.constant 0 : index
        %swap3A_729 = tpu.vector_load %arg6[%swap3A_727, %swap3A_728] {strides = array<i32>} : memref<80x128xf32, #tpu.memory_space<vmem>>, vector<1x16xf32>,
        %swap3A_730 = vector.shape_cast %swap3A_729 : vector<1x16xf32> to vector<16xf32>
        %swap3A_731 = vector.shape_cast %mul3A_726 : vector<16xf32> to vector<1x16xf32>
        tpu.vector_store %arg6[%swap3A_727, %swap3A_728], %swap3A_731 {strides = array<i32>} : memref<80x128xf32, #tpu.memory_space<vmem>>, vector<1x16xf32>,
        %get3A_732 = arith.index_cast %add3A_721 : i32 to index
        %get3A_733 = arith.constant 16 : index
        %get3A_734 = tpu.vector_load %arg6[%get3A_732, %get3A_733] {strides = array<i32>} : memref<80x128xf32, #tpu.memory_space<vmem>>, vector<1x16xf32>,
        %get3A_735 = vector.shape_cast %get3A_734 : vector<1x16xf32> to vector<16xf32>
        %mul3A_736 = arith.mulf %get3A_735, %gather3A_717 : vector<16xf32>
        %swap3A_737 = arith.index_cast %add3A_721 : i32 to index
        %swap3A_738 = arith.constant 16 : index
        %swap3A_739 = tpu.vector_load %arg6[%swap3A_737, %swap3A_738] {strides = array<i32>} : memref<80x128xf32, #tpu.memory_space<vmem>>, vector<1x16xf32>,
        %swap3A_740 = vector.shape_cast %swap3A_739 : vector<1x16xf32> to vector<16xf32>
        %swap3A_741 = vector.shape_cast %mul3A_736 : vector<16xf32> to vector<1x16xf32>
        tpu.vector_store %arg6[%swap3A_737, %swap3A_738], %swap3A_741 {strides = array<i32>} : memref<80x128xf32, #tpu.memory_space<vmem>>, vector<1x16xf32>,
        %get3A_742 = arith.index_cast %add3A_721 : i32 to index
        %get3A_743 = arith.constant 32 : index
        %get3A_744 = tpu.vector_load %arg6[%get3A_742, %get3A_743] {strides = array<i32>} : memref<80x128xf32, #tpu.memory_space<vmem>>, vector<1x16xf32>,
        %get3A_745 = vector.shape_cast %get3A_744 : vector<1x16xf32> to vector<16xf32>
        %mul3A_746 = arith.mulf %get3A_745, %gather3A_717 : vector<16xf32>
        %swap3A_747 = arith.index_cast %add3A_721 : i32 to index
        %swap3A_748 = arith.constant 32 : index
        %swap3A_749 = tpu.vector_load %arg6[%swap3A_747, %swap3A_748] {strides = array<i32>} : memref<80x128xf32, #tpu.memory_space<vmem>>, vector<1x16xf32>,
        %swap3A_750 = vector.shape_cast %swap3A_749 : vector<1x16xf32> to vector<16xf32>
        %swap3A_751 = vector.shape_cast %mul3A_746 : vector<16xf32> to vector<1x16xf32>
        tpu.vector_store %arg6[%swap3A_747, %swap3A_748], %swap3A_751 {strides = array<i32>} : memref<80x128xf32, #tpu.memory_space<vmem>>, vector<1x16xf32>,
        %get3A_752 = arith.index_cast %add3A_721 : i32 to index
        %get3A_753 = arith.constant 48 : index
        %get3A_754 = tpu.vector_load %arg6[%get3A_752, %get3A_753] {strides = array<i32>} : memref<80x128xf32, #tpu.memory_space<vmem>>, vector<1x16xf32>,
        %get3A_755 = vector.shape_cast %get3A_754 : vector<1x16xf32> to vector<16xf32>
        %mul3A_756 = arith.mulf %get3A_755, %gather3A_717 : vector<16xf32>
        %swap3A_757 = arith.index_cast %add3A_721 : i32 to index
        %swap3A_758 = arith.constant 48 : index
        %swap3A_759 = tpu.vector_load %arg6[%swap3A_757, %swap3A_758] {strides = array<i32>} : memref<80x128xf32, #tpu.memory_space<vmem>>, vector<1x16xf32>,
        %swap3A_760 = vector.shape_cast %swap3A_759 : vector<1x16xf32> to vector<16xf32>
        %swap3A_761 = vector.shape_cast %mul3A_756 : vector<16xf32> to vector<1x16xf32>
        tpu.vector_store %arg6[%swap3A_757, %swap3A_758], %swap3A_761 {strides = array<i32>} : memref<80x128xf32, #tpu.memory_space<vmem>>, vector<1x16xf32>,
        %broadcast_in_dim3A_762 = arith.constant 14 : i32
        %broadcast_in_dim3A_763 = vector.broadcast %broadcast_in_dim3A_762 : i32 to vector<16x1xi32>
        %gather3A_764 = vector.shape_cast %broadcast_in_dim3A_763 : vector<16x1xi32> to vector<16xi32>
        %gather3A_765 = tpu.dynamic_gather %get3A_91[%gather3A_764] in [0] : vector<16xf32>, vector<16xi32> -> vector<16xf32>
        %mul3A_766 = arith.constant 16 : i32
        %mul3A_767 = arith.muli %scan3A_85, %mul3A_766 : i32
        %add3A_768 = arith.constant 14 : i32
        %add3A_769 = arith.addi %mul3A_767, %add3A_768 : i32
        %get3A_770 = arith.index_cast %add3A_769 : i32 to index
        %get3A_771 = arith.constant 0 : index
        %get3A_772 = tpu.vector_load %arg6[%get3A_770, %get3A_771] {strides = array<i32>} : memref<80x128xf32, #tpu.memory_space<vmem>>, vector<1x16xf32>,
        %get3A_773 = vector.shape_cast %get3A_772 : vector<1x16xf32> to vector<16xf32>
        %mul3A_774 = arith.mulf %get3A_773, %gather3A_765 : vector<16xf32>
        %swap3A_775 = arith.index_cast %add3A_769 : i32 to index
        %swap3A_776 = arith.constant 0 : index
        %swap3A_777 = tpu.vector_load %arg6[%swap3A_775, %swap3A_776] {strides = array<i32>} : memref<80x128xf32, #tpu.memory_space<vmem>>, vector<1x16xf32>,
        %swap3A_778 = vector.shape_cast %swap3A_777 : vector<1x16xf32> to vector<16xf32>
        %swap3A_779 = vector.shape_cast %mul3A_774 : vector<16xf32> to vector<1x16xf32>
        tpu.vector_store %arg6[%swap3A_775, %swap3A_776], %swap3A_779 {strides = array<i32>} : memref<80x128xf32, #tpu.memory_space<vmem>>, vector<1x16xf32>,
        %get3A_780 = arith.index_cast %add3A_769 : i32 to index
        %get3A_781 = arith.constant 16 : index
        %get3A_782 = tpu.vector_load %arg6[%get3A_780, %get3A_781] {strides = array<i32>} : memref<80x128xf32, #tpu.memory_space<vmem>>, vector<1x16xf32>,
        %get3A_783 = vector.shape_cast %get3A_782 : vector<1x16xf32> to vector<16xf32>
        %mul3A_784 = arith.mulf %get3A_783, %gather3A_765 : vector<16xf32>
        %swap3A_785 = arith.index_cast %add3A_769 : i32 to index
        %swap3A_786 = arith.constant 16 : index
        %swap3A_787 = tpu.vector_load %arg6[%swap3A_785, %swap3A_786] {strides = array<i32>} : memref<80x128xf32, #tpu.memory_space<vmem>>, vector<1x16xf32>,
        %swap3A_788 = vector.shape_cast %swap3A_787 : vector<1x16xf32> to vector<16xf32>
        %swap3A_789 = vector.shape_cast %mul3A_784 : vector<16xf32> to vector<1x16xf32>
        tpu.vector_store %arg6[%swap3A_785, %swap3A_786], %swap3A_789 {strides = array<i32>} : memref<80x128xf32, #tpu.memory_space<vmem>>, vector<1x16xf32>,
        %get3A_790 = arith.index_cast %add3A_769 : i32 to index
        %get3A_791 = arith.constant 32 : index
        %get3A_792 = tpu.vector_load %arg6[%get3A_790, %get3A_791] {strides = array<i32>} : memref<80x128xf32, #tpu.memory_space<vmem>>, vector<1x16xf32>,
        %get3A_793 = vector.shape_cast %get3A_792 : vector<1x16xf32> to vector<16xf32>
        %mul3A_794 = arith.mulf %get3A_793, %gather3A_765 : vector<16xf32>
        %swap3A_795 = arith.index_cast %add3A_769 : i32 to index
        %swap3A_796 = arith.constant 32 : index
        %swap3A_797 = tpu.vector_load %arg6[%swap3A_795, %swap3A_796] {strides = array<i32>} : memref<80x128xf32, #tpu.memory_space<vmem>>, vector<1x16xf32>,
        %swap3A_798 = vector.shape_cast %swap3A_797 : vector<1x16xf32> to vector<16xf32>
        %swap3A_799 = vector.shape_cast %mul3A_794 : vector<16xf32> to vector<1x16xf32>
        tpu.vector_store %arg6[%swap3A_795, %swap3A_796], %swap3A_799 {strides = array<i32>} : memref<80x128xf32, #tpu.memory_space<vmem>>, vector<1x16xf32>,
        %get3A_800 = arith.index_cast %add3A_769 : i32 to index
        %get3A_801 = arith.constant 48 : index
        %get3A_802 = tpu.vector_load %arg6[%get3A_800, %get3A_801] {strides = array<i32>} : memref<80x128xf32, #tpu.memory_space<vmem>>, vector<1x16xf32>,
        %get3A_803 = vector.shape_cast %get3A_802 : vector<1x16xf32> to vector<16xf32>
        %mul3A_804 = arith.mulf %get3A_803, %gather3A_765 : vector<16xf32>
        %swap3A_805 = arith.index_cast %add3A_769 : i32 to index
        %swap3A_806 = arith.constant 48 : index
        %swap3A_807 = tpu.vector_load %arg6[%swap3A_805, %swap3A_806] {strides = array<i32>} : memref<80x128xf32, #tpu.memory_space<vmem>>, vector<1x16xf32>,
        %swap3A_808 = vector.shape_cast %swap3A_807 : vector<1x16xf32> to vector<16xf32>
        %swap3A_809 = vector.shape_cast %mul3A_804 : vector<16xf32> to vector<1x16xf32>
        tpu.vector_store %arg6[%swap3A_805, %swap3A_806], %swap3A_809 {strides = array<i32>} : memref<80x128xf32, #tpu.memory_space<vmem>>, vector<1x16xf32>,
        %broadcast_in_dim3A_810 = arith.constant 15 : i32
        %broadcast_in_dim3A_811 = vector.broadcast %broadcast_in_dim3A_810 : i32 to vector<16x1xi32>
        %gather3A_812 = vector.shape_cast %broadcast_in_dim3A_811 : vector<16x1xi32> to vector<16xi32>
        %gather3A_813 = tpu.dynamic_gather %get3A_91[%gather3A_812] in [0] : vector<16xf32>, vector<16xi32> -> vector<16xf32>
        %mul3A_814 = arith.constant 16 : i32
        %mul3A_815 = arith.muli %scan3A_85, %mul3A_814 : i32
        %add3A_816 = arith.constant 15 : i32
        %add3A_817 = arith.addi %mul3A_815, %add3A_816 : i32
        %get3A_818 = arith.index_cast %add3A_817 : i32 to index
        %get3A_819 = arith.constant 0 : index
        %get3A_820 = tpu.vector_load %arg6[%get3A_818, %get3A_819] {strides = array<i32>} : memref<80x128xf32, #tpu.memory_space<vmem>>, vector<1x16xf32>,
        %get3A_821 = vector.shape_cast %get3A_820 : vector<1x16xf32> to vector<16xf32>
        %mul3A_822 = arith.mulf %get3A_821, %gather3A_813 : vector<16xf32>
        %swap3A_823 = arith.index_cast %add3A_817 : i32 to index
        %swap3A_824 = arith.constant 0 : index
        %swap3A_825 = tpu.vector_load %arg6[%swap3A_823, %swap3A_824] {strides = array<i32>} : memref<80x128xf32, #tpu.memory_space<vmem>>, vector<1x16xf32>,
        %swap3A_826 = vector.shape_cast %swap3A_825 : vector<1x16xf32> to vector<16xf32>
        %swap3A_827 = vector.shape_cast %mul3A_822 : vector<16xf32> to vector<1x16xf32>
        tpu.vector_store %arg6[%swap3A_823, %swap3A_824], %swap3A_827 {strides = array<i32>} : memref<80x128xf32, #tpu.memory_space<vmem>>, vector<1x16xf32>,
        %get3A_828 = arith.index_cast %add3A_817 : i32 to index
        %get3A_829 = arith.constant 16 : index
        %get3A_830 = tpu.vector_load %arg6[%get3A_828, %get3A_829] {strides = array<i32>} : memref<80x128xf32, #tpu.memory_space<vmem>>, vector<1x16xf32>,
        %get3A_831 = vector.shape_cast %get3A_830 : vector<1x16xf32> to vector<16xf32>
        %mul3A_832 = arith.mulf %get3A_831, %gather3A_813 : vector<16xf32>
        %swap3A_833 = arith.index_cast %add3A_817 : i32 to index
        %swap3A_834 = arith.constant 16 : index
        %swap3A_835 = tpu.vector_load %arg6[%swap3A_833, %swap3A_834] {strides = array<i32>} : memref<80x128xf32, #tpu.memory_space<vmem>>, vector<1x16xf32>,
        %swap3A_836 = vector.shape_cast %swap3A_835 : vector<1x16xf32> to vector<16xf32>
        %swap3A_837 = vector.shape_cast %mul3A_832 : vector<16xf32> to vector<1x16xf32>
        tpu.vector_store %arg6[%swap3A_833, %swap3A_834], %swap3A_837 {strides = array<i32>} : memref<80x128xf32, #tpu.memory_space<vmem>>, vector<1x16xf32>,
        %get3A_838 = arith.index_cast %add3A_817 : i32 to index
        %get3A_839 = arith.constant 32 : index
        %get3A_840 = tpu.vector_load %arg6[%get3A_838, %get3A_839] {strides = array<i32>} : memref<80x128xf32, #tpu.memory_space<vmem>>, vector<1x16xf32>,
        %get3A_841 = vector.shape_cast %get3A_840 : vector<1x16xf32> to vector<16xf32>
        %mul3A_842 = arith.mulf %get3A_841, %gather3A_813 : vector<16xf32>
        %swap3A_843 = arith.index_cast %add3A_817 : i32 to index
        %swap3A_844 = arith.constant 32 : index
        %swap3A_845 = tpu.vector_load %arg6[%swap3A_843, %swap3A_844] {strides = array<i32>} : memref<80x128xf32, #tpu.memory_space<vmem>>, vector<1x16xf32>,
        %swap3A_846 = vector.shape_cast %swap3A_845 : vector<1x16xf32> to vector<16xf32>
        %swap3A_847 = vector.shape_cast %mul3A_842 : vector<16xf32> to vector<1x16xf32>
        tpu.vector_store %arg6[%swap3A_843, %swap3A_844], %swap3A_847 {strides = array<i32>} : memref<80x128xf32, #tpu.memory_space<vmem>>, vector<1x16xf32>,
        %get3A_848 = arith.index_cast %add3A_817 : i32 to index
        %get3A_849 = arith.constant 48 : index
        %get3A_850 = tpu.vector_load %arg6[%get3A_848, %get3A_849] {strides = array<i32>} : memref<80x128xf32, #tpu.memory_space<vmem>>, vector<1x16xf32>,
        %get3A_851 = vector.shape_cast %get3A_850 : vector<1x16xf32> to vector<16xf32>
        %mul3A_852 = arith.mulf %get3A_851, %gather3A_813 : vector<16xf32>
        %swap3A_853 = arith.index_cast %add3A_817 : i32 to index
        %swap3A_854 = arith.constant 48 : index
        %swap3A_855 = tpu.vector_load %arg6[%swap3A_853, %swap3A_854] {strides = array<i32>} : memref<80x128xf32, #tpu.memory_space<vmem>>, vector<1x16xf32>,
        %swap3A_856 = vector.shape_cast %swap3A_855 : vector<1x16xf32> to vector<16xf32>
        %swap3A_857 = vector.shape_cast %mul3A_852 : vector<16xf32> to vector<1x16xf32>
        tpu.vector_store %arg6[%swap3A_853, %swap3A_854], %swap3A_857 {strides = array<i32>} : memref<80x128xf32, #tpu.memory_space<vmem>>, vector<1x16xf32>,
        %scan3A_858 = arith.constant 0 : i32
        scf.yield %scan3A_858 : i32
      }
      %scan3A_57 = arith.constant 5 : i32
      %scan3A_58 = arith.constant 0 : i32
      %scan3A_59 = arith.constant 0 : i32
      %scan3A_60 = arith.constant 5 : i32
      %scan3A_61 = arith.addi %scan3A_59, %scan3A_60 : i32
      %scan3A_62 = arith.constant 1 : i32
      %scan3A_63 = scf.for %scan3A_85 = %scan3A_59 to %scan3A_61 step %scan3A_62 iter_args(%scan3A_86 = %scan3A_58) -> (i32)  : i32 {
        %mul3A_87 = arith.constant 16 : i32
        %mul3A_88 = arith.muli %scan3A_85, %mul3A_87 : i32
        %get3A = arith.index_cast %mul3A_28 : i32 to index
        %get3A_89 = arith.index_cast %mul3A_88 : i32 to index
        %get3A_90 = tpu.vector_load %arg8[%get3A, %get3A_89] {strides = array<i32>} : memref<136x80xi32, #tpu.memory_space<vmem>>, vector<1x16xi32>,
        %get3A_91 = vector.shape_cast %get3A_90 : vector<1x16xi32> to vector<16xi32>
        %shift_right_arithmetic3A = arith.constant 14 : i32
        %shift_right_arithmetic3A_92 = vector.broadcast %shift_right_arithmetic3A : i32 to vector<16xi32>
        %shift_right_arithmetic3A_93 = arith.shrsi %get3A_91, %shift_right_arithmetic3A_92 : vector<16xi32>
        %mul3A_94 = arith.constant 16 : i32
        %mul3A_95 = arith.muli %scan3A_85, %mul3A_94 : i32
        %swap3A = arith.index_cast %mul3A_95 : i32 to index
        %swap3A_96 = tpu.vector_load %arg12[%swap3A] {strides = array<i32>} : memref<80xi32, #tpu.memory_space<vmem>>, vector<16xi32>,
        %swap3A_97 = vector.shape_cast %swap3A_96 : vector<16xi32> to vector<16xi32>
        %swap3A_98 = vector.shape_cast %shift_right_arithmetic3A_93 : vector<16xi32> to vector<16xi32>
        tpu.vector_store %arg12[%swap3A], %swap3A_98 {strides = array<i32>} : memref<80xi32, #tpu.memory_space<vmem>>, vector<16xi32>,
        %scan3A_99 = arith.constant 0 : i32
        scf.yield %scan3A_99 : i32
      }
      %scan3A_64 = arith.constant 5 : i32
      "tpu.region"() ({
        %run_scoped3A = tpu.sem_alloc : memref<!tpu.dma_semaphore, #tpu.memory_space<semaphore_mem>>
        %dma_start3A_85 = arith.constant 0 : i32
        %dma_start3A_86 = arith.constant 0 : i32
        %dma_start3A_87 = tpu.memref_slice %arg13[%dma_start3A_85, %dma_start3A_86] : memref<5120x128xf32, #tpu.memory_space<vmem_shared>> -> memref<5120x128xf32, #tpu.memory_space<vmem_shared>>
        tpu.enqueue_indirect_dma source(%arg6 : memref<80x128xf32, #tpu.memory_space<vmem>>) target(%dma_start3A_87 : memref<5120x128xf32, #tpu.memory_space<vmem_shared>>) offsets(%arg12 : memref<80xi32, #tpu.memory_space<vmem>>) semaphore(%run_scoped3A : memref<!tpu.dma_semaphore, #tpu.memory_space<semaphore_mem>>) {add = true}
        %dma_wait3A_88 = arith.constant 0 : i32
        %dma_wait3A_89 = arith.constant 0 : i32
        %dma_wait3A_90 = tpu.memref_slice %arg13[%dma_wait3A_88, %dma_wait3A_89] : memref<5120x128xf32, #tpu.memory_space<vmem_shared>> -> memref<5120x128xf32, #tpu.memory_space<vmem_shared>>
        tpu.wait_indirect_dma semaphore(%run_scoped3A : memref<!tpu.dma_semaphore, #tpu.memory_space<semaphore_mem>>) src(%arg6 : memref<80x128xf32, #tpu.memory_space<vmem>>) dst(%dma_wait3A_90 : memref<5120x128xf32, #tpu.memory_space<vmem_shared>>)
        tpu.yield
      }) : () -> ()
      %dma_wait3A_65 = arith.constant 0 : i32
      %dma_wait3A_66 = arith.constant 0 : i32
      %dma_wait3A_67 = tpu.memref_slice %arg2[%dma_wait3A_65, %dma_wait3A_66] : memref<10000x128xf32, #tpu.memory_space<hbm>> -> memref<10000x128xf32, #tpu.memory_space<hbm>>
      tpu.wait_indirect_dma semaphore(%arg15 : memref<!tpu.dma_semaphore, #tpu.memory_space<semaphore_mem>>) src(%dma_wait3A_67 : memref<10000x128xf32, #tpu.memory_space<hbm>>) dst(%arg7 : memref<80x128xf32, #tpu.memory_space<vmem>>)
      %add3A_68 = arith.constant 1 : i32
      %add3A_69 = arith.addi %mul3A_28, %add3A_68 : i32
      %scan3A_70 = arith.constant 0 : i32
      %scan3A_71 = arith.constant 0 : i32
      %scan3A_72 = arith.constant 5 : i32
      %scan3A_73 = arith.addi %scan3A_71, %scan3A_72 : i32
      %scan3A_74 = arith.constant 1 : i32
      %scan3A_75 = scf.for %scan3A_85 = %scan3A_71 to %scan3A_73 step %scan3A_74 iter_args(%scan3A_86 = %scan3A_70) -> (i32)  : i32 {
        %mul3A_87 = arith.constant 16 : i32
        %mul3A_88 = arith.muli %scan3A_85, %mul3A_87 : i32
        %get3A = arith.index_cast %add3A_69 : i32 to index
        %get3A_89 = arith.index_cast %mul3A_88 : i32 to index
        %get3A_90 = tpu.vector_load %arg9[%get3A, %get3A_89] {strides = array<i32>} : memref<136x80xf32, #tpu.memory_space<vmem>>, vector<1x16xf32>,
        %get3A_91 = vector.shape_cast %get3A_90 : vector<1x16xf32> to vector<16xf32>
        %broadcast_in_dim3A_92 = arith.constant 0 : i32
        %broadcast_in_dim3A_93 = vector.broadcast %broadcast_in_dim3A_92 : i32 to vector<16x1xi32>
        %gather3A = vector.shape_cast %broadcast_in_dim3A_93 : vector<16x1xi32> to vector<16xi32>
        %gather3A_94 = tpu.dynamic_gather %get3A_91[%gather3A] in [0] : vector<16xf32>, vector<16xi32> -> vector<16xf32>
        %mul3A_95 = arith.constant 16 : i32
        %mul3A_96 = arith.muli %scan3A_85, %mul3A_95 : i32
        %add3A_97 = arith.constant 0 : i32
        %add3A_98 = arith.addi %mul3A_96, %add3A_97 : i32
        %get3A_99 = arith.index_cast %add3A_98 : i32 to index
        %get3A_100 = arith.constant 0 : index
        %get3A_101 = tpu.vector_load %arg7[%get3A_99, %get3A_100] {strides = array<i32>} : memref<80x128xf32, #tpu.memory_space<vmem>>, vector<1x16xf32>,
        %get3A_102 = vector.shape_cast %get3A_101 : vector<1x16xf32> to vector<16xf32>
        %mul3A_103 = arith.mulf %get3A_102, %gather3A_94 : vector<16xf32>
        %swap3A = arith.index_cast %add3A_98 : i32 to index
        %swap3A_104 = arith.constant 0 : index
        %swap3A_105 = tpu.vector_load %arg7[%swap3A, %swap3A_104] {strides = array<i32>} : memref<80x128xf32, #tpu.memory_space<vmem>>, vector<1x16xf32>,
        %swap3A_106 = vector.shape_cast %swap3A_105 : vector<1x16xf32> to vector<16xf32>
        %swap3A_107 = vector.shape_cast %mul3A_103 : vector<16xf32> to vector<1x16xf32>
        tpu.vector_store %arg7[%swap3A, %swap3A_104], %swap3A_107 {strides = array<i32>} : memref<80x128xf32, #tpu.memory_space<vmem>>, vector<1x16xf32>,
        %get3A_108 = arith.index_cast %add3A_98 : i32 to index
        %get3A_109 = arith.constant 16 : index
        %get3A_110 = tpu.vector_load %arg7[%get3A_108, %get3A_109] {strides = array<i32>} : memref<80x128xf32, #tpu.memory_space<vmem>>, vector<1x16xf32>,
        %get3A_111 = vector.shape_cast %get3A_110 : vector<1x16xf32> to vector<16xf32>
        %mul3A_112 = arith.mulf %get3A_111, %gather3A_94 : vector<16xf32>
        %swap3A_113 = arith.index_cast %add3A_98 : i32 to index
        %swap3A_114 = arith.constant 16 : index
        %swap3A_115 = tpu.vector_load %arg7[%swap3A_113, %swap3A_114] {strides = array<i32>} : memref<80x128xf32, #tpu.memory_space<vmem>>, vector<1x16xf32>,
        %swap3A_116 = vector.shape_cast %swap3A_115 : vector<1x16xf32> to vector<16xf32>
        %swap3A_117 = vector.shape_cast %mul3A_112 : vector<16xf32> to vector<1x16xf32>
        tpu.vector_store %arg7[%swap3A_113, %swap3A_114], %swap3A_117 {strides = array<i32>} : memref<80x128xf32, #tpu.memory_space<vmem>>, vector<1x16xf32>,
        %get3A_118 = arith.index_cast %add3A_98 : i32 to index
        %get3A_119 = arith.constant 32 : index
        %get3A_120 = tpu.vector_load %arg7[%get3A_118, %get3A_119] {strides = array<i32>} : memref<80x128xf32, #tpu.memory_space<vmem>>, vector<1x16xf32>,
        %get3A_121 = vector.shape_cast %get3A_120 : vector<1x16xf32> to vector<16xf32>
        %mul3A_122 = arith.mulf %get3A_121, %gather3A_94 : vector<16xf32>
        %swap3A_123 = arith.index_cast %add3A_98 : i32 to index
        %swap3A_124 = arith.constant 32 : index
        %swap3A_125 = tpu.vector_load %arg7[%swap3A_123, %swap3A_124] {strides = array<i32>} : memref<80x128xf32, #tpu.memory_space<vmem>>, vector<1x16xf32>,
        %swap3A_126 = vector.shape_cast %swap3A_125 : vector<1x16xf32> to vector<16xf32>
        %swap3A_127 = vector.shape_cast %mul3A_122 : vector<16xf32> to vector<1x16xf32>
        tpu.vector_store %arg7[%swap3A_123, %swap3A_124], %swap3A_127 {strides = array<i32>} : memref<80x128xf32, #tpu.memory_space<vmem>>, vector<1x16xf32>,
        %get3A_128 = arith.index_cast %add3A_98 : i32 to index
        %get3A_129 = arith.constant 48 : index
        %get3A_130 = tpu.vector_load %arg7[%get3A_128, %get3A_129] {strides = array<i32>} : memref<80x128xf32, #tpu.memory_space<vmem>>, vector<1x16xf32>,
        %get3A_131 = vector.shape_cast %get3A_130 : vector<1x16xf32> to vector<16xf32>
        %mul3A_132 = arith.mulf %get3A_131, %gather3A_94 : vector<16xf32>
        %swap3A_133 = arith.index_cast %add3A_98 : i32 to index
        %swap3A_134 = arith.constant 48 : index
        %swap3A_135 = tpu.vector_load %arg7[%swap3A_133, %swap3A_134] {strides = array<i32>} : memref<80x128xf32, #tpu.memory_space<vmem>>, vector<1x16xf32>,
        %swap3A_136 = vector.shape_cast %swap3A_135 : vector<1x16xf32> to vector<16xf32>
        %swap3A_137 = vector.shape_cast %mul3A_132 : vector<16xf32> to vector<1x16xf32>
        tpu.vector_store %arg7[%swap3A_133, %swap3A_134], %swap3A_137 {strides = array<i32>} : memref<80x128xf32, #tpu.memory_space<vmem>>, vector<1x16xf32>,
        %broadcast_in_dim3A_138 = arith.constant 1 : i32
        %broadcast_in_dim3A_139 = vector.broadcast %broadcast_in_dim3A_138 : i32 to vector<16x1xi32>
        %gather3A_140 = vector.shape_cast %broadcast_in_dim3A_139 : vector<16x1xi32> to vector<16xi32>
        %gather3A_141 = tpu.dynamic_gather %get3A_91[%gather3A_140] in [0] : vector<16xf32>, vector<16xi32> -> vector<16xf32>
        %mul3A_142 = arith.constant 16 : i32
        %mul3A_143 = arith.muli %scan3A_85, %mul3A_142 : i32
        %add3A_144 = arith.constant 1 : i32
        %add3A_145 = arith.addi %mul3A_143, %add3A_144 : i32
        %get3A_146 = arith.index_cast %add3A_145 : i32 to index
        %get3A_147 = arith.constant 0 : index
        %get3A_148 = tpu.vector_load %arg7[%get3A_146, %get3A_147] {strides = array<i32>} : memref<80x128xf32, #tpu.memory_space<vmem>>, vector<1x16xf32>,
        %get3A_149 = vector.shape_cast %get3A_148 : vector<1x16xf32> to vector<16xf32>
        %mul3A_150 = arith.mulf %get3A_149, %gather3A_141 : vector<16xf32>
        %swap3A_151 = arith.index_cast %add3A_145 : i32 to index
        %swap3A_152 = arith.constant 0 : index
        %swap3A_153 = tpu.vector_load %arg7[%swap3A_151, %swap3A_152] {strides = array<i32>} : memref<80x128xf32, #tpu.memory_space<vmem>>, vector<1x16xf32>,
        %swap3A_154 = vector.shape_cast %swap3A_153 : vector<1x16xf32> to vector<16xf32>
        %swap3A_155 = vector.shape_cast %mul3A_150 : vector<16xf32> to vector<1x16xf32>
        tpu.vector_store %arg7[%swap3A_151, %swap3A_152], %swap3A_155 {strides = array<i32>} : memref<80x128xf32, #tpu.memory_space<vmem>>, vector<1x16xf32>,
        %get3A_156 = arith.index_cast %add3A_145 : i32 to index
        %get3A_157 = arith.constant 16 : index
        %get3A_158 = tpu.vector_load %arg7[%get3A_156, %get3A_157] {strides = array<i32>} : memref<80x128xf32, #tpu.memory_space<vmem>>, vector<1x16xf32>,
        %get3A_159 = vector.shape_cast %get3A_158 : vector<1x16xf32> to vector<16xf32>
        %mul3A_160 = arith.mulf %get3A_159, %gather3A_141 : vector<16xf32>
        %swap3A_161 = arith.index_cast %add3A_145 : i32 to index
        %swap3A_162 = arith.constant 16 : index
        %swap3A_163 = tpu.vector_load %arg7[%swap3A_161, %swap3A_162] {strides = array<i32>} : memref<80x128xf32, #tpu.memory_space<vmem>>, vector<1x16xf32>,
        %swap3A_164 = vector.shape_cast %swap3A_163 : vector<1x16xf32> to vector<16xf32>
        %swap3A_165 = vector.shape_cast %mul3A_160 : vector<16xf32> to vector<1x16xf32>
        tpu.vector_store %arg7[%swap3A_161, %swap3A_162], %swap3A_165 {strides = array<i32>} : memref<80x128xf32, #tpu.memory_space<vmem>>, vector<1x16xf32>,
        %get3A_166 = arith.index_cast %add3A_145 : i32 to index
        %get3A_167 = arith.constant 32 : index
        %get3A_168 = tpu.vector_load %arg7[%get3A_166, %get3A_167] {strides = array<i32>} : memref<80x128xf32, #tpu.memory_space<vmem>>, vector<1x16xf32>,
        %get3A_169 = vector.shape_cast %get3A_168 : vector<1x16xf32> to vector<16xf32>
        %mul3A_170 = arith.mulf %get3A_169, %gather3A_141 : vector<16xf32>
        %swap3A_171 = arith.index_cast %add3A_145 : i32 to index
        %swap3A_172 = arith.constant 32 : index
        %swap3A_173 = tpu.vector_load %arg7[%swap3A_171, %swap3A_172] {strides = array<i32>} : memref<80x128xf32, #tpu.memory_space<vmem>>, vector<1x16xf32>,
        %swap3A_174 = vector.shape_cast %swap3A_173 : vector<1x16xf32> to vector<16xf32>
        %swap3A_175 = vector.shape_cast %mul3A_170 : vector<16xf32> to vector<1x16xf32>
        tpu.vector_store %arg7[%swap3A_171, %swap3A_172], %swap3A_175 {strides = array<i32>} : memref<80x128xf32, #tpu.memory_space<vmem>>, vector<1x16xf32>,
        %get3A_176 = arith.index_cast %add3A_145 : i32 to index
        %get3A_177 = arith.constant 48 : index
        %get3A_178 = tpu.vector_load %arg7[%get3A_176, %get3A_177] {strides = array<i32>} : memref<80x128xf32, #tpu.memory_space<vmem>>, vector<1x16xf32>,
        %get3A_179 = vector.shape_cast %get3A_178 : vector<1x16xf32> to vector<16xf32>
        %mul3A_180 = arith.mulf %get3A_179, %gather3A_141 : vector<16xf32>
        %swap3A_181 = arith.index_cast %add3A_145 : i32 to index
        %swap3A_182 = arith.constant 48 : index
        %swap3A_183 = tpu.vector_load %arg7[%swap3A_181, %swap3A_182] {strides = array<i32>} : memref<80x128xf32, #tpu.memory_space<vmem>>, vector<1x16xf32>,
        %swap3A_184 = vector.shape_cast %swap3A_183 : vector<1x16xf32> to vector<16xf32>
        %swap3A_185 = vector.shape_cast %mul3A_180 : vector<16xf32> to vector<1x16xf32>
        tpu.vector_store %arg7[%swap3A_181, %swap3A_182], %swap3A_185 {strides = array<i32>} : memref<80x128xf32, #tpu.memory_space<vmem>>, vector<1x16xf32>,
        %broadcast_in_dim3A_186 = arith.constant 2 : i32
        %broadcast_in_dim3A_187 = vector.broadcast %broadcast_in_dim3A_186 : i32 to vector<16x1xi32>
        %gather3A_188 = vector.shape_cast %broadcast_in_dim3A_187 : vector<16x1xi32> to vector<16xi32>
        %gather3A_189 = tpu.dynamic_gather %get3A_91[%gather3A_188] in [0] : vector<16xf32>, vector<16xi32> -> vector<16xf32>
        %mul3A_190 = arith.constant 16 : i32
        %mul3A_191 = arith.muli %scan3A_85, %mul3A_190 : i32
        %add3A_192 = arith.constant 2 : i32
        %add3A_193 = arith.addi %mul3A_191, %add3A_192 : i32
        %get3A_194 = arith.index_cast %add3A_193 : i32 to index
        %get3A_195 = arith.constant 0 : index
        %get3A_196 = tpu.vector_load %arg7[%get3A_194, %get3A_195] {strides = array<i32>} : memref<80x128xf32, #tpu.memory_space<vmem>>, vector<1x16xf32>,
        %get3A_197 = vector.shape_cast %get3A_196 : vector<1x16xf32> to vector<16xf32>
        %mul3A_198 = arith.mulf %get3A_197, %gather3A_189 : vector<16xf32>
        %swap3A_199 = arith.index_cast %add3A_193 : i32 to index
        %swap3A_200 = arith.constant 0 : index
        %swap3A_201 = tpu.vector_load %arg7[%swap3A_199, %swap3A_200] {strides = array<i32>} : memref<80x128xf32, #tpu.memory_space<vmem>>, vector<1x16xf32>,
        %swap3A_202 = vector.shape_cast %swap3A_201 : vector<1x16xf32> to vector<16xf32>
        %swap3A_203 = vector.shape_cast %mul3A_198 : vector<16xf32> to vector<1x16xf32>
        tpu.vector_store %arg7[%swap3A_199, %swap3A_200], %swap3A_203 {strides = array<i32>} : memref<80x128xf32, #tpu.memory_space<vmem>>, vector<1x16xf32>,
        %get3A_204 = arith.index_cast %add3A_193 : i32 to index
        %get3A_205 = arith.constant 16 : index
        %get3A_206 = tpu.vector_load %arg7[%get3A_204, %get3A_205] {strides = array<i32>} : memref<80x128xf32, #tpu.memory_space<vmem>>, vector<1x16xf32>,
        %get3A_207 = vector.shape_cast %get3A_206 : vector<1x16xf32> to vector<16xf32>
        %mul3A_208 = arith.mulf %get3A_207, %gather3A_189 : vector<16xf32>
        %swap3A_209 = arith.index_cast %add3A_193 : i32 to index
        %swap3A_210 = arith.constant 16 : index
        %swap3A_211 = tpu.vector_load %arg7[%swap3A_209, %swap3A_210] {strides = array<i32>} : memref<80x128xf32, #tpu.memory_space<vmem>>, vector<1x16xf32>,
        %swap3A_212 = vector.shape_cast %swap3A_211 : vector<1x16xf32> to vector<16xf32>
        %swap3A_213 = vector.shape_cast %mul3A_208 : vector<16xf32> to vector<1x16xf32>
        tpu.vector_store %arg7[%swap3A_209, %swap3A_210], %swap3A_213 {strides = array<i32>} : memref<80x128xf32, #tpu.memory_space<vmem>>, vector<1x16xf32>,
        %get3A_214 = arith.index_cast %add3A_193 : i32 to index
        %get3A_215 = arith.constant 32 : index
        %get3A_216 = tpu.vector_load %arg7[%get3A_214, %get3A_215] {strides = array<i32>} : memref<80x128xf32, #tpu.memory_space<vmem>>, vector<1x16xf32>,
        %get3A_217 = vector.shape_cast %get3A_216 : vector<1x16xf32> to vector<16xf32>
        %mul3A_218 = arith.mulf %get3A_217, %gather3A_189 : vector<16xf32>
        %swap3A_219 = arith.index_cast %add3A_193 : i32 to index
        %swap3A_220 = arith.constant 32 : index
        %swap3A_221 = tpu.vector_load %arg7[%swap3A_219, %swap3A_220] {strides = array<i32>} : memref<80x128xf32, #tpu.memory_space<vmem>>, vector<1x16xf32>,
        %swap3A_222 = vector.shape_cast %swap3A_221 : vector<1x16xf32> to vector<16xf32>
        %swap3A_223 = vector.shape_cast %mul3A_218 : vector<16xf32> to vector<1x16xf32>
        tpu.vector_store %arg7[%swap3A_219, %swap3A_220], %swap3A_223 {strides = array<i32>} : memref<80x128xf32, #tpu.memory_space<vmem>>, vector<1x16xf32>,
        %get3A_224 = arith.index_cast %add3A_193 : i32 to index
        %get3A_225 = arith.constant 48 : index
        %get3A_226 = tpu.vector_load %arg7[%get3A_224, %get3A_225] {strides = array<i32>} : memref<80x128xf32, #tpu.memory_space<vmem>>, vector<1x16xf32>,
        %get3A_227 = vector.shape_cast %get3A_226 : vector<1x16xf32> to vector<16xf32>
        %mul3A_228 = arith.mulf %get3A_227, %gather3A_189 : vector<16xf32>
        %swap3A_229 = arith.index_cast %add3A_193 : i32 to index
        %swap3A_230 = arith.constant 48 : index
        %swap3A_231 = tpu.vector_load %arg7[%swap3A_229, %swap3A_230] {strides = array<i32>} : memref<80x128xf32, #tpu.memory_space<vmem>>, vector<1x16xf32>,
        %swap3A_232 = vector.shape_cast %swap3A_231 : vector<1x16xf32> to vector<16xf32>
        %swap3A_233 = vector.shape_cast %mul3A_228 : vector<16xf32> to vector<1x16xf32>
        tpu.vector_store %arg7[%swap3A_229, %swap3A_230], %swap3A_233 {strides = array<i32>} : memref<80x128xf32, #tpu.memory_space<vmem>>, vector<1x16xf32>,
        %broadcast_in_dim3A_234 = arith.constant 3 : i32
        %broadcast_in_dim3A_235 = vector.broadcast %broadcast_in_dim3A_234 : i32 to vector<16x1xi32>
        %gather3A_236 = vector.shape_cast %broadcast_in_dim3A_235 : vector<16x1xi32> to vector<16xi32>
        %gather3A_237 = tpu.dynamic_gather %get3A_91[%gather3A_236] in [0] : vector<16xf32>, vector<16xi32> -> vector<16xf32>
        %mul3A_238 = arith.constant 16 : i32
        %mul3A_239 = arith.muli %scan3A_85, %mul3A_238 : i32
        %add3A_240 = arith.constant 3 : i32
        %add3A_241 = arith.addi %mul3A_239, %add3A_240 : i32
        %get3A_242 = arith.index_cast %add3A_241 : i32 to index
        %get3A_243 = arith.constant 0 : index
        %get3A_244 = tpu.vector_load %arg7[%get3A_242, %get3A_243] {strides = array<i32>} : memref<80x128xf32, #tpu.memory_space<vmem>>, vector<1x16xf32>,
        %get3A_245 = vector.shape_cast %get3A_244 : vector<1x16xf32> to vector<16xf32>
        %mul3A_246 = arith.mulf %get3A_245, %gather3A_237 : vector<16xf32>
        %swap3A_247 = arith.index_cast %add3A_241 : i32 to index
        %swap3A_248 = arith.constant 0 : index
        %swap3A_249 = tpu.vector_load %arg7[%swap3A_247, %swap3A_248] {strides = array<i32>} : memref<80x128xf32, #tpu.memory_space<vmem>>, vector<1x16xf32>,
        %swap3A_250 = vector.shape_cast %swap3A_249 : vector<1x16xf32> to vector<16xf32>
        %swap3A_251 = vector.shape_cast %mul3A_246 : vector<16xf32> to vector<1x16xf32>
        tpu.vector_store %arg7[%swap3A_247, %swap3A_248], %swap3A_251 {strides = array<i32>} : memref<80x128xf32, #tpu.memory_space<vmem>>, vector<1x16xf32>,
        %get3A_252 = arith.index_cast %add3A_241 : i32 to index
        %get3A_253 = arith.constant 16 : index
        %get3A_254 = tpu.vector_load %arg7[%get3A_252, %get3A_253] {strides = array<i32>} : memref<80x128xf32, #tpu.memory_space<vmem>>, vector<1x16xf32>,
        %get3A_255 = vector.shape_cast %get3A_254 : vector<1x16xf32> to vector<16xf32>
        %mul3A_256 = arith.mulf %get3A_255, %gather3A_237 : vector<16xf32>
        %swap3A_257 = arith.index_cast %add3A_241 : i32 to index
        %swap3A_258 = arith.constant 16 : index
        %swap3A_259 = tpu.vector_load %arg7[%swap3A_257, %swap3A_258] {strides = array<i32>} : memref<80x128xf32, #tpu.memory_space<vmem>>, vector<1x16xf32>,
        %swap3A_260 = vector.shape_cast %swap3A_259 : vector<1x16xf32> to vector<16xf32>
        %swap3A_261 = vector.shape_cast %mul3A_256 : vector<16xf32> to vector<1x16xf32>
        tpu.vector_store %arg7[%swap3A_257, %swap3A_258], %swap3A_261 {strides = array<i32>} : memref<80x128xf32, #tpu.memory_space<vmem>>, vector<1x16xf32>,
        %get3A_262 = arith.index_cast %add3A_241 : i32 to index
        %get3A_263 = arith.constant 32 : index
        %get3A_264 = tpu.vector_load %arg7[%get3A_262, %get3A_263] {strides = array<i32>} : memref<80x128xf32, #tpu.memory_space<vmem>>, vector<1x16xf32>,
        %get3A_265 = vector.shape_cast %get3A_264 : vector<1x16xf32> to vector<16xf32>
        %mul3A_266 = arith.mulf %get3A_265, %gather3A_237 : vector<16xf32>
        %swap3A_267 = arith.index_cast %add3A_241 : i32 to index
        %swap3A_268 = arith.constant 32 : index
        %swap3A_269 = tpu.vector_load %arg7[%swap3A_267, %swap3A_268] {strides = array<i32>} : memref<80x128xf32, #tpu.memory_space<vmem>>, vector<1x16xf32>,
        %swap3A_270 = vector.shape_cast %swap3A_269 : vector<1x16xf32> to vector<16xf32>
        %swap3A_271 = vector.shape_cast %mul3A_266 : vector<16xf32> to vector<1x16xf32>
        tpu.vector_store %arg7[%swap3A_267, %swap3A_268], %swap3A_271 {strides = array<i32>} : memref<80x128xf32, #tpu.memory_space<vmem>>, vector<1x16xf32>,
        %get3A_272 = arith.index_cast %add3A_241 : i32 to index
        %get3A_273 = arith.constant 48 : index
        %get3A_274 = tpu.vector_load %arg7[%get3A_272, %get3A_273] {strides = array<i32>} : memref<80x128xf32, #tpu.memory_space<vmem>>, vector<1x16xf32>,
        %get3A_275 = vector.shape_cast %get3A_274 : vector<1x16xf32> to vector<16xf32>
        %mul3A_276 = arith.mulf %get3A_275, %gather3A_237 : vector<16xf32>
        %swap3A_277 = arith.index_cast %add3A_241 : i32 to index
        %swap3A_278 = arith.constant 48 : index
        %swap3A_279 = tpu.vector_load %arg7[%swap3A_277, %swap3A_278] {strides = array<i32>} : memref<80x128xf32, #tpu.memory_space<vmem>>, vector<1x16xf32>,
        %swap3A_280 = vector.shape_cast %swap3A_279 : vector<1x16xf32> to vector<16xf32>
        %swap3A_281 = vector.shape_cast %mul3A_276 : vector<16xf32> to vector<1x16xf32>
        tpu.vector_store %arg7[%swap3A_277, %swap3A_278], %swap3A_281 {strides = array<i32>} : memref<80x128xf32, #tpu.memory_space<vmem>>, vector<1x16xf32>,
        %broadcast_in_dim3A_282 = arith.constant 4 : i32
        %broadcast_in_dim3A_283 = vector.broadcast %broadcast_in_dim3A_282 : i32 to vector<16x1xi32>
        %gather3A_284 = vector.shape_cast %broadcast_in_dim3A_283 : vector<16x1xi32> to vector<16xi32>
        %gather3A_285 = tpu.dynamic_gather %get3A_91[%gather3A_284] in [0] : vector<16xf32>, vector<16xi32> -> vector<16xf32>
        %mul3A_286 = arith.constant 16 : i32
        %mul3A_287 = arith.muli %scan3A_85, %mul3A_286 : i32
        %add3A_288 = arith.constant 4 : i32
        %add3A_289 = arith.addi %mul3A_287, %add3A_288 : i32
        %get3A_290 = arith.index_cast %add3A_289 : i32 to index
        %get3A_291 = arith.constant 0 : index
        %get3A_292 = tpu.vector_load %arg7[%get3A_290, %get3A_291] {strides = array<i32>} : memref<80x128xf32, #tpu.memory_space<vmem>>, vector<1x16xf32>,
        %get3A_293 = vector.shape_cast %get3A_292 : vector<1x16xf32> to vector<16xf32>
        %mul3A_294 = arith.mulf %get3A_293, %gather3A_285 : vector<16xf32>
        %swap3A_295 = arith.index_cast %add3A_289 : i32 to index
        %swap3A_296 = arith.constant 0 : index
        %swap3A_297 = tpu.vector_load %arg7[%swap3A_295, %swap3A_296] {strides = array<i32>} : memref<80x128xf32, #tpu.memory_space<vmem>>, vector<1x16xf32>,
        %swap3A_298 = vector.shape_cast %swap3A_297 : vector<1x16xf32> to vector<16xf32>
        %swap3A_299 = vector.shape_cast %mul3A_294 : vector<16xf32> to vector<1x16xf32>
        tpu.vector_store %arg7[%swap3A_295, %swap3A_296], %swap3A_299 {strides = array<i32>} : memref<80x128xf32, #tpu.memory_space<vmem>>, vector<1x16xf32>,
        %get3A_300 = arith.index_cast %add3A_289 : i32 to index
        %get3A_301 = arith.constant 16 : index
        %get3A_302 = tpu.vector_load %arg7[%get3A_300, %get3A_301] {strides = array<i32>} : memref<80x128xf32, #tpu.memory_space<vmem>>, vector<1x16xf32>,
        %get3A_303 = vector.shape_cast %get3A_302 : vector<1x16xf32> to vector<16xf32>
        %mul3A_304 = arith.mulf %get3A_303, %gather3A_285 : vector<16xf32>
        %swap3A_305 = arith.index_cast %add3A_289 : i32 to index
        %swap3A_306 = arith.constant 16 : index
        %swap3A_307 = tpu.vector_load %arg7[%swap3A_305, %swap3A_306] {strides = array<i32>} : memref<80x128xf32, #tpu.memory_space<vmem>>, vector<1x16xf32>,
        %swap3A_308 = vector.shape_cast %swap3A_307 : vector<1x16xf32> to vector<16xf32>
        %swap3A_309 = vector.shape_cast %mul3A_304 : vector<16xf32> to vector<1x16xf32>
        tpu.vector_store %arg7[%swap3A_305, %swap3A_306], %swap3A_309 {strides = array<i32>} : memref<80x128xf32, #tpu.memory_space<vmem>>, vector<1x16xf32>,
        %get3A_310 = arith.index_cast %add3A_289 : i32 to index
        %get3A_311 = arith.constant 32 : index
        %get3A_312 = tpu.vector_load %arg7[%get3A_310, %get3A_311] {strides = array<i32>} : memref<80x128xf32, #tpu.memory_space<vmem>>, vector<1x16xf32>,
        %get3A_313 = vector.shape_cast %get3A_312 : vector<1x16xf32> to vector<16xf32>
        %mul3A_314 = arith.mulf %get3A_313, %gather3A_285 : vector<16xf32>
        %swap3A_315 = arith.index_cast %add3A_289 : i32 to index
        %swap3A_316 = arith.constant 32 : index
        %swap3A_317 = tpu.vector_load %arg7[%swap3A_315, %swap3A_316] {strides = array<i32>} : memref<80x128xf32, #tpu.memory_space<vmem>>, vector<1x16xf32>,
        %swap3A_318 = vector.shape_cast %swap3A_317 : vector<1x16xf32> to vector<16xf32>
        %swap3A_319 = vector.shape_cast %mul3A_314 : vector<16xf32> to vector<1x16xf32>
        tpu.vector_store %arg7[%swap3A_315, %swap3A_316], %swap3A_319 {strides = array<i32>} : memref<80x128xf32, #tpu.memory_space<vmem>>, vector<1x16xf32>,
        %get3A_320 = arith.index_cast %add3A_289 : i32 to index
        %get3A_321 = arith.constant 48 : index
        %get3A_322 = tpu.vector_load %arg7[%get3A_320, %get3A_321] {strides = array<i32>} : memref<80x128xf32, #tpu.memory_space<vmem>>, vector<1x16xf32>,
        %get3A_323 = vector.shape_cast %get3A_322 : vector<1x16xf32> to vector<16xf32>
        %mul3A_324 = arith.mulf %get3A_323, %gather3A_285 : vector<16xf32>
        %swap3A_325 = arith.index_cast %add3A_289 : i32 to index
        %swap3A_326 = arith.constant 48 : index
        %swap3A_327 = tpu.vector_load %arg7[%swap3A_325, %swap3A_326] {strides = array<i32>} : memref<80x128xf32, #tpu.memory_space<vmem>>, vector<1x16xf32>,
        %swap3A_328 = vector.shape_cast %swap3A_327 : vector<1x16xf32> to vector<16xf32>
        %swap3A_329 = vector.shape_cast %mul3A_324 : vector<16xf32> to vector<1x16xf32>
        tpu.vector_store %arg7[%swap3A_325, %swap3A_326], %swap3A_329 {strides = array<i32>} : memref<80x128xf32, #tpu.memory_space<vmem>>, vector<1x16xf32>,
        %broadcast_in_dim3A_330 = arith.constant 5 : i32
        %broadcast_in_dim3A_331 = vector.broadcast %broadcast_in_dim3A_330 : i32 to vector<16x1xi32>
        %gather3A_332 = vector.shape_cast %broadcast_in_dim3A_331 : vector<16x1xi32> to vector<16xi32>
        %gather3A_333 = tpu.dynamic_gather %get3A_91[%gather3A_332] in [0] : vector<16xf32>, vector<16xi32> -> vector<16xf32>
        %mul3A_334 = arith.constant 16 : i32
        %mul3A_335 = arith.muli %scan3A_85, %mul3A_334 : i32
        %add3A_336 = arith.constant 5 : i32
        %add3A_337 = arith.addi %mul3A_335, %add3A_336 : i32
        %get3A_338 = arith.index_cast %add3A_337 : i32 to index
        %get3A_339 = arith.constant 0 : index
        %get3A_340 = tpu.vector_load %arg7[%get3A_338, %get3A_339] {strides = array<i32>} : memref<80x128xf32, #tpu.memory_space<vmem>>, vector<1x16xf32>,
        %get3A_341 = vector.shape_cast %get3A_340 : vector<1x16xf32> to vector<16xf32>
        %mul3A_342 = arith.mulf %get3A_341, %gather3A_333 : vector<16xf32>
        %swap3A_343 = arith.index_cast %add3A_337 : i32 to index
        %swap3A_344 = arith.constant 0 : index
        %swap3A_345 = tpu.vector_load %arg7[%swap3A_343, %swap3A_344] {strides = array<i32>} : memref<80x128xf32, #tpu.memory_space<vmem>>, vector<1x16xf32>,
        %swap3A_346 = vector.shape_cast %swap3A_345 : vector<1x16xf32> to vector<16xf32>
        %swap3A_347 = vector.shape_cast %mul3A_342 : vector<16xf32> to vector<1x16xf32>
        tpu.vector_store %arg7[%swap3A_343, %swap3A_344], %swap3A_347 {strides = array<i32>} : memref<80x128xf32, #tpu.memory_space<vmem>>, vector<1x16xf32>,
        %get3A_348 = arith.index_cast %add3A_337 : i32 to index
        %get3A_349 = arith.constant 16 : index
        %get3A_350 = tpu.vector_load %arg7[%get3A_348, %get3A_349] {strides = array<i32>} : memref<80x128xf32, #tpu.memory_space<vmem>>, vector<1x16xf32>,
        %get3A_351 = vector.shape_cast %get3A_350 : vector<1x16xf32> to vector<16xf32>
        %mul3A_352 = arith.mulf %get3A_351, %gather3A_333 : vector<16xf32>
        %swap3A_353 = arith.index_cast %add3A_337 : i32 to index
        %swap3A_354 = arith.constant 16 : index
        %swap3A_355 = tpu.vector_load %arg7[%swap3A_353, %swap3A_354] {strides = array<i32>} : memref<80x128xf32, #tpu.memory_space<vmem>>, vector<1x16xf32>,
        %swap3A_356 = vector.shape_cast %swap3A_355 : vector<1x16xf32> to vector<16xf32>
        %swap3A_357 = vector.shape_cast %mul3A_352 : vector<16xf32> to vector<1x16xf32>
        tpu.vector_store %arg7[%swap3A_353, %swap3A_354], %swap3A_357 {strides = array<i32>} : memref<80x128xf32, #tpu.memory_space<vmem>>, vector<1x16xf32>,
        %get3A_358 = arith.index_cast %add3A_337 : i32 to index
        %get3A_359 = arith.constant 32 : index
        %get3A_360 = tpu.vector_load %arg7[%get3A_358, %get3A_359] {strides = array<i32>} : memref<80x128xf32, #tpu.memory_space<vmem>>, vector<1x16xf32>,
        %get3A_361 = vector.shape_cast %get3A_360 : vector<1x16xf32> to vector<16xf32>
        %mul3A_362 = arith.mulf %get3A_361, %gather3A_333 : vector<16xf32>
        %swap3A_363 = arith.index_cast %add3A_337 : i32 to index
        %swap3A_364 = arith.constant 32 : index
        %swap3A_365 = tpu.vector_load %arg7[%swap3A_363, %swap3A_364] {strides = array<i32>} : memref<80x128xf32, #tpu.memory_space<vmem>>, vector<1x16xf32>,
        %swap3A_366 = vector.shape_cast %swap3A_365 : vector<1x16xf32> to vector<16xf32>
        %swap3A_367 = vector.shape_cast %mul3A_362 : vector<16xf32> to vector<1x16xf32>
        tpu.vector_store %arg7[%swap3A_363, %swap3A_364], %swap3A_367 {strides = array<i32>} : memref<80x128xf32, #tpu.memory_space<vmem>>, vector<1x16xf32>,
        %get3A_368 = arith.index_cast %add3A_337 : i32 to index
        %get3A_369 = arith.constant 48 : index
        %get3A_370 = tpu.vector_load %arg7[%get3A_368, %get3A_369] {strides = array<i32>} : memref<80x128xf32, #tpu.memory_space<vmem>>, vector<1x16xf32>,
        %get3A_371 = vector.shape_cast %get3A_370 : vector<1x16xf32> to vector<16xf32>
        %mul3A_372 = arith.mulf %get3A_371, %gather3A_333 : vector<16xf32>
        %swap3A_373 = arith.index_cast %add3A_337 : i32 to index
        %swap3A_374 = arith.constant 48 : index
        %swap3A_375 = tpu.vector_load %arg7[%swap3A_373, %swap3A_374] {strides = array<i32>} : memref<80x128xf32, #tpu.memory_space<vmem>>, vector<1x16xf32>,
        %swap3A_376 = vector.shape_cast %swap3A_375 : vector<1x16xf32> to vector<16xf32>
        %swap3A_377 = vector.shape_cast %mul3A_372 : vector<16xf32> to vector<1x16xf32>
        tpu.vector_store %arg7[%swap3A_373, %swap3A_374], %swap3A_377 {strides = array<i32>} : memref<80x128xf32, #tpu.memory_space<vmem>>, vector<1x16xf32>,
        %broadcast_in_dim3A_378 = arith.constant 6 : i32
        %broadcast_in_dim3A_379 = vector.broadcast %broadcast_in_dim3A_378 : i32 to vector<16x1xi32>
        %gather3A_380 = vector.shape_cast %broadcast_in_dim3A_379 : vector<16x1xi32> to vector<16xi32>
        %gather3A_381 = tpu.dynamic_gather %get3A_91[%gather3A_380] in [0] : vector<16xf32>, vector<16xi32> -> vector<16xf32>
        %mul3A_382 = arith.constant 16 : i32
        %mul3A_383 = arith.muli %scan3A_85, %mul3A_382 : i32
        %add3A_384 = arith.constant 6 : i32
        %add3A_385 = arith.addi %mul3A_383, %add3A_384 : i32
        %get3A_386 = arith.index_cast %add3A_385 : i32 to index
        %get3A_387 = arith.constant 0 : index
        %get3A_388 = tpu.vector_load %arg7[%get3A_386, %get3A_387] {strides = array<i32>} : memref<80x128xf32, #tpu.memory_space<vmem>>, vector<1x16xf32>,
        %get3A_389 = vector.shape_cast %get3A_388 : vector<1x16xf32> to vector<16xf32>
        %mul3A_390 = arith.mulf %get3A_389, %gather3A_381 : vector<16xf32>
        %swap3A_391 = arith.index_cast %add3A_385 : i32 to index
        %swap3A_392 = arith.constant 0 : index
        %swap3A_393 = tpu.vector_load %arg7[%swap3A_391, %swap3A_392] {strides = array<i32>} : memref<80x128xf32, #tpu.memory_space<vmem>>, vector<1x16xf32>,
        %swap3A_394 = vector.shape_cast %swap3A_393 : vector<1x16xf32> to vector<16xf32>
        %swap3A_395 = vector.shape_cast %mul3A_390 : vector<16xf32> to vector<1x16xf32>
        tpu.vector_store %arg7[%swap3A_391, %swap3A_392], %swap3A_395 {strides = array<i32>} : memref<80x128xf32, #tpu.memory_space<vmem>>, vector<1x16xf32>,
        %get3A_396 = arith.index_cast %add3A_385 : i32 to index
        %get3A_397 = arith.constant 16 : index
        %get3A_398 = tpu.vector_load %arg7[%get3A_396, %get3A_397] {strides = array<i32>} : memref<80x128xf32, #tpu.memory_space<vmem>>, vector<1x16xf32>,
        %get3A_399 = vector.shape_cast %get3A_398 : vector<1x16xf32> to vector<16xf32>
        %mul3A_400 = arith.mulf %get3A_399, %gather3A_381 : vector<16xf32>
        %swap3A_401 = arith.index_cast %add3A_385 : i32 to index
        %swap3A_402 = arith.constant 16 : index
        %swap3A_403 = tpu.vector_load %arg7[%swap3A_401, %swap3A_402] {strides = array<i32>} : memref<80x128xf32, #tpu.memory_space<vmem>>, vector<1x16xf32>,
        %swap3A_404 = vector.shape_cast %swap3A_403 : vector<1x16xf32> to vector<16xf32>
        %swap3A_405 = vector.shape_cast %mul3A_400 : vector<16xf32> to vector<1x16xf32>
        tpu.vector_store %arg7[%swap3A_401, %swap3A_402], %swap3A_405 {strides = array<i32>} : memref<80x128xf32, #tpu.memory_space<vmem>>, vector<1x16xf32>,
        %get3A_406 = arith.index_cast %add3A_385 : i32 to index
        %get3A_407 = arith.constant 32 : index
        %get3A_408 = tpu.vector_load %arg7[%get3A_406, %get3A_407] {strides = array<i32>} : memref<80x128xf32, #tpu.memory_space<vmem>>, vector<1x16xf32>,
        %get3A_409 = vector.shape_cast %get3A_408 : vector<1x16xf32> to vector<16xf32>
        %mul3A_410 = arith.mulf %get3A_409, %gather3A_381 : vector<16xf32>
        %swap3A_411 = arith.index_cast %add3A_385 : i32 to index
        %swap3A_412 = arith.constant 32 : index
        %swap3A_413 = tpu.vector_load %arg7[%swap3A_411, %swap3A_412] {strides = array<i32>} : memref<80x128xf32, #tpu.memory_space<vmem>>, vector<1x16xf32>,
        %swap3A_414 = vector.shape_cast %swap3A_413 : vector<1x16xf32> to vector<16xf32>
        %swap3A_415 = vector.shape_cast %mul3A_410 : vector<16xf32> to vector<1x16xf32>
        tpu.vector_store %arg7[%swap3A_411, %swap3A_412], %swap3A_415 {strides = array<i32>} : memref<80x128xf32, #tpu.memory_space<vmem>>, vector<1x16xf32>,
        %get3A_416 = arith.index_cast %add3A_385 : i32 to index
        %get3A_417 = arith.constant 48 : index
        %get3A_418 = tpu.vector_load %arg7[%get3A_416, %get3A_417] {strides = array<i32>} : memref<80x128xf32, #tpu.memory_space<vmem>>, vector<1x16xf32>,
        %get3A_419 = vector.shape_cast %get3A_418 : vector<1x16xf32> to vector<16xf32>
        %mul3A_420 = arith.mulf %get3A_419, %gather3A_381 : vector<16xf32>
        %swap3A_421 = arith.index_cast %add3A_385 : i32 to index
        %swap3A_422 = arith.constant 48 : index
        %swap3A_423 = tpu.vector_load %arg7[%swap3A_421, %swap3A_422] {strides = array<i32>} : memref<80x128xf32, #tpu.memory_space<vmem>>, vector<1x16xf32>,
        %swap3A_424 = vector.shape_cast %swap3A_423 : vector<1x16xf32> to vector<16xf32>
        %swap3A_425 = vector.shape_cast %mul3A_420 : vector<16xf32> to vector<1x16xf32>
        tpu.vector_store %arg7[%swap3A_421, %swap3A_422], %swap3A_425 {strides = array<i32>} : memref<80x128xf32, #tpu.memory_space<vmem>>, vector<1x16xf32>,
        %broadcast_in_dim3A_426 = arith.constant 7 : i32
        %broadcast_in_dim3A_427 = vector.broadcast %broadcast_in_dim3A_426 : i32 to vector<16x1xi32>
        %gather3A_428 = vector.shape_cast %broadcast_in_dim3A_427 : vector<16x1xi32> to vector<16xi32>
        %gather3A_429 = tpu.dynamic_gather %get3A_91[%gather3A_428] in [0] : vector<16xf32>, vector<16xi32> -> vector<16xf32>
        %mul3A_430 = arith.constant 16 : i32
        %mul3A_431 = arith.muli %scan3A_85, %mul3A_430 : i32
        %add3A_432 = arith.constant 7 : i32
        %add3A_433 = arith.addi %mul3A_431, %add3A_432 : i32
        %get3A_434 = arith.index_cast %add3A_433 : i32 to index
        %get3A_435 = arith.constant 0 : index
        %get3A_436 = tpu.vector_load %arg7[%get3A_434, %get3A_435] {strides = array<i32>} : memref<80x128xf32, #tpu.memory_space<vmem>>, vector<1x16xf32>,
        %get3A_437 = vector.shape_cast %get3A_436 : vector<1x16xf32> to vector<16xf32>
        %mul3A_438 = arith.mulf %get3A_437, %gather3A_429 : vector<16xf32>
        %swap3A_439 = arith.index_cast %add3A_433 : i32 to index
        %swap3A_440 = arith.constant 0 : index
        %swap3A_441 = tpu.vector_load %arg7[%swap3A_439, %swap3A_440] {strides = array<i32>} : memref<80x128xf32, #tpu.memory_space<vmem>>, vector<1x16xf32>,
        %swap3A_442 = vector.shape_cast %swap3A_441 : vector<1x16xf32> to vector<16xf32>
        %swap3A_443 = vector.shape_cast %mul3A_438 : vector<16xf32> to vector<1x16xf32>
        tpu.vector_store %arg7[%swap3A_439, %swap3A_440], %swap3A_443 {strides = array<i32>} : memref<80x128xf32, #tpu.memory_space<vmem>>, vector<1x16xf32>,
        %get3A_444 = arith.index_cast %add3A_433 : i32 to index
        %get3A_445 = arith.constant 16 : index
        %get3A_446 = tpu.vector_load %arg7[%get3A_444, %get3A_445] {strides = array<i32>} : memref<80x128xf32, #tpu.memory_space<vmem>>, vector<1x16xf32>,
        %get3A_447 = vector.shape_cast %get3A_446 : vector<1x16xf32> to vector<16xf32>
        %mul3A_448 = arith.mulf %get3A_447, %gather3A_429 : vector<16xf32>
        %swap3A_449 = arith.index_cast %add3A_433 : i32 to index
        %swap3A_450 = arith.constant 16 : index
        %swap3A_451 = tpu.vector_load %arg7[%swap3A_449, %swap3A_450] {strides = array<i32>} : memref<80x128xf32, #tpu.memory_space<vmem>>, vector<1x16xf32>,
        %swap3A_452 = vector.shape_cast %swap3A_451 : vector<1x16xf32> to vector<16xf32>
        %swap3A_453 = vector.shape_cast %mul3A_448 : vector<16xf32> to vector<1x16xf32>
        tpu.vector_store %arg7[%swap3A_449, %swap3A_450], %swap3A_453 {strides = array<i32>} : memref<80x128xf32, #tpu.memory_space<vmem>>, vector<1x16xf32>,
        %get3A_454 = arith.index_cast %add3A_433 : i32 to index
        %get3A_455 = arith.constant 32 : index
        %get3A_456 = tpu.vector_load %arg7[%get3A_454, %get3A_455] {strides = array<i32>} : memref<80x128xf32, #tpu.memory_space<vmem>>, vector<1x16xf32>,
        %get3A_457 = vector.shape_cast %get3A_456 : vector<1x16xf32> to vector<16xf32>
        %mul3A_458 = arith.mulf %get3A_457, %gather3A_429 : vector<16xf32>
        %swap3A_459 = arith.index_cast %add3A_433 : i32 to index
        %swap3A_460 = arith.constant 32 : index
        %swap3A_461 = tpu.vector_load %arg7[%swap3A_459, %swap3A_460] {strides = array<i32>} : memref<80x128xf32, #tpu.memory_space<vmem>>, vector<1x16xf32>,
        %swap3A_462 = vector.shape_cast %swap3A_461 : vector<1x16xf32> to vector<16xf32>
        %swap3A_463 = vector.shape_cast %mul3A_458 : vector<16xf32> to vector<1x16xf32>
        tpu.vector_store %arg7[%swap3A_459, %swap3A_460], %swap3A_463 {strides = array<i32>} : memref<80x128xf32, #tpu.memory_space<vmem>>, vector<1x16xf32>,
        %get3A_464 = arith.index_cast %add3A_433 : i32 to index
        %get3A_465 = arith.constant 48 : index
        %get3A_466 = tpu.vector_load %arg7[%get3A_464, %get3A_465] {strides = array<i32>} : memref<80x128xf32, #tpu.memory_space<vmem>>, vector<1x16xf32>,
        %get3A_467 = vector.shape_cast %get3A_466 : vector<1x16xf32> to vector<16xf32>
        %mul3A_468 = arith.mulf %get3A_467, %gather3A_429 : vector<16xf32>
        %swap3A_469 = arith.index_cast %add3A_433 : i32 to index
        %swap3A_470 = arith.constant 48 : index
        %swap3A_471 = tpu.vector_load %arg7[%swap3A_469, %swap3A_470] {strides = array<i32>} : memref<80x128xf32, #tpu.memory_space<vmem>>, vector<1x16xf32>,
        %swap3A_472 = vector.shape_cast %swap3A_471 : vector<1x16xf32> to vector<16xf32>
        %swap3A_473 = vector.shape_cast %mul3A_468 : vector<16xf32> to vector<1x16xf32>
        tpu.vector_store %arg7[%swap3A_469, %swap3A_470], %swap3A_473 {strides = array<i32>} : memref<80x128xf32, #tpu.memory_space<vmem>>, vector<1x16xf32>,
        %broadcast_in_dim3A_474 = arith.constant 8 : i32
        %broadcast_in_dim3A_475 = vector.broadcast %broadcast_in_dim3A_474 : i32 to vector<16x1xi32>
        %gather3A_476 = vector.shape_cast %broadcast_in_dim3A_475 : vector<16x1xi32> to vector<16xi32>
        %gather3A_477 = tpu.dynamic_gather %get3A_91[%gather3A_476] in [0] : vector<16xf32>, vector<16xi32> -> vector<16xf32>
        %mul3A_478 = arith.constant 16 : i32
        %mul3A_479 = arith.muli %scan3A_85, %mul3A_478 : i32
        %add3A_480 = arith.constant 8 : i32
        %add3A_481 = arith.addi %mul3A_479, %add3A_480 : i32
        %get3A_482 = arith.index_cast %add3A_481 : i32 to index
        %get3A_483 = arith.constant 0 : index
        %get3A_484 = tpu.vector_load %arg7[%get3A_482, %get3A_483] {strides = array<i32>} : memref<80x128xf32, #tpu.memory_space<vmem>>, vector<1x16xf32>,
        %get3A_485 = vector.shape_cast %get3A_484 : vector<1x16xf32> to vector<16xf32>
        %mul3A_486 = arith.mulf %get3A_485, %gather3A_477 : vector<16xf32>
        %swap3A_487 = arith.index_cast %add3A_481 : i32 to index
        %swap3A_488 = arith.constant 0 : index
        %swap3A_489 = tpu.vector_load %arg7[%swap3A_487, %swap3A_488] {strides = array<i32>} : memref<80x128xf32, #tpu.memory_space<vmem>>, vector<1x16xf32>,
        %swap3A_490 = vector.shape_cast %swap3A_489 : vector<1x16xf32> to vector<16xf32>
        %swap3A_491 = vector.shape_cast %mul3A_486 : vector<16xf32> to vector<1x16xf32>
        tpu.vector_store %arg7[%swap3A_487, %swap3A_488], %swap3A_491 {strides = array<i32>} : memref<80x128xf32, #tpu.memory_space<vmem>>, vector<1x16xf32>,
        %get3A_492 = arith.index_cast %add3A_481 : i32 to index
        %get3A_493 = arith.constant 16 : index
        %get3A_494 = tpu.vector_load %arg7[%get3A_492, %get3A_493] {strides = array<i32>} : memref<80x128xf32, #tpu.memory_space<vmem>>, vector<1x16xf32>,
        %get3A_495 = vector.shape_cast %get3A_494 : vector<1x16xf32> to vector<16xf32>
        %mul3A_496 = arith.mulf %get3A_495, %gather3A_477 : vector<16xf32>
        %swap3A_497 = arith.index_cast %add3A_481 : i32 to index
        %swap3A_498 = arith.constant 16 : index
        %swap3A_499 = tpu.vector_load %arg7[%swap3A_497, %swap3A_498] {strides = array<i32>} : memref<80x128xf32, #tpu.memory_space<vmem>>, vector<1x16xf32>,
        %swap3A_500 = vector.shape_cast %swap3A_499 : vector<1x16xf32> to vector<16xf32>
        %swap3A_501 = vector.shape_cast %mul3A_496 : vector<16xf32> to vector<1x16xf32>
        tpu.vector_store %arg7[%swap3A_497, %swap3A_498], %swap3A_501 {strides = array<i32>} : memref<80x128xf32, #tpu.memory_space<vmem>>, vector<1x16xf32>,
        %get3A_502 = arith.index_cast %add3A_481 : i32 to index
        %get3A_503 = arith.constant 32 : index
        %get3A_504 = tpu.vector_load %arg7[%get3A_502, %get3A_503] {strides = array<i32>} : memref<80x128xf32, #tpu.memory_space<vmem>>, vector<1x16xf32>,
        %get3A_505 = vector.shape_cast %get3A_504 : vector<1x16xf32> to vector<16xf32>
        %mul3A_506 = arith.mulf %get3A_505, %gather3A_477 : vector<16xf32>
        %swap3A_507 = arith.index_cast %add3A_481 : i32 to index
        %swap3A_508 = arith.constant 32 : index
        %swap3A_509 = tpu.vector_load %arg7[%swap3A_507, %swap3A_508] {strides = array<i32>} : memref<80x128xf32, #tpu.memory_space<vmem>>, vector<1x16xf32>,
        %swap3A_510 = vector.shape_cast %swap3A_509 : vector<1x16xf32> to vector<16xf32>
        %swap3A_511 = vector.shape_cast %mul3A_506 : vector<16xf32> to vector<1x16xf32>
        tpu.vector_store %arg7[%swap3A_507, %swap3A_508], %swap3A_511 {strides = array<i32>} : memref<80x128xf32, #tpu.memory_space<vmem>>, vector<1x16xf32>,
        %get3A_512 = arith.index_cast %add3A_481 : i32 to index
        %get3A_513 = arith.constant 48 : index
        %get3A_514 = tpu.vector_load %arg7[%get3A_512, %get3A_513] {strides = array<i32>} : memref<80x128xf32, #tpu.memory_space<vmem>>, vector<1x16xf32>,
        %get3A_515 = vector.shape_cast %get3A_514 : vector<1x16xf32> to vector<16xf32>
        %mul3A_516 = arith.mulf %get3A_515, %gather3A_477 : vector<16xf32>
        %swap3A_517 = arith.index_cast %add3A_481 : i32 to index
        %swap3A_518 = arith.constant 48 : index
        %swap3A_519 = tpu.vector_load %arg7[%swap3A_517, %swap3A_518] {strides = array<i32>} : memref<80x128xf32, #tpu.memory_space<vmem>>, vector<1x16xf32>,
        %swap3A_520 = vector.shape_cast %swap3A_519 : vector<1x16xf32> to vector<16xf32>
        %swap3A_521 = vector.shape_cast %mul3A_516 : vector<16xf32> to vector<1x16xf32>
        tpu.vector_store %arg7[%swap3A_517, %swap3A_518], %swap3A_521 {strides = array<i32>} : memref<80x128xf32, #tpu.memory_space<vmem>>, vector<1x16xf32>,
        %broadcast_in_dim3A_522 = arith.constant 9 : i32
        %broadcast_in_dim3A_523 = vector.broadcast %broadcast_in_dim3A_522 : i32 to vector<16x1xi32>
        %gather3A_524 = vector.shape_cast %broadcast_in_dim3A_523 : vector<16x1xi32> to vector<16xi32>
        %gather3A_525 = tpu.dynamic_gather %get3A_91[%gather3A_524] in [0] : vector<16xf32>, vector<16xi32> -> vector<16xf32>
        %mul3A_526 = arith.constant 16 : i32
        %mul3A_527 = arith.muli %scan3A_85, %mul3A_526 : i32
        %add3A_528 = arith.constant 9 : i32
        %add3A_529 = arith.addi %mul3A_527, %add3A_528 : i32
        %get3A_530 = arith.index_cast %add3A_529 : i32 to index
        %get3A_531 = arith.constant 0 : index
        %get3A_532 = tpu.vector_load %arg7[%get3A_530, %get3A_531] {strides = array<i32>} : memref<80x128xf32, #tpu.memory_space<vmem>>, vector<1x16xf32>,
        %get3A_533 = vector.shape_cast %get3A_532 : vector<1x16xf32> to vector<16xf32>
        %mul3A_534 = arith.mulf %get3A_533, %gather3A_525 : vector<16xf32>
        %swap3A_535 = arith.index_cast %add3A_529 : i32 to index
        %swap3A_536 = arith.constant 0 : index
        %swap3A_537 = tpu.vector_load %arg7[%swap3A_535, %swap3A_536] {strides = array<i32>} : memref<80x128xf32, #tpu.memory_space<vmem>>, vector<1x16xf32>,
        %swap3A_538 = vector.shape_cast %swap3A_537 : vector<1x16xf32> to vector<16xf32>
        %swap3A_539 = vector.shape_cast %mul3A_534 : vector<16xf32> to vector<1x16xf32>
        tpu.vector_store %arg7[%swap3A_535, %swap3A_536], %swap3A_539 {strides = array<i32>} : memref<80x128xf32, #tpu.memory_space<vmem>>, vector<1x16xf32>,
        %get3A_540 = arith.index_cast %add3A_529 : i32 to index
        %get3A_541 = arith.constant 16 : index
        %get3A_542 = tpu.vector_load %arg7[%get3A_540, %get3A_541] {strides = array<i32>} : memref<80x128xf32, #tpu.memory_space<vmem>>, vector<1x16xf32>,
        %get3A_543 = vector.shape_cast %get3A_542 : vector<1x16xf32> to vector<16xf32>
        %mul3A_544 = arith.mulf %get3A_543, %gather3A_525 : vector<16xf32>
        %swap3A_545 = arith.index_cast %add3A_529 : i32 to index
        %swap3A_546 = arith.constant 16 : index
        %swap3A_547 = tpu.vector_load %arg7[%swap3A_545, %swap3A_546] {strides = array<i32>} : memref<80x128xf32, #tpu.memory_space<vmem>>, vector<1x16xf32>,
        %swap3A_548 = vector.shape_cast %swap3A_547 : vector<1x16xf32> to vector<16xf32>
        %swap3A_549 = vector.shape_cast %mul3A_544 : vector<16xf32> to vector<1x16xf32>
        tpu.vector_store %arg7[%swap3A_545, %swap3A_546], %swap3A_549 {strides = array<i32>} : memref<80x128xf32, #tpu.memory_space<vmem>>, vector<1x16xf32>,
        %get3A_550 = arith.index_cast %add3A_529 : i32 to index
        %get3A_551 = arith.constant 32 : index
        %get3A_552 = tpu.vector_load %arg7[%get3A_550, %get3A_551] {strides = array<i32>} : memref<80x128xf32, #tpu.memory_space<vmem>>, vector<1x16xf32>,
        %get3A_553 = vector.shape_cast %get3A_552 : vector<1x16xf32> to vector<16xf32>
        %mul3A_554 = arith.mulf %get3A_553, %gather3A_525 : vector<16xf32>
        %swap3A_555 = arith.index_cast %add3A_529 : i32 to index
        %swap3A_556 = arith.constant 32 : index
        %swap3A_557 = tpu.vector_load %arg7[%swap3A_555, %swap3A_556] {strides = array<i32>} : memref<80x128xf32, #tpu.memory_space<vmem>>, vector<1x16xf32>,
        %swap3A_558 = vector.shape_cast %swap3A_557 : vector<1x16xf32> to vector<16xf32>
        %swap3A_559 = vector.shape_cast %mul3A_554 : vector<16xf32> to vector<1x16xf32>
        tpu.vector_store %arg7[%swap3A_555, %swap3A_556], %swap3A_559 {strides = array<i32>} : memref<80x128xf32, #tpu.memory_space<vmem>>, vector<1x16xf32>,
        %get3A_560 = arith.index_cast %add3A_529 : i32 to index
        %get3A_561 = arith.constant 48 : index
        %get3A_562 = tpu.vector_load %arg7[%get3A_560, %get3A_561] {strides = array<i32>} : memref<80x128xf32, #tpu.memory_space<vmem>>, vector<1x16xf32>,
        %get3A_563 = vector.shape_cast %get3A_562 : vector<1x16xf32> to vector<16xf32>
        %mul3A_564 = arith.mulf %get3A_563, %gather3A_525 : vector<16xf32>
        %swap3A_565 = arith.index_cast %add3A_529 : i32 to index
        %swap3A_566 = arith.constant 48 : index
        %swap3A_567 = tpu.vector_load %arg7[%swap3A_565, %swap3A_566] {strides = array<i32>} : memref<80x128xf32, #tpu.memory_space<vmem>>, vector<1x16xf32>,
        %swap3A_568 = vector.shape_cast %swap3A_567 : vector<1x16xf32> to vector<16xf32>
        %swap3A_569 = vector.shape_cast %mul3A_564 : vector<16xf32> to vector<1x16xf32>
        tpu.vector_store %arg7[%swap3A_565, %swap3A_566], %swap3A_569 {strides = array<i32>} : memref<80x128xf32, #tpu.memory_space<vmem>>, vector<1x16xf32>,
        %broadcast_in_dim3A_570 = arith.constant 10 : i32
        %broadcast_in_dim3A_571 = vector.broadcast %broadcast_in_dim3A_570 : i32 to vector<16x1xi32>
        %gather3A_572 = vector.shape_cast %broadcast_in_dim3A_571 : vector<16x1xi32> to vector<16xi32>
        %gather3A_573 = tpu.dynamic_gather %get3A_91[%gather3A_572] in [0] : vector<16xf32>, vector<16xi32> -> vector<16xf32>
        %mul3A_574 = arith.constant 16 : i32
        %mul3A_575 = arith.muli %scan3A_85, %mul3A_574 : i32
        %add3A_576 = arith.constant 10 : i32
        %add3A_577 = arith.addi %mul3A_575, %add3A_576 : i32
        %get3A_578 = arith.index_cast %add3A_577 : i32 to index
        %get3A_579 = arith.constant 0 : index
        %get3A_580 = tpu.vector_load %arg7[%get3A_578, %get3A_579] {strides = array<i32>} : memref<80x128xf32, #tpu.memory_space<vmem>>, vector<1x16xf32>,
        %get3A_581 = vector.shape_cast %get3A_580 : vector<1x16xf32> to vector<16xf32>
        %mul3A_582 = arith.mulf %get3A_581, %gather3A_573 : vector<16xf32>
        %swap3A_583 = arith.index_cast %add3A_577 : i32 to index
        %swap3A_584 = arith.constant 0 : index
        %swap3A_585 = tpu.vector_load %arg7[%swap3A_583, %swap3A_584] {strides = array<i32>} : memref<80x128xf32, #tpu.memory_space<vmem>>, vector<1x16xf32>,
        %swap3A_586 = vector.shape_cast %swap3A_585 : vector<1x16xf32> to vector<16xf32>
        %swap3A_587 = vector.shape_cast %mul3A_582 : vector<16xf32> to vector<1x16xf32>
        tpu.vector_store %arg7[%swap3A_583, %swap3A_584], %swap3A_587 {strides = array<i32>} : memref<80x128xf32, #tpu.memory_space<vmem>>, vector<1x16xf32>,
        %get3A_588 = arith.index_cast %add3A_577 : i32 to index
        %get3A_589 = arith.constant 16 : index
        %get3A_590 = tpu.vector_load %arg7[%get3A_588, %get3A_589] {strides = array<i32>} : memref<80x128xf32, #tpu.memory_space<vmem>>, vector<1x16xf32>,
        %get3A_591 = vector.shape_cast %get3A_590 : vector<1x16xf32> to vector<16xf32>
        %mul3A_592 = arith.mulf %get3A_591, %gather3A_573 : vector<16xf32>
        %swap3A_593 = arith.index_cast %add3A_577 : i32 to index
        %swap3A_594 = arith.constant 16 : index
        %swap3A_595 = tpu.vector_load %arg7[%swap3A_593, %swap3A_594] {strides = array<i32>} : memref<80x128xf32, #tpu.memory_space<vmem>>, vector<1x16xf32>,
        %swap3A_596 = vector.shape_cast %swap3A_595 : vector<1x16xf32> to vector<16xf32>
        %swap3A_597 = vector.shape_cast %mul3A_592 : vector<16xf32> to vector<1x16xf32>
        tpu.vector_store %arg7[%swap3A_593, %swap3A_594], %swap3A_597 {strides = array<i32>} : memref<80x128xf32, #tpu.memory_space<vmem>>, vector<1x16xf32>,
        %get3A_598 = arith.index_cast %add3A_577 : i32 to index
        %get3A_599 = arith.constant 32 : index
        %get3A_600 = tpu.vector_load %arg7[%get3A_598, %get3A_599] {strides = array<i32>} : memref<80x128xf32, #tpu.memory_space<vmem>>, vector<1x16xf32>,
        %get3A_601 = vector.shape_cast %get3A_600 : vector<1x16xf32> to vector<16xf32>
        %mul3A_602 = arith.mulf %get3A_601, %gather3A_573 : vector<16xf32>
        %swap3A_603 = arith.index_cast %add3A_577 : i32 to index
        %swap3A_604 = arith.constant 32 : index
        %swap3A_605 = tpu.vector_load %arg7[%swap3A_603, %swap3A_604] {strides = array<i32>} : memref<80x128xf32, #tpu.memory_space<vmem>>, vector<1x16xf32>,
        %swap3A_606 = vector.shape_cast %swap3A_605 : vector<1x16xf32> to vector<16xf32>
        %swap3A_607 = vector.shape_cast %mul3A_602 : vector<16xf32> to vector<1x16xf32>
        tpu.vector_store %arg7[%swap3A_603, %swap3A_604], %swap3A_607 {strides = array<i32>} : memref<80x128xf32, #tpu.memory_space<vmem>>, vector<1x16xf32>,
        %get3A_608 = arith.index_cast %add3A_577 : i32 to index
        %get3A_609 = arith.constant 48 : index
        %get3A_610 = tpu.vector_load %arg7[%get3A_608, %get3A_609] {strides = array<i32>} : memref<80x128xf32, #tpu.memory_space<vmem>>, vector<1x16xf32>,
        %get3A_611 = vector.shape_cast %get3A_610 : vector<1x16xf32> to vector<16xf32>
        %mul3A_612 = arith.mulf %get3A_611, %gather3A_573 : vector<16xf32>
        %swap3A_613 = arith.index_cast %add3A_577 : i32 to index
        %swap3A_614 = arith.constant 48 : index
        %swap3A_615 = tpu.vector_load %arg7[%swap3A_613, %swap3A_614] {strides = array<i32>} : memref<80x128xf32, #tpu.memory_space<vmem>>, vector<1x16xf32>,
        %swap3A_616 = vector.shape_cast %swap3A_615 : vector<1x16xf32> to vector<16xf32>
        %swap3A_617 = vector.shape_cast %mul3A_612 : vector<16xf32> to vector<1x16xf32>
        tpu.vector_store %arg7[%swap3A_613, %swap3A_614], %swap3A_617 {strides = array<i32>} : memref<80x128xf32, #tpu.memory_space<vmem>>, vector<1x16xf32>,
        %broadcast_in_dim3A_618 = arith.constant 11 : i32
        %broadcast_in_dim3A_619 = vector.broadcast %broadcast_in_dim3A_618 : i32 to vector<16x1xi32>
        %gather3A_620 = vector.shape_cast %broadcast_in_dim3A_619 : vector<16x1xi32> to vector<16xi32>
        %gather3A_621 = tpu.dynamic_gather %get3A_91[%gather3A_620] in [0] : vector<16xf32>, vector<16xi32> -> vector<16xf32>
        %mul3A_622 = arith.constant 16 : i32
        %mul3A_623 = arith.muli %scan3A_85, %mul3A_622 : i32
        %add3A_624 = arith.constant 11 : i32
        %add3A_625 = arith.addi %mul3A_623, %add3A_624 : i32
        %get3A_626 = arith.index_cast %add3A_625 : i32 to index
        %get3A_627 = arith.constant 0 : index
        %get3A_628 = tpu.vector_load %arg7[%get3A_626, %get3A_627] {strides = array<i32>} : memref<80x128xf32, #tpu.memory_space<vmem>>, vector<1x16xf32>,
        %get3A_629 = vector.shape_cast %get3A_628 : vector<1x16xf32> to vector<16xf32>
        %mul3A_630 = arith.mulf %get3A_629, %gather3A_621 : vector<16xf32>
        %swap3A_631 = arith.index_cast %add3A_625 : i32 to index
        %swap3A_632 = arith.constant 0 : index
        %swap3A_633 = tpu.vector_load %arg7[%swap3A_631, %swap3A_632] {strides = array<i32>} : memref<80x128xf32, #tpu.memory_space<vmem>>, vector<1x16xf32>,
        %swap3A_634 = vector.shape_cast %swap3A_633 : vector<1x16xf32> to vector<16xf32>
        %swap3A_635 = vector.shape_cast %mul3A_630 : vector<16xf32> to vector<1x16xf32>
        tpu.vector_store %arg7[%swap3A_631, %swap3A_632], %swap3A_635 {strides = array<i32>} : memref<80x128xf32, #tpu.memory_space<vmem>>, vector<1x16xf32>,
        %get3A_636 = arith.index_cast %add3A_625 : i32 to index
        %get3A_637 = arith.constant 16 : index
        %get3A_638 = tpu.vector_load %arg7[%get3A_636, %get3A_637] {strides = array<i32>} : memref<80x128xf32, #tpu.memory_space<vmem>>, vector<1x16xf32>,
        %get3A_639 = vector.shape_cast %get3A_638 : vector<1x16xf32> to vector<16xf32>
        %mul3A_640 = arith.mulf %get3A_639, %gather3A_621 : vector<16xf32>
        %swap3A_641 = arith.index_cast %add3A_625 : i32 to index
        %swap3A_642 = arith.constant 16 : index
        %swap3A_643 = tpu.vector_load %arg7[%swap3A_641, %swap3A_642] {strides = array<i32>} : memref<80x128xf32, #tpu.memory_space<vmem>>, vector<1x16xf32>,
        %swap3A_644 = vector.shape_cast %swap3A_643 : vector<1x16xf32> to vector<16xf32>
        %swap3A_645 = vector.shape_cast %mul3A_640 : vector<16xf32> to vector<1x16xf32>
        tpu.vector_store %arg7[%swap3A_641, %swap3A_642], %swap3A_645 {strides = array<i32>} : memref<80x128xf32, #tpu.memory_space<vmem>>, vector<1x16xf32>,
        %get3A_646 = arith.index_cast %add3A_625 : i32 to index
        %get3A_647 = arith.constant 32 : index
        %get3A_648 = tpu.vector_load %arg7[%get3A_646, %get3A_647] {strides = array<i32>} : memref<80x128xf32, #tpu.memory_space<vmem>>, vector<1x16xf32>,
        %get3A_649 = vector.shape_cast %get3A_648 : vector<1x16xf32> to vector<16xf32>
        %mul3A_650 = arith.mulf %get3A_649, %gather3A_621 : vector<16xf32>
        %swap3A_651 = arith.index_cast %add3A_625 : i32 to index
        %swap3A_652 = arith.constant 32 : index
        %swap3A_653 = tpu.vector_load %arg7[%swap3A_651, %swap3A_652] {strides = array<i32>} : memref<80x128xf32, #tpu.memory_space<vmem>>, vector<1x16xf32>,
        %swap3A_654 = vector.shape_cast %swap3A_653 : vector<1x16xf32> to vector<16xf32>
        %swap3A_655 = vector.shape_cast %mul3A_650 : vector<16xf32> to vector<1x16xf32>
        tpu.vector_store %arg7[%swap3A_651, %swap3A_652], %swap3A_655 {strides = array<i32>} : memref<80x128xf32, #tpu.memory_space<vmem>>, vector<1x16xf32>,
        %get3A_656 = arith.index_cast %add3A_625 : i32 to index
        %get3A_657 = arith.constant 48 : index
        %get3A_658 = tpu.vector_load %arg7[%get3A_656, %get3A_657] {strides = array<i32>} : memref<80x128xf32, #tpu.memory_space<vmem>>, vector<1x16xf32>,
        %get3A_659 = vector.shape_cast %get3A_658 : vector<1x16xf32> to vector<16xf32>
        %mul3A_660 = arith.mulf %get3A_659, %gather3A_621 : vector<16xf32>
        %swap3A_661 = arith.index_cast %add3A_625 : i32 to index
        %swap3A_662 = arith.constant 48 : index
        %swap3A_663 = tpu.vector_load %arg7[%swap3A_661, %swap3A_662] {strides = array<i32>} : memref<80x128xf32, #tpu.memory_space<vmem>>, vector<1x16xf32>,
        %swap3A_664 = vector.shape_cast %swap3A_663 : vector<1x16xf32> to vector<16xf32>
        %swap3A_665 = vector.shape_cast %mul3A_660 : vector<16xf32> to vector<1x16xf32>
        tpu.vector_store %arg7[%swap3A_661, %swap3A_662], %swap3A_665 {strides = array<i32>} : memref<80x128xf32, #tpu.memory_space<vmem>>, vector<1x16xf32>,
        %broadcast_in_dim3A_666 = arith.constant 12 : i32
        %broadcast_in_dim3A_667 = vector.broadcast %broadcast_in_dim3A_666 : i32 to vector<16x1xi32>
        %gather3A_668 = vector.shape_cast %broadcast_in_dim3A_667 : vector<16x1xi32> to vector<16xi32>
        %gather3A_669 = tpu.dynamic_gather %get3A_91[%gather3A_668] in [0] : vector<16xf32>, vector<16xi32> -> vector<16xf32>
        %mul3A_670 = arith.constant 16 : i32
        %mul3A_671 = arith.muli %scan3A_85, %mul3A_670 : i32
        %add3A_672 = arith.constant 12 : i32
        %add3A_673 = arith.addi %mul3A_671, %add3A_672 : i32
        %get3A_674 = arith.index_cast %add3A_673 : i32 to index
        %get3A_675 = arith.constant 0 : index
        %get3A_676 = tpu.vector_load %arg7[%get3A_674, %get3A_675] {strides = array<i32>} : memref<80x128xf32, #tpu.memory_space<vmem>>, vector<1x16xf32>,
        %get3A_677 = vector.shape_cast %get3A_676 : vector<1x16xf32> to vector<16xf32>
        %mul3A_678 = arith.mulf %get3A_677, %gather3A_669 : vector<16xf32>
        %swap3A_679 = arith.index_cast %add3A_673 : i32 to index
        %swap3A_680 = arith.constant 0 : index
        %swap3A_681 = tpu.vector_load %arg7[%swap3A_679, %swap3A_680] {strides = array<i32>} : memref<80x128xf32, #tpu.memory_space<vmem>>, vector<1x16xf32>,
        %swap3A_682 = vector.shape_cast %swap3A_681 : vector<1x16xf32> to vector<16xf32>
        %swap3A_683 = vector.shape_cast %mul3A_678 : vector<16xf32> to vector<1x16xf32>
        tpu.vector_store %arg7[%swap3A_679, %swap3A_680], %swap3A_683 {strides = array<i32>} : memref<80x128xf32, #tpu.memory_space<vmem>>, vector<1x16xf32>,
        %get3A_684 = arith.index_cast %add3A_673 : i32 to index
        %get3A_685 = arith.constant 16 : index
        %get3A_686 = tpu.vector_load %arg7[%get3A_684, %get3A_685] {strides = array<i32>} : memref<80x128xf32, #tpu.memory_space<vmem>>, vector<1x16xf32>,
        %get3A_687 = vector.shape_cast %get3A_686 : vector<1x16xf32> to vector<16xf32>
        %mul3A_688 = arith.mulf %get3A_687, %gather3A_669 : vector<16xf32>
        %swap3A_689 = arith.index_cast %add3A_673 : i32 to index
        %swap3A_690 = arith.constant 16 : index
        %swap3A_691 = tpu.vector_load %arg7[%swap3A_689, %swap3A_690] {strides = array<i32>} : memref<80x128xf32, #tpu.memory_space<vmem>>, vector<1x16xf32>,
        %swap3A_692 = vector.shape_cast %swap3A_691 : vector<1x16xf32> to vector<16xf32>
        %swap3A_693 = vector.shape_cast %mul3A_688 : vector<16xf32> to vector<1x16xf32>
        tpu.vector_store %arg7[%swap3A_689, %swap3A_690], %swap3A_693 {strides = array<i32>} : memref<80x128xf32, #tpu.memory_space<vmem>>, vector<1x16xf32>,
        %get3A_694 = arith.index_cast %add3A_673 : i32 to index
        %get3A_695 = arith.constant 32 : index
        %get3A_696 = tpu.vector_load %arg7[%get3A_694, %get3A_695] {strides = array<i32>} : memref<80x128xf32, #tpu.memory_space<vmem>>, vector<1x16xf32>,
        %get3A_697 = vector.shape_cast %get3A_696 : vector<1x16xf32> to vector<16xf32>
        %mul3A_698 = arith.mulf %get3A_697, %gather3A_669 : vector<16xf32>
        %swap3A_699 = arith.index_cast %add3A_673 : i32 to index
        %swap3A_700 = arith.constant 32 : index
        %swap3A_701 = tpu.vector_load %arg7[%swap3A_699, %swap3A_700] {strides = array<i32>} : memref<80x128xf32, #tpu.memory_space<vmem>>, vector<1x16xf32>,
        %swap3A_702 = vector.shape_cast %swap3A_701 : vector<1x16xf32> to vector<16xf32>
        %swap3A_703 = vector.shape_cast %mul3A_698 : vector<16xf32> to vector<1x16xf32>
        tpu.vector_store %arg7[%swap3A_699, %swap3A_700], %swap3A_703 {strides = array<i32>} : memref<80x128xf32, #tpu.memory_space<vmem>>, vector<1x16xf32>,
        %get3A_704 = arith.index_cast %add3A_673 : i32 to index
        %get3A_705 = arith.constant 48 : index
        %get3A_706 = tpu.vector_load %arg7[%get3A_704, %get3A_705] {strides = array<i32>} : memref<80x128xf32, #tpu.memory_space<vmem>>, vector<1x16xf32>,
        %get3A_707 = vector.shape_cast %get3A_706 : vector<1x16xf32> to vector<16xf32>
        %mul3A_708 = arith.mulf %get3A_707, %gather3A_669 : vector<16xf32>
        %swap3A_709 = arith.index_cast %add3A_673 : i32 to index
        %swap3A_710 = arith.constant 48 : index
        %swap3A_711 = tpu.vector_load %arg7[%swap3A_709, %swap3A_710] {strides = array<i32>} : memref<80x128xf32, #tpu.memory_space<vmem>>, vector<1x16xf32>,
        %swap3A_712 = vector.shape_cast %swap3A_711 : vector<1x16xf32> to vector<16xf32>
        %swap3A_713 = vector.shape_cast %mul3A_708 : vector<16xf32> to vector<1x16xf32>
        tpu.vector_store %arg7[%swap3A_709, %swap3A_710], %swap3A_713 {strides = array<i32>} : memref<80x128xf32, #tpu.memory_space<vmem>>, vector<1x16xf32>,
        %broadcast_in_dim3A_714 = arith.constant 13 : i32
        %broadcast_in_dim3A_715 = vector.broadcast %broadcast_in_dim3A_714 : i32 to vector<16x1xi32>
        %gather3A_716 = vector.shape_cast %broadcast_in_dim3A_715 : vector<16x1xi32> to vector<16xi32>
        %gather3A_717 = tpu.dynamic_gather %get3A_91[%gather3A_716] in [0] : vector<16xf32>, vector<16xi32> -> vector<16xf32>
        %mul3A_718 = arith.constant 16 : i32
        %mul3A_719 = arith.muli %scan3A_85, %mul3A_718 : i32
        %add3A_720 = arith.constant 13 : i32
        %add3A_721 = arith.addi %mul3A_719, %add3A_720 : i32
        %get3A_722 = arith.index_cast %add3A_721 : i32 to index
        %get3A_723 = arith.constant 0 : index
        %get3A_724 = tpu.vector_load %arg7[%get3A_722, %get3A_723] {strides = array<i32>} : memref<80x128xf32, #tpu.memory_space<vmem>>, vector<1x16xf32>,
        %get3A_725 = vector.shape_cast %get3A_724 : vector<1x16xf32> to vector<16xf32>
        %mul3A_726 = arith.mulf %get3A_725, %gather3A_717 : vector<16xf32>
        %swap3A_727 = arith.index_cast %add3A_721 : i32 to index
        %swap3A_728 = arith.constant 0 : index
        %swap3A_729 = tpu.vector_load %arg7[%swap3A_727, %swap3A_728] {strides = array<i32>} : memref<80x128xf32, #tpu.memory_space<vmem>>, vector<1x16xf32>,
        %swap3A_730 = vector.shape_cast %swap3A_729 : vector<1x16xf32> to vector<16xf32>
        %swap3A_731 = vector.shape_cast %mul3A_726 : vector<16xf32> to vector<1x16xf32>
        tpu.vector_store %arg7[%swap3A_727, %swap3A_728], %swap3A_731 {strides = array<i32>} : memref<80x128xf32, #tpu.memory_space<vmem>>, vector<1x16xf32>,
        %get3A_732 = arith.index_cast %add3A_721 : i32 to index
        %get3A_733 = arith.constant 16 : index
        %get3A_734 = tpu.vector_load %arg7[%get3A_732, %get3A_733] {strides = array<i32>} : memref<80x128xf32, #tpu.memory_space<vmem>>, vector<1x16xf32>,
        %get3A_735 = vector.shape_cast %get3A_734 : vector<1x16xf32> to vector<16xf32>
        %mul3A_736 = arith.mulf %get3A_735, %gather3A_717 : vector<16xf32>
        %swap3A_737 = arith.index_cast %add3A_721 : i32 to index
        %swap3A_738 = arith.constant 16 : index
        %swap3A_739 = tpu.vector_load %arg7[%swap3A_737, %swap3A_738] {strides = array<i32>} : memref<80x128xf32, #tpu.memory_space<vmem>>, vector<1x16xf32>,
        %swap3A_740 = vector.shape_cast %swap3A_739 : vector<1x16xf32> to vector<16xf32>
        %swap3A_741 = vector.shape_cast %mul3A_736 : vector<16xf32> to vector<1x16xf32>
        tpu.vector_store %arg7[%swap3A_737, %swap3A_738], %swap3A_741 {strides = array<i32>} : memref<80x128xf32, #tpu.memory_space<vmem>>, vector<1x16xf32>,
        %get3A_742 = arith.index_cast %add3A_721 : i32 to index
        %get3A_743 = arith.constant 32 : index
        %get3A_744 = tpu.vector_load %arg7[%get3A_742, %get3A_743] {strides = array<i32>} : memref<80x128xf32, #tpu.memory_space<vmem>>, vector<1x16xf32>,
        %get3A_745 = vector.shape_cast %get3A_744 : vector<1x16xf32> to vector<16xf32>
        %mul3A_746 = arith.mulf %get3A_745, %gather3A_717 : vector<16xf32>
        %swap3A_747 = arith.index_cast %add3A_721 : i32 to index
        %swap3A_748 = arith.constant 32 : index
        %swap3A_749 = tpu.vector_load %arg7[%swap3A_747, %swap3A_748] {strides = array<i32>} : memref<80x128xf32, #tpu.memory_space<vmem>>, vector<1x16xf32>,
        %swap3A_750 = vector.shape_cast %swap3A_749 : vector<1x16xf32> to vector<16xf32>
        %swap3A_751 = vector.shape_cast %mul3A_746 : vector<16xf32> to vector<1x16xf32>
        tpu.vector_store %arg7[%swap3A_747, %swap3A_748], %swap3A_751 {strides = array<i32>} : memref<80x128xf32, #tpu.memory_space<vmem>>, vector<1x16xf32>,
        %get3A_752 = arith.index_cast %add3A_721 : i32 to index
        %get3A_753 = arith.constant 48 : index
        %get3A_754 = tpu.vector_load %arg7[%get3A_752, %get3A_753] {strides = array<i32>} : memref<80x128xf32, #tpu.memory_space<vmem>>, vector<1x16xf32>,
        %get3A_755 = vector.shape_cast %get3A_754 : vector<1x16xf32> to vector<16xf32>
        %mul3A_756 = arith.mulf %get3A_755, %gather3A_717 : vector<16xf32>
        %swap3A_757 = arith.index_cast %add3A_721 : i32 to index
        %swap3A_758 = arith.constant 48 : index
        %swap3A_759 = tpu.vector_load %arg7[%swap3A_757, %swap3A_758] {strides = array<i32>} : memref<80x128xf32, #tpu.memory_space<vmem>>, vector<1x16xf32>,
        %swap3A_760 = vector.shape_cast %swap3A_759 : vector<1x16xf32> to vector<16xf32>
        %swap3A_761 = vector.shape_cast %mul3A_756 : vector<16xf32> to vector<1x16xf32>
        tpu.vector_store %arg7[%swap3A_757, %swap3A_758], %swap3A_761 {strides = array<i32>} : memref<80x128xf32, #tpu.memory_space<vmem>>, vector<1x16xf32>,
        %broadcast_in_dim3A_762 = arith.constant 14 : i32
        %broadcast_in_dim3A_763 = vector.broadcast %broadcast_in_dim3A_762 : i32 to vector<16x1xi32>
        %gather3A_764 = vector.shape_cast %broadcast_in_dim3A_763 : vector<16x1xi32> to vector<16xi32>
        %gather3A_765 = tpu.dynamic_gather %get3A_91[%gather3A_764] in [0] : vector<16xf32>, vector<16xi32> -> vector<16xf32>
        %mul3A_766 = arith.constant 16 : i32
        %mul3A_767 = arith.muli %scan3A_85, %mul3A_766 : i32
        %add3A_768 = arith.constant 14 : i32
        %add3A_769 = arith.addi %mul3A_767, %add3A_768 : i32
        %get3A_770 = arith.index_cast %add3A_769 : i32 to index
        %get3A_771 = arith.constant 0 : index
        %get3A_772 = tpu.vector_load %arg7[%get3A_770, %get3A_771] {strides = array<i32>} : memref<80x128xf32, #tpu.memory_space<vmem>>, vector<1x16xf32>,
        %get3A_773 = vector.shape_cast %get3A_772 : vector<1x16xf32> to vector<16xf32>
        %mul3A_774 = arith.mulf %get3A_773, %gather3A_765 : vector<16xf32>
        %swap3A_775 = arith.index_cast %add3A_769 : i32 to index
        %swap3A_776 = arith.constant 0 : index
        %swap3A_777 = tpu.vector_load %arg7[%swap3A_775, %swap3A_776] {strides = array<i32>} : memref<80x128xf32, #tpu.memory_space<vmem>>, vector<1x16xf32>,
        %swap3A_778 = vector.shape_cast %swap3A_777 : vector<1x16xf32> to vector<16xf32>
        %swap3A_779 = vector.shape_cast %mul3A_774 : vector<16xf32> to vector<1x16xf32>
        tpu.vector_store %arg7[%swap3A_775, %swap3A_776], %swap3A_779 {strides = array<i32>} : memref<80x128xf32, #tpu.memory_space<vmem>>, vector<1x16xf32>,
        %get3A_780 = arith.index_cast %add3A_769 : i32 to index
        %get3A_781 = arith.constant 16 : index
        %get3A_782 = tpu.vector_load %arg7[%get3A_780, %get3A_781] {strides = array<i32>} : memref<80x128xf32, #tpu.memory_space<vmem>>, vector<1x16xf32>,
        %get3A_783 = vector.shape_cast %get3A_782 : vector<1x16xf32> to vector<16xf32>
        %mul3A_784 = arith.mulf %get3A_783, %gather3A_765 : vector<16xf32>
        %swap3A_785 = arith.index_cast %add3A_769 : i32 to index
        %swap3A_786 = arith.constant 16 : index
        %swap3A_787 = tpu.vector_load %arg7[%swap3A_785, %swap3A_786] {strides = array<i32>} : memref<80x128xf32, #tpu.memory_space<vmem>>, vector<1x16xf32>,
        %swap3A_788 = vector.shape_cast %swap3A_787 : vector<1x16xf32> to vector<16xf32>
        %swap3A_789 = vector.shape_cast %mul3A_784 : vector<16xf32> to vector<1x16xf32>
        tpu.vector_store %arg7[%swap3A_785, %swap3A_786], %swap3A_789 {strides = array<i32>} : memref<80x128xf32, #tpu.memory_space<vmem>>, vector<1x16xf32>,
        %get3A_790 = arith.index_cast %add3A_769 : i32 to index
        %get3A_791 = arith.constant 32 : index
        %get3A_792 = tpu.vector_load %arg7[%get3A_790, %get3A_791] {strides = array<i32>} : memref<80x128xf32, #tpu.memory_space<vmem>>, vector<1x16xf32>,
        %get3A_793 = vector.shape_cast %get3A_792 : vector<1x16xf32> to vector<16xf32>
        %mul3A_794 = arith.mulf %get3A_793, %gather3A_765 : vector<16xf32>
        %swap3A_795 = arith.index_cast %add3A_769 : i32 to index
        %swap3A_796 = arith.constant 32 : index
        %swap3A_797 = tpu.vector_load %arg7[%swap3A_795, %swap3A_796] {strides = array<i32>} : memref<80x128xf32, #tpu.memory_space<vmem>>, vector<1x16xf32>,
        %swap3A_798 = vector.shape_cast %swap3A_797 : vector<1x16xf32> to vector<16xf32>
        %swap3A_799 = vector.shape_cast %mul3A_794 : vector<16xf32> to vector<1x16xf32>
        tpu.vector_store %arg7[%swap3A_795, %swap3A_796], %swap3A_799 {strides = array<i32>} : memref<80x128xf32, #tpu.memory_space<vmem>>, vector<1x16xf32>,
        %get3A_800 = arith.index_cast %add3A_769 : i32 to index
        %get3A_801 = arith.constant 48 : index
        %get3A_802 = tpu.vector_load %arg7[%get3A_800, %get3A_801] {strides = array<i32>} : memref<80x128xf32, #tpu.memory_space<vmem>>, vector<1x16xf32>,
        %get3A_803 = vector.shape_cast %get3A_802 : vector<1x16xf32> to vector<16xf32>
        %mul3A_804 = arith.mulf %get3A_803, %gather3A_765 : vector<16xf32>
        %swap3A_805 = arith.index_cast %add3A_769 : i32 to index
        %swap3A_806 = arith.constant 48 : index
        %swap3A_807 = tpu.vector_load %arg7[%swap3A_805, %swap3A_806] {strides = array<i32>} : memref<80x128xf32, #tpu.memory_space<vmem>>, vector<1x16xf32>,
        %swap3A_808 = vector.shape_cast %swap3A_807 : vector<1x16xf32> to vector<16xf32>
        %swap3A_809 = vector.shape_cast %mul3A_804 : vector<16xf32> to vector<1x16xf32>
        tpu.vector_store %arg7[%swap3A_805, %swap3A_806], %swap3A_809 {strides = array<i32>} : memref<80x128xf32, #tpu.memory_space<vmem>>, vector<1x16xf32>,
        %broadcast_in_dim3A_810 = arith.constant 15 : i32
        %broadcast_in_dim3A_811 = vector.broadcast %broadcast_in_dim3A_810 : i32 to vector<16x1xi32>
        %gather3A_812 = vector.shape_cast %broadcast_in_dim3A_811 : vector<16x1xi32> to vector<16xi32>
        %gather3A_813 = tpu.dynamic_gather %get3A_91[%gather3A_812] in [0] : vector<16xf32>, vector<16xi32> -> vector<16xf32>
        %mul3A_814 = arith.constant 16 : i32
        %mul3A_815 = arith.muli %scan3A_85, %mul3A_814 : i32
        %add3A_816 = arith.constant 15 : i32
        %add3A_817 = arith.addi %mul3A_815, %add3A_816 : i32
        %get3A_818 = arith.index_cast %add3A_817 : i32 to index
        %get3A_819 = arith.constant 0 : index
        %get3A_820 = tpu.vector_load %arg7[%get3A_818, %get3A_819] {strides = array<i32>} : memref<80x128xf32, #tpu.memory_space<vmem>>, vector<1x16xf32>,
        %get3A_821 = vector.shape_cast %get3A_820 : vector<1x16xf32> to vector<16xf32>
        %mul3A_822 = arith.mulf %get3A_821, %gather3A_813 : vector<16xf32>
        %swap3A_823 = arith.index_cast %add3A_817 : i32 to index
        %swap3A_824 = arith.constant 0 : index
        %swap3A_825 = tpu.vector_load %arg7[%swap3A_823, %swap3A_824] {strides = array<i32>} : memref<80x128xf32, #tpu.memory_space<vmem>>, vector<1x16xf32>,
        %swap3A_826 = vector.shape_cast %swap3A_825 : vector<1x16xf32> to vector<16xf32>
        %swap3A_827 = vector.shape_cast %mul3A_822 : vector<16xf32> to vector<1x16xf32>
        tpu.vector_store %arg7[%swap3A_823, %swap3A_824], %swap3A_827 {strides = array<i32>} : memref<80x128xf32, #tpu.memory_space<vmem>>, vector<1x16xf32>,
        %get3A_828 = arith.index_cast %add3A_817 : i32 to index
        %get3A_829 = arith.constant 16 : index
        %get3A_830 = tpu.vector_load %arg7[%get3A_828, %get3A_829] {strides = array<i32>} : memref<80x128xf32, #tpu.memory_space<vmem>>, vector<1x16xf32>,
        %get3A_831 = vector.shape_cast %get3A_830 : vector<1x16xf32> to vector<16xf32>
        %mul3A_832 = arith.mulf %get3A_831, %gather3A_813 : vector<16xf32>
        %swap3A_833 = arith.index_cast %add3A_817 : i32 to index
        %swap3A_834 = arith.constant 16 : index
        %swap3A_835 = tpu.vector_load %arg7[%swap3A_833, %swap3A_834] {strides = array<i32>} : memref<80x128xf32, #tpu.memory_space<vmem>>, vector<1x16xf32>,
        %swap3A_836 = vector.shape_cast %swap3A_835 : vector<1x16xf32> to vector<16xf32>
        %swap3A_837 = vector.shape_cast %mul3A_832 : vector<16xf32> to vector<1x16xf32>
        tpu.vector_store %arg7[%swap3A_833, %swap3A_834], %swap3A_837 {strides = array<i32>} : memref<80x128xf32, #tpu.memory_space<vmem>>, vector<1x16xf32>,
        %get3A_838 = arith.index_cast %add3A_817 : i32 to index
        %get3A_839 = arith.constant 32 : index
        %get3A_840 = tpu.vector_load %arg7[%get3A_838, %get3A_839] {strides = array<i32>} : memref<80x128xf32, #tpu.memory_space<vmem>>, vector<1x16xf32>,
        %get3A_841 = vector.shape_cast %get3A_840 : vector<1x16xf32> to vector<16xf32>
        %mul3A_842 = arith.mulf %get3A_841, %gather3A_813 : vector<16xf32>
        %swap3A_843 = arith.index_cast %add3A_817 : i32 to index
        %swap3A_844 = arith.constant 32 : index
        %swap3A_845 = tpu.vector_load %arg7[%swap3A_843, %swap3A_844] {strides = array<i32>} : memref<80x128xf32, #tpu.memory_space<vmem>>, vector<1x16xf32>,
        %swap3A_846 = vector.shape_cast %swap3A_845 : vector<1x16xf32> to vector<16xf32>
        %swap3A_847 = vector.shape_cast %mul3A_842 : vector<16xf32> to vector<1x16xf32>
        tpu.vector_store %arg7[%swap3A_843, %swap3A_844], %swap3A_847 {strides = array<i32>} : memref<80x128xf32, #tpu.memory_space<vmem>>, vector<1x16xf32>,
        %get3A_848 = arith.index_cast %add3A_817 : i32 to index
        %get3A_849 = arith.constant 48 : index
        %get3A_850 = tpu.vector_load %arg7[%get3A_848, %get3A_849] {strides = array<i32>} : memref<80x128xf32, #tpu.memory_space<vmem>>, vector<1x16xf32>,
        %get3A_851 = vector.shape_cast %get3A_850 : vector<1x16xf32> to vector<16xf32>
        %mul3A_852 = arith.mulf %get3A_851, %gather3A_813 : vector<16xf32>
        %swap3A_853 = arith.index_cast %add3A_817 : i32 to index
        %swap3A_854 = arith.constant 48 : index
        %swap3A_855 = tpu.vector_load %arg7[%swap3A_853, %swap3A_854] {strides = array<i32>} : memref<80x128xf32, #tpu.memory_space<vmem>>, vector<1x16xf32>,
        %swap3A_856 = vector.shape_cast %swap3A_855 : vector<1x16xf32> to vector<16xf32>
        %swap3A_857 = vector.shape_cast %mul3A_852 : vector<16xf32> to vector<1x16xf32>
        tpu.vector_store %arg7[%swap3A_853, %swap3A_854], %swap3A_857 {strides = array<i32>} : memref<80x128xf32, #tpu.memory_space<vmem>>, vector<1x16xf32>,
        %scan3A_858 = arith.constant 0 : i32
        scf.yield %scan3A_858 : i32
      }
      %scan3A_76 = arith.constant 5 : i32
      %scan3A_77 = arith.constant 0 : i32
      %scan3A_78 = arith.constant 0 : i32
      %scan3A_79 = arith.constant 5 : i32
      %scan3A_80 = arith.addi %scan3A_78, %scan3A_79 : i32
      %scan3A_81 = arith.constant 1 : i32
      %scan3A_82 = scf.for %scan3A_85 = %scan3A_78 to %scan3A_80 step %scan3A_81 iter_args(%scan3A_86 = %scan3A_77) -> (i32)  : i32 {
        %mul3A_87 = arith.constant 16 : i32
        %mul3A_88 = arith.muli %scan3A_85, %mul3A_87 : i32
        %get3A = arith.index_cast %add3A_69 : i32 to index
        %get3A_89 = arith.index_cast %mul3A_88 : i32 to index
        %get3A_90 = tpu.vector_load %arg8[%get3A, %get3A_89] {strides = array<i32>} : memref<136x80xi32, #tpu.memory_space<vmem>>, vector<1x16xi32>,
        %get3A_91 = vector.shape_cast %get3A_90 : vector<1x16xi32> to vector<16xi32>
        %shift_right_arithmetic3A = arith.constant 14 : i32
        %shift_right_arithmetic3A_92 = vector.broadcast %shift_right_arithmetic3A : i32 to vector<16xi32>
        %shift_right_arithmetic3A_93 = arith.shrsi %get3A_91, %shift_right_arithmetic3A_92 : vector<16xi32>
        %mul3A_94 = arith.constant 16 : i32
        %mul3A_95 = arith.muli %scan3A_85, %mul3A_94 : i32
        %swap3A = arith.index_cast %mul3A_95 : i32 to index
        %swap3A_96 = tpu.vector_load %arg12[%swap3A] {strides = array<i32>} : memref<80xi32, #tpu.memory_space<vmem>>, vector<16xi32>,
        %swap3A_97 = vector.shape_cast %swap3A_96 : vector<16xi32> to vector<16xi32>
        %swap3A_98 = vector.shape_cast %shift_right_arithmetic3A_93 : vector<16xi32> to vector<16xi32>
        tpu.vector_store %arg12[%swap3A], %swap3A_98 {strides = array<i32>} : memref<80xi32, #tpu.memory_space<vmem>>, vector<16xi32>,
        %scan3A_99 = arith.constant 0 : i32
        scf.yield %scan3A_99 : i32
      }
      %scan3A_83 = arith.constant 5 : i32
      "tpu.region"() ({
        %run_scoped3A = tpu.sem_alloc : memref<!tpu.dma_semaphore, #tpu.memory_space<semaphore_mem>>
        %dma_start3A_85 = arith.constant 0 : i32
        %dma_start3A_86 = arith.constant 0 : i32
        %dma_start3A_87 = tpu.memref_slice %arg13[%dma_start3A_85, %dma_start3A_86] : memref<5120x128xf32, #tpu.memory_space<vmem_shared>> -> memref<5120x128xf32, #tpu.memory_space<vmem_shared>>
        tpu.enqueue_indirect_dma source(%arg7 : memref<80x128xf32, #tpu.memory_space<vmem>>) target(%dma_start3A_87 : memref<5120x128xf32, #tpu.memory_space<vmem_shared>>) offsets(%arg12 : memref<80xi32, #tpu.memory_space<vmem>>) semaphore(%run_scoped3A : memref<!tpu.dma_semaphore, #tpu.memory_space<semaphore_mem>>) {add = true}
        %dma_wait3A_88 = arith.constant 0 : i32
        %dma_wait3A_89 = arith.constant 0 : i32
        %dma_wait3A_90 = tpu.memref_slice %arg13[%dma_wait3A_88, %dma_wait3A_89] : memref<5120x128xf32, #tpu.memory_space<vmem_shared>> -> memref<5120x128xf32, #tpu.memory_space<vmem_shared>>
        tpu.wait_indirect_dma semaphore(%run_scoped3A : memref<!tpu.dma_semaphore, #tpu.memory_space<semaphore_mem>>) src(%arg7 : memref<80x128xf32, #tpu.memory_space<vmem>>) dst(%dma_wait3A_90 : memref<5120x128xf32, #tpu.memory_space<vmem_shared>>)
        tpu.yield
      }) : () -> ()
      %scan3A_84 = arith.constant 0 : i32
      scf.yield %scan3A_84 : i32
    }
    %scan3A_20 = arith.constant 68 : i32
    %barrier3A_21 = arith.constant 0 : index
    tpu.barrier barrier_id(%barrier3A_21)
    %mul3A = arith.constant 320 : i32
    %mul3A_22 = arith.muli %arg1, %mul3A : i32
    %mul3A_23 = arith.constant 320 : i32
    %mul3A_24 = arith.muli %arg1, %mul3A_23 : i32
    "tpu.region"() ({
      %run_scoped3A = tpu.sem_alloc : memref<!tpu.dma_semaphore, #tpu.memory_space<semaphore_mem>>
      %dma_start3A = arith.constant 0 : i32
      %dma_start3A_25 = tpu.memref_slice %arg5[%arg0, %mul3A_24, %dma_start3A] : memref<2x5120x128xf32, #tpu.memory_space<hbm>> -> memref<1x320x128xf32, #tpu.memory_space<hbm>>
      %dma_start3A_26 = tpu.memref_squeeze %dma_start3A_25 : memref<1x320x128xf32, #tpu.memory_space<hbm>> -> memref<320x128xf32, #tpu.memory_space<hbm>>
      %dma_start3A_27 = arith.constant 0 : i32
      %dma_start3A_28 = tpu.memref_slice %arg13[%mul3A_22, %dma_start3A_27] : memref<5120x128xf32, #tpu.memory_space<vmem_shared>> -> memref<320x128xf32, #tpu.memory_space<vmem_shared>>
      tpu.enqueue_dma source(%dma_start3A_28 : memref<320x128xf32, #tpu.memory_space<vmem_shared>>) target(%dma_start3A_26 : memref<320x128xf32, #tpu.memory_space<hbm>>) target_semaphore(%run_scoped3A : memref<!tpu.dma_semaphore, #tpu.memory_space<semaphore_mem>>)
      %dma_wait3A = arith.constant 0 : i32
      %dma_wait3A_29 = tpu.memref_slice %arg5[%arg0, %mul3A_24, %dma_wait3A] : memref<2x5120x128xf32, #tpu.memory_space<hbm>> -> memref<1x320x128xf32, #tpu.memory_space<hbm>>
      %dma_wait3A_30 = tpu.memref_squeeze %dma_wait3A_29 : memref<1x320x128xf32, #tpu.memory_space<hbm>> -> memref<320x128xf32, #tpu.memory_space<hbm>>
      %dma_wait3A_31 = arith.constant 0 : i32
      %dma_wait3A_32 = tpu.memref_slice %arg13[%mul3A_22, %dma_wait3A_31] : memref<5120x128xf32, #tpu.memory_space<vmem_shared>> -> memref<320x128xf32, #tpu.memory_space<vmem_shared>>
      tpu.wait_dma2 semaphore(%run_scoped3A : memref<!tpu.dma_semaphore, #tpu.memory_space<semaphore_mem>>) src(%dma_wait3A_32 : memref<320x128xf32, #tpu.memory_space<vmem_shared>>) dst(%dma_wait3A_30 : memref<320x128xf32, #tpu.memory_space<hbm>>)
      tpu.yield
    }) : () -> ()
    return
  }
}

#map = affine_map<(d0, d1) -> (0, 0, 0)>
#map1 = affine_map<(d0, d1) -> (0)>
module attributes {stable_mosaic.version = 14 : i64} {
  func.func @_power_sc(%arg0: i32, %arg1: i32, %arg2: memref<16x250x80xi32, #tpu.memory_space<hbm>>, %arg3: memref<16x250x80xi32, #tpu.memory_space<hbm>>, %arg4: memref<16x250x80xf32, #tpu.memory_space<hbm>>, %arg5: memref<10240xf32, #tpu.memory_space<hbm>>, %arg6: memref<10240xf32, #tpu.memory_space<hbm>>, %arg7: memref<250x80xi32, #tpu.memory_space<vmem>>, %arg8: memref<250x80xi32, #tpu.memory_space<vmem>>, %arg9: memref<250x80xf32, #tpu.memory_space<vmem>>, %arg10: memref<80xf32, #tpu.memory_space<vmem>>, %arg11: memref<640xf32, #tpu.memory_space<vmem>>, %arg12: memref<640xf32, #tpu.memory_space<vmem>>, %arg13: memref<10240xf32, #tpu.memory_space<vmem_shared>>, %arg14: memref<10240xf32, #tpu.memory_space<vmem_shared>>, %arg15: memref<!tpu.dma_semaphore, #tpu.memory_space<semaphore_mem>>) attributes {dimension_semantics = [#tpu.dimension_semantics<core_parallel>, #tpu.dimension_semantics<subcore_parallel>], iteration_bounds = array<i64: 2, 16>, scalar_prefetch = 0 : i64, scratch_operands = 9 : i64, tpu.core_type = #tpu.core_type<sc_vector_subcore>, window_params = [{transform_indices = #map}, {transform_indices = #map}, {transform_indices = #map}, {transform_indices = #map1}, {transform_indices = #map1}]} {
    "tpu.region"() ({
      %run_scoped3A = tpu.sem_alloc : memref<!tpu.dma_semaphore, #tpu.memory_space<semaphore_mem>>
      %dma_start3A = arith.constant 0 : i32
      %dma_start3A_17 = arith.constant 0 : i32
      %dma_start3A_18 = tpu.memref_slice %arg2[%arg1, %dma_start3A, %dma_start3A_17] : memref<16x250x80xi32, #tpu.memory_space<hbm>> -> memref<1x250x80xi32, #tpu.memory_space<hbm>>
      %dma_start3A_19 = tpu.memref_squeeze %dma_start3A_18 : memref<1x250x80xi32, #tpu.memory_space<hbm>> -> memref<250x80xi32, #tpu.memory_space<hbm>>
      %dma_start3A_20 = arith.constant 0 : i32
      %dma_start3A_21 = arith.constant 0 : i32
      %dma_start3A_22 = tpu.memref_slice %arg2[%arg1, %dma_start3A_20, %dma_start3A_21] : memref<16x250x80xi32, #tpu.memory_space<hbm>> -> memref<1x250x80xi32, #tpu.memory_space<hbm>>
      %dma_start3A_23 = tpu.memref_squeeze %dma_start3A_22 : memref<1x250x80xi32, #tpu.memory_space<hbm>> -> memref<250x80xi32, #tpu.memory_space<hbm>>
      tpu.enqueue_dma source(%dma_start3A_23 : memref<250x80xi32, #tpu.memory_space<hbm>>) target(%arg7 : memref<250x80xi32, #tpu.memory_space<vmem>>) target_semaphore(%run_scoped3A : memref<!tpu.dma_semaphore, #tpu.memory_space<semaphore_mem>>)
      %dma_wait3A = arith.constant 0 : i32
      %dma_wait3A_24 = arith.constant 0 : i32
      %dma_wait3A_25 = tpu.memref_slice %arg2[%arg1, %dma_wait3A, %dma_wait3A_24] : memref<16x250x80xi32, #tpu.memory_space<hbm>> -> memref<1x250x80xi32, #tpu.memory_space<hbm>>
      %dma_wait3A_26 = tpu.memref_squeeze %dma_wait3A_25 : memref<1x250x80xi32, #tpu.memory_space<hbm>> -> memref<250x80xi32, #tpu.memory_space<hbm>>
      %dma_wait3A_27 = arith.constant 0 : i32
      %dma_wait3A_28 = arith.constant 0 : i32
      %dma_wait3A_29 = tpu.memref_slice %arg2[%arg1, %dma_wait3A_27, %dma_wait3A_28] : memref<16x250x80xi32, #tpu.memory_space<hbm>> -> memref<1x250x80xi32, #tpu.memory_space<hbm>>
      %dma_wait3A_30 = tpu.memref_squeeze %dma_wait3A_29 : memref<1x250x80xi32, #tpu.memory_space<hbm>> -> memref<250x80xi32, #tpu.memory_space<hbm>>
      tpu.wait_dma2 semaphore(%run_scoped3A : memref<!tpu.dma_semaphore, #tpu.memory_space<semaphore_mem>>) src(%dma_wait3A_30 : memref<250x80xi32, #tpu.memory_space<hbm>>) dst(%arg7 : memref<250x80xi32, #tpu.memory_space<vmem>>)
      tpu.yield
    }) : () -> ()
    "tpu.region"() ({
      %run_scoped3A = tpu.sem_alloc : memref<!tpu.dma_semaphore, #tpu.memory_space<semaphore_mem>>
      %dma_start3A = arith.constant 0 : i32
      %dma_start3A_17 = arith.constant 0 : i32
      %dma_start3A_18 = tpu.memref_slice %arg3[%arg1, %dma_start3A, %dma_start3A_17] : memref<16x250x80xi32, #tpu.memory_space<hbm>> -> memref<1x250x80xi32, #tpu.memory_space<hbm>>
      %dma_start3A_19 = tpu.memref_squeeze %dma_start3A_18 : memref<1x250x80xi32, #tpu.memory_space<hbm>> -> memref<250x80xi32, #tpu.memory_space<hbm>>
      %dma_start3A_20 = arith.constant 0 : i32
      %dma_start3A_21 = arith.constant 0 : i32
      %dma_start3A_22 = tpu.memref_slice %arg3[%arg1, %dma_start3A_20, %dma_start3A_21] : memref<16x250x80xi32, #tpu.memory_space<hbm>> -> memref<1x250x80xi32, #tpu.memory_space<hbm>>
      %dma_start3A_23 = tpu.memref_squeeze %dma_start3A_22 : memref<1x250x80xi32, #tpu.memory_space<hbm>> -> memref<250x80xi32, #tpu.memory_space<hbm>>
      tpu.enqueue_dma source(%dma_start3A_23 : memref<250x80xi32, #tpu.memory_space<hbm>>) target(%arg8 : memref<250x80xi32, #tpu.memory_space<vmem>>) target_semaphore(%run_scoped3A : memref<!tpu.dma_semaphore, #tpu.memory_space<semaphore_mem>>)
      %dma_wait3A = arith.constant 0 : i32
      %dma_wait3A_24 = arith.constant 0 : i32
      %dma_wait3A_25 = tpu.memref_slice %arg3[%arg1, %dma_wait3A, %dma_wait3A_24] : memref<16x250x80xi32, #tpu.memory_space<hbm>> -> memref<1x250x80xi32, #tpu.memory_space<hbm>>
      %dma_wait3A_26 = tpu.memref_squeeze %dma_wait3A_25 : memref<1x250x80xi32, #tpu.memory_space<hbm>> -> memref<250x80xi32, #tpu.memory_space<hbm>>
      %dma_wait3A_27 = arith.constant 0 : i32
      %dma_wait3A_28 = arith.constant 0 : i32
      %dma_wait3A_29 = tpu.memref_slice %arg3[%arg1, %dma_wait3A_27, %dma_wait3A_28] : memref<16x250x80xi32, #tpu.memory_space<hbm>> -> memref<1x250x80xi32, #tpu.memory_space<hbm>>
      %dma_wait3A_30 = tpu.memref_squeeze %dma_wait3A_29 : memref<1x250x80xi32, #tpu.memory_space<hbm>> -> memref<250x80xi32, #tpu.memory_space<hbm>>
      tpu.wait_dma2 semaphore(%run_scoped3A : memref<!tpu.dma_semaphore, #tpu.memory_space<semaphore_mem>>) src(%dma_wait3A_30 : memref<250x80xi32, #tpu.memory_space<hbm>>) dst(%arg8 : memref<250x80xi32, #tpu.memory_space<vmem>>)
      tpu.yield
    }) : () -> ()
    "tpu.region"() ({
      %run_scoped3A = tpu.sem_alloc : memref<!tpu.dma_semaphore, #tpu.memory_space<semaphore_mem>>
      %dma_start3A = arith.constant 0 : i32
      %dma_start3A_17 = arith.constant 0 : i32
      %dma_start3A_18 = tpu.memref_slice %arg4[%arg1, %dma_start3A, %dma_start3A_17] : memref<16x250x80xf32, #tpu.memory_space<hbm>> -> memref<1x250x80xf32, #tpu.memory_space<hbm>>
      %dma_start3A_19 = tpu.memref_squeeze %dma_start3A_18 : memref<1x250x80xf32, #tpu.memory_space<hbm>> -> memref<250x80xf32, #tpu.memory_space<hbm>>
      %dma_start3A_20 = arith.constant 0 : i32
      %dma_start3A_21 = arith.constant 0 : i32
      %dma_start3A_22 = tpu.memref_slice %arg4[%arg1, %dma_start3A_20, %dma_start3A_21] : memref<16x250x80xf32, #tpu.memory_space<hbm>> -> memref<1x250x80xf32, #tpu.memory_space<hbm>>
      %dma_start3A_23 = tpu.memref_squeeze %dma_start3A_22 : memref<1x250x80xf32, #tpu.memory_space<hbm>> -> memref<250x80xf32, #tpu.memory_space<hbm>>
      tpu.enqueue_dma source(%dma_start3A_23 : memref<250x80xf32, #tpu.memory_space<hbm>>) target(%arg9 : memref<250x80xf32, #tpu.memory_space<vmem>>) target_semaphore(%run_scoped3A : memref<!tpu.dma_semaphore, #tpu.memory_space<semaphore_mem>>)
      %dma_wait3A = arith.constant 0 : i32
      %dma_wait3A_24 = arith.constant 0 : i32
      %dma_wait3A_25 = tpu.memref_slice %arg4[%arg1, %dma_wait3A, %dma_wait3A_24] : memref<16x250x80xf32, #tpu.memory_space<hbm>> -> memref<1x250x80xf32, #tpu.memory_space<hbm>>
      %dma_wait3A_26 = tpu.memref_squeeze %dma_wait3A_25 : memref<1x250x80xf32, #tpu.memory_space<hbm>> -> memref<250x80xf32, #tpu.memory_space<hbm>>
      %dma_wait3A_27 = arith.constant 0 : i32
      %dma_wait3A_28 = arith.constant 0 : i32
      %dma_wait3A_29 = tpu.memref_slice %arg4[%arg1, %dma_wait3A_27, %dma_wait3A_28] : memref<16x250x80xf32, #tpu.memory_space<hbm>> -> memref<1x250x80xf32, #tpu.memory_space<hbm>>
      %dma_wait3A_30 = tpu.memref_squeeze %dma_wait3A_29 : memref<1x250x80xf32, #tpu.memory_space<hbm>> -> memref<250x80xf32, #tpu.memory_space<hbm>>
      tpu.wait_dma2 semaphore(%run_scoped3A : memref<!tpu.dma_semaphore, #tpu.memory_space<semaphore_mem>>) src(%dma_wait3A_30 : memref<250x80xf32, #tpu.memory_space<hbm>>) dst(%arg9 : memref<250x80xf32, #tpu.memory_space<vmem>>)
      tpu.yield
    }) : () -> ()
    %broadcast_in_dim3A = arith.constant 0.000000e+00 : f32
    %broadcast_in_dim3A_0 = vector.broadcast %broadcast_in_dim3A : f32 to vector<16xf32>
    %broadcast_in_dim3A_1 = arith.constant 0.00999999977 : f32
    %broadcast_in_dim3A_2 = vector.broadcast %broadcast_in_dim3A_1 : f32 to vector<16xf32>
    %scan3A = arith.constant 0 : i32
    %scan3A_3 = arith.constant 0 : i32
    %scan3A_4 = arith.constant 40 : i32
    %scan3A_5 = arith.addi %scan3A_3, %scan3A_4 : i32
    %scan3A_6 = arith.constant 1 : i32
    %scan3A_7 = scf.for %scan3A_17 = %scan3A_3 to %scan3A_5 step %scan3A_6 iter_args(%scan3A_18 = %scan3A) -> (i32)  : i32 {
      %mul3A_19 = arith.constant 16 : i32
      %mul3A_20 = arith.muli %scan3A_17, %mul3A_19 : i32
      %swap3A = arith.index_cast %mul3A_20 : i32 to index
      %swap3A_21 = tpu.vector_load %arg11[%swap3A] {strides = array<i32>} : memref<640xf32, #tpu.memory_space<vmem>>, vector<16xf32>,
      %swap3A_22 = vector.shape_cast %swap3A_21 : vector<16xf32> to vector<16xf32>
      %swap3A_23 = vector.shape_cast %broadcast_in_dim3A_0 : vector<16xf32> to vector<16xf32>
      tpu.vector_store %arg11[%swap3A], %swap3A_23 {strides = array<i32>} : memref<640xf32, #tpu.memory_space<vmem>>, vector<16xf32>,
      %mul3A_24 = arith.constant 640 : i32
      %mul3A_25 = arith.muli %arg1, %mul3A_24 : i32
      %mul3A_26 = arith.constant 16 : i32
      %mul3A_27 = arith.muli %scan3A_17, %mul3A_26 : i32
      %add3A = arith.addi %mul3A_25, %mul3A_27 : i32
      %lt3A = arith.constant 10000 : i32
      %lt3A_28 = arith.cmpi slt, %add3A, %lt3A : i32
      %select_n3A = arith.select %lt3A_28, %broadcast_in_dim3A_2, %broadcast_in_dim3A_0 : vector<16xf32>
      %mul3A_29 = arith.constant 16 : i32
      %mul3A_30 = arith.muli %scan3A_17, %mul3A_29 : i32
      %swap3A_31 = arith.index_cast %mul3A_30 : i32 to index
      %swap3A_32 = tpu.vector_load %arg12[%swap3A_31] {strides = array<i32>} : memref<640xf32, #tpu.memory_space<vmem>>, vector<16xf32>,
      %swap3A_33 = vector.shape_cast %swap3A_32 : vector<16xf32> to vector<16xf32>
      %swap3A_34 = vector.shape_cast %select_n3A : vector<16xf32> to vector<16xf32>
      tpu.vector_store %arg12[%swap3A_31], %swap3A_34 {strides = array<i32>} : memref<640xf32, #tpu.memory_space<vmem>>, vector<16xf32>,
      %scan3A_35 = arith.constant 0 : i32
      scf.yield %scan3A_35 : i32
    }
    %scan3A_8 = arith.constant 40 : i32
    %mul3A = arith.constant 640 : i32
    %mul3A_9 = arith.muli %arg1, %mul3A : i32
    "tpu.region"() ({
      %run_scoped3A = tpu.sem_alloc : memref<!tpu.dma_semaphore, #tpu.memory_space<semaphore_mem>>
      %dma_start3A = tpu.memref_slice %arg13[%mul3A_9] : memref<10240xf32, #tpu.memory_space<vmem_shared>> -> memref<640xf32, #tpu.memory_space<vmem_shared>>
      %dma_start3A_17 = tpu.memref_slice %arg13[%mul3A_9] : memref<10240xf32, #tpu.memory_space<vmem_shared>> -> memref<640xf32, #tpu.memory_space<vmem_shared>>
      tpu.enqueue_dma source(%arg12 : memref<640xf32, #tpu.memory_space<vmem>>) target(%dma_start3A_17 : memref<640xf32, #tpu.memory_space<vmem_shared>>) target_semaphore(%run_scoped3A : memref<!tpu.dma_semaphore, #tpu.memory_space<semaphore_mem>>)
      %dma_wait3A = tpu.memref_slice %arg13[%mul3A_9] : memref<10240xf32, #tpu.memory_space<vmem_shared>> -> memref<640xf32, #tpu.memory_space<vmem_shared>>
      %dma_wait3A_18 = tpu.memref_slice %arg13[%mul3A_9] : memref<10240xf32, #tpu.memory_space<vmem_shared>> -> memref<640xf32, #tpu.memory_space<vmem_shared>>
      tpu.wait_dma2 semaphore(%run_scoped3A : memref<!tpu.dma_semaphore, #tpu.memory_space<semaphore_mem>>) src(%arg12 : memref<640xf32, #tpu.memory_space<vmem>>) dst(%dma_wait3A_18 : memref<640xf32, #tpu.memory_space<vmem_shared>>)
      tpu.yield
    }) : () -> ()
    %barrier3A = arith.constant 0 : index
    tpu.barrier barrier_id(%barrier3A)
    %scan3A_10 = arith.constant 0 : i32
    %scan3A_11 = arith.constant 0 : i32
    %scan3A_12 = arith.constant 31 : i32
    %scan3A_13 = arith.addi %scan3A_11, %scan3A_12 : i32
    %scan3A_14 = arith.constant 1 : i32
    %scan3A_15 = scf.for %scan3A_17 = %scan3A_11 to %scan3A_13 step %scan3A_14 iter_args(%scan3A_18 = %scan3A_10) -> (i32)  : i32 {
      %jit3A = arith.constant 2 : i32
      %eq3A = arith.constant 0 : i32
      %eq3A_19 = arith.cmpi eq, %jit3A, %eq3A : i32
      %jit3A_20 = arith.constant 1 : i32
      %select_n3A = arith.select %eq3A_19, %jit3A_20, %jit3A : i32
      %rem3A = arith.remsi %scan3A_17, %select_n3A : i32
      %ne3A = arith.constant 0 : i32
      %ne3A_21 = arith.cmpi ne, %rem3A, %ne3A : i32
      %lt3A = arith.constant 0 : i32
      %lt3A_22 = arith.cmpi slt, %rem3A, %lt3A : i32
      %lt3A_23 = arith.constant 0 : i32
      %lt3A_24 = arith.cmpi slt, %select_n3A, %lt3A_23 : i32
      %ne3A_25 = arith.xori %lt3A_22, %lt3A_24 : i1
      %and3A = arith.andi %ne3A_25, %ne3A_21 : i1
      %add3A = arith.addi %rem3A, %select_n3A : i32
      %select_n3A_26 = arith.select %and3A, %add3A, %rem3A : i32
      %eq3A_27 = arith.constant 0 : i32
      %eq3A_28 = arith.cmpi eq, %select_n3A_26, %eq3A_27 : i32
      %convert_element_type3A = arith.extui %eq3A_28 : i1 to i32
      %cond3A = arith.constant 0 : i32
      %cond3A_29 = arith.cmpi ne, %convert_element_type3A, %cond3A : i32
      scf.if %cond3A_29 {
        %mul3A_52 = arith.constant 640 : i32
        %mul3A_53 = arith.muli %arg1, %mul3A_52 : i32
        "tpu.region"() ({
          %run_scoped3A = tpu.sem_alloc : memref<!tpu.dma_semaphore, #tpu.memory_space<semaphore_mem>>
          %dma_start3A = tpu.memref_slice %arg14[%mul3A_53] : memref<10240xf32, #tpu.memory_space<vmem_shared>> -> memref<640xf32, #tpu.memory_space<vmem_shared>>
          %dma_start3A_79 = tpu.memref_slice %arg14[%mul3A_53] : memref<10240xf32, #tpu.memory_space<vmem_shared>> -> memref<640xf32, #tpu.memory_space<vmem_shared>>
          tpu.enqueue_dma source(%arg11 : memref<640xf32, #tpu.memory_space<vmem>>) target(%dma_start3A_79 : memref<640xf32, #tpu.memory_space<vmem_shared>>) target_semaphore(%run_scoped3A : memref<!tpu.dma_semaphore, #tpu.memory_space<semaphore_mem>>)
          %dma_wait3A = tpu.memref_slice %arg14[%mul3A_53] : memref<10240xf32, #tpu.memory_space<vmem_shared>> -> memref<640xf32, #tpu.memory_space<vmem_shared>>
          %dma_wait3A_80 = tpu.memref_slice %arg14[%mul3A_53] : memref<10240xf32, #tpu.memory_space<vmem_shared>> -> memref<640xf32, #tpu.memory_space<vmem_shared>>
          tpu.wait_dma2 semaphore(%run_scoped3A : memref<!tpu.dma_semaphore, #tpu.memory_space<semaphore_mem>>) src(%arg11 : memref<640xf32, #tpu.memory_space<vmem>>) dst(%dma_wait3A_80 : memref<640xf32, #tpu.memory_space<vmem_shared>>)
          tpu.yield
        }) : () -> ()
        %barrier3A_54 = arith.constant 0 : index
        tpu.barrier barrier_id(%barrier3A_54)
        %scan3A_55 = arith.constant 0 : i32
        %scan3A_56 = arith.constant 0 : i32
        %scan3A_57 = arith.constant 250 : i32
        %scan3A_58 = arith.addi %scan3A_56, %scan3A_57 : i32
        %scan3A_59 = arith.constant 1 : i32
        %scan3A_60 = scf.for %scan3A_79 = %scan3A_56 to %scan3A_58 step %scan3A_59 iter_args(%scan3A_80 = %scan3A_55) -> (i32)  : i32 {
          %dma_start3A = arith.constant 0 : i32
          %dma_start3A_81 = tpu.memref_slice %arg7[%scan3A_79, %dma_start3A] : memref<250x80xi32, #tpu.memory_space<vmem>> -> memref<1x80xi32, #tpu.memory_space<vmem>>
          %dma_start3A_82 = tpu.memref_squeeze %dma_start3A_81 : memref<1x80xi32, #tpu.memory_space<vmem>> -> memref<80xi32, #tpu.memory_space<vmem>>
          %dma_start3A_83 = arith.constant 0 : i32
          %dma_start3A_84 = tpu.memref_slice %arg13[%dma_start3A_83] : memref<10240xf32, #tpu.memory_space<vmem_shared>> -> memref<10240xf32, #tpu.memory_space<vmem_shared>>
          tpu.enqueue_indirect_dma source(%dma_start3A_84 : memref<10240xf32, #tpu.memory_space<vmem_shared>>) target(%arg10 : memref<80xf32, #tpu.memory_space<vmem>>) offsets(%dma_start3A_82 : memref<80xi32, #tpu.memory_space<vmem>>) semaphore(%arg15 : memref<!tpu.dma_semaphore, #tpu.memory_space<semaphore_mem>>)
          %dma_wait3A = arith.constant 0 : i32
          %dma_wait3A_85 = tpu.memref_slice %arg7[%scan3A_79, %dma_wait3A] : memref<250x80xi32, #tpu.memory_space<vmem>> -> memref<1x80xi32, #tpu.memory_space<vmem>>
          %dma_wait3A_86 = tpu.memref_squeeze %dma_wait3A_85 : memref<1x80xi32, #tpu.memory_space<vmem>> -> memref<80xi32, #tpu.memory_space<vmem>>
          %dma_wait3A_87 = arith.constant 0 : i32
          %dma_wait3A_88 = tpu.memref_slice %arg13[%dma_wait3A_87] : memref<10240xf32, #tpu.memory_space<vmem_shared>> -> memref<10240xf32, #tpu.memory_space<vmem_shared>>
          tpu.wait_indirect_dma semaphore(%arg15 : memref<!tpu.dma_semaphore, #tpu.memory_space<semaphore_mem>>) src(%dma_wait3A_88 : memref<10240xf32, #tpu.memory_space<vmem_shared>>) dst(%arg10 : memref<80xf32, #tpu.memory_space<vmem>>)
          %scan3A_89 = arith.constant 0 : i32
          %scan3A_90 = arith.constant 0 : i32
          %scan3A_91 = arith.constant 5 : i32
          %scan3A_92 = arith.addi %scan3A_90, %scan3A_91 : i32
          %scan3A_93 = arith.constant 1 : i32
          %scan3A_94 = scf.for %scan3A_97 = %scan3A_90 to %scan3A_92 step %scan3A_93 iter_args(%scan3A_98 = %scan3A_89) -> (i32)  : i32 {
            %mul3A_99 = arith.constant 16 : i32
            %mul3A_100 = arith.muli %scan3A_97, %mul3A_99 : i32
            %get3A = arith.index_cast %mul3A_100 : i32 to index
            %get3A_101 = tpu.vector_load %arg10[%get3A] {strides = array<i32>} : memref<80xf32, #tpu.memory_space<vmem>>, vector<16xf32>,
            %get3A_102 = vector.shape_cast %get3A_101 : vector<16xf32> to vector<16xf32>
            %mul3A_103 = arith.constant 16 : i32
            %mul3A_104 = arith.muli %scan3A_97, %mul3A_103 : i32
            %get3A_105 = arith.index_cast %scan3A_79 : i32 to index
            %get3A_106 = arith.index_cast %mul3A_104 : i32 to index
            %get3A_107 = tpu.vector_load %arg9[%get3A_105, %get3A_106] {strides = array<i32>} : memref<250x80xf32, #tpu.memory_space<vmem>>, vector<1x16xf32>,
            %get3A_108 = vector.shape_cast %get3A_107 : vector<1x16xf32> to vector<16xf32>
            %mul3A_109 = arith.mulf %get3A_102, %get3A_108 : vector<16xf32>
            %mul3A_110 = arith.constant 16 : i32
            %mul3A_111 = arith.muli %scan3A_97, %mul3A_110 : i32
            %swap3A = arith.index_cast %mul3A_111 : i32 to index
            %swap3A_112 = tpu.vector_load %arg10[%swap3A] {strides = array<i32>} : memref<80xf32, #tpu.memory_space<vmem>>, vector<16xf32>,
            %swap3A_113 = vector.shape_cast %swap3A_112 : vector<16xf32> to vector<16xf32>
            %swap3A_114 = vector.shape_cast %mul3A_109 : vector<16xf32> to vector<16xf32>
            tpu.vector_store %arg10[%swap3A], %swap3A_114 {strides = array<i32>} : memref<80xf32, #tpu.memory_space<vmem>>, vector<16xf32>,
            %scan3A_115 = arith.constant 0 : i32
            scf.yield %scan3A_115 : i32
          }
          %scan3A_95 = arith.constant 5 : i32
          "tpu.region"() ({
            %run_scoped3A = tpu.sem_alloc : memref<!tpu.dma_semaphore, #tpu.memory_space<semaphore_mem>>
            %dma_start3A_97 = arith.constant 0 : i32
            %dma_start3A_98 = tpu.memref_slice %arg8[%scan3A_79, %dma_start3A_97] : memref<250x80xi32, #tpu.memory_space<vmem>> -> memref<1x80xi32, #tpu.memory_space<vmem>>
            %dma_start3A_99 = tpu.memref_squeeze %dma_start3A_98 : memref<1x80xi32, #tpu.memory_space<vmem>> -> memref<80xi32, #tpu.memory_space<vmem>>
            %dma_start3A_100 = arith.constant 0 : i32
            %dma_start3A_101 = tpu.memref_slice %arg14[%dma_start3A_100] : memref<10240xf32, #tpu.memory_space<vmem_shared>> -> memref<10240xf32, #tpu.memory_space<vmem_shared>>
            tpu.enqueue_indirect_dma source(%arg10 : memref<80xf32, #tpu.memory_space<vmem>>) target(%dma_start3A_101 : memref<10240xf32, #tpu.memory_space<vmem_shared>>) offsets(%dma_start3A_99 : memref<80xi32, #tpu.memory_space<vmem>>) semaphore(%run_scoped3A : memref<!tpu.dma_semaphore, #tpu.memory_space<semaphore_mem>>) {add = true}
            %dma_wait3A_102 = arith.constant 0 : i32
            %dma_wait3A_103 = tpu.memref_slice %arg8[%scan3A_79, %dma_wait3A_102] : memref<250x80xi32, #tpu.memory_space<vmem>> -> memref<1x80xi32, #tpu.memory_space<vmem>>
            %dma_wait3A_104 = tpu.memref_squeeze %dma_wait3A_103 : memref<1x80xi32, #tpu.memory_space<vmem>> -> memref<80xi32, #tpu.memory_space<vmem>>
            %dma_wait3A_105 = arith.constant 0 : i32
            %dma_wait3A_106 = tpu.memref_slice %arg14[%dma_wait3A_105] : memref<10240xf32, #tpu.memory_space<vmem_shared>> -> memref<10240xf32, #tpu.memory_space<vmem_shared>>
            tpu.wait_indirect_dma semaphore(%run_scoped3A : memref<!tpu.dma_semaphore, #tpu.memory_space<semaphore_mem>>) src(%arg10 : memref<80xf32, #tpu.memory_space<vmem>>) dst(%dma_wait3A_106 : memref<10240xf32, #tpu.memory_space<vmem_shared>>)
            tpu.yield
          }) : () -> ()
          %scan3A_96 = arith.constant 0 : i32
          scf.yield %scan3A_96 : i32
        }
        %scan3A_61 = arith.constant 250 : i32
        %barrier3A_62 = arith.constant 0 : index
        tpu.barrier barrier_id(%barrier3A_62)
        %eq3A_63 = arith.constant 29 : i32
        %eq3A_64 = arith.cmpi eq, %scan3A_17, %eq3A_63 : i32
        %eq3A_65 = arith.constant 0 : i32
        %eq3A_66 = arith.cmpi eq, %arg0, %eq3A_65 : i32
        %and3A_67 = arith.andi %eq3A_64, %eq3A_66 : i1
        %convert_element_type3A_68 = arith.extui %and3A_67 : i1 to i32
        %cond3A_69 = arith.constant 0 : i32
        %cond3A_70 = arith.cmpi ne, %convert_element_type3A_68, %cond3A_69 : i32
        scf.if %cond3A_70 {
          %mul3A_79 = arith.constant 640 : i32
          %mul3A_80 = arith.muli %arg1, %mul3A_79 : i32
          %mul3A_81 = arith.constant 640 : i32
          %mul3A_82 = arith.muli %arg1, %mul3A_81 : i32
          "tpu.region"() ({
            %run_scoped3A = tpu.sem_alloc : memref<!tpu.dma_semaphore, #tpu.memory_space<semaphore_mem>>
            %dma_start3A = tpu.memref_slice %arg5[%mul3A_82] : memref<10240xf32, #tpu.memory_space<hbm>> -> memref<640xf32, #tpu.memory_space<hbm>>
            %dma_start3A_83 = tpu.memref_slice %arg14[%mul3A_80] : memref<10240xf32, #tpu.memory_space<vmem_shared>> -> memref<640xf32, #tpu.memory_space<vmem_shared>>
            tpu.enqueue_dma source(%dma_start3A_83 : memref<640xf32, #tpu.memory_space<vmem_shared>>) target(%dma_start3A : memref<640xf32, #tpu.memory_space<hbm>>) target_semaphore(%run_scoped3A : memref<!tpu.dma_semaphore, #tpu.memory_space<semaphore_mem>>)
            %dma_wait3A = tpu.memref_slice %arg5[%mul3A_82] : memref<10240xf32, #tpu.memory_space<hbm>> -> memref<640xf32, #tpu.memory_space<hbm>>
            %dma_wait3A_84 = tpu.memref_slice %arg14[%mul3A_80] : memref<10240xf32, #tpu.memory_space<vmem_shared>> -> memref<640xf32, #tpu.memory_space<vmem_shared>>
            tpu.wait_dma2 semaphore(%run_scoped3A : memref<!tpu.dma_semaphore, #tpu.memory_space<semaphore_mem>>) src(%dma_wait3A_84 : memref<640xf32, #tpu.memory_space<vmem_shared>>) dst(%dma_wait3A : memref<640xf32, #tpu.memory_space<hbm>>)
            tpu.yield
          }) : () -> ()
        } else {
        }
        %eq3A_71 = arith.constant 30 : i32
        %eq3A_72 = arith.cmpi eq, %scan3A_17, %eq3A_71 : i32
        %eq3A_73 = arith.constant 0 : i32
        %eq3A_74 = arith.cmpi eq, %arg0, %eq3A_73 : i32
        %and3A_75 = arith.andi %eq3A_72, %eq3A_74 : i1
        %convert_element_type3A_76 = arith.extui %and3A_75 : i1 to i32
        %cond3A_77 = arith.constant 0 : i32
        %cond3A_78 = arith.cmpi ne, %convert_element_type3A_76, %cond3A_77 : i32
        scf.if %cond3A_78 {
          %mul3A_79 = arith.constant 640 : i32
          %mul3A_80 = arith.muli %arg1, %mul3A_79 : i32
          %mul3A_81 = arith.constant 640 : i32
          %mul3A_82 = arith.muli %arg1, %mul3A_81 : i32
          "tpu.region"() ({
            %run_scoped3A = tpu.sem_alloc : memref<!tpu.dma_semaphore, #tpu.memory_space<semaphore_mem>>
            %dma_start3A = tpu.memref_slice %arg6[%mul3A_82] : memref<10240xf32, #tpu.memory_space<hbm>> -> memref<640xf32, #tpu.memory_space<hbm>>
            %dma_start3A_83 = tpu.memref_slice %arg14[%mul3A_80] : memref<10240xf32, #tpu.memory_space<vmem_shared>> -> memref<640xf32, #tpu.memory_space<vmem_shared>>
            tpu.enqueue_dma source(%dma_start3A_83 : memref<640xf32, #tpu.memory_space<vmem_shared>>) target(%dma_start3A : memref<640xf32, #tpu.memory_space<hbm>>) target_semaphore(%run_scoped3A : memref<!tpu.dma_semaphore, #tpu.memory_space<semaphore_mem>>)
            %dma_wait3A = tpu.memref_slice %arg6[%mul3A_82] : memref<10240xf32, #tpu.memory_space<hbm>> -> memref<640xf32, #tpu.memory_space<hbm>>
            %dma_wait3A_84 = tpu.memref_slice %arg14[%mul3A_80] : memref<10240xf32, #tpu.memory_space<vmem_shared>> -> memref<640xf32, #tpu.memory_space<vmem_shared>>
            tpu.wait_dma2 semaphore(%run_scoped3A : memref<!tpu.dma_semaphore, #tpu.memory_space<semaphore_mem>>) src(%dma_wait3A_84 : memref<640xf32, #tpu.memory_space<vmem_shared>>) dst(%dma_wait3A : memref<640xf32, #tpu.memory_space<hbm>>)
            tpu.yield
          }) : () -> ()
        } else {
        }
      } else {
      }
      %jit3A_30 = arith.constant 2 : i32
      %eq3A_31 = arith.constant 0 : i32
      %eq3A_32 = arith.cmpi eq, %jit3A_30, %eq3A_31 : i32
      %jit3A_33 = arith.constant 1 : i32
      %select_n3A_34 = arith.select %eq3A_32, %jit3A_33, %jit3A_30 : i32
      %rem3A_35 = arith.remsi %scan3A_17, %select_n3A_34 : i32
      %ne3A_36 = arith.constant 0 : i32
      %ne3A_37 = arith.cmpi ne, %rem3A_35, %ne3A_36 : i32
      %lt3A_38 = arith.constant 0 : i32
      %lt3A_39 = arith.cmpi slt, %rem3A_35, %lt3A_38 : i32
      %lt3A_40 = arith.constant 0 : i32
      %lt3A_41 = arith.cmpi slt, %select_n3A_34, %lt3A_40 : i32
      %ne3A_42 = arith.xori %lt3A_39, %lt3A_41 : i1
      %and3A_43 = arith.andi %ne3A_42, %ne3A_37 : i1
      %add3A_44 = arith.addi %rem3A_35, %select_n3A_34 : i32
      %select_n3A_45 = arith.select %and3A_43, %add3A_44, %rem3A_35 : i32
      %eq3A_46 = arith.constant 1 : i32
      %eq3A_47 = arith.cmpi eq, %select_n3A_45, %eq3A_46 : i32
      %convert_element_type3A_48 = arith.extui %eq3A_47 : i1 to i32
      %cond3A_49 = arith.constant 0 : i32
      %cond3A_50 = arith.cmpi ne, %convert_element_type3A_48, %cond3A_49 : i32
      scf.if %cond3A_50 {
        %mul3A_52 = arith.constant 640 : i32
        %mul3A_53 = arith.muli %arg1, %mul3A_52 : i32
        "tpu.region"() ({
          %run_scoped3A = tpu.sem_alloc : memref<!tpu.dma_semaphore, #tpu.memory_space<semaphore_mem>>
          %dma_start3A = tpu.memref_slice %arg13[%mul3A_53] : memref<10240xf32, #tpu.memory_space<vmem_shared>> -> memref<640xf32, #tpu.memory_space<vmem_shared>>
          %dma_start3A_79 = tpu.memref_slice %arg13[%mul3A_53] : memref<10240xf32, #tpu.memory_space<vmem_shared>> -> memref<640xf32, #tpu.memory_space<vmem_shared>>
          tpu.enqueue_dma source(%arg11 : memref<640xf32, #tpu.memory_space<vmem>>) target(%dma_start3A_79 : memref<640xf32, #tpu.memory_space<vmem_shared>>) target_semaphore(%run_scoped3A : memref<!tpu.dma_semaphore, #tpu.memory_space<semaphore_mem>>)
          %dma_wait3A = tpu.memref_slice %arg13[%mul3A_53] : memref<10240xf32, #tpu.memory_space<vmem_shared>> -> memref<640xf32, #tpu.memory_space<vmem_shared>>
          %dma_wait3A_80 = tpu.memref_slice %arg13[%mul3A_53] : memref<10240xf32, #tpu.memory_space<vmem_shared>> -> memref<640xf32, #tpu.memory_space<vmem_shared>>
          tpu.wait_dma2 semaphore(%run_scoped3A : memref<!tpu.dma_semaphore, #tpu.memory_space<semaphore_mem>>) src(%arg11 : memref<640xf32, #tpu.memory_space<vmem>>) dst(%dma_wait3A_80 : memref<640xf32, #tpu.memory_space<vmem_shared>>)
          tpu.yield
        }) : () -> ()
        %barrier3A_54 = arith.constant 0 : index
        tpu.barrier barrier_id(%barrier3A_54)
        %scan3A_55 = arith.constant 0 : i32
        %scan3A_56 = arith.constant 0 : i32
        %scan3A_57 = arith.constant 250 : i32
        %scan3A_58 = arith.addi %scan3A_56, %scan3A_57 : i32
        %scan3A_59 = arith.constant 1 : i32
        %scan3A_60 = scf.for %scan3A_79 = %scan3A_56 to %scan3A_58 step %scan3A_59 iter_args(%scan3A_80 = %scan3A_55) -> (i32)  : i32 {
          %dma_start3A = arith.constant 0 : i32
          %dma_start3A_81 = tpu.memref_slice %arg7[%scan3A_79, %dma_start3A] : memref<250x80xi32, #tpu.memory_space<vmem>> -> memref<1x80xi32, #tpu.memory_space<vmem>>
          %dma_start3A_82 = tpu.memref_squeeze %dma_start3A_81 : memref<1x80xi32, #tpu.memory_space<vmem>> -> memref<80xi32, #tpu.memory_space<vmem>>
          %dma_start3A_83 = arith.constant 0 : i32
          %dma_start3A_84 = tpu.memref_slice %arg14[%dma_start3A_83] : memref<10240xf32, #tpu.memory_space<vmem_shared>> -> memref<10240xf32, #tpu.memory_space<vmem_shared>>
          tpu.enqueue_indirect_dma source(%dma_start3A_84 : memref<10240xf32, #tpu.memory_space<vmem_shared>>) target(%arg10 : memref<80xf32, #tpu.memory_space<vmem>>) offsets(%dma_start3A_82 : memref<80xi32, #tpu.memory_space<vmem>>) semaphore(%arg15 : memref<!tpu.dma_semaphore, #tpu.memory_space<semaphore_mem>>)
          %dma_wait3A = arith.constant 0 : i32
          %dma_wait3A_85 = tpu.memref_slice %arg7[%scan3A_79, %dma_wait3A] : memref<250x80xi32, #tpu.memory_space<vmem>> -> memref<1x80xi32, #tpu.memory_space<vmem>>
          %dma_wait3A_86 = tpu.memref_squeeze %dma_wait3A_85 : memref<1x80xi32, #tpu.memory_space<vmem>> -> memref<80xi32, #tpu.memory_space<vmem>>
          %dma_wait3A_87 = arith.constant 0 : i32
          %dma_wait3A_88 = tpu.memref_slice %arg14[%dma_wait3A_87] : memref<10240xf32, #tpu.memory_space<vmem_shared>> -> memref<10240xf32, #tpu.memory_space<vmem_shared>>
          tpu.wait_indirect_dma semaphore(%arg15 : memref<!tpu.dma_semaphore, #tpu.memory_space<semaphore_mem>>) src(%dma_wait3A_88 : memref<10240xf32, #tpu.memory_space<vmem_shared>>) dst(%arg10 : memref<80xf32, #tpu.memory_space<vmem>>)
          %scan3A_89 = arith.constant 0 : i32
          %scan3A_90 = arith.constant 0 : i32
          %scan3A_91 = arith.constant 5 : i32
          %scan3A_92 = arith.addi %scan3A_90, %scan3A_91 : i32
          %scan3A_93 = arith.constant 1 : i32
          %scan3A_94 = scf.for %scan3A_97 = %scan3A_90 to %scan3A_92 step %scan3A_93 iter_args(%scan3A_98 = %scan3A_89) -> (i32)  : i32 {
            %mul3A_99 = arith.constant 16 : i32
            %mul3A_100 = arith.muli %scan3A_97, %mul3A_99 : i32
            %get3A = arith.index_cast %mul3A_100 : i32 to index
            %get3A_101 = tpu.vector_load %arg10[%get3A] {strides = array<i32>} : memref<80xf32, #tpu.memory_space<vmem>>, vector<16xf32>,
            %get3A_102 = vector.shape_cast %get3A_101 : vector<16xf32> to vector<16xf32>
            %mul3A_103 = arith.constant 16 : i32
            %mul3A_104 = arith.muli %scan3A_97, %mul3A_103 : i32
            %get3A_105 = arith.index_cast %scan3A_79 : i32 to index
            %get3A_106 = arith.index_cast %mul3A_104 : i32 to index
            %get3A_107 = tpu.vector_load %arg9[%get3A_105, %get3A_106] {strides = array<i32>} : memref<250x80xf32, #tpu.memory_space<vmem>>, vector<1x16xf32>,
            %get3A_108 = vector.shape_cast %get3A_107 : vector<1x16xf32> to vector<16xf32>
            %mul3A_109 = arith.mulf %get3A_102, %get3A_108 : vector<16xf32>
            %mul3A_110 = arith.constant 16 : i32
            %mul3A_111 = arith.muli %scan3A_97, %mul3A_110 : i32
            %swap3A = arith.index_cast %mul3A_111 : i32 to index
            %swap3A_112 = tpu.vector_load %arg10[%swap3A] {strides = array<i32>} : memref<80xf32, #tpu.memory_space<vmem>>, vector<16xf32>,
            %swap3A_113 = vector.shape_cast %swap3A_112 : vector<16xf32> to vector<16xf32>
            %swap3A_114 = vector.shape_cast %mul3A_109 : vector<16xf32> to vector<16xf32>
            tpu.vector_store %arg10[%swap3A], %swap3A_114 {strides = array<i32>} : memref<80xf32, #tpu.memory_space<vmem>>, vector<16xf32>,
            %scan3A_115 = arith.constant 0 : i32
            scf.yield %scan3A_115 : i32
          }
          %scan3A_95 = arith.constant 5 : i32
          "tpu.region"() ({
            %run_scoped3A = tpu.sem_alloc : memref<!tpu.dma_semaphore, #tpu.memory_space<semaphore_mem>>
            %dma_start3A_97 = arith.constant 0 : i32
            %dma_start3A_98 = tpu.memref_slice %arg8[%scan3A_79, %dma_start3A_97] : memref<250x80xi32, #tpu.memory_space<vmem>> -> memref<1x80xi32, #tpu.memory_space<vmem>>
            %dma_start3A_99 = tpu.memref_squeeze %dma_start3A_98 : memref<1x80xi32, #tpu.memory_space<vmem>> -> memref<80xi32, #tpu.memory_space<vmem>>
            %dma_start3A_100 = arith.constant 0 : i32
            %dma_start3A_101 = tpu.memref_slice %arg13[%dma_start3A_100] : memref<10240xf32, #tpu.memory_space<vmem_shared>> -> memref<10240xf32, #tpu.memory_space<vmem_shared>>
            tpu.enqueue_indirect_dma source(%arg10 : memref<80xf32, #tpu.memory_space<vmem>>) target(%dma_start3A_101 : memref<10240xf32, #tpu.memory_space<vmem_shared>>) offsets(%dma_start3A_99 : memref<80xi32, #tpu.memory_space<vmem>>) semaphore(%run_scoped3A : memref<!tpu.dma_semaphore, #tpu.memory_space<semaphore_mem>>) {add = true}
            %dma_wait3A_102 = arith.constant 0 : i32
            %dma_wait3A_103 = tpu.memref_slice %arg8[%scan3A_79, %dma_wait3A_102] : memref<250x80xi32, #tpu.memory_space<vmem>> -> memref<1x80xi32, #tpu.memory_space<vmem>>
            %dma_wait3A_104 = tpu.memref_squeeze %dma_wait3A_103 : memref<1x80xi32, #tpu.memory_space<vmem>> -> memref<80xi32, #tpu.memory_space<vmem>>
            %dma_wait3A_105 = arith.constant 0 : i32
            %dma_wait3A_106 = tpu.memref_slice %arg13[%dma_wait3A_105] : memref<10240xf32, #tpu.memory_space<vmem_shared>> -> memref<10240xf32, #tpu.memory_space<vmem_shared>>
            tpu.wait_indirect_dma semaphore(%run_scoped3A : memref<!tpu.dma_semaphore, #tpu.memory_space<semaphore_mem>>) src(%arg10 : memref<80xf32, #tpu.memory_space<vmem>>) dst(%dma_wait3A_106 : memref<10240xf32, #tpu.memory_space<vmem_shared>>)
            tpu.yield
          }) : () -> ()
          %scan3A_96 = arith.constant 0 : i32
          scf.yield %scan3A_96 : i32
        }
        %scan3A_61 = arith.constant 250 : i32
        %barrier3A_62 = arith.constant 0 : index
        tpu.barrier barrier_id(%barrier3A_62)
        %eq3A_63 = arith.constant 29 : i32
        %eq3A_64 = arith.cmpi eq, %scan3A_17, %eq3A_63 : i32
        %eq3A_65 = arith.constant 0 : i32
        %eq3A_66 = arith.cmpi eq, %arg0, %eq3A_65 : i32
        %and3A_67 = arith.andi %eq3A_64, %eq3A_66 : i1
        %convert_element_type3A_68 = arith.extui %and3A_67 : i1 to i32
        %cond3A_69 = arith.constant 0 : i32
        %cond3A_70 = arith.cmpi ne, %convert_element_type3A_68, %cond3A_69 : i32
        scf.if %cond3A_70 {
          %mul3A_79 = arith.constant 640 : i32
          %mul3A_80 = arith.muli %arg1, %mul3A_79 : i32
          %mul3A_81 = arith.constant 640 : i32
          %mul3A_82 = arith.muli %arg1, %mul3A_81 : i32
          "tpu.region"() ({
            %run_scoped3A = tpu.sem_alloc : memref<!tpu.dma_semaphore, #tpu.memory_space<semaphore_mem>>
            %dma_start3A = tpu.memref_slice %arg5[%mul3A_82] : memref<10240xf32, #tpu.memory_space<hbm>> -> memref<640xf32, #tpu.memory_space<hbm>>
            %dma_start3A_83 = tpu.memref_slice %arg13[%mul3A_80] : memref<10240xf32, #tpu.memory_space<vmem_shared>> -> memref<640xf32, #tpu.memory_space<vmem_shared>>
            tpu.enqueue_dma source(%dma_start3A_83 : memref<640xf32, #tpu.memory_space<vmem_shared>>) target(%dma_start3A : memref<640xf32, #tpu.memory_space<hbm>>) target_semaphore(%run_scoped3A : memref<!tpu.dma_semaphore, #tpu.memory_space<semaphore_mem>>)
            %dma_wait3A = tpu.memref_slice %arg5[%mul3A_82] : memref<10240xf32, #tpu.memory_space<hbm>> -> memref<640xf32, #tpu.memory_space<hbm>>
            %dma_wait3A_84 = tpu.memref_slice %arg13[%mul3A_80] : memref<10240xf32, #tpu.memory_space<vmem_shared>> -> memref<640xf32, #tpu.memory_space<vmem_shared>>
            tpu.wait_dma2 semaphore(%run_scoped3A : memref<!tpu.dma_semaphore, #tpu.memory_space<semaphore_mem>>) src(%dma_wait3A_84 : memref<640xf32, #tpu.memory_space<vmem_shared>>) dst(%dma_wait3A : memref<640xf32, #tpu.memory_space<hbm>>)
            tpu.yield
          }) : () -> ()
        } else {
        }
        %eq3A_71 = arith.constant 30 : i32
        %eq3A_72 = arith.cmpi eq, %scan3A_17, %eq3A_71 : i32
        %eq3A_73 = arith.constant 0 : i32
        %eq3A_74 = arith.cmpi eq, %arg0, %eq3A_73 : i32
        %and3A_75 = arith.andi %eq3A_72, %eq3A_74 : i1
        %convert_element_type3A_76 = arith.extui %and3A_75 : i1 to i32
        %cond3A_77 = arith.constant 0 : i32
        %cond3A_78 = arith.cmpi ne, %convert_element_type3A_76, %cond3A_77 : i32
        scf.if %cond3A_78 {
          %mul3A_79 = arith.constant 640 : i32
          %mul3A_80 = arith.muli %arg1, %mul3A_79 : i32
          %mul3A_81 = arith.constant 640 : i32
          %mul3A_82 = arith.muli %arg1, %mul3A_81 : i32
          "tpu.region"() ({
            %run_scoped3A = tpu.sem_alloc : memref<!tpu.dma_semaphore, #tpu.memory_space<semaphore_mem>>
            %dma_start3A = tpu.memref_slice %arg6[%mul3A_82] : memref<10240xf32, #tpu.memory_space<hbm>> -> memref<640xf32, #tpu.memory_space<hbm>>
            %dma_start3A_83 = tpu.memref_slice %arg13[%mul3A_80] : memref<10240xf32, #tpu.memory_space<vmem_shared>> -> memref<640xf32, #tpu.memory_space<vmem_shared>>
            tpu.enqueue_dma source(%dma_start3A_83 : memref<640xf32, #tpu.memory_space<vmem_shared>>) target(%dma_start3A : memref<640xf32, #tpu.memory_space<hbm>>) target_semaphore(%run_scoped3A : memref<!tpu.dma_semaphore, #tpu.memory_space<semaphore_mem>>)
            %dma_wait3A = tpu.memref_slice %arg6[%mul3A_82] : memref<10240xf32, #tpu.memory_space<hbm>> -> memref<640xf32, #tpu.memory_space<hbm>>
            %dma_wait3A_84 = tpu.memref_slice %arg13[%mul3A_80] : memref<10240xf32, #tpu.memory_space<vmem_shared>> -> memref<640xf32, #tpu.memory_space<vmem_shared>>
            tpu.wait_dma2 semaphore(%run_scoped3A : memref<!tpu.dma_semaphore, #tpu.memory_space<semaphore_mem>>) src(%dma_wait3A_84 : memref<640xf32, #tpu.memory_space<vmem_shared>>) dst(%dma_wait3A : memref<640xf32, #tpu.memory_space<hbm>>)
            tpu.yield
          }) : () -> ()
        } else {
        }
      } else {
      }
      %scan3A_51 = arith.constant 0 : i32
      scf.yield %scan3A_51 : i32
    }
    %scan3A_16 = arith.constant 31 : i32
    return
  }
}

#map = affine_map<(d0, d1) -> (0, 0)>
#map1 = affine_map<(d0, d1) -> (0, 0, 0, 0)>
#map2 = affine_map<(d0, d1) -> (0, 0, 0)>
module attributes {stable_mosaic.version = 14 : i64} {
  func.func @_spmm_sc(%arg0: i32, %arg1: i32, %arg2: memref<10000x128xf32, #tpu.memory_space<hbm>>, %arg3: memref<2x16x136x80xi32, #tpu.memory_space<hbm>>, %arg4: memref<2x16x136x80xf32, #tpu.memory_space<hbm>>, %arg5: memref<2x5120x128xf32, #tpu.memory_space<hbm>>, %arg6: memref<80x128xf32, #tpu.memory_space<vmem>>, %arg7: memref<80x128xf32, #tpu.memory_space<vmem>>, %arg8: memref<136x80xi32, #tpu.memory_space<vmem>>, %arg9: memref<136x80xf32, #tpu.memory_space<vmem>>, %arg10: memref<80xi32, #tpu.memory_space<vmem>>, %arg11: memref<80xi32, #tpu.memory_space<vmem>>, %arg12: memref<80xi32, #tpu.memory_space<vmem>>, %arg13: memref<5120x128xf32, #tpu.memory_space<vmem_shared>>, %arg14: memref<!tpu.dma_semaphore, #tpu.memory_space<semaphore_mem>>, %arg15: memref<!tpu.dma_semaphore, #tpu.memory_space<semaphore_mem>>, %arg16: memref<!tpu.dma_semaphore, #tpu.memory_space<semaphore_mem>>) attributes {dimension_semantics = [#tpu.dimension_semantics<core_parallel>, #tpu.dimension_semantics<subcore_parallel>], iteration_bounds = array<i64: 2, 16>, scalar_prefetch = 0 : i64, scratch_operands = 11 : i64, tpu.core_type = #tpu.core_type<sc_vector_subcore>, window_params = [{transform_indices = #map}, {transform_indices = #map1}, {transform_indices = #map1}, {transform_indices = #map2}]} {
    "tpu.region"() ({
      %run_scoped3A = tpu.sem_alloc : memref<!tpu.dma_semaphore, #tpu.memory_space<semaphore_mem>>
      %dma_start3A = arith.constant 0 : i32
      %dma_start3A_25 = arith.constant 0 : i32
      %dma_start3A_26 = tpu.memref_slice %arg3[%arg0, %arg1, %dma_start3A, %dma_start3A_25] : memref<2x16x136x80xi32, #tpu.memory_space<hbm>> -> memref<1x1x136x80xi32, #tpu.memory_space<hbm>>
      %dma_start3A_27 = tpu.memref_squeeze %dma_start3A_26 : memref<1x1x136x80xi32, #tpu.memory_space<hbm>> -> memref<136x80xi32, #tpu.memory_space<hbm>>
      %dma_start3A_28 = arith.constant 0 : i32
      %dma_start3A_29 = arith.constant 0 : i32
      %dma_start3A_30 = tpu.memref_slice %arg3[%arg0, %arg1, %dma_start3A_28, %dma_start3A_29] : memref<2x16x136x80xi32, #tpu.memory_space<hbm>> -> memref<1x1x136x80xi32, #tpu.memory_space<hbm>>
      %dma_start3A_31 = tpu.memref_squeeze %dma_start3A_30 : memref<1x1x136x80xi32, #tpu.memory_space<hbm>> -> memref<136x80xi32, #tpu.memory_space<hbm>>
      tpu.enqueue_dma source(%dma_start3A_31 : memref<136x80xi32, #tpu.memory_space<hbm>>) target(%arg8 : memref<136x80xi32, #tpu.memory_space<vmem>>) target_semaphore(%run_scoped3A : memref<!tpu.dma_semaphore, #tpu.memory_space<semaphore_mem>>)
      %dma_wait3A = arith.constant 0 : i32
      %dma_wait3A_32 = arith.constant 0 : i32
      %dma_wait3A_33 = tpu.memref_slice %arg3[%arg0, %arg1, %dma_wait3A, %dma_wait3A_32] : memref<2x16x136x80xi32, #tpu.memory_space<hbm>> -> memref<1x1x136x80xi32, #tpu.memory_space<hbm>>
      %dma_wait3A_34 = tpu.memref_squeeze %dma_wait3A_33 : memref<1x1x136x80xi32, #tpu.memory_space<hbm>> -> memref<136x80xi32, #tpu.memory_space<hbm>>
      %dma_wait3A_35 = arith.constant 0 : i32
      %dma_wait3A_36 = arith.constant 0 : i32
      %dma_wait3A_37 = tpu.memref_slice %arg3[%arg0, %arg1, %dma_wait3A_35, %dma_wait3A_36] : memref<2x16x136x80xi32, #tpu.memory_space<hbm>> -> memref<1x1x136x80xi32, #tpu.memory_space<hbm>>
      %dma_wait3A_38 = tpu.memref_squeeze %dma_wait3A_37 : memref<1x1x136x80xi32, #tpu.memory_space<hbm>> -> memref<136x80xi32, #tpu.memory_space<hbm>>
      tpu.wait_dma2 semaphore(%run_scoped3A : memref<!tpu.dma_semaphore, #tpu.memory_space<semaphore_mem>>) src(%dma_wait3A_38 : memref<136x80xi32, #tpu.memory_space<hbm>>) dst(%arg8 : memref<136x80xi32, #tpu.memory_space<vmem>>)
      tpu.yield
    }) : () -> ()
    "tpu.region"() ({
      %run_scoped3A = tpu.sem_alloc : memref<!tpu.dma_semaphore, #tpu.memory_space<semaphore_mem>>
      %dma_start3A = arith.constant 0 : i32
      %dma_start3A_25 = arith.constant 0 : i32
      %dma_start3A_26 = tpu.memref_slice %arg4[%arg0, %arg1, %dma_start3A, %dma_start3A_25] : memref<2x16x136x80xf32, #tpu.memory_space<hbm>> -> memref<1x1x136x80xf32, #tpu.memory_space<hbm>>
      %dma_start3A_27 = tpu.memref_squeeze %dma_start3A_26 : memref<1x1x136x80xf32, #tpu.memory_space<hbm>> -> memref<136x80xf32, #tpu.memory_space<hbm>>
      %dma_start3A_28 = arith.constant 0 : i32
      %dma_start3A_29 = arith.constant 0 : i32
      %dma_start3A_30 = tpu.memref_slice %arg4[%arg0, %arg1, %dma_start3A_28, %dma_start3A_29] : memref<2x16x136x80xf32, #tpu.memory_space<hbm>> -> memref<1x1x136x80xf32, #tpu.memory_space<hbm>>
      %dma_start3A_31 = tpu.memref_squeeze %dma_start3A_30 : memref<1x1x136x80xf32, #tpu.memory_space<hbm>> -> memref<136x80xf32, #tpu.memory_space<hbm>>
      tpu.enqueue_dma source(%dma_start3A_31 : memref<136x80xf32, #tpu.memory_space<hbm>>) target(%arg9 : memref<136x80xf32, #tpu.memory_space<vmem>>) target_semaphore(%run_scoped3A : memref<!tpu.dma_semaphore, #tpu.memory_space<semaphore_mem>>)
      %dma_wait3A = arith.constant 0 : i32
      %dma_wait3A_32 = arith.constant 0 : i32
      %dma_wait3A_33 = tpu.memref_slice %arg4[%arg0, %arg1, %dma_wait3A, %dma_wait3A_32] : memref<2x16x136x80xf32, #tpu.memory_space<hbm>> -> memref<1x1x136x80xf32, #tpu.memory_space<hbm>>
      %dma_wait3A_34 = tpu.memref_squeeze %dma_wait3A_33 : memref<1x1x136x80xf32, #tpu.memory_space<hbm>> -> memref<136x80xf32, #tpu.memory_space<hbm>>
      %dma_wait3A_35 = arith.constant 0 : i32
      %dma_wait3A_36 = arith.constant 0 : i32
      %dma_wait3A_37 = tpu.memref_slice %arg4[%arg0, %arg1, %dma_wait3A_35, %dma_wait3A_36] : memref<2x16x136x80xf32, #tpu.memory_space<hbm>> -> memref<1x1x136x80xf32, #tpu.memory_space<hbm>>
      %dma_wait3A_38 = tpu.memref_squeeze %dma_wait3A_37 : memref<1x1x136x80xf32, #tpu.memory_space<hbm>> -> memref<136x80xf32, #tpu.memory_space<hbm>>
      tpu.wait_dma2 semaphore(%run_scoped3A : memref<!tpu.dma_semaphore, #tpu.memory_space<semaphore_mem>>) src(%dma_wait3A_38 : memref<136x80xf32, #tpu.memory_space<hbm>>) dst(%arg9 : memref<136x80xf32, #tpu.memory_space<vmem>>)
      tpu.yield
    }) : () -> ()
    %broadcast_in_dim3A = arith.constant 0.000000e+00 : f32
    %broadcast_in_dim3A_0 = vector.broadcast %broadcast_in_dim3A : f32 to vector<16xf32>
    %scan3A = arith.constant 0 : i32
    %scan3A_1 = arith.constant 0 : i32
    %scan3A_2 = arith.constant 80 : i32
    %scan3A_3 = arith.addi %scan3A_1, %scan3A_2 : i32
    %scan3A_4 = arith.constant 1 : i32
    %scan3A_5 = scf.for %scan3A_25 = %scan3A_1 to %scan3A_3 step %scan3A_4 iter_args(%scan3A_26 = %scan3A) -> (i32)  : i32 {
      %swap3A = arith.index_cast %scan3A_25 : i32 to index
      %swap3A_27 = arith.constant 0 : index
      %swap3A_28 = tpu.vector_load %arg6[%swap3A, %swap3A_27] {strides = array<i32>} : memref<80x128xf32, #tpu.memory_space<vmem>>, vector<1x16xf32>,
      %swap3A_29 = vector.shape_cast %swap3A_28 : vector<1x16xf32> to vector<16xf32>
      %swap3A_30 = vector.shape_cast %broadcast_in_dim3A_0 : vector<16xf32> to vector<1x16xf32>
      tpu.vector_store %arg6[%swap3A, %swap3A_27], %swap3A_30 {strides = array<i32>} : memref<80x128xf32, #tpu.memory_space<vmem>>, vector<1x16xf32>,
      %swap3A_31 = arith.index_cast %scan3A_25 : i32 to index
      %swap3A_32 = arith.constant 16 : index
      %swap3A_33 = tpu.vector_load %arg6[%swap3A_31, %swap3A_32] {strides = array<i32>} : memref<80x128xf32, #tpu.memory_space<vmem>>, vector<1x16xf32>,
      %swap3A_34 = vector.shape_cast %swap3A_33 : vector<1x16xf32> to vector<16xf32>
      %swap3A_35 = vector.shape_cast %broadcast_in_dim3A_0 : vector<16xf32> to vector<1x16xf32>
      tpu.vector_store %arg6[%swap3A_31, %swap3A_32], %swap3A_35 {strides = array<i32>} : memref<80x128xf32, #tpu.memory_space<vmem>>, vector<1x16xf32>,
      %swap3A_36 = arith.index_cast %scan3A_25 : i32 to index
      %swap3A_37 = arith.constant 32 : index
      %swap3A_38 = tpu.vector_load %arg6[%swap3A_36, %swap3A_37] {strides = array<i32>} : memref<80x128xf32, #tpu.memory_space<vmem>>, vector<1x16xf32>,
      %swap3A_39 = vector.shape_cast %swap3A_38 : vector<1x16xf32> to vector<16xf32>
      %swap3A_40 = vector.shape_cast %broadcast_in_dim3A_0 : vector<16xf32> to vector<1x16xf32>
      tpu.vector_store %arg6[%swap3A_36, %swap3A_37], %swap3A_40 {strides = array<i32>} : memref<80x128xf32, #tpu.memory_space<vmem>>, vector<1x16xf32>,
      %swap3A_41 = arith.index_cast %scan3A_25 : i32 to index
      %swap3A_42 = arith.constant 48 : index
      %swap3A_43 = tpu.vector_load %arg6[%swap3A_41, %swap3A_42] {strides = array<i32>} : memref<80x128xf32, #tpu.memory_space<vmem>>, vector<1x16xf32>,
      %swap3A_44 = vector.shape_cast %swap3A_43 : vector<1x16xf32> to vector<16xf32>
      %swap3A_45 = vector.shape_cast %broadcast_in_dim3A_0 : vector<16xf32> to vector<1x16xf32>
      tpu.vector_store %arg6[%swap3A_41, %swap3A_42], %swap3A_45 {strides = array<i32>} : memref<80x128xf32, #tpu.memory_space<vmem>>, vector<1x16xf32>,
      %swap3A_46 = arith.index_cast %scan3A_25 : i32 to index
      %swap3A_47 = arith.constant 64 : index
      %swap3A_48 = tpu.vector_load %arg6[%swap3A_46, %swap3A_47] {strides = array<i32>} : memref<80x128xf32, #tpu.memory_space<vmem>>, vector<1x16xf32>,
      %swap3A_49 = vector.shape_cast %swap3A_48 : vector<1x16xf32> to vector<16xf32>
      %swap3A_50 = vector.shape_cast %broadcast_in_dim3A_0 : vector<16xf32> to vector<1x16xf32>
      tpu.vector_store %arg6[%swap3A_46, %swap3A_47], %swap3A_50 {strides = array<i32>} : memref<80x128xf32, #tpu.memory_space<vmem>>, vector<1x16xf32>,
      %swap3A_51 = arith.index_cast %scan3A_25 : i32 to index
      %swap3A_52 = arith.constant 80 : index
      %swap3A_53 = tpu.vector_load %arg6[%swap3A_51, %swap3A_52] {strides = array<i32>} : memref<80x128xf32, #tpu.memory_space<vmem>>, vector<1x16xf32>,
      %swap3A_54 = vector.shape_cast %swap3A_53 : vector<1x16xf32> to vector<16xf32>
      %swap3A_55 = vector.shape_cast %broadcast_in_dim3A_0 : vector<16xf32> to vector<1x16xf32>
      tpu.vector_store %arg6[%swap3A_51, %swap3A_52], %swap3A_55 {strides = array<i32>} : memref<80x128xf32, #tpu.memory_space<vmem>>, vector<1x16xf32>,
      %swap3A_56 = arith.index_cast %scan3A_25 : i32 to index
      %swap3A_57 = arith.constant 96 : index
      %swap3A_58 = tpu.vector_load %arg6[%swap3A_56, %swap3A_57] {strides = array<i32>} : memref<80x128xf32, #tpu.memory_space<vmem>>, vector<1x16xf32>,
      %swap3A_59 = vector.shape_cast %swap3A_58 : vector<1x16xf32> to vector<16xf32>
      %swap3A_60 = vector.shape_cast %broadcast_in_dim3A_0 : vector<16xf32> to vector<1x16xf32>
      tpu.vector_store %arg6[%swap3A_56, %swap3A_57], %swap3A_60 {strides = array<i32>} : memref<80x128xf32, #tpu.memory_space<vmem>>, vector<1x16xf32>,
      %swap3A_61 = arith.index_cast %scan3A_25 : i32 to index
      %swap3A_62 = arith.constant 112 : index
      %swap3A_63 = tpu.vector_load %arg6[%swap3A_61, %swap3A_62] {strides = array<i32>} : memref<80x128xf32, #tpu.memory_space<vmem>>, vector<1x16xf32>,
      %swap3A_64 = vector.shape_cast %swap3A_63 : vector<1x16xf32> to vector<16xf32>
      %swap3A_65 = vector.shape_cast %broadcast_in_dim3A_0 : vector<16xf32> to vector<1x16xf32>
      tpu.vector_store %arg6[%swap3A_61, %swap3A_62], %swap3A_65 {strides = array<i32>} : memref<80x128xf32, #tpu.memory_space<vmem>>, vector<1x16xf32>,
      %scan3A_66 = arith.constant 0 : i32
      scf.yield %scan3A_66 : i32
    }
    %scan3A_6 = arith.constant 80 : i32
    %scan3A_7 = arith.constant 0 : i32
    %scan3A_8 = arith.constant 0 : i32
    %scan3A_9 = arith.constant 4 : i32
    %scan3A_10 = arith.addi %scan3A_8, %scan3A_9 : i32
    %scan3A_11 = arith.constant 1 : i32
    %scan3A_12 = scf.for %scan3A_25 = %scan3A_8 to %scan3A_10 step %scan3A_11 iter_args(%scan3A_26 = %scan3A_7) -> (i32)  : i32 {
      %mul3A_27 = arith.constant 320 : i32
      %mul3A_28 = arith.muli %arg1, %mul3A_27 : i32
      %mul3A_29 = arith.constant 80 : i32
      %mul3A_30 = arith.muli %scan3A_25, %mul3A_29 : i32
      %add3A = arith.addi %mul3A_28, %mul3A_30 : i32
      "tpu.region"() ({
        %run_scoped3A = tpu.sem_alloc : memref<!tpu.dma_semaphore, #tpu.memory_space<semaphore_mem>>
        %dma_start3A = arith.constant 0 : i32
        %dma_start3A_32 = tpu.memref_slice %arg13[%add3A, %dma_start3A] : memref<5120x128xf32, #tpu.memory_space<vmem_shared>> -> memref<80x128xf32, #tpu.memory_space<vmem_shared>>
        %dma_start3A_33 = arith.constant 0 : i32
        %dma_start3A_34 = tpu.memref_slice %arg13[%add3A, %dma_start3A_33] : memref<5120x128xf32, #tpu.memory_space<vmem_shared>> -> memref<80x128xf32, #tpu.memory_space<vmem_shared>>
        tpu.enqueue_dma source(%arg6 : memref<80x128xf32, #tpu.memory_space<vmem>>) target(%dma_start3A_34 : memref<80x128xf32, #tpu.memory_space<vmem_shared>>) target_semaphore(%run_scoped3A : memref<!tpu.dma_semaphore, #tpu.memory_space<semaphore_mem>>)
        %dma_wait3A = arith.constant 0 : i32
        %dma_wait3A_35 = tpu.memref_slice %arg13[%add3A, %dma_wait3A] : memref<5120x128xf32, #tpu.memory_space<vmem_shared>> -> memref<80x128xf32, #tpu.memory_space<vmem_shared>>
        %dma_wait3A_36 = arith.constant 0 : i32
        %dma_wait3A_37 = tpu.memref_slice %arg13[%add3A, %dma_wait3A_36] : memref<5120x128xf32, #tpu.memory_space<vmem_shared>> -> memref<80x128xf32, #tpu.memory_space<vmem_shared>>
        tpu.wait_dma2 semaphore(%run_scoped3A : memref<!tpu.dma_semaphore, #tpu.memory_space<semaphore_mem>>) src(%arg6 : memref<80x128xf32, #tpu.memory_space<vmem>>) dst(%dma_wait3A_37 : memref<80x128xf32, #tpu.memory_space<vmem_shared>>)
        tpu.yield
      }) : () -> ()
      %scan3A_31 = arith.constant 0 : i32
      scf.yield %scan3A_31 : i32
    }
    %scan3A_13 = arith.constant 4 : i32
    %barrier3A = arith.constant 0 : index
    tpu.barrier barrier_id(%barrier3A)
    %scan3A_14 = arith.constant 0 : i32
    %scan3A_15 = arith.constant 0 : i32
    %scan3A_16 = arith.constant 68 : i32
    %scan3A_17 = arith.addi %scan3A_15, %scan3A_16 : i32
    %scan3A_18 = arith.constant 1 : i32
    %scan3A_19 = scf.for %scan3A_25 = %scan3A_15 to %scan3A_17 step %scan3A_18 iter_args(%scan3A_26 = %scan3A_14) -> (i32)  : i32 {
      %mul3A_27 = arith.constant 2 : i32
      %mul3A_28 = arith.muli %scan3A_25, %mul3A_27 : i32
      %scan3A_29 = arith.constant 0 : i32
      %scan3A_30 = arith.constant 0 : i32
      %scan3A_31 = arith.constant 5 : i32
      %scan3A_32 = arith.addi %scan3A_30, %scan3A_31 : i32
      %scan3A_33 = arith.constant 1 : i32
      %scan3A_34 = scf.for %scan3A_85 = %scan3A_30 to %scan3A_32 step %scan3A_33 iter_args(%scan3A_86 = %scan3A_29) -> (i32)  : i32 {
        %mul3A_87 = arith.constant 16 : i32
        %mul3A_88 = arith.muli %scan3A_85, %mul3A_87 : i32
        %get3A = arith.index_cast %mul3A_28 : i32 to index
        %get3A_89 = arith.index_cast %mul3A_88 : i32 to index
        %get3A_90 = tpu.vector_load %arg8[%get3A, %get3A_89] {strides = array<i32>} : memref<136x80xi32, #tpu.memory_space<vmem>>, vector<1x16xi32>,
        %get3A_91 = vector.shape_cast %get3A_90 : vector<1x16xi32> to vector<16xi32>
        %and3A = arith.constant 16383 : i32
        %and3A_92 = vector.broadcast %and3A : i32 to vector<16xi32>
        %and3A_93 = arith.andi %get3A_91, %and3A_92 : vector<16xi32>
        %mul3A_94 = arith.constant 16 : i32
        %mul3A_95 = arith.muli %scan3A_85, %mul3A_94 : i32
        %swap3A = arith.index_cast %mul3A_95 : i32 to index
        %swap3A_96 = tpu.vector_load %arg10[%swap3A] {strides = array<i32>} : memref<80xi32, #tpu.memory_space<vmem>>, vector<16xi32>,
        %swap3A_97 = vector.shape_cast %swap3A_96 : vector<16xi32> to vector<16xi32>
        %swap3A_98 = vector.shape_cast %and3A_93 : vector<16xi32> to vector<16xi32>
        tpu.vector_store %arg10[%swap3A], %swap3A_98 {strides = array<i32>} : memref<80xi32, #tpu.memory_space<vmem>>, vector<16xi32>,
        %scan3A_99 = arith.constant 0 : i32
        scf.yield %scan3A_99 : i32
      }
      %scan3A_35 = arith.constant 5 : i32
      %add3A = arith.constant 1 : i32
      %add3A_36 = arith.addi %mul3A_28, %add3A : i32
      %scan3A_37 = arith.constant 0 : i32
      %scan3A_38 = arith.constant 0 : i32
      %scan3A_39 = arith.constant 5 : i32
      %scan3A_40 = arith.addi %scan3A_38, %scan3A_39 : i32
      %scan3A_41 = arith.constant 1 : i32
      %scan3A_42 = scf.for %scan3A_85 = %scan3A_38 to %scan3A_40 step %scan3A_41 iter_args(%scan3A_86 = %scan3A_37) -> (i32)  : i32 {
        %mul3A_87 = arith.constant 16 : i32
        %mul3A_88 = arith.muli %scan3A_85, %mul3A_87 : i32
        %get3A = arith.index_cast %add3A_36 : i32 to index
        %get3A_89 = arith.index_cast %mul3A_88 : i32 to index
        %get3A_90 = tpu.vector_load %arg8[%get3A, %get3A_89] {strides = array<i32>} : memref<136x80xi32, #tpu.memory_space<vmem>>, vector<1x16xi32>,
        %get3A_91 = vector.shape_cast %get3A_90 : vector<1x16xi32> to vector<16xi32>
        %and3A = arith.constant 16383 : i32
        %and3A_92 = vector.broadcast %and3A : i32 to vector<16xi32>
        %and3A_93 = arith.andi %get3A_91, %and3A_92 : vector<16xi32>
        %mul3A_94 = arith.constant 16 : i32
        %mul3A_95 = arith.muli %scan3A_85, %mul3A_94 : i32
        %swap3A = arith.index_cast %mul3A_95 : i32 to index
        %swap3A_96 = tpu.vector_load %arg11[%swap3A] {strides = array<i32>} : memref<80xi32, #tpu.memory_space<vmem>>, vector<16xi32>,
        %swap3A_97 = vector.shape_cast %swap3A_96 : vector<16xi32> to vector<16xi32>
        %swap3A_98 = vector.shape_cast %and3A_93 : vector<16xi32> to vector<16xi32>
        tpu.vector_store %arg11[%swap3A], %swap3A_98 {strides = array<i32>} : memref<80xi32, #tpu.memory_space<vmem>>, vector<16xi32>,
        %scan3A_99 = arith.constant 0 : i32
        scf.yield %scan3A_99 : i32
      }
      %scan3A_43 = arith.constant 5 : i32
      %dma_start3A = arith.constant 0 : i32
      %dma_start3A_44 = arith.constant 0 : i32
      %dma_start3A_45 = tpu.memref_slice %arg2[%dma_start3A, %dma_start3A_44] : memref<10000x128xf32, #tpu.memory_space<hbm>> -> memref<10000x128xf32, #tpu.memory_space<hbm>>
      tpu.enqueue_indirect_dma source(%dma_start3A_45 : memref<10000x128xf32, #tpu.memory_space<hbm>>) target(%arg6 : memref<80x128xf32, #tpu.memory_space<vmem>>) offsets(%arg10 : memref<80xi32, #tpu.memory_space<vmem>>) semaphore(%arg14 : memref<!tpu.dma_semaphore, #tpu.memory_space<semaphore_mem>>)
      %dma_start3A_46 = arith.constant 0 : i32
      %dma_start3A_47 = arith.constant 0 : i32
      %dma_start3A_48 = tpu.memref_slice %arg2[%dma_start3A_46, %dma_start3A_47] : memref<10000x128xf32, #tpu.memory_space<hbm>> -> memref<10000x128xf32, #tpu.memory_space<hbm>>
      tpu.enqueue_indirect_dma source(%dma_start3A_48 : memref<10000x128xf32, #tpu.memory_space<hbm>>) target(%arg7 : memref<80x128xf32, #tpu.memory_space<vmem>>) offsets(%arg11 : memref<80xi32, #tpu.memory_space<vmem>>) semaphore(%arg15 : memref<!tpu.dma_semaphore, #tpu.memory_space<semaphore_mem>>)
      %dma_wait3A = arith.constant 0 : i32
      %dma_wait3A_49 = arith.constant 0 : i32
      %dma_wait3A_50 = tpu.memref_slice %arg2[%dma_wait3A, %dma_wait3A_49] : memref<10000x128xf32, #tpu.memory_space<hbm>> -> memref<10000x128xf32, #tpu.memory_space<hbm>>
      tpu.wait_indirect_dma semaphore(%arg14 : memref<!tpu.dma_semaphore, #tpu.memory_space<semaphore_mem>>) src(%dma_wait3A_50 : memref<10000x128xf32, #tpu.memory_space<hbm>>) dst(%arg6 : memref<80x128xf32, #tpu.memory_space<vmem>>)
      %scan3A_51 = arith.constant 0 : i32
      %scan3A_52 = arith.constant 0 : i32
      %scan3A_53 = arith.constant 5 : i32
      %scan3A_54 = arith.addi %scan3A_52, %scan3A_53 : i32
      %scan3A_55 = arith.constant 1 : i32
      %scan3A_56 = scf.for %scan3A_85 = %scan3A_52 to %scan3A_54 step %scan3A_55 iter_args(%scan3A_86 = %scan3A_51) -> (i32)  : i32 {
        %mul3A_87 = arith.constant 16 : i32
        %mul3A_88 = arith.muli %scan3A_85, %mul3A_87 : i32
        %get3A = arith.index_cast %mul3A_28 : i32 to index
        %get3A_89 = arith.index_cast %mul3A_88 : i32 to index
        %get3A_90 = tpu.vector_load %arg9[%get3A, %get3A_89] {strides = array<i32>} : memref<136x80xf32, #tpu.memory_space<vmem>>, vector<1x16xf32>,
        %get3A_91 = vector.shape_cast %get3A_90 : vector<1x16xf32> to vector<16xf32>
        %broadcast_in_dim3A_92 = arith.constant 0 : i32
        %broadcast_in_dim3A_93 = vector.broadcast %broadcast_in_dim3A_92 : i32 to vector<16x1xi32>
        %gather3A = vector.shape_cast %broadcast_in_dim3A_93 : vector<16x1xi32> to vector<16xi32>
        %gather3A_94 = tpu.dynamic_gather %get3A_91[%gather3A] in [0] : vector<16xf32>, vector<16xi32> -> vector<16xf32>
        %mul3A_95 = arith.constant 16 : i32
        %mul3A_96 = arith.muli %scan3A_85, %mul3A_95 : i32
        %add3A_97 = arith.constant 0 : i32
        %add3A_98 = arith.addi %mul3A_96, %add3A_97 : i32
        %get3A_99 = arith.index_cast %add3A_98 : i32 to index
        %get3A_100 = arith.constant 0 : index
        %get3A_101 = tpu.vector_load %arg6[%get3A_99, %get3A_100] {strides = array<i32>} : memref<80x128xf32, #tpu.memory_space<vmem>>, vector<1x16xf32>,
        %get3A_102 = vector.shape_cast %get3A_101 : vector<1x16xf32> to vector<16xf32>
        %mul3A_103 = arith.mulf %get3A_102, %gather3A_94 : vector<16xf32>
        %swap3A = arith.index_cast %add3A_98 : i32 to index
        %swap3A_104 = arith.constant 0 : index
        %swap3A_105 = tpu.vector_load %arg6[%swap3A, %swap3A_104] {strides = array<i32>} : memref<80x128xf32, #tpu.memory_space<vmem>>, vector<1x16xf32>,
        %swap3A_106 = vector.shape_cast %swap3A_105 : vector<1x16xf32> to vector<16xf32>
        %swap3A_107 = vector.shape_cast %mul3A_103 : vector<16xf32> to vector<1x16xf32>
        tpu.vector_store %arg6[%swap3A, %swap3A_104], %swap3A_107 {strides = array<i32>} : memref<80x128xf32, #tpu.memory_space<vmem>>, vector<1x16xf32>,
        %get3A_108 = arith.index_cast %add3A_98 : i32 to index
        %get3A_109 = arith.constant 16 : index
        %get3A_110 = tpu.vector_load %arg6[%get3A_108, %get3A_109] {strides = array<i32>} : memref<80x128xf32, #tpu.memory_space<vmem>>, vector<1x16xf32>,
        %get3A_111 = vector.shape_cast %get3A_110 : vector<1x16xf32> to vector<16xf32>
        %mul3A_112 = arith.mulf %get3A_111, %gather3A_94 : vector<16xf32>
        %swap3A_113 = arith.index_cast %add3A_98 : i32 to index
        %swap3A_114 = arith.constant 16 : index
        %swap3A_115 = tpu.vector_load %arg6[%swap3A_113, %swap3A_114] {strides = array<i32>} : memref<80x128xf32, #tpu.memory_space<vmem>>, vector<1x16xf32>,
        %swap3A_116 = vector.shape_cast %swap3A_115 : vector<1x16xf32> to vector<16xf32>
        %swap3A_117 = vector.shape_cast %mul3A_112 : vector<16xf32> to vector<1x16xf32>
        tpu.vector_store %arg6[%swap3A_113, %swap3A_114], %swap3A_117 {strides = array<i32>} : memref<80x128xf32, #tpu.memory_space<vmem>>, vector<1x16xf32>,
        %get3A_118 = arith.index_cast %add3A_98 : i32 to index
        %get3A_119 = arith.constant 32 : index
        %get3A_120 = tpu.vector_load %arg6[%get3A_118, %get3A_119] {strides = array<i32>} : memref<80x128xf32, #tpu.memory_space<vmem>>, vector<1x16xf32>,
        %get3A_121 = vector.shape_cast %get3A_120 : vector<1x16xf32> to vector<16xf32>
        %mul3A_122 = arith.mulf %get3A_121, %gather3A_94 : vector<16xf32>
        %swap3A_123 = arith.index_cast %add3A_98 : i32 to index
        %swap3A_124 = arith.constant 32 : index
        %swap3A_125 = tpu.vector_load %arg6[%swap3A_123, %swap3A_124] {strides = array<i32>} : memref<80x128xf32, #tpu.memory_space<vmem>>, vector<1x16xf32>,
        %swap3A_126 = vector.shape_cast %swap3A_125 : vector<1x16xf32> to vector<16xf32>
        %swap3A_127 = vector.shape_cast %mul3A_122 : vector<16xf32> to vector<1x16xf32>
        tpu.vector_store %arg6[%swap3A_123, %swap3A_124], %swap3A_127 {strides = array<i32>} : memref<80x128xf32, #tpu.memory_space<vmem>>, vector<1x16xf32>,
        %get3A_128 = arith.index_cast %add3A_98 : i32 to index
        %get3A_129 = arith.constant 48 : index
        %get3A_130 = tpu.vector_load %arg6[%get3A_128, %get3A_129] {strides = array<i32>} : memref<80x128xf32, #tpu.memory_space<vmem>>, vector<1x16xf32>,
        %get3A_131 = vector.shape_cast %get3A_130 : vector<1x16xf32> to vector<16xf32>
        %mul3A_132 = arith.mulf %get3A_131, %gather3A_94 : vector<16xf32>
        %swap3A_133 = arith.index_cast %add3A_98 : i32 to index
        %swap3A_134 = arith.constant 48 : index
        %swap3A_135 = tpu.vector_load %arg6[%swap3A_133, %swap3A_134] {strides = array<i32>} : memref<80x128xf32, #tpu.memory_space<vmem>>, vector<1x16xf32>,
        %swap3A_136 = vector.shape_cast %swap3A_135 : vector<1x16xf32> to vector<16xf32>
        %swap3A_137 = vector.shape_cast %mul3A_132 : vector<16xf32> to vector<1x16xf32>
        tpu.vector_store %arg6[%swap3A_133, %swap3A_134], %swap3A_137 {strides = array<i32>} : memref<80x128xf32, #tpu.memory_space<vmem>>, vector<1x16xf32>,
        %broadcast_in_dim3A_138 = arith.constant 1 : i32
        %broadcast_in_dim3A_139 = vector.broadcast %broadcast_in_dim3A_138 : i32 to vector<16x1xi32>
        %gather3A_140 = vector.shape_cast %broadcast_in_dim3A_139 : vector<16x1xi32> to vector<16xi32>
        %gather3A_141 = tpu.dynamic_gather %get3A_91[%gather3A_140] in [0] : vector<16xf32>, vector<16xi32> -> vector<16xf32>
        %mul3A_142 = arith.constant 16 : i32
        %mul3A_143 = arith.muli %scan3A_85, %mul3A_142 : i32
        %add3A_144 = arith.constant 1 : i32
        %add3A_145 = arith.addi %mul3A_143, %add3A_144 : i32
        %get3A_146 = arith.index_cast %add3A_145 : i32 to index
        %get3A_147 = arith.constant 0 : index
        %get3A_148 = tpu.vector_load %arg6[%get3A_146, %get3A_147] {strides = array<i32>} : memref<80x128xf32, #tpu.memory_space<vmem>>, vector<1x16xf32>,
        %get3A_149 = vector.shape_cast %get3A_148 : vector<1x16xf32> to vector<16xf32>
        %mul3A_150 = arith.mulf %get3A_149, %gather3A_141 : vector<16xf32>
        %swap3A_151 = arith.index_cast %add3A_145 : i32 to index
        %swap3A_152 = arith.constant 0 : index
        %swap3A_153 = tpu.vector_load %arg6[%swap3A_151, %swap3A_152] {strides = array<i32>} : memref<80x128xf32, #tpu.memory_space<vmem>>, vector<1x16xf32>,
        %swap3A_154 = vector.shape_cast %swap3A_153 : vector<1x16xf32> to vector<16xf32>
        %swap3A_155 = vector.shape_cast %mul3A_150 : vector<16xf32> to vector<1x16xf32>
        tpu.vector_store %arg6[%swap3A_151, %swap3A_152], %swap3A_155 {strides = array<i32>} : memref<80x128xf32, #tpu.memory_space<vmem>>, vector<1x16xf32>,
        %get3A_156 = arith.index_cast %add3A_145 : i32 to index
        %get3A_157 = arith.constant 16 : index
        %get3A_158 = tpu.vector_load %arg6[%get3A_156, %get3A_157] {strides = array<i32>} : memref<80x128xf32, #tpu.memory_space<vmem>>, vector<1x16xf32>,
        %get3A_159 = vector.shape_cast %get3A_158 : vector<1x16xf32> to vector<16xf32>
        %mul3A_160 = arith.mulf %get3A_159, %gather3A_141 : vector<16xf32>
        %swap3A_161 = arith.index_cast %add3A_145 : i32 to index
        %swap3A_162 = arith.constant 16 : index
        %swap3A_163 = tpu.vector_load %arg6[%swap3A_161, %swap3A_162] {strides = array<i32>} : memref<80x128xf32, #tpu.memory_space<vmem>>, vector<1x16xf32>,
        %swap3A_164 = vector.shape_cast %swap3A_163 : vector<1x16xf32> to vector<16xf32>
        %swap3A_165 = vector.shape_cast %mul3A_160 : vector<16xf32> to vector<1x16xf32>
        tpu.vector_store %arg6[%swap3A_161, %swap3A_162], %swap3A_165 {strides = array<i32>} : memref<80x128xf32, #tpu.memory_space<vmem>>, vector<1x16xf32>,
        %get3A_166 = arith.index_cast %add3A_145 : i32 to index
        %get3A_167 = arith.constant 32 : index
        %get3A_168 = tpu.vector_load %arg6[%get3A_166, %get3A_167] {strides = array<i32>} : memref<80x128xf32, #tpu.memory_space<vmem>>, vector<1x16xf32>,
        %get3A_169 = vector.shape_cast %get3A_168 : vector<1x16xf32> to vector<16xf32>
        %mul3A_170 = arith.mulf %get3A_169, %gather3A_141 : vector<16xf32>
        %swap3A_171 = arith.index_cast %add3A_145 : i32 to index
        %swap3A_172 = arith.constant 32 : index
        %swap3A_173 = tpu.vector_load %arg6[%swap3A_171, %swap3A_172] {strides = array<i32>} : memref<80x128xf32, #tpu.memory_space<vmem>>, vector<1x16xf32>,
        %swap3A_174 = vector.shape_cast %swap3A_173 : vector<1x16xf32> to vector<16xf32>
        %swap3A_175 = vector.shape_cast %mul3A_170 : vector<16xf32> to vector<1x16xf32>
        tpu.vector_store %arg6[%swap3A_171, %swap3A_172], %swap3A_175 {strides = array<i32>} : memref<80x128xf32, #tpu.memory_space<vmem>>, vector<1x16xf32>,
        %get3A_176 = arith.index_cast %add3A_145 : i32 to index
        %get3A_177 = arith.constant 48 : index
        %get3A_178 = tpu.vector_load %arg6[%get3A_176, %get3A_177] {strides = array<i32>} : memref<80x128xf32, #tpu.memory_space<vmem>>, vector<1x16xf32>,
        %get3A_179 = vector.shape_cast %get3A_178 : vector<1x16xf32> to vector<16xf32>
        %mul3A_180 = arith.mulf %get3A_179, %gather3A_141 : vector<16xf32>
        %swap3A_181 = arith.index_cast %add3A_145 : i32 to index
        %swap3A_182 = arith.constant 48 : index
        %swap3A_183 = tpu.vector_load %arg6[%swap3A_181, %swap3A_182] {strides = array<i32>} : memref<80x128xf32, #tpu.memory_space<vmem>>, vector<1x16xf32>,
        %swap3A_184 = vector.shape_cast %swap3A_183 : vector<1x16xf32> to vector<16xf32>
        %swap3A_185 = vector.shape_cast %mul3A_180 : vector<16xf32> to vector<1x16xf32>
        tpu.vector_store %arg6[%swap3A_181, %swap3A_182], %swap3A_185 {strides = array<i32>} : memref<80x128xf32, #tpu.memory_space<vmem>>, vector<1x16xf32>,
        %broadcast_in_dim3A_186 = arith.constant 2 : i32
        %broadcast_in_dim3A_187 = vector.broadcast %broadcast_in_dim3A_186 : i32 to vector<16x1xi32>
        %gather3A_188 = vector.shape_cast %broadcast_in_dim3A_187 : vector<16x1xi32> to vector<16xi32>
        %gather3A_189 = tpu.dynamic_gather %get3A_91[%gather3A_188] in [0] : vector<16xf32>, vector<16xi32> -> vector<16xf32>
        %mul3A_190 = arith.constant 16 : i32
        %mul3A_191 = arith.muli %scan3A_85, %mul3A_190 : i32
        %add3A_192 = arith.constant 2 : i32
        %add3A_193 = arith.addi %mul3A_191, %add3A_192 : i32
        %get3A_194 = arith.index_cast %add3A_193 : i32 to index
        %get3A_195 = arith.constant 0 : index
        %get3A_196 = tpu.vector_load %arg6[%get3A_194, %get3A_195] {strides = array<i32>} : memref<80x128xf32, #tpu.memory_space<vmem>>, vector<1x16xf32>,
        %get3A_197 = vector.shape_cast %get3A_196 : vector<1x16xf32> to vector<16xf32>
        %mul3A_198 = arith.mulf %get3A_197, %gather3A_189 : vector<16xf32>
        %swap3A_199 = arith.index_cast %add3A_193 : i32 to index
        %swap3A_200 = arith.constant 0 : index
        %swap3A_201 = tpu.vector_load %arg6[%swap3A_199, %swap3A_200] {strides = array<i32>} : memref<80x128xf32, #tpu.memory_space<vmem>>, vector<1x16xf32>,
        %swap3A_202 = vector.shape_cast %swap3A_201 : vector<1x16xf32> to vector<16xf32>
        %swap3A_203 = vector.shape_cast %mul3A_198 : vector<16xf32> to vector<1x16xf32>
        tpu.vector_store %arg6[%swap3A_199, %swap3A_200], %swap3A_203 {strides = array<i32>} : memref<80x128xf32, #tpu.memory_space<vmem>>, vector<1x16xf32>,
        %get3A_204 = arith.index_cast %add3A_193 : i32 to index
        %get3A_205 = arith.constant 16 : index
        %get3A_206 = tpu.vector_load %arg6[%get3A_204, %get3A_205] {strides = array<i32>} : memref<80x128xf32, #tpu.memory_space<vmem>>, vector<1x16xf32>,
        %get3A_207 = vector.shape_cast %get3A_206 : vector<1x16xf32> to vector<16xf32>
        %mul3A_208 = arith.mulf %get3A_207, %gather3A_189 : vector<16xf32>
        %swap3A_209 = arith.index_cast %add3A_193 : i32 to index
        %swap3A_210 = arith.constant 16 : index
        %swap3A_211 = tpu.vector_load %arg6[%swap3A_209, %swap3A_210] {strides = array<i32>} : memref<80x128xf32, #tpu.memory_space<vmem>>, vector<1x16xf32>,
        %swap3A_212 = vector.shape_cast %swap3A_211 : vector<1x16xf32> to vector<16xf32>
        %swap3A_213 = vector.shape_cast %mul3A_208 : vector<16xf32> to vector<1x16xf32>
        tpu.vector_store %arg6[%swap3A_209, %swap3A_210], %swap3A_213 {strides = array<i32>} : memref<80x128xf32, #tpu.memory_space<vmem>>, vector<1x16xf32>,
        %get3A_214 = arith.index_cast %add3A_193 : i32 to index
        %get3A_215 = arith.constant 32 : index
        %get3A_216 = tpu.vector_load %arg6[%get3A_214, %get3A_215] {strides = array<i32>} : memref<80x128xf32, #tpu.memory_space<vmem>>, vector<1x16xf32>,
        %get3A_217 = vector.shape_cast %get3A_216 : vector<1x16xf32> to vector<16xf32>
        %mul3A_218 = arith.mulf %get3A_217, %gather3A_189 : vector<16xf32>
        %swap3A_219 = arith.index_cast %add3A_193 : i32 to index
        %swap3A_220 = arith.constant 32 : index
        %swap3A_221 = tpu.vector_load %arg6[%swap3A_219, %swap3A_220] {strides = array<i32>} : memref<80x128xf32, #tpu.memory_space<vmem>>, vector<1x16xf32>,
        %swap3A_222 = vector.shape_cast %swap3A_221 : vector<1x16xf32> to vector<16xf32>
        %swap3A_223 = vector.shape_cast %mul3A_218 : vector<16xf32> to vector<1x16xf32>
        tpu.vector_store %arg6[%swap3A_219, %swap3A_220], %swap3A_223 {strides = array<i32>} : memref<80x128xf32, #tpu.memory_space<vmem>>, vector<1x16xf32>,
        %get3A_224 = arith.index_cast %add3A_193 : i32 to index
        %get3A_225 = arith.constant 48 : index
        %get3A_226 = tpu.vector_load %arg6[%get3A_224, %get3A_225] {strides = array<i32>} : memref<80x128xf32, #tpu.memory_space<vmem>>, vector<1x16xf32>,
        %get3A_227 = vector.shape_cast %get3A_226 : vector<1x16xf32> to vector<16xf32>
        %mul3A_228 = arith.mulf %get3A_227, %gather3A_189 : vector<16xf32>
        %swap3A_229 = arith.index_cast %add3A_193 : i32 to index
        %swap3A_230 = arith.constant 48 : index
        %swap3A_231 = tpu.vector_load %arg6[%swap3A_229, %swap3A_230] {strides = array<i32>} : memref<80x128xf32, #tpu.memory_space<vmem>>, vector<1x16xf32>,
        %swap3A_232 = vector.shape_cast %swap3A_231 : vector<1x16xf32> to vector<16xf32>
        %swap3A_233 = vector.shape_cast %mul3A_228 : vector<16xf32> to vector<1x16xf32>
        tpu.vector_store %arg6[%swap3A_229, %swap3A_230], %swap3A_233 {strides = array<i32>} : memref<80x128xf32, #tpu.memory_space<vmem>>, vector<1x16xf32>,
        %broadcast_in_dim3A_234 = arith.constant 3 : i32
        %broadcast_in_dim3A_235 = vector.broadcast %broadcast_in_dim3A_234 : i32 to vector<16x1xi32>
        %gather3A_236 = vector.shape_cast %broadcast_in_dim3A_235 : vector<16x1xi32> to vector<16xi32>
        %gather3A_237 = tpu.dynamic_gather %get3A_91[%gather3A_236] in [0] : vector<16xf32>, vector<16xi32> -> vector<16xf32>
        %mul3A_238 = arith.constant 16 : i32
        %mul3A_239 = arith.muli %scan3A_85, %mul3A_238 : i32
        %add3A_240 = arith.constant 3 : i32
        %add3A_241 = arith.addi %mul3A_239, %add3A_240 : i32
        %get3A_242 = arith.index_cast %add3A_241 : i32 to index
        %get3A_243 = arith.constant 0 : index
        %get3A_244 = tpu.vector_load %arg6[%get3A_242, %get3A_243] {strides = array<i32>} : memref<80x128xf32, #tpu.memory_space<vmem>>, vector<1x16xf32>,
        %get3A_245 = vector.shape_cast %get3A_244 : vector<1x16xf32> to vector<16xf32>
        %mul3A_246 = arith.mulf %get3A_245, %gather3A_237 : vector<16xf32>
        %swap3A_247 = arith.index_cast %add3A_241 : i32 to index
        %swap3A_248 = arith.constant 0 : index
        %swap3A_249 = tpu.vector_load %arg6[%swap3A_247, %swap3A_248] {strides = array<i32>} : memref<80x128xf32, #tpu.memory_space<vmem>>, vector<1x16xf32>,
        %swap3A_250 = vector.shape_cast %swap3A_249 : vector<1x16xf32> to vector<16xf32>
        %swap3A_251 = vector.shape_cast %mul3A_246 : vector<16xf32> to vector<1x16xf32>
        tpu.vector_store %arg6[%swap3A_247, %swap3A_248], %swap3A_251 {strides = array<i32>} : memref<80x128xf32, #tpu.memory_space<vmem>>, vector<1x16xf32>,
        %get3A_252 = arith.index_cast %add3A_241 : i32 to index
        %get3A_253 = arith.constant 16 : index
        %get3A_254 = tpu.vector_load %arg6[%get3A_252, %get3A_253] {strides = array<i32>} : memref<80x128xf32, #tpu.memory_space<vmem>>, vector<1x16xf32>,
        %get3A_255 = vector.shape_cast %get3A_254 : vector<1x16xf32> to vector<16xf32>
        %mul3A_256 = arith.mulf %get3A_255, %gather3A_237 : vector<16xf32>
        %swap3A_257 = arith.index_cast %add3A_241 : i32 to index
        %swap3A_258 = arith.constant 16 : index
        %swap3A_259 = tpu.vector_load %arg6[%swap3A_257, %swap3A_258] {strides = array<i32>} : memref<80x128xf32, #tpu.memory_space<vmem>>, vector<1x16xf32>,
        %swap3A_260 = vector.shape_cast %swap3A_259 : vector<1x16xf32> to vector<16xf32>
        %swap3A_261 = vector.shape_cast %mul3A_256 : vector<16xf32> to vector<1x16xf32>
        tpu.vector_store %arg6[%swap3A_257, %swap3A_258], %swap3A_261 {strides = array<i32>} : memref<80x128xf32, #tpu.memory_space<vmem>>, vector<1x16xf32>,
        %get3A_262 = arith.index_cast %add3A_241 : i32 to index
        %get3A_263 = arith.constant 32 : index
        %get3A_264 = tpu.vector_load %arg6[%get3A_262, %get3A_263] {strides = array<i32>} : memref<80x128xf32, #tpu.memory_space<vmem>>, vector<1x16xf32>,
        %get3A_265 = vector.shape_cast %get3A_264 : vector<1x16xf32> to vector<16xf32>
        %mul3A_266 = arith.mulf %get3A_265, %gather3A_237 : vector<16xf32>
        %swap3A_267 = arith.index_cast %add3A_241 : i32 to index
        %swap3A_268 = arith.constant 32 : index
        %swap3A_269 = tpu.vector_load %arg6[%swap3A_267, %swap3A_268] {strides = array<i32>} : memref<80x128xf32, #tpu.memory_space<vmem>>, vector<1x16xf32>,
        %swap3A_270 = vector.shape_cast %swap3A_269 : vector<1x16xf32> to vector<16xf32>
        %swap3A_271 = vector.shape_cast %mul3A_266 : vector<16xf32> to vector<1x16xf32>
        tpu.vector_store %arg6[%swap3A_267, %swap3A_268], %swap3A_271 {strides = array<i32>} : memref<80x128xf32, #tpu.memory_space<vmem>>, vector<1x16xf32>,
        %get3A_272 = arith.index_cast %add3A_241 : i32 to index
        %get3A_273 = arith.constant 48 : index
        %get3A_274 = tpu.vector_load %arg6[%get3A_272, %get3A_273] {strides = array<i32>} : memref<80x128xf32, #tpu.memory_space<vmem>>, vector<1x16xf32>,
        %get3A_275 = vector.shape_cast %get3A_274 : vector<1x16xf32> to vector<16xf32>
        %mul3A_276 = arith.mulf %get3A_275, %gather3A_237 : vector<16xf32>
        %swap3A_277 = arith.index_cast %add3A_241 : i32 to index
        %swap3A_278 = arith.constant 48 : index
        %swap3A_279 = tpu.vector_load %arg6[%swap3A_277, %swap3A_278] {strides = array<i32>} : memref<80x128xf32, #tpu.memory_space<vmem>>, vector<1x16xf32>,
        %swap3A_280 = vector.shape_cast %swap3A_279 : vector<1x16xf32> to vector<16xf32>
        %swap3A_281 = vector.shape_cast %mul3A_276 : vector<16xf32> to vector<1x16xf32>
        tpu.vector_store %arg6[%swap3A_277, %swap3A_278], %swap3A_281 {strides = array<i32>} : memref<80x128xf32, #tpu.memory_space<vmem>>, vector<1x16xf32>,
        %broadcast_in_dim3A_282 = arith.constant 4 : i32
        %broadcast_in_dim3A_283 = vector.broadcast %broadcast_in_dim3A_282 : i32 to vector<16x1xi32>
        %gather3A_284 = vector.shape_cast %broadcast_in_dim3A_283 : vector<16x1xi32> to vector<16xi32>
        %gather3A_285 = tpu.dynamic_gather %get3A_91[%gather3A_284] in [0] : vector<16xf32>, vector<16xi32> -> vector<16xf32>
        %mul3A_286 = arith.constant 16 : i32
        %mul3A_287 = arith.muli %scan3A_85, %mul3A_286 : i32
        %add3A_288 = arith.constant 4 : i32
        %add3A_289 = arith.addi %mul3A_287, %add3A_288 : i32
        %get3A_290 = arith.index_cast %add3A_289 : i32 to index
        %get3A_291 = arith.constant 0 : index
        %get3A_292 = tpu.vector_load %arg6[%get3A_290, %get3A_291] {strides = array<i32>} : memref<80x128xf32, #tpu.memory_space<vmem>>, vector<1x16xf32>,
        %get3A_293 = vector.shape_cast %get3A_292 : vector<1x16xf32> to vector<16xf32>
        %mul3A_294 = arith.mulf %get3A_293, %gather3A_285 : vector<16xf32>
        %swap3A_295 = arith.index_cast %add3A_289 : i32 to index
        %swap3A_296 = arith.constant 0 : index
        %swap3A_297 = tpu.vector_load %arg6[%swap3A_295, %swap3A_296] {strides = array<i32>} : memref<80x128xf32, #tpu.memory_space<vmem>>, vector<1x16xf32>,
        %swap3A_298 = vector.shape_cast %swap3A_297 : vector<1x16xf32> to vector<16xf32>
        %swap3A_299 = vector.shape_cast %mul3A_294 : vector<16xf32> to vector<1x16xf32>
        tpu.vector_store %arg6[%swap3A_295, %swap3A_296], %swap3A_299 {strides = array<i32>} : memref<80x128xf32, #tpu.memory_space<vmem>>, vector<1x16xf32>,
        %get3A_300 = arith.index_cast %add3A_289 : i32 to index
        %get3A_301 = arith.constant 16 : index
        %get3A_302 = tpu.vector_load %arg6[%get3A_300, %get3A_301] {strides = array<i32>} : memref<80x128xf32, #tpu.memory_space<vmem>>, vector<1x16xf32>,
        %get3A_303 = vector.shape_cast %get3A_302 : vector<1x16xf32> to vector<16xf32>
        %mul3A_304 = arith.mulf %get3A_303, %gather3A_285 : vector<16xf32>
        %swap3A_305 = arith.index_cast %add3A_289 : i32 to index
        %swap3A_306 = arith.constant 16 : index
        %swap3A_307 = tpu.vector_load %arg6[%swap3A_305, %swap3A_306] {strides = array<i32>} : memref<80x128xf32, #tpu.memory_space<vmem>>, vector<1x16xf32>,
        %swap3A_308 = vector.shape_cast %swap3A_307 : vector<1x16xf32> to vector<16xf32>
        %swap3A_309 = vector.shape_cast %mul3A_304 : vector<16xf32> to vector<1x16xf32>
        tpu.vector_store %arg6[%swap3A_305, %swap3A_306], %swap3A_309 {strides = array<i32>} : memref<80x128xf32, #tpu.memory_space<vmem>>, vector<1x16xf32>,
        %get3A_310 = arith.index_cast %add3A_289 : i32 to index
        %get3A_311 = arith.constant 32 : index
        %get3A_312 = tpu.vector_load %arg6[%get3A_310, %get3A_311] {strides = array<i32>} : memref<80x128xf32, #tpu.memory_space<vmem>>, vector<1x16xf32>,
        %get3A_313 = vector.shape_cast %get3A_312 : vector<1x16xf32> to vector<16xf32>
        %mul3A_314 = arith.mulf %get3A_313, %gather3A_285 : vector<16xf32>
        %swap3A_315 = arith.index_cast %add3A_289 : i32 to index
        %swap3A_316 = arith.constant 32 : index
        %swap3A_317 = tpu.vector_load %arg6[%swap3A_315, %swap3A_316] {strides = array<i32>} : memref<80x128xf32, #tpu.memory_space<vmem>>, vector<1x16xf32>,
        %swap3A_318 = vector.shape_cast %swap3A_317 : vector<1x16xf32> to vector<16xf32>
        %swap3A_319 = vector.shape_cast %mul3A_314 : vector<16xf32> to vector<1x16xf32>
        tpu.vector_store %arg6[%swap3A_315, %swap3A_316], %swap3A_319 {strides = array<i32>} : memref<80x128xf32, #tpu.memory_space<vmem>>, vector<1x16xf32>,
        %get3A_320 = arith.index_cast %add3A_289 : i32 to index
        %get3A_321 = arith.constant 48 : index
        %get3A_322 = tpu.vector_load %arg6[%get3A_320, %get3A_321] {strides = array<i32>} : memref<80x128xf32, #tpu.memory_space<vmem>>, vector<1x16xf32>,
        %get3A_323 = vector.shape_cast %get3A_322 : vector<1x16xf32> to vector<16xf32>
        %mul3A_324 = arith.mulf %get3A_323, %gather3A_285 : vector<16xf32>
        %swap3A_325 = arith.index_cast %add3A_289 : i32 to index
        %swap3A_326 = arith.constant 48 : index
        %swap3A_327 = tpu.vector_load %arg6[%swap3A_325, %swap3A_326] {strides = array<i32>} : memref<80x128xf32, #tpu.memory_space<vmem>>, vector<1x16xf32>,
        %swap3A_328 = vector.shape_cast %swap3A_327 : vector<1x16xf32> to vector<16xf32>
        %swap3A_329 = vector.shape_cast %mul3A_324 : vector<16xf32> to vector<1x16xf32>
        tpu.vector_store %arg6[%swap3A_325, %swap3A_326], %swap3A_329 {strides = array<i32>} : memref<80x128xf32, #tpu.memory_space<vmem>>, vector<1x16xf32>,
        %broadcast_in_dim3A_330 = arith.constant 5 : i32
        %broadcast_in_dim3A_331 = vector.broadcast %broadcast_in_dim3A_330 : i32 to vector<16x1xi32>
        %gather3A_332 = vector.shape_cast %broadcast_in_dim3A_331 : vector<16x1xi32> to vector<16xi32>
        %gather3A_333 = tpu.dynamic_gather %get3A_91[%gather3A_332] in [0] : vector<16xf32>, vector<16xi32> -> vector<16xf32>
        %mul3A_334 = arith.constant 16 : i32
        %mul3A_335 = arith.muli %scan3A_85, %mul3A_334 : i32
        %add3A_336 = arith.constant 5 : i32
        %add3A_337 = arith.addi %mul3A_335, %add3A_336 : i32
        %get3A_338 = arith.index_cast %add3A_337 : i32 to index
        %get3A_339 = arith.constant 0 : index
        %get3A_340 = tpu.vector_load %arg6[%get3A_338, %get3A_339] {strides = array<i32>} : memref<80x128xf32, #tpu.memory_space<vmem>>, vector<1x16xf32>,
        %get3A_341 = vector.shape_cast %get3A_340 : vector<1x16xf32> to vector<16xf32>
        %mul3A_342 = arith.mulf %get3A_341, %gather3A_333 : vector<16xf32>
        %swap3A_343 = arith.index_cast %add3A_337 : i32 to index
        %swap3A_344 = arith.constant 0 : index
        %swap3A_345 = tpu.vector_load %arg6[%swap3A_343, %swap3A_344] {strides = array<i32>} : memref<80x128xf32, #tpu.memory_space<vmem>>, vector<1x16xf32>,
        %swap3A_346 = vector.shape_cast %swap3A_345 : vector<1x16xf32> to vector<16xf32>
        %swap3A_347 = vector.shape_cast %mul3A_342 : vector<16xf32> to vector<1x16xf32>
        tpu.vector_store %arg6[%swap3A_343, %swap3A_344], %swap3A_347 {strides = array<i32>} : memref<80x128xf32, #tpu.memory_space<vmem>>, vector<1x16xf32>,
        %get3A_348 = arith.index_cast %add3A_337 : i32 to index
        %get3A_349 = arith.constant 16 : index
        %get3A_350 = tpu.vector_load %arg6[%get3A_348, %get3A_349] {strides = array<i32>} : memref<80x128xf32, #tpu.memory_space<vmem>>, vector<1x16xf32>,
        %get3A_351 = vector.shape_cast %get3A_350 : vector<1x16xf32> to vector<16xf32>
        %mul3A_352 = arith.mulf %get3A_351, %gather3A_333 : vector<16xf32>
        %swap3A_353 = arith.index_cast %add3A_337 : i32 to index
        %swap3A_354 = arith.constant 16 : index
        %swap3A_355 = tpu.vector_load %arg6[%swap3A_353, %swap3A_354] {strides = array<i32>} : memref<80x128xf32, #tpu.memory_space<vmem>>, vector<1x16xf32>,
        %swap3A_356 = vector.shape_cast %swap3A_355 : vector<1x16xf32> to vector<16xf32>
        %swap3A_357 = vector.shape_cast %mul3A_352 : vector<16xf32> to vector<1x16xf32>
        tpu.vector_store %arg6[%swap3A_353, %swap3A_354], %swap3A_357 {strides = array<i32>} : memref<80x128xf32, #tpu.memory_space<vmem>>, vector<1x16xf32>,
        %get3A_358 = arith.index_cast %add3A_337 : i32 to index
        %get3A_359 = arith.constant 32 : index
        %get3A_360 = tpu.vector_load %arg6[%get3A_358, %get3A_359] {strides = array<i32>} : memref<80x128xf32, #tpu.memory_space<vmem>>, vector<1x16xf32>,
        %get3A_361 = vector.shape_cast %get3A_360 : vector<1x16xf32> to vector<16xf32>
        %mul3A_362 = arith.mulf %get3A_361, %gather3A_333 : vector<16xf32>
        %swap3A_363 = arith.index_cast %add3A_337 : i32 to index
        %swap3A_364 = arith.constant 32 : index
        %swap3A_365 = tpu.vector_load %arg6[%swap3A_363, %swap3A_364] {strides = array<i32>} : memref<80x128xf32, #tpu.memory_space<vmem>>, vector<1x16xf32>,
        %swap3A_366 = vector.shape_cast %swap3A_365 : vector<1x16xf32> to vector<16xf32>
        %swap3A_367 = vector.shape_cast %mul3A_362 : vector<16xf32> to vector<1x16xf32>
        tpu.vector_store %arg6[%swap3A_363, %swap3A_364], %swap3A_367 {strides = array<i32>} : memref<80x128xf32, #tpu.memory_space<vmem>>, vector<1x16xf32>,
        %get3A_368 = arith.index_cast %add3A_337 : i32 to index
        %get3A_369 = arith.constant 48 : index
        %get3A_370 = tpu.vector_load %arg6[%get3A_368, %get3A_369] {strides = array<i32>} : memref<80x128xf32, #tpu.memory_space<vmem>>, vector<1x16xf32>,
        %get3A_371 = vector.shape_cast %get3A_370 : vector<1x16xf32> to vector<16xf32>
        %mul3A_372 = arith.mulf %get3A_371, %gather3A_333 : vector<16xf32>
        %swap3A_373 = arith.index_cast %add3A_337 : i32 to index
        %swap3A_374 = arith.constant 48 : index
        %swap3A_375 = tpu.vector_load %arg6[%swap3A_373, %swap3A_374] {strides = array<i32>} : memref<80x128xf32, #tpu.memory_space<vmem>>, vector<1x16xf32>,
        %swap3A_376 = vector.shape_cast %swap3A_375 : vector<1x16xf32> to vector<16xf32>
        %swap3A_377 = vector.shape_cast %mul3A_372 : vector<16xf32> to vector<1x16xf32>
        tpu.vector_store %arg6[%swap3A_373, %swap3A_374], %swap3A_377 {strides = array<i32>} : memref<80x128xf32, #tpu.memory_space<vmem>>, vector<1x16xf32>,
        %broadcast_in_dim3A_378 = arith.constant 6 : i32
        %broadcast_in_dim3A_379 = vector.broadcast %broadcast_in_dim3A_378 : i32 to vector<16x1xi32>
        %gather3A_380 = vector.shape_cast %broadcast_in_dim3A_379 : vector<16x1xi32> to vector<16xi32>
        %gather3A_381 = tpu.dynamic_gather %get3A_91[%gather3A_380] in [0] : vector<16xf32>, vector<16xi32> -> vector<16xf32>
        %mul3A_382 = arith.constant 16 : i32
        %mul3A_383 = arith.muli %scan3A_85, %mul3A_382 : i32
        %add3A_384 = arith.constant 6 : i32
        %add3A_385 = arith.addi %mul3A_383, %add3A_384 : i32
        %get3A_386 = arith.index_cast %add3A_385 : i32 to index
        %get3A_387 = arith.constant 0 : index
        %get3A_388 = tpu.vector_load %arg6[%get3A_386, %get3A_387] {strides = array<i32>} : memref<80x128xf32, #tpu.memory_space<vmem>>, vector<1x16xf32>,
        %get3A_389 = vector.shape_cast %get3A_388 : vector<1x16xf32> to vector<16xf32>
        %mul3A_390 = arith.mulf %get3A_389, %gather3A_381 : vector<16xf32>
        %swap3A_391 = arith.index_cast %add3A_385 : i32 to index
        %swap3A_392 = arith.constant 0 : index
        %swap3A_393 = tpu.vector_load %arg6[%swap3A_391, %swap3A_392] {strides = array<i32>} : memref<80x128xf32, #tpu.memory_space<vmem>>, vector<1x16xf32>,
        %swap3A_394 = vector.shape_cast %swap3A_393 : vector<1x16xf32> to vector<16xf32>
        %swap3A_395 = vector.shape_cast %mul3A_390 : vector<16xf32> to vector<1x16xf32>
        tpu.vector_store %arg6[%swap3A_391, %swap3A_392], %swap3A_395 {strides = array<i32>} : memref<80x128xf32, #tpu.memory_space<vmem>>, vector<1x16xf32>,
        %get3A_396 = arith.index_cast %add3A_385 : i32 to index
        %get3A_397 = arith.constant 16 : index
        %get3A_398 = tpu.vector_load %arg6[%get3A_396, %get3A_397] {strides = array<i32>} : memref<80x128xf32, #tpu.memory_space<vmem>>, vector<1x16xf32>,
        %get3A_399 = vector.shape_cast %get3A_398 : vector<1x16xf32> to vector<16xf32>
        %mul3A_400 = arith.mulf %get3A_399, %gather3A_381 : vector<16xf32>
        %swap3A_401 = arith.index_cast %add3A_385 : i32 to index
        %swap3A_402 = arith.constant 16 : index
        %swap3A_403 = tpu.vector_load %arg6[%swap3A_401, %swap3A_402] {strides = array<i32>} : memref<80x128xf32, #tpu.memory_space<vmem>>, vector<1x16xf32>,
        %swap3A_404 = vector.shape_cast %swap3A_403 : vector<1x16xf32> to vector<16xf32>
        %swap3A_405 = vector.shape_cast %mul3A_400 : vector<16xf32> to vector<1x16xf32>
        tpu.vector_store %arg6[%swap3A_401, %swap3A_402], %swap3A_405 {strides = array<i32>} : memref<80x128xf32, #tpu.memory_space<vmem>>, vector<1x16xf32>,
        %get3A_406 = arith.index_cast %add3A_385 : i32 to index
        %get3A_407 = arith.constant 32 : index
        %get3A_408 = tpu.vector_load %arg6[%get3A_406, %get3A_407] {strides = array<i32>} : memref<80x128xf32, #tpu.memory_space<vmem>>, vector<1x16xf32>,
        %get3A_409 = vector.shape_cast %get3A_408 : vector<1x16xf32> to vector<16xf32>
        %mul3A_410 = arith.mulf %get3A_409, %gather3A_381 : vector<16xf32>
        %swap3A_411 = arith.index_cast %add3A_385 : i32 to index
        %swap3A_412 = arith.constant 32 : index
        %swap3A_413 = tpu.vector_load %arg6[%swap3A_411, %swap3A_412] {strides = array<i32>} : memref<80x128xf32, #tpu.memory_space<vmem>>, vector<1x16xf32>,
        %swap3A_414 = vector.shape_cast %swap3A_413 : vector<1x16xf32> to vector<16xf32>
        %swap3A_415 = vector.shape_cast %mul3A_410 : vector<16xf32> to vector<1x16xf32>
        tpu.vector_store %arg6[%swap3A_411, %swap3A_412], %swap3A_415 {strides = array<i32>} : memref<80x128xf32, #tpu.memory_space<vmem>>, vector<1x16xf32>,
        %get3A_416 = arith.index_cast %add3A_385 : i32 to index
        %get3A_417 = arith.constant 48 : index
        %get3A_418 = tpu.vector_load %arg6[%get3A_416, %get3A_417] {strides = array<i32>} : memref<80x128xf32, #tpu.memory_space<vmem>>, vector<1x16xf32>,
        %get3A_419 = vector.shape_cast %get3A_418 : vector<1x16xf32> to vector<16xf32>
        %mul3A_420 = arith.mulf %get3A_419, %gather3A_381 : vector<16xf32>
        %swap3A_421 = arith.index_cast %add3A_385 : i32 to index
        %swap3A_422 = arith.constant 48 : index
        %swap3A_423 = tpu.vector_load %arg6[%swap3A_421, %swap3A_422] {strides = array<i32>} : memref<80x128xf32, #tpu.memory_space<vmem>>, vector<1x16xf32>,
        %swap3A_424 = vector.shape_cast %swap3A_423 : vector<1x16xf32> to vector<16xf32>
        %swap3A_425 = vector.shape_cast %mul3A_420 : vector<16xf32> to vector<1x16xf32>
        tpu.vector_store %arg6[%swap3A_421, %swap3A_422], %swap3A_425 {strides = array<i32>} : memref<80x128xf32, #tpu.memory_space<vmem>>, vector<1x16xf32>,
        %broadcast_in_dim3A_426 = arith.constant 7 : i32
        %broadcast_in_dim3A_427 = vector.broadcast %broadcast_in_dim3A_426 : i32 to vector<16x1xi32>
        %gather3A_428 = vector.shape_cast %broadcast_in_dim3A_427 : vector<16x1xi32> to vector<16xi32>
        %gather3A_429 = tpu.dynamic_gather %get3A_91[%gather3A_428] in [0] : vector<16xf32>, vector<16xi32> -> vector<16xf32>
        %mul3A_430 = arith.constant 16 : i32
        %mul3A_431 = arith.muli %scan3A_85, %mul3A_430 : i32
        %add3A_432 = arith.constant 7 : i32
        %add3A_433 = arith.addi %mul3A_431, %add3A_432 : i32
        %get3A_434 = arith.index_cast %add3A_433 : i32 to index
        %get3A_435 = arith.constant 0 : index
        %get3A_436 = tpu.vector_load %arg6[%get3A_434, %get3A_435] {strides = array<i32>} : memref<80x128xf32, #tpu.memory_space<vmem>>, vector<1x16xf32>,
        %get3A_437 = vector.shape_cast %get3A_436 : vector<1x16xf32> to vector<16xf32>
        %mul3A_438 = arith.mulf %get3A_437, %gather3A_429 : vector<16xf32>
        %swap3A_439 = arith.index_cast %add3A_433 : i32 to index
        %swap3A_440 = arith.constant 0 : index
        %swap3A_441 = tpu.vector_load %arg6[%swap3A_439, %swap3A_440] {strides = array<i32>} : memref<80x128xf32, #tpu.memory_space<vmem>>, vector<1x16xf32>,
        %swap3A_442 = vector.shape_cast %swap3A_441 : vector<1x16xf32> to vector<16xf32>
        %swap3A_443 = vector.shape_cast %mul3A_438 : vector<16xf32> to vector<1x16xf32>
        tpu.vector_store %arg6[%swap3A_439, %swap3A_440], %swap3A_443 {strides = array<i32>} : memref<80x128xf32, #tpu.memory_space<vmem>>, vector<1x16xf32>,
        %get3A_444 = arith.index_cast %add3A_433 : i32 to index
        %get3A_445 = arith.constant 16 : index
        %get3A_446 = tpu.vector_load %arg6[%get3A_444, %get3A_445] {strides = array<i32>} : memref<80x128xf32, #tpu.memory_space<vmem>>, vector<1x16xf32>,
        %get3A_447 = vector.shape_cast %get3A_446 : vector<1x16xf32> to vector<16xf32>
        %mul3A_448 = arith.mulf %get3A_447, %gather3A_429 : vector<16xf32>
        %swap3A_449 = arith.index_cast %add3A_433 : i32 to index
        %swap3A_450 = arith.constant 16 : index
        %swap3A_451 = tpu.vector_load %arg6[%swap3A_449, %swap3A_450] {strides = array<i32>} : memref<80x128xf32, #tpu.memory_space<vmem>>, vector<1x16xf32>,
        %swap3A_452 = vector.shape_cast %swap3A_451 : vector<1x16xf32> to vector<16xf32>
        %swap3A_453 = vector.shape_cast %mul3A_448 : vector<16xf32> to vector<1x16xf32>
        tpu.vector_store %arg6[%swap3A_449, %swap3A_450], %swap3A_453 {strides = array<i32>} : memref<80x128xf32, #tpu.memory_space<vmem>>, vector<1x16xf32>,
        %get3A_454 = arith.index_cast %add3A_433 : i32 to index
        %get3A_455 = arith.constant 32 : index
        %get3A_456 = tpu.vector_load %arg6[%get3A_454, %get3A_455] {strides = array<i32>} : memref<80x128xf32, #tpu.memory_space<vmem>>, vector<1x16xf32>,
        %get3A_457 = vector.shape_cast %get3A_456 : vector<1x16xf32> to vector<16xf32>
        %mul3A_458 = arith.mulf %get3A_457, %gather3A_429 : vector<16xf32>
        %swap3A_459 = arith.index_cast %add3A_433 : i32 to index
        %swap3A_460 = arith.constant 32 : index
        %swap3A_461 = tpu.vector_load %arg6[%swap3A_459, %swap3A_460] {strides = array<i32>} : memref<80x128xf32, #tpu.memory_space<vmem>>, vector<1x16xf32>,
        %swap3A_462 = vector.shape_cast %swap3A_461 : vector<1x16xf32> to vector<16xf32>
        %swap3A_463 = vector.shape_cast %mul3A_458 : vector<16xf32> to vector<1x16xf32>
        tpu.vector_store %arg6[%swap3A_459, %swap3A_460], %swap3A_463 {strides = array<i32>} : memref<80x128xf32, #tpu.memory_space<vmem>>, vector<1x16xf32>,
        %get3A_464 = arith.index_cast %add3A_433 : i32 to index
        %get3A_465 = arith.constant 48 : index
        %get3A_466 = tpu.vector_load %arg6[%get3A_464, %get3A_465] {strides = array<i32>} : memref<80x128xf32, #tpu.memory_space<vmem>>, vector<1x16xf32>,
        %get3A_467 = vector.shape_cast %get3A_466 : vector<1x16xf32> to vector<16xf32>
        %mul3A_468 = arith.mulf %get3A_467, %gather3A_429 : vector<16xf32>
        %swap3A_469 = arith.index_cast %add3A_433 : i32 to index
        %swap3A_470 = arith.constant 48 : index
        %swap3A_471 = tpu.vector_load %arg6[%swap3A_469, %swap3A_470] {strides = array<i32>} : memref<80x128xf32, #tpu.memory_space<vmem>>, vector<1x16xf32>,
        %swap3A_472 = vector.shape_cast %swap3A_471 : vector<1x16xf32> to vector<16xf32>
        %swap3A_473 = vector.shape_cast %mul3A_468 : vector<16xf32> to vector<1x16xf32>
        tpu.vector_store %arg6[%swap3A_469, %swap3A_470], %swap3A_473 {strides = array<i32>} : memref<80x128xf32, #tpu.memory_space<vmem>>, vector<1x16xf32>,
        %broadcast_in_dim3A_474 = arith.constant 8 : i32
        %broadcast_in_dim3A_475 = vector.broadcast %broadcast_in_dim3A_474 : i32 to vector<16x1xi32>
        %gather3A_476 = vector.shape_cast %broadcast_in_dim3A_475 : vector<16x1xi32> to vector<16xi32>
        %gather3A_477 = tpu.dynamic_gather %get3A_91[%gather3A_476] in [0] : vector<16xf32>, vector<16xi32> -> vector<16xf32>
        %mul3A_478 = arith.constant 16 : i32
        %mul3A_479 = arith.muli %scan3A_85, %mul3A_478 : i32
        %add3A_480 = arith.constant 8 : i32
        %add3A_481 = arith.addi %mul3A_479, %add3A_480 : i32
        %get3A_482 = arith.index_cast %add3A_481 : i32 to index
        %get3A_483 = arith.constant 0 : index
        %get3A_484 = tpu.vector_load %arg6[%get3A_482, %get3A_483] {strides = array<i32>} : memref<80x128xf32, #tpu.memory_space<vmem>>, vector<1x16xf32>,
        %get3A_485 = vector.shape_cast %get3A_484 : vector<1x16xf32> to vector<16xf32>
        %mul3A_486 = arith.mulf %get3A_485, %gather3A_477 : vector<16xf32>
        %swap3A_487 = arith.index_cast %add3A_481 : i32 to index
        %swap3A_488 = arith.constant 0 : index
        %swap3A_489 = tpu.vector_load %arg6[%swap3A_487, %swap3A_488] {strides = array<i32>} : memref<80x128xf32, #tpu.memory_space<vmem>>, vector<1x16xf32>,
        %swap3A_490 = vector.shape_cast %swap3A_489 : vector<1x16xf32> to vector<16xf32>
        %swap3A_491 = vector.shape_cast %mul3A_486 : vector<16xf32> to vector<1x16xf32>
        tpu.vector_store %arg6[%swap3A_487, %swap3A_488], %swap3A_491 {strides = array<i32>} : memref<80x128xf32, #tpu.memory_space<vmem>>, vector<1x16xf32>,
        %get3A_492 = arith.index_cast %add3A_481 : i32 to index
        %get3A_493 = arith.constant 16 : index
        %get3A_494 = tpu.vector_load %arg6[%get3A_492, %get3A_493] {strides = array<i32>} : memref<80x128xf32, #tpu.memory_space<vmem>>, vector<1x16xf32>,
        %get3A_495 = vector.shape_cast %get3A_494 : vector<1x16xf32> to vector<16xf32>
        %mul3A_496 = arith.mulf %get3A_495, %gather3A_477 : vector<16xf32>
        %swap3A_497 = arith.index_cast %add3A_481 : i32 to index
        %swap3A_498 = arith.constant 16 : index
        %swap3A_499 = tpu.vector_load %arg6[%swap3A_497, %swap3A_498] {strides = array<i32>} : memref<80x128xf32, #tpu.memory_space<vmem>>, vector<1x16xf32>,
        %swap3A_500 = vector.shape_cast %swap3A_499 : vector<1x16xf32> to vector<16xf32>
        %swap3A_501 = vector.shape_cast %mul3A_496 : vector<16xf32> to vector<1x16xf32>
        tpu.vector_store %arg6[%swap3A_497, %swap3A_498], %swap3A_501 {strides = array<i32>} : memref<80x128xf32, #tpu.memory_space<vmem>>, vector<1x16xf32>,
        %get3A_502 = arith.index_cast %add3A_481 : i32 to index
        %get3A_503 = arith.constant 32 : index
        %get3A_504 = tpu.vector_load %arg6[%get3A_502, %get3A_503] {strides = array<i32>} : memref<80x128xf32, #tpu.memory_space<vmem>>, vector<1x16xf32>,
        %get3A_505 = vector.shape_cast %get3A_504 : vector<1x16xf32> to vector<16xf32>
        %mul3A_506 = arith.mulf %get3A_505, %gather3A_477 : vector<16xf32>
        %swap3A_507 = arith.index_cast %add3A_481 : i32 to index
        %swap3A_508 = arith.constant 32 : index
        %swap3A_509 = tpu.vector_load %arg6[%swap3A_507, %swap3A_508] {strides = array<i32>} : memref<80x128xf32, #tpu.memory_space<vmem>>, vector<1x16xf32>,
        %swap3A_510 = vector.shape_cast %swap3A_509 : vector<1x16xf32> to vector<16xf32>
        %swap3A_511 = vector.shape_cast %mul3A_506 : vector<16xf32> to vector<1x16xf32>
        tpu.vector_store %arg6[%swap3A_507, %swap3A_508], %swap3A_511 {strides = array<i32>} : memref<80x128xf32, #tpu.memory_space<vmem>>, vector<1x16xf32>,
        %get3A_512 = arith.index_cast %add3A_481 : i32 to index
        %get3A_513 = arith.constant 48 : index
        %get3A_514 = tpu.vector_load %arg6[%get3A_512, %get3A_513] {strides = array<i32>} : memref<80x128xf32, #tpu.memory_space<vmem>>, vector<1x16xf32>,
        %get3A_515 = vector.shape_cast %get3A_514 : vector<1x16xf32> to vector<16xf32>
        %mul3A_516 = arith.mulf %get3A_515, %gather3A_477 : vector<16xf32>
        %swap3A_517 = arith.index_cast %add3A_481 : i32 to index
        %swap3A_518 = arith.constant 48 : index
        %swap3A_519 = tpu.vector_load %arg6[%swap3A_517, %swap3A_518] {strides = array<i32>} : memref<80x128xf32, #tpu.memory_space<vmem>>, vector<1x16xf32>,
        %swap3A_520 = vector.shape_cast %swap3A_519 : vector<1x16xf32> to vector<16xf32>
        %swap3A_521 = vector.shape_cast %mul3A_516 : vector<16xf32> to vector<1x16xf32>
        tpu.vector_store %arg6[%swap3A_517, %swap3A_518], %swap3A_521 {strides = array<i32>} : memref<80x128xf32, #tpu.memory_space<vmem>>, vector<1x16xf32>,
        %broadcast_in_dim3A_522 = arith.constant 9 : i32
        %broadcast_in_dim3A_523 = vector.broadcast %broadcast_in_dim3A_522 : i32 to vector<16x1xi32>
        %gather3A_524 = vector.shape_cast %broadcast_in_dim3A_523 : vector<16x1xi32> to vector<16xi32>
        %gather3A_525 = tpu.dynamic_gather %get3A_91[%gather3A_524] in [0] : vector<16xf32>, vector<16xi32> -> vector<16xf32>
        %mul3A_526 = arith.constant 16 : i32
        %mul3A_527 = arith.muli %scan3A_85, %mul3A_526 : i32
        %add3A_528 = arith.constant 9 : i32
        %add3A_529 = arith.addi %mul3A_527, %add3A_528 : i32
        %get3A_530 = arith.index_cast %add3A_529 : i32 to index
        %get3A_531 = arith.constant 0 : index
        %get3A_532 = tpu.vector_load %arg6[%get3A_530, %get3A_531] {strides = array<i32>} : memref<80x128xf32, #tpu.memory_space<vmem>>, vector<1x16xf32>,
        %get3A_533 = vector.shape_cast %get3A_532 : vector<1x16xf32> to vector<16xf32>
        %mul3A_534 = arith.mulf %get3A_533, %gather3A_525 : vector<16xf32>
        %swap3A_535 = arith.index_cast %add3A_529 : i32 to index
        %swap3A_536 = arith.constant 0 : index
        %swap3A_537 = tpu.vector_load %arg6[%swap3A_535, %swap3A_536] {strides = array<i32>} : memref<80x128xf32, #tpu.memory_space<vmem>>, vector<1x16xf32>,
        %swap3A_538 = vector.shape_cast %swap3A_537 : vector<1x16xf32> to vector<16xf32>
        %swap3A_539 = vector.shape_cast %mul3A_534 : vector<16xf32> to vector<1x16xf32>
        tpu.vector_store %arg6[%swap3A_535, %swap3A_536], %swap3A_539 {strides = array<i32>} : memref<80x128xf32, #tpu.memory_space<vmem>>, vector<1x16xf32>,
        %get3A_540 = arith.index_cast %add3A_529 : i32 to index
        %get3A_541 = arith.constant 16 : index
        %get3A_542 = tpu.vector_load %arg6[%get3A_540, %get3A_541] {strides = array<i32>} : memref<80x128xf32, #tpu.memory_space<vmem>>, vector<1x16xf32>,
        %get3A_543 = vector.shape_cast %get3A_542 : vector<1x16xf32> to vector<16xf32>
        %mul3A_544 = arith.mulf %get3A_543, %gather3A_525 : vector<16xf32>
        %swap3A_545 = arith.index_cast %add3A_529 : i32 to index
        %swap3A_546 = arith.constant 16 : index
        %swap3A_547 = tpu.vector_load %arg6[%swap3A_545, %swap3A_546] {strides = array<i32>} : memref<80x128xf32, #tpu.memory_space<vmem>>, vector<1x16xf32>,
        %swap3A_548 = vector.shape_cast %swap3A_547 : vector<1x16xf32> to vector<16xf32>
        %swap3A_549 = vector.shape_cast %mul3A_544 : vector<16xf32> to vector<1x16xf32>
        tpu.vector_store %arg6[%swap3A_545, %swap3A_546], %swap3A_549 {strides = array<i32>} : memref<80x128xf32, #tpu.memory_space<vmem>>, vector<1x16xf32>,
        %get3A_550 = arith.index_cast %add3A_529 : i32 to index
        %get3A_551 = arith.constant 32 : index
        %get3A_552 = tpu.vector_load %arg6[%get3A_550, %get3A_551] {strides = array<i32>} : memref<80x128xf32, #tpu.memory_space<vmem>>, vector<1x16xf32>,
        %get3A_553 = vector.shape_cast %get3A_552 : vector<1x16xf32> to vector<16xf32>
        %mul3A_554 = arith.mulf %get3A_553, %gather3A_525 : vector<16xf32>
        %swap3A_555 = arith.index_cast %add3A_529 : i32 to index
        %swap3A_556 = arith.constant 32 : index
        %swap3A_557 = tpu.vector_load %arg6[%swap3A_555, %swap3A_556] {strides = array<i32>} : memref<80x128xf32, #tpu.memory_space<vmem>>, vector<1x16xf32>,
        %swap3A_558 = vector.shape_cast %swap3A_557 : vector<1x16xf32> to vector<16xf32>
        %swap3A_559 = vector.shape_cast %mul3A_554 : vector<16xf32> to vector<1x16xf32>
        tpu.vector_store %arg6[%swap3A_555, %swap3A_556], %swap3A_559 {strides = array<i32>} : memref<80x128xf32, #tpu.memory_space<vmem>>, vector<1x16xf32>,
        %get3A_560 = arith.index_cast %add3A_529 : i32 to index
        %get3A_561 = arith.constant 48 : index
        %get3A_562 = tpu.vector_load %arg6[%get3A_560, %get3A_561] {strides = array<i32>} : memref<80x128xf32, #tpu.memory_space<vmem>>, vector<1x16xf32>,
        %get3A_563 = vector.shape_cast %get3A_562 : vector<1x16xf32> to vector<16xf32>
        %mul3A_564 = arith.mulf %get3A_563, %gather3A_525 : vector<16xf32>
        %swap3A_565 = arith.index_cast %add3A_529 : i32 to index
        %swap3A_566 = arith.constant 48 : index
        %swap3A_567 = tpu.vector_load %arg6[%swap3A_565, %swap3A_566] {strides = array<i32>} : memref<80x128xf32, #tpu.memory_space<vmem>>, vector<1x16xf32>,
        %swap3A_568 = vector.shape_cast %swap3A_567 : vector<1x16xf32> to vector<16xf32>
        %swap3A_569 = vector.shape_cast %mul3A_564 : vector<16xf32> to vector<1x16xf32>
        tpu.vector_store %arg6[%swap3A_565, %swap3A_566], %swap3A_569 {strides = array<i32>} : memref<80x128xf32, #tpu.memory_space<vmem>>, vector<1x16xf32>,
        %broadcast_in_dim3A_570 = arith.constant 10 : i32
        %broadcast_in_dim3A_571 = vector.broadcast %broadcast_in_dim3A_570 : i32 to vector<16x1xi32>
        %gather3A_572 = vector.shape_cast %broadcast_in_dim3A_571 : vector<16x1xi32> to vector<16xi32>
        %gather3A_573 = tpu.dynamic_gather %get3A_91[%gather3A_572] in [0] : vector<16xf32>, vector<16xi32> -> vector<16xf32>
        %mul3A_574 = arith.constant 16 : i32
        %mul3A_575 = arith.muli %scan3A_85, %mul3A_574 : i32
        %add3A_576 = arith.constant 10 : i32
        %add3A_577 = arith.addi %mul3A_575, %add3A_576 : i32
        %get3A_578 = arith.index_cast %add3A_577 : i32 to index
        %get3A_579 = arith.constant 0 : index
        %get3A_580 = tpu.vector_load %arg6[%get3A_578, %get3A_579] {strides = array<i32>} : memref<80x128xf32, #tpu.memory_space<vmem>>, vector<1x16xf32>,
        %get3A_581 = vector.shape_cast %get3A_580 : vector<1x16xf32> to vector<16xf32>
        %mul3A_582 = arith.mulf %get3A_581, %gather3A_573 : vector<16xf32>
        %swap3A_583 = arith.index_cast %add3A_577 : i32 to index
        %swap3A_584 = arith.constant 0 : index
        %swap3A_585 = tpu.vector_load %arg6[%swap3A_583, %swap3A_584] {strides = array<i32>} : memref<80x128xf32, #tpu.memory_space<vmem>>, vector<1x16xf32>,
        %swap3A_586 = vector.shape_cast %swap3A_585 : vector<1x16xf32> to vector<16xf32>
        %swap3A_587 = vector.shape_cast %mul3A_582 : vector<16xf32> to vector<1x16xf32>
        tpu.vector_store %arg6[%swap3A_583, %swap3A_584], %swap3A_587 {strides = array<i32>} : memref<80x128xf32, #tpu.memory_space<vmem>>, vector<1x16xf32>,
        %get3A_588 = arith.index_cast %add3A_577 : i32 to index
        %get3A_589 = arith.constant 16 : index
        %get3A_590 = tpu.vector_load %arg6[%get3A_588, %get3A_589] {strides = array<i32>} : memref<80x128xf32, #tpu.memory_space<vmem>>, vector<1x16xf32>,
        %get3A_591 = vector.shape_cast %get3A_590 : vector<1x16xf32> to vector<16xf32>
        %mul3A_592 = arith.mulf %get3A_591, %gather3A_573 : vector<16xf32>
        %swap3A_593 = arith.index_cast %add3A_577 : i32 to index
        %swap3A_594 = arith.constant 16 : index
        %swap3A_595 = tpu.vector_load %arg6[%swap3A_593, %swap3A_594] {strides = array<i32>} : memref<80x128xf32, #tpu.memory_space<vmem>>, vector<1x16xf32>,
        %swap3A_596 = vector.shape_cast %swap3A_595 : vector<1x16xf32> to vector<16xf32>
        %swap3A_597 = vector.shape_cast %mul3A_592 : vector<16xf32> to vector<1x16xf32>
        tpu.vector_store %arg6[%swap3A_593, %swap3A_594], %swap3A_597 {strides = array<i32>} : memref<80x128xf32, #tpu.memory_space<vmem>>, vector<1x16xf32>,
        %get3A_598 = arith.index_cast %add3A_577 : i32 to index
        %get3A_599 = arith.constant 32 : index
        %get3A_600 = tpu.vector_load %arg6[%get3A_598, %get3A_599] {strides = array<i32>} : memref<80x128xf32, #tpu.memory_space<vmem>>, vector<1x16xf32>,
        %get3A_601 = vector.shape_cast %get3A_600 : vector<1x16xf32> to vector<16xf32>
        %mul3A_602 = arith.mulf %get3A_601, %gather3A_573 : vector<16xf32>
        %swap3A_603 = arith.index_cast %add3A_577 : i32 to index
        %swap3A_604 = arith.constant 32 : index
        %swap3A_605 = tpu.vector_load %arg6[%swap3A_603, %swap3A_604] {strides = array<i32>} : memref<80x128xf32, #tpu.memory_space<vmem>>, vector<1x16xf32>,
        %swap3A_606 = vector.shape_cast %swap3A_605 : vector<1x16xf32> to vector<16xf32>
        %swap3A_607 = vector.shape_cast %mul3A_602 : vector<16xf32> to vector<1x16xf32>
        tpu.vector_store %arg6[%swap3A_603, %swap3A_604], %swap3A_607 {strides = array<i32>} : memref<80x128xf32, #tpu.memory_space<vmem>>, vector<1x16xf32>,
        %get3A_608 = arith.index_cast %add3A_577 : i32 to index
        %get3A_609 = arith.constant 48 : index
        %get3A_610 = tpu.vector_load %arg6[%get3A_608, %get3A_609] {strides = array<i32>} : memref<80x128xf32, #tpu.memory_space<vmem>>, vector<1x16xf32>,
        %get3A_611 = vector.shape_cast %get3A_610 : vector<1x16xf32> to vector<16xf32>
        %mul3A_612 = arith.mulf %get3A_611, %gather3A_573 : vector<16xf32>
        %swap3A_613 = arith.index_cast %add3A_577 : i32 to index
        %swap3A_614 = arith.constant 48 : index
        %swap3A_615 = tpu.vector_load %arg6[%swap3A_613, %swap3A_614] {strides = array<i32>} : memref<80x128xf32, #tpu.memory_space<vmem>>, vector<1x16xf32>,
        %swap3A_616 = vector.shape_cast %swap3A_615 : vector<1x16xf32> to vector<16xf32>
        %swap3A_617 = vector.shape_cast %mul3A_612 : vector<16xf32> to vector<1x16xf32>
        tpu.vector_store %arg6[%swap3A_613, %swap3A_614], %swap3A_617 {strides = array<i32>} : memref<80x128xf32, #tpu.memory_space<vmem>>, vector<1x16xf32>,
        %broadcast_in_dim3A_618 = arith.constant 11 : i32
        %broadcast_in_dim3A_619 = vector.broadcast %broadcast_in_dim3A_618 : i32 to vector<16x1xi32>
        %gather3A_620 = vector.shape_cast %broadcast_in_dim3A_619 : vector<16x1xi32> to vector<16xi32>
        %gather3A_621 = tpu.dynamic_gather %get3A_91[%gather3A_620] in [0] : vector<16xf32>, vector<16xi32> -> vector<16xf32>
        %mul3A_622 = arith.constant 16 : i32
        %mul3A_623 = arith.muli %scan3A_85, %mul3A_622 : i32
        %add3A_624 = arith.constant 11 : i32
        %add3A_625 = arith.addi %mul3A_623, %add3A_624 : i32
        %get3A_626 = arith.index_cast %add3A_625 : i32 to index
        %get3A_627 = arith.constant 0 : index
        %get3A_628 = tpu.vector_load %arg6[%get3A_626, %get3A_627] {strides = array<i32>} : memref<80x128xf32, #tpu.memory_space<vmem>>, vector<1x16xf32>,
        %get3A_629 = vector.shape_cast %get3A_628 : vector<1x16xf32> to vector<16xf32>
        %mul3A_630 = arith.mulf %get3A_629, %gather3A_621 : vector<16xf32>
        %swap3A_631 = arith.index_cast %add3A_625 : i32 to index
        %swap3A_632 = arith.constant 0 : index
        %swap3A_633 = tpu.vector_load %arg6[%swap3A_631, %swap3A_632] {strides = array<i32>} : memref<80x128xf32, #tpu.memory_space<vmem>>, vector<1x16xf32>,
        %swap3A_634 = vector.shape_cast %swap3A_633 : vector<1x16xf32> to vector<16xf32>
        %swap3A_635 = vector.shape_cast %mul3A_630 : vector<16xf32> to vector<1x16xf32>
        tpu.vector_store %arg6[%swap3A_631, %swap3A_632], %swap3A_635 {strides = array<i32>} : memref<80x128xf32, #tpu.memory_space<vmem>>, vector<1x16xf32>,
        %get3A_636 = arith.index_cast %add3A_625 : i32 to index
        %get3A_637 = arith.constant 16 : index
        %get3A_638 = tpu.vector_load %arg6[%get3A_636, %get3A_637] {strides = array<i32>} : memref<80x128xf32, #tpu.memory_space<vmem>>, vector<1x16xf32>,
        %get3A_639 = vector.shape_cast %get3A_638 : vector<1x16xf32> to vector<16xf32>
        %mul3A_640 = arith.mulf %get3A_639, %gather3A_621 : vector<16xf32>
        %swap3A_641 = arith.index_cast %add3A_625 : i32 to index
        %swap3A_642 = arith.constant 16 : index
        %swap3A_643 = tpu.vector_load %arg6[%swap3A_641, %swap3A_642] {strides = array<i32>} : memref<80x128xf32, #tpu.memory_space<vmem>>, vector<1x16xf32>,
        %swap3A_644 = vector.shape_cast %swap3A_643 : vector<1x16xf32> to vector<16xf32>
        %swap3A_645 = vector.shape_cast %mul3A_640 : vector<16xf32> to vector<1x16xf32>
        tpu.vector_store %arg6[%swap3A_641, %swap3A_642], %swap3A_645 {strides = array<i32>} : memref<80x128xf32, #tpu.memory_space<vmem>>, vector<1x16xf32>,
        %get3A_646 = arith.index_cast %add3A_625 : i32 to index
        %get3A_647 = arith.constant 32 : index
        %get3A_648 = tpu.vector_load %arg6[%get3A_646, %get3A_647] {strides = array<i32>} : memref<80x128xf32, #tpu.memory_space<vmem>>, vector<1x16xf32>,
        %get3A_649 = vector.shape_cast %get3A_648 : vector<1x16xf32> to vector<16xf32>
        %mul3A_650 = arith.mulf %get3A_649, %gather3A_621 : vector<16xf32>
        %swap3A_651 = arith.index_cast %add3A_625 : i32 to index
        %swap3A_652 = arith.constant 32 : index
        %swap3A_653 = tpu.vector_load %arg6[%swap3A_651, %swap3A_652] {strides = array<i32>} : memref<80x128xf32, #tpu.memory_space<vmem>>, vector<1x16xf32>,
        %swap3A_654 = vector.shape_cast %swap3A_653 : vector<1x16xf32> to vector<16xf32>
        %swap3A_655 = vector.shape_cast %mul3A_650 : vector<16xf32> to vector<1x16xf32>
        tpu.vector_store %arg6[%swap3A_651, %swap3A_652], %swap3A_655 {strides = array<i32>} : memref<80x128xf32, #tpu.memory_space<vmem>>, vector<1x16xf32>,
        %get3A_656 = arith.index_cast %add3A_625 : i32 to index
        %get3A_657 = arith.constant 48 : index
        %get3A_658 = tpu.vector_load %arg6[%get3A_656, %get3A_657] {strides = array<i32>} : memref<80x128xf32, #tpu.memory_space<vmem>>, vector<1x16xf32>,
        %get3A_659 = vector.shape_cast %get3A_658 : vector<1x16xf32> to vector<16xf32>
        %mul3A_660 = arith.mulf %get3A_659, %gather3A_621 : vector<16xf32>
        %swap3A_661 = arith.index_cast %add3A_625 : i32 to index
        %swap3A_662 = arith.constant 48 : index
        %swap3A_663 = tpu.vector_load %arg6[%swap3A_661, %swap3A_662] {strides = array<i32>} : memref<80x128xf32, #tpu.memory_space<vmem>>, vector<1x16xf32>,
        %swap3A_664 = vector.shape_cast %swap3A_663 : vector<1x16xf32> to vector<16xf32>
        %swap3A_665 = vector.shape_cast %mul3A_660 : vector<16xf32> to vector<1x16xf32>
        tpu.vector_store %arg6[%swap3A_661, %swap3A_662], %swap3A_665 {strides = array<i32>} : memref<80x128xf32, #tpu.memory_space<vmem>>, vector<1x16xf32>,
        %broadcast_in_dim3A_666 = arith.constant 12 : i32
        %broadcast_in_dim3A_667 = vector.broadcast %broadcast_in_dim3A_666 : i32 to vector<16x1xi32>
        %gather3A_668 = vector.shape_cast %broadcast_in_dim3A_667 : vector<16x1xi32> to vector<16xi32>
        %gather3A_669 = tpu.dynamic_gather %get3A_91[%gather3A_668] in [0] : vector<16xf32>, vector<16xi32> -> vector<16xf32>
        %mul3A_670 = arith.constant 16 : i32
        %mul3A_671 = arith.muli %scan3A_85, %mul3A_670 : i32
        %add3A_672 = arith.constant 12 : i32
        %add3A_673 = arith.addi %mul3A_671, %add3A_672 : i32
        %get3A_674 = arith.index_cast %add3A_673 : i32 to index
        %get3A_675 = arith.constant 0 : index
        %get3A_676 = tpu.vector_load %arg6[%get3A_674, %get3A_675] {strides = array<i32>} : memref<80x128xf32, #tpu.memory_space<vmem>>, vector<1x16xf32>,
        %get3A_677 = vector.shape_cast %get3A_676 : vector<1x16xf32> to vector<16xf32>
        %mul3A_678 = arith.mulf %get3A_677, %gather3A_669 : vector<16xf32>
        %swap3A_679 = arith.index_cast %add3A_673 : i32 to index
        %swap3A_680 = arith.constant 0 : index
        %swap3A_681 = tpu.vector_load %arg6[%swap3A_679, %swap3A_680] {strides = array<i32>} : memref<80x128xf32, #tpu.memory_space<vmem>>, vector<1x16xf32>,
        %swap3A_682 = vector.shape_cast %swap3A_681 : vector<1x16xf32> to vector<16xf32>
        %swap3A_683 = vector.shape_cast %mul3A_678 : vector<16xf32> to vector<1x16xf32>
        tpu.vector_store %arg6[%swap3A_679, %swap3A_680], %swap3A_683 {strides = array<i32>} : memref<80x128xf32, #tpu.memory_space<vmem>>, vector<1x16xf32>,
        %get3A_684 = arith.index_cast %add3A_673 : i32 to index
        %get3A_685 = arith.constant 16 : index
        %get3A_686 = tpu.vector_load %arg6[%get3A_684, %get3A_685] {strides = array<i32>} : memref<80x128xf32, #tpu.memory_space<vmem>>, vector<1x16xf32>,
        %get3A_687 = vector.shape_cast %get3A_686 : vector<1x16xf32> to vector<16xf32>
        %mul3A_688 = arith.mulf %get3A_687, %gather3A_669 : vector<16xf32>
        %swap3A_689 = arith.index_cast %add3A_673 : i32 to index
        %swap3A_690 = arith.constant 16 : index
        %swap3A_691 = tpu.vector_load %arg6[%swap3A_689, %swap3A_690] {strides = array<i32>} : memref<80x128xf32, #tpu.memory_space<vmem>>, vector<1x16xf32>,
        %swap3A_692 = vector.shape_cast %swap3A_691 : vector<1x16xf32> to vector<16xf32>
        %swap3A_693 = vector.shape_cast %mul3A_688 : vector<16xf32> to vector<1x16xf32>
        tpu.vector_store %arg6[%swap3A_689, %swap3A_690], %swap3A_693 {strides = array<i32>} : memref<80x128xf32, #tpu.memory_space<vmem>>, vector<1x16xf32>,
        %get3A_694 = arith.index_cast %add3A_673 : i32 to index
        %get3A_695 = arith.constant 32 : index
        %get3A_696 = tpu.vector_load %arg6[%get3A_694, %get3A_695] {strides = array<i32>} : memref<80x128xf32, #tpu.memory_space<vmem>>, vector<1x16xf32>,
        %get3A_697 = vector.shape_cast %get3A_696 : vector<1x16xf32> to vector<16xf32>
        %mul3A_698 = arith.mulf %get3A_697, %gather3A_669 : vector<16xf32>
        %swap3A_699 = arith.index_cast %add3A_673 : i32 to index
        %swap3A_700 = arith.constant 32 : index
        %swap3A_701 = tpu.vector_load %arg6[%swap3A_699, %swap3A_700] {strides = array<i32>} : memref<80x128xf32, #tpu.memory_space<vmem>>, vector<1x16xf32>,
        %swap3A_702 = vector.shape_cast %swap3A_701 : vector<1x16xf32> to vector<16xf32>
        %swap3A_703 = vector.shape_cast %mul3A_698 : vector<16xf32> to vector<1x16xf32>
        tpu.vector_store %arg6[%swap3A_699, %swap3A_700], %swap3A_703 {strides = array<i32>} : memref<80x128xf32, #tpu.memory_space<vmem>>, vector<1x16xf32>,
        %get3A_704 = arith.index_cast %add3A_673 : i32 to index
        %get3A_705 = arith.constant 48 : index
        %get3A_706 = tpu.vector_load %arg6[%get3A_704, %get3A_705] {strides = array<i32>} : memref<80x128xf32, #tpu.memory_space<vmem>>, vector<1x16xf32>,
        %get3A_707 = vector.shape_cast %get3A_706 : vector<1x16xf32> to vector<16xf32>
        %mul3A_708 = arith.mulf %get3A_707, %gather3A_669 : vector<16xf32>
        %swap3A_709 = arith.index_cast %add3A_673 : i32 to index
        %swap3A_710 = arith.constant 48 : index
        %swap3A_711 = tpu.vector_load %arg6[%swap3A_709, %swap3A_710] {strides = array<i32>} : memref<80x128xf32, #tpu.memory_space<vmem>>, vector<1x16xf32>,
        %swap3A_712 = vector.shape_cast %swap3A_711 : vector<1x16xf32> to vector<16xf32>
        %swap3A_713 = vector.shape_cast %mul3A_708 : vector<16xf32> to vector<1x16xf32>
        tpu.vector_store %arg6[%swap3A_709, %swap3A_710], %swap3A_713 {strides = array<i32>} : memref<80x128xf32, #tpu.memory_space<vmem>>, vector<1x16xf32>,
        %broadcast_in_dim3A_714 = arith.constant 13 : i32
        %broadcast_in_dim3A_715 = vector.broadcast %broadcast_in_dim3A_714 : i32 to vector<16x1xi32>
        %gather3A_716 = vector.shape_cast %broadcast_in_dim3A_715 : vector<16x1xi32> to vector<16xi32>
        %gather3A_717 = tpu.dynamic_gather %get3A_91[%gather3A_716] in [0] : vector<16xf32>, vector<16xi32> -> vector<16xf32>
        %mul3A_718 = arith.constant 16 : i32
        %mul3A_719 = arith.muli %scan3A_85, %mul3A_718 : i32
        %add3A_720 = arith.constant 13 : i32
        %add3A_721 = arith.addi %mul3A_719, %add3A_720 : i32
        %get3A_722 = arith.index_cast %add3A_721 : i32 to index
        %get3A_723 = arith.constant 0 : index
        %get3A_724 = tpu.vector_load %arg6[%get3A_722, %get3A_723] {strides = array<i32>} : memref<80x128xf32, #tpu.memory_space<vmem>>, vector<1x16xf32>,
        %get3A_725 = vector.shape_cast %get3A_724 : vector<1x16xf32> to vector<16xf32>
        %mul3A_726 = arith.mulf %get3A_725, %gather3A_717 : vector<16xf32>
        %swap3A_727 = arith.index_cast %add3A_721 : i32 to index
        %swap3A_728 = arith.constant 0 : index
        %swap3A_729 = tpu.vector_load %arg6[%swap3A_727, %swap3A_728] {strides = array<i32>} : memref<80x128xf32, #tpu.memory_space<vmem>>, vector<1x16xf32>,
        %swap3A_730 = vector.shape_cast %swap3A_729 : vector<1x16xf32> to vector<16xf32>
        %swap3A_731 = vector.shape_cast %mul3A_726 : vector<16xf32> to vector<1x16xf32>
        tpu.vector_store %arg6[%swap3A_727, %swap3A_728], %swap3A_731 {strides = array<i32>} : memref<80x128xf32, #tpu.memory_space<vmem>>, vector<1x16xf32>,
        %get3A_732 = arith.index_cast %add3A_721 : i32 to index
        %get3A_733 = arith.constant 16 : index
        %get3A_734 = tpu.vector_load %arg6[%get3A_732, %get3A_733] {strides = array<i32>} : memref<80x128xf32, #tpu.memory_space<vmem>>, vector<1x16xf32>,
        %get3A_735 = vector.shape_cast %get3A_734 : vector<1x16xf32> to vector<16xf32>
        %mul3A_736 = arith.mulf %get3A_735, %gather3A_717 : vector<16xf32>
        %swap3A_737 = arith.index_cast %add3A_721 : i32 to index
        %swap3A_738 = arith.constant 16 : index
        %swap3A_739 = tpu.vector_load %arg6[%swap3A_737, %swap3A_738] {strides = array<i32>} : memref<80x128xf32, #tpu.memory_space<vmem>>, vector<1x16xf32>,
        %swap3A_740 = vector.shape_cast %swap3A_739 : vector<1x16xf32> to vector<16xf32>
        %swap3A_741 = vector.shape_cast %mul3A_736 : vector<16xf32> to vector<1x16xf32>
        tpu.vector_store %arg6[%swap3A_737, %swap3A_738], %swap3A_741 {strides = array<i32>} : memref<80x128xf32, #tpu.memory_space<vmem>>, vector<1x16xf32>,
        %get3A_742 = arith.index_cast %add3A_721 : i32 to index
        %get3A_743 = arith.constant 32 : index
        %get3A_744 = tpu.vector_load %arg6[%get3A_742, %get3A_743] {strides = array<i32>} : memref<80x128xf32, #tpu.memory_space<vmem>>, vector<1x16xf32>,
        %get3A_745 = vector.shape_cast %get3A_744 : vector<1x16xf32> to vector<16xf32>
        %mul3A_746 = arith.mulf %get3A_745, %gather3A_717 : vector<16xf32>
        %swap3A_747 = arith.index_cast %add3A_721 : i32 to index
        %swap3A_748 = arith.constant 32 : index
        %swap3A_749 = tpu.vector_load %arg6[%swap3A_747, %swap3A_748] {strides = array<i32>} : memref<80x128xf32, #tpu.memory_space<vmem>>, vector<1x16xf32>,
        %swap3A_750 = vector.shape_cast %swap3A_749 : vector<1x16xf32> to vector<16xf32>
        %swap3A_751 = vector.shape_cast %mul3A_746 : vector<16xf32> to vector<1x16xf32>
        tpu.vector_store %arg6[%swap3A_747, %swap3A_748], %swap3A_751 {strides = array<i32>} : memref<80x128xf32, #tpu.memory_space<vmem>>, vector<1x16xf32>,
        %get3A_752 = arith.index_cast %add3A_721 : i32 to index
        %get3A_753 = arith.constant 48 : index
        %get3A_754 = tpu.vector_load %arg6[%get3A_752, %get3A_753] {strides = array<i32>} : memref<80x128xf32, #tpu.memory_space<vmem>>, vector<1x16xf32>,
        %get3A_755 = vector.shape_cast %get3A_754 : vector<1x16xf32> to vector<16xf32>
        %mul3A_756 = arith.mulf %get3A_755, %gather3A_717 : vector<16xf32>
        %swap3A_757 = arith.index_cast %add3A_721 : i32 to index
        %swap3A_758 = arith.constant 48 : index
        %swap3A_759 = tpu.vector_load %arg6[%swap3A_757, %swap3A_758] {strides = array<i32>} : memref<80x128xf32, #tpu.memory_space<vmem>>, vector<1x16xf32>,
        %swap3A_760 = vector.shape_cast %swap3A_759 : vector<1x16xf32> to vector<16xf32>
        %swap3A_761 = vector.shape_cast %mul3A_756 : vector<16xf32> to vector<1x16xf32>
        tpu.vector_store %arg6[%swap3A_757, %swap3A_758], %swap3A_761 {strides = array<i32>} : memref<80x128xf32, #tpu.memory_space<vmem>>, vector<1x16xf32>,
        %broadcast_in_dim3A_762 = arith.constant 14 : i32
        %broadcast_in_dim3A_763 = vector.broadcast %broadcast_in_dim3A_762 : i32 to vector<16x1xi32>
        %gather3A_764 = vector.shape_cast %broadcast_in_dim3A_763 : vector<16x1xi32> to vector<16xi32>
        %gather3A_765 = tpu.dynamic_gather %get3A_91[%gather3A_764] in [0] : vector<16xf32>, vector<16xi32> -> vector<16xf32>
        %mul3A_766 = arith.constant 16 : i32
        %mul3A_767 = arith.muli %scan3A_85, %mul3A_766 : i32
        %add3A_768 = arith.constant 14 : i32
        %add3A_769 = arith.addi %mul3A_767, %add3A_768 : i32
        %get3A_770 = arith.index_cast %add3A_769 : i32 to index
        %get3A_771 = arith.constant 0 : index
        %get3A_772 = tpu.vector_load %arg6[%get3A_770, %get3A_771] {strides = array<i32>} : memref<80x128xf32, #tpu.memory_space<vmem>>, vector<1x16xf32>,
        %get3A_773 = vector.shape_cast %get3A_772 : vector<1x16xf32> to vector<16xf32>
        %mul3A_774 = arith.mulf %get3A_773, %gather3A_765 : vector<16xf32>
        %swap3A_775 = arith.index_cast %add3A_769 : i32 to index
        %swap3A_776 = arith.constant 0 : index
        %swap3A_777 = tpu.vector_load %arg6[%swap3A_775, %swap3A_776] {strides = array<i32>} : memref<80x128xf32, #tpu.memory_space<vmem>>, vector<1x16xf32>,
        %swap3A_778 = vector.shape_cast %swap3A_777 : vector<1x16xf32> to vector<16xf32>
        %swap3A_779 = vector.shape_cast %mul3A_774 : vector<16xf32> to vector<1x16xf32>
        tpu.vector_store %arg6[%swap3A_775, %swap3A_776], %swap3A_779 {strides = array<i32>} : memref<80x128xf32, #tpu.memory_space<vmem>>, vector<1x16xf32>,
        %get3A_780 = arith.index_cast %add3A_769 : i32 to index
        %get3A_781 = arith.constant 16 : index
        %get3A_782 = tpu.vector_load %arg6[%get3A_780, %get3A_781] {strides = array<i32>} : memref<80x128xf32, #tpu.memory_space<vmem>>, vector<1x16xf32>,
        %get3A_783 = vector.shape_cast %get3A_782 : vector<1x16xf32> to vector<16xf32>
        %mul3A_784 = arith.mulf %get3A_783, %gather3A_765 : vector<16xf32>
        %swap3A_785 = arith.index_cast %add3A_769 : i32 to index
        %swap3A_786 = arith.constant 16 : index
        %swap3A_787 = tpu.vector_load %arg6[%swap3A_785, %swap3A_786] {strides = array<i32>} : memref<80x128xf32, #tpu.memory_space<vmem>>, vector<1x16xf32>,
        %swap3A_788 = vector.shape_cast %swap3A_787 : vector<1x16xf32> to vector<16xf32>
        %swap3A_789 = vector.shape_cast %mul3A_784 : vector<16xf32> to vector<1x16xf32>
        tpu.vector_store %arg6[%swap3A_785, %swap3A_786], %swap3A_789 {strides = array<i32>} : memref<80x128xf32, #tpu.memory_space<vmem>>, vector<1x16xf32>,
        %get3A_790 = arith.index_cast %add3A_769 : i32 to index
        %get3A_791 = arith.constant 32 : index
        %get3A_792 = tpu.vector_load %arg6[%get3A_790, %get3A_791] {strides = array<i32>} : memref<80x128xf32, #tpu.memory_space<vmem>>, vector<1x16xf32>,
        %get3A_793 = vector.shape_cast %get3A_792 : vector<1x16xf32> to vector<16xf32>
        %mul3A_794 = arith.mulf %get3A_793, %gather3A_765 : vector<16xf32>
        %swap3A_795 = arith.index_cast %add3A_769 : i32 to index
        %swap3A_796 = arith.constant 32 : index
        %swap3A_797 = tpu.vector_load %arg6[%swap3A_795, %swap3A_796] {strides = array<i32>} : memref<80x128xf32, #tpu.memory_space<vmem>>, vector<1x16xf32>,
        %swap3A_798 = vector.shape_cast %swap3A_797 : vector<1x16xf32> to vector<16xf32>
        %swap3A_799 = vector.shape_cast %mul3A_794 : vector<16xf32> to vector<1x16xf32>
        tpu.vector_store %arg6[%swap3A_795, %swap3A_796], %swap3A_799 {strides = array<i32>} : memref<80x128xf32, #tpu.memory_space<vmem>>, vector<1x16xf32>,
        %get3A_800 = arith.index_cast %add3A_769 : i32 to index
        %get3A_801 = arith.constant 48 : index
        %get3A_802 = tpu.vector_load %arg6[%get3A_800, %get3A_801] {strides = array<i32>} : memref<80x128xf32, #tpu.memory_space<vmem>>, vector<1x16xf32>,
        %get3A_803 = vector.shape_cast %get3A_802 : vector<1x16xf32> to vector<16xf32>
        %mul3A_804 = arith.mulf %get3A_803, %gather3A_765 : vector<16xf32>
        %swap3A_805 = arith.index_cast %add3A_769 : i32 to index
        %swap3A_806 = arith.constant 48 : index
        %swap3A_807 = tpu.vector_load %arg6[%swap3A_805, %swap3A_806] {strides = array<i32>} : memref<80x128xf32, #tpu.memory_space<vmem>>, vector<1x16xf32>,
        %swap3A_808 = vector.shape_cast %swap3A_807 : vector<1x16xf32> to vector<16xf32>
        %swap3A_809 = vector.shape_cast %mul3A_804 : vector<16xf32> to vector<1x16xf32>
        tpu.vector_store %arg6[%swap3A_805, %swap3A_806], %swap3A_809 {strides = array<i32>} : memref<80x128xf32, #tpu.memory_space<vmem>>, vector<1x16xf32>,
        %broadcast_in_dim3A_810 = arith.constant 15 : i32
        %broadcast_in_dim3A_811 = vector.broadcast %broadcast_in_dim3A_810 : i32 to vector<16x1xi32>
        %gather3A_812 = vector.shape_cast %broadcast_in_dim3A_811 : vector<16x1xi32> to vector<16xi32>
        %gather3A_813 = tpu.dynamic_gather %get3A_91[%gather3A_812] in [0] : vector<16xf32>, vector<16xi32> -> vector<16xf32>
        %mul3A_814 = arith.constant 16 : i32
        %mul3A_815 = arith.muli %scan3A_85, %mul3A_814 : i32
        %add3A_816 = arith.constant 15 : i32
        %add3A_817 = arith.addi %mul3A_815, %add3A_816 : i32
        %get3A_818 = arith.index_cast %add3A_817 : i32 to index
        %get3A_819 = arith.constant 0 : index
        %get3A_820 = tpu.vector_load %arg6[%get3A_818, %get3A_819] {strides = array<i32>} : memref<80x128xf32, #tpu.memory_space<vmem>>, vector<1x16xf32>,
        %get3A_821 = vector.shape_cast %get3A_820 : vector<1x16xf32> to vector<16xf32>
        %mul3A_822 = arith.mulf %get3A_821, %gather3A_813 : vector<16xf32>
        %swap3A_823 = arith.index_cast %add3A_817 : i32 to index
        %swap3A_824 = arith.constant 0 : index
        %swap3A_825 = tpu.vector_load %arg6[%swap3A_823, %swap3A_824] {strides = array<i32>} : memref<80x128xf32, #tpu.memory_space<vmem>>, vector<1x16xf32>,
        %swap3A_826 = vector.shape_cast %swap3A_825 : vector<1x16xf32> to vector<16xf32>
        %swap3A_827 = vector.shape_cast %mul3A_822 : vector<16xf32> to vector<1x16xf32>
        tpu.vector_store %arg6[%swap3A_823, %swap3A_824], %swap3A_827 {strides = array<i32>} : memref<80x128xf32, #tpu.memory_space<vmem>>, vector<1x16xf32>,
        %get3A_828 = arith.index_cast %add3A_817 : i32 to index
        %get3A_829 = arith.constant 16 : index
        %get3A_830 = tpu.vector_load %arg6[%get3A_828, %get3A_829] {strides = array<i32>} : memref<80x128xf32, #tpu.memory_space<vmem>>, vector<1x16xf32>,
        %get3A_831 = vector.shape_cast %get3A_830 : vector<1x16xf32> to vector<16xf32>
        %mul3A_832 = arith.mulf %get3A_831, %gather3A_813 : vector<16xf32>
        %swap3A_833 = arith.index_cast %add3A_817 : i32 to index
        %swap3A_834 = arith.constant 16 : index
        %swap3A_835 = tpu.vector_load %arg6[%swap3A_833, %swap3A_834] {strides = array<i32>} : memref<80x128xf32, #tpu.memory_space<vmem>>, vector<1x16xf32>,
        %swap3A_836 = vector.shape_cast %swap3A_835 : vector<1x16xf32> to vector<16xf32>
        %swap3A_837 = vector.shape_cast %mul3A_832 : vector<16xf32> to vector<1x16xf32>
        tpu.vector_store %arg6[%swap3A_833, %swap3A_834], %swap3A_837 {strides = array<i32>} : memref<80x128xf32, #tpu.memory_space<vmem>>, vector<1x16xf32>,
        %get3A_838 = arith.index_cast %add3A_817 : i32 to index
        %get3A_839 = arith.constant 32 : index
        %get3A_840 = tpu.vector_load %arg6[%get3A_838, %get3A_839] {strides = array<i32>} : memref<80x128xf32, #tpu.memory_space<vmem>>, vector<1x16xf32>,
        %get3A_841 = vector.shape_cast %get3A_840 : vector<1x16xf32> to vector<16xf32>
        %mul3A_842 = arith.mulf %get3A_841, %gather3A_813 : vector<16xf32>
        %swap3A_843 = arith.index_cast %add3A_817 : i32 to index
        %swap3A_844 = arith.constant 32 : index
        %swap3A_845 = tpu.vector_load %arg6[%swap3A_843, %swap3A_844] {strides = array<i32>} : memref<80x128xf32, #tpu.memory_space<vmem>>, vector<1x16xf32>,
        %swap3A_846 = vector.shape_cast %swap3A_845 : vector<1x16xf32> to vector<16xf32>
        %swap3A_847 = vector.shape_cast %mul3A_842 : vector<16xf32> to vector<1x16xf32>
        tpu.vector_store %arg6[%swap3A_843, %swap3A_844], %swap3A_847 {strides = array<i32>} : memref<80x128xf32, #tpu.memory_space<vmem>>, vector<1x16xf32>,
        %get3A_848 = arith.index_cast %add3A_817 : i32 to index
        %get3A_849 = arith.constant 48 : index
        %get3A_850 = tpu.vector_load %arg6[%get3A_848, %get3A_849] {strides = array<i32>} : memref<80x128xf32, #tpu.memory_space<vmem>>, vector<1x16xf32>,
        %get3A_851 = vector.shape_cast %get3A_850 : vector<1x16xf32> to vector<16xf32>
        %mul3A_852 = arith.mulf %get3A_851, %gather3A_813 : vector<16xf32>
        %swap3A_853 = arith.index_cast %add3A_817 : i32 to index
        %swap3A_854 = arith.constant 48 : index
        %swap3A_855 = tpu.vector_load %arg6[%swap3A_853, %swap3A_854] {strides = array<i32>} : memref<80x128xf32, #tpu.memory_space<vmem>>, vector<1x16xf32>,
        %swap3A_856 = vector.shape_cast %swap3A_855 : vector<1x16xf32> to vector<16xf32>
        %swap3A_857 = vector.shape_cast %mul3A_852 : vector<16xf32> to vector<1x16xf32>
        tpu.vector_store %arg6[%swap3A_853, %swap3A_854], %swap3A_857 {strides = array<i32>} : memref<80x128xf32, #tpu.memory_space<vmem>>, vector<1x16xf32>,
        %scan3A_858 = arith.constant 0 : i32
        scf.yield %scan3A_858 : i32
      }
      %scan3A_57 = arith.constant 5 : i32
      %scan3A_58 = arith.constant 0 : i32
      %scan3A_59 = arith.constant 0 : i32
      %scan3A_60 = arith.constant 5 : i32
      %scan3A_61 = arith.addi %scan3A_59, %scan3A_60 : i32
      %scan3A_62 = arith.constant 1 : i32
      %scan3A_63 = scf.for %scan3A_85 = %scan3A_59 to %scan3A_61 step %scan3A_62 iter_args(%scan3A_86 = %scan3A_58) -> (i32)  : i32 {
        %mul3A_87 = arith.constant 16 : i32
        %mul3A_88 = arith.muli %scan3A_85, %mul3A_87 : i32
        %get3A = arith.index_cast %mul3A_28 : i32 to index
        %get3A_89 = arith.index_cast %mul3A_88 : i32 to index
        %get3A_90 = tpu.vector_load %arg8[%get3A, %get3A_89] {strides = array<i32>} : memref<136x80xi32, #tpu.memory_space<vmem>>, vector<1x16xi32>,
        %get3A_91 = vector.shape_cast %get3A_90 : vector<1x16xi32> to vector<16xi32>
        %shift_right_arithmetic3A = arith.constant 14 : i32
        %shift_right_arithmetic3A_92 = vector.broadcast %shift_right_arithmetic3A : i32 to vector<16xi32>
        %shift_right_arithmetic3A_93 = arith.shrsi %get3A_91, %shift_right_arithmetic3A_92 : vector<16xi32>
        %mul3A_94 = arith.constant 16 : i32
        %mul3A_95 = arith.muli %scan3A_85, %mul3A_94 : i32
        %swap3A = arith.index_cast %mul3A_95 : i32 to index
        %swap3A_96 = tpu.vector_load %arg12[%swap3A] {strides = array<i32>} : memref<80xi32, #tpu.memory_space<vmem>>, vector<16xi32>,
        %swap3A_97 = vector.shape_cast %swap3A_96 : vector<16xi32> to vector<16xi32>
        %swap3A_98 = vector.shape_cast %shift_right_arithmetic3A_93 : vector<16xi32> to vector<16xi32>
        tpu.vector_store %arg12[%swap3A], %swap3A_98 {strides = array<i32>} : memref<80xi32, #tpu.memory_space<vmem>>, vector<16xi32>,
        %scan3A_99 = arith.constant 0 : i32
        scf.yield %scan3A_99 : i32
      }
      %scan3A_64 = arith.constant 5 : i32
      "tpu.region"() ({
        %run_scoped3A = tpu.sem_alloc : memref<!tpu.dma_semaphore, #tpu.memory_space<semaphore_mem>>
        %dma_start3A_85 = arith.constant 0 : i32
        %dma_start3A_86 = arith.constant 0 : i32
        %dma_start3A_87 = tpu.memref_slice %arg13[%dma_start3A_85, %dma_start3A_86] : memref<5120x128xf32, #tpu.memory_space<vmem_shared>> -> memref<5120x128xf32, #tpu.memory_space<vmem_shared>>
        tpu.enqueue_indirect_dma source(%arg6 : memref<80x128xf32, #tpu.memory_space<vmem>>) target(%dma_start3A_87 : memref<5120x128xf32, #tpu.memory_space<vmem_shared>>) offsets(%arg12 : memref<80xi32, #tpu.memory_space<vmem>>) semaphore(%run_scoped3A : memref<!tpu.dma_semaphore, #tpu.memory_space<semaphore_mem>>) {add = true}
        %dma_wait3A_88 = arith.constant 0 : i32
        %dma_wait3A_89 = arith.constant 0 : i32
        %dma_wait3A_90 = tpu.memref_slice %arg13[%dma_wait3A_88, %dma_wait3A_89] : memref<5120x128xf32, #tpu.memory_space<vmem_shared>> -> memref<5120x128xf32, #tpu.memory_space<vmem_shared>>
        tpu.wait_indirect_dma semaphore(%run_scoped3A : memref<!tpu.dma_semaphore, #tpu.memory_space<semaphore_mem>>) src(%arg6 : memref<80x128xf32, #tpu.memory_space<vmem>>) dst(%dma_wait3A_90 : memref<5120x128xf32, #tpu.memory_space<vmem_shared>>)
        tpu.yield
      }) : () -> ()
      %dma_wait3A_65 = arith.constant 0 : i32
      %dma_wait3A_66 = arith.constant 0 : i32
      %dma_wait3A_67 = tpu.memref_slice %arg2[%dma_wait3A_65, %dma_wait3A_66] : memref<10000x128xf32, #tpu.memory_space<hbm>> -> memref<10000x128xf32, #tpu.memory_space<hbm>>
      tpu.wait_indirect_dma semaphore(%arg15 : memref<!tpu.dma_semaphore, #tpu.memory_space<semaphore_mem>>) src(%dma_wait3A_67 : memref<10000x128xf32, #tpu.memory_space<hbm>>) dst(%arg7 : memref<80x128xf32, #tpu.memory_space<vmem>>)
      %add3A_68 = arith.constant 1 : i32
      %add3A_69 = arith.addi %mul3A_28, %add3A_68 : i32
      %scan3A_70 = arith.constant 0 : i32
      %scan3A_71 = arith.constant 0 : i32
      %scan3A_72 = arith.constant 5 : i32
      %scan3A_73 = arith.addi %scan3A_71, %scan3A_72 : i32
      %scan3A_74 = arith.constant 1 : i32
      %scan3A_75 = scf.for %scan3A_85 = %scan3A_71 to %scan3A_73 step %scan3A_74 iter_args(%scan3A_86 = %scan3A_70) -> (i32)  : i32 {
        %mul3A_87 = arith.constant 16 : i32
        %mul3A_88 = arith.muli %scan3A_85, %mul3A_87 : i32
        %get3A = arith.index_cast %add3A_69 : i32 to index
        %get3A_89 = arith.index_cast %mul3A_88 : i32 to index
        %get3A_90 = tpu.vector_load %arg9[%get3A, %get3A_89] {strides = array<i32>} : memref<136x80xf32, #tpu.memory_space<vmem>>, vector<1x16xf32>,
        %get3A_91 = vector.shape_cast %get3A_90 : vector<1x16xf32> to vector<16xf32>
        %broadcast_in_dim3A_92 = arith.constant 0 : i32
        %broadcast_in_dim3A_93 = vector.broadcast %broadcast_in_dim3A_92 : i32 to vector<16x1xi32>
        %gather3A = vector.shape_cast %broadcast_in_dim3A_93 : vector<16x1xi32> to vector<16xi32>
        %gather3A_94 = tpu.dynamic_gather %get3A_91[%gather3A] in [0] : vector<16xf32>, vector<16xi32> -> vector<16xf32>
        %mul3A_95 = arith.constant 16 : i32
        %mul3A_96 = arith.muli %scan3A_85, %mul3A_95 : i32
        %add3A_97 = arith.constant 0 : i32
        %add3A_98 = arith.addi %mul3A_96, %add3A_97 : i32
        %get3A_99 = arith.index_cast %add3A_98 : i32 to index
        %get3A_100 = arith.constant 0 : index
        %get3A_101 = tpu.vector_load %arg7[%get3A_99, %get3A_100] {strides = array<i32>} : memref<80x128xf32, #tpu.memory_space<vmem>>, vector<1x16xf32>,
        %get3A_102 = vector.shape_cast %get3A_101 : vector<1x16xf32> to vector<16xf32>
        %mul3A_103 = arith.mulf %get3A_102, %gather3A_94 : vector<16xf32>
        %swap3A = arith.index_cast %add3A_98 : i32 to index
        %swap3A_104 = arith.constant 0 : index
        %swap3A_105 = tpu.vector_load %arg7[%swap3A, %swap3A_104] {strides = array<i32>} : memref<80x128xf32, #tpu.memory_space<vmem>>, vector<1x16xf32>,
        %swap3A_106 = vector.shape_cast %swap3A_105 : vector<1x16xf32> to vector<16xf32>
        %swap3A_107 = vector.shape_cast %mul3A_103 : vector<16xf32> to vector<1x16xf32>
        tpu.vector_store %arg7[%swap3A, %swap3A_104], %swap3A_107 {strides = array<i32>} : memref<80x128xf32, #tpu.memory_space<vmem>>, vector<1x16xf32>,
        %get3A_108 = arith.index_cast %add3A_98 : i32 to index
        %get3A_109 = arith.constant 16 : index
        %get3A_110 = tpu.vector_load %arg7[%get3A_108, %get3A_109] {strides = array<i32>} : memref<80x128xf32, #tpu.memory_space<vmem>>, vector<1x16xf32>,
        %get3A_111 = vector.shape_cast %get3A_110 : vector<1x16xf32> to vector<16xf32>
        %mul3A_112 = arith.mulf %get3A_111, %gather3A_94 : vector<16xf32>
        %swap3A_113 = arith.index_cast %add3A_98 : i32 to index
        %swap3A_114 = arith.constant 16 : index
        %swap3A_115 = tpu.vector_load %arg7[%swap3A_113, %swap3A_114] {strides = array<i32>} : memref<80x128xf32, #tpu.memory_space<vmem>>, vector<1x16xf32>,
        %swap3A_116 = vector.shape_cast %swap3A_115 : vector<1x16xf32> to vector<16xf32>
        %swap3A_117 = vector.shape_cast %mul3A_112 : vector<16xf32> to vector<1x16xf32>
        tpu.vector_store %arg7[%swap3A_113, %swap3A_114], %swap3A_117 {strides = array<i32>} : memref<80x128xf32, #tpu.memory_space<vmem>>, vector<1x16xf32>,
        %get3A_118 = arith.index_cast %add3A_98 : i32 to index
        %get3A_119 = arith.constant 32 : index
        %get3A_120 = tpu.vector_load %arg7[%get3A_118, %get3A_119] {strides = array<i32>} : memref<80x128xf32, #tpu.memory_space<vmem>>, vector<1x16xf32>,
        %get3A_121 = vector.shape_cast %get3A_120 : vector<1x16xf32> to vector<16xf32>
        %mul3A_122 = arith.mulf %get3A_121, %gather3A_94 : vector<16xf32>
        %swap3A_123 = arith.index_cast %add3A_98 : i32 to index
        %swap3A_124 = arith.constant 32 : index
        %swap3A_125 = tpu.vector_load %arg7[%swap3A_123, %swap3A_124] {strides = array<i32>} : memref<80x128xf32, #tpu.memory_space<vmem>>, vector<1x16xf32>,
        %swap3A_126 = vector.shape_cast %swap3A_125 : vector<1x16xf32> to vector<16xf32>
        %swap3A_127 = vector.shape_cast %mul3A_122 : vector<16xf32> to vector<1x16xf32>
        tpu.vector_store %arg7[%swap3A_123, %swap3A_124], %swap3A_127 {strides = array<i32>} : memref<80x128xf32, #tpu.memory_space<vmem>>, vector<1x16xf32>,
        %get3A_128 = arith.index_cast %add3A_98 : i32 to index
        %get3A_129 = arith.constant 48 : index
        %get3A_130 = tpu.vector_load %arg7[%get3A_128, %get3A_129] {strides = array<i32>} : memref<80x128xf32, #tpu.memory_space<vmem>>, vector<1x16xf32>,
        %get3A_131 = vector.shape_cast %get3A_130 : vector<1x16xf32> to vector<16xf32>
        %mul3A_132 = arith.mulf %get3A_131, %gather3A_94 : vector<16xf32>
        %swap3A_133 = arith.index_cast %add3A_98 : i32 to index
        %swap3A_134 = arith.constant 48 : index
        %swap3A_135 = tpu.vector_load %arg7[%swap3A_133, %swap3A_134] {strides = array<i32>} : memref<80x128xf32, #tpu.memory_space<vmem>>, vector<1x16xf32>,
        %swap3A_136 = vector.shape_cast %swap3A_135 : vector<1x16xf32> to vector<16xf32>
        %swap3A_137 = vector.shape_cast %mul3A_132 : vector<16xf32> to vector<1x16xf32>
        tpu.vector_store %arg7[%swap3A_133, %swap3A_134], %swap3A_137 {strides = array<i32>} : memref<80x128xf32, #tpu.memory_space<vmem>>, vector<1x16xf32>,
        %broadcast_in_dim3A_138 = arith.constant 1 : i32
        %broadcast_in_dim3A_139 = vector.broadcast %broadcast_in_dim3A_138 : i32 to vector<16x1xi32>
        %gather3A_140 = vector.shape_cast %broadcast_in_dim3A_139 : vector<16x1xi32> to vector<16xi32>
        %gather3A_141 = tpu.dynamic_gather %get3A_91[%gather3A_140] in [0] : vector<16xf32>, vector<16xi32> -> vector<16xf32>
        %mul3A_142 = arith.constant 16 : i32
        %mul3A_143 = arith.muli %scan3A_85, %mul3A_142 : i32
        %add3A_144 = arith.constant 1 : i32
        %add3A_145 = arith.addi %mul3A_143, %add3A_144 : i32
        %get3A_146 = arith.index_cast %add3A_145 : i32 to index
        %get3A_147 = arith.constant 0 : index
        %get3A_148 = tpu.vector_load %arg7[%get3A_146, %get3A_147] {strides = array<i32>} : memref<80x128xf32, #tpu.memory_space<vmem>>, vector<1x16xf32>,
        %get3A_149 = vector.shape_cast %get3A_148 : vector<1x16xf32> to vector<16xf32>
        %mul3A_150 = arith.mulf %get3A_149, %gather3A_141 : vector<16xf32>
        %swap3A_151 = arith.index_cast %add3A_145 : i32 to index
        %swap3A_152 = arith.constant 0 : index
        %swap3A_153 = tpu.vector_load %arg7[%swap3A_151, %swap3A_152] {strides = array<i32>} : memref<80x128xf32, #tpu.memory_space<vmem>>, vector<1x16xf32>,
        %swap3A_154 = vector.shape_cast %swap3A_153 : vector<1x16xf32> to vector<16xf32>
        %swap3A_155 = vector.shape_cast %mul3A_150 : vector<16xf32> to vector<1x16xf32>
        tpu.vector_store %arg7[%swap3A_151, %swap3A_152], %swap3A_155 {strides = array<i32>} : memref<80x128xf32, #tpu.memory_space<vmem>>, vector<1x16xf32>,
        %get3A_156 = arith.index_cast %add3A_145 : i32 to index
        %get3A_157 = arith.constant 16 : index
        %get3A_158 = tpu.vector_load %arg7[%get3A_156, %get3A_157] {strides = array<i32>} : memref<80x128xf32, #tpu.memory_space<vmem>>, vector<1x16xf32>,
        %get3A_159 = vector.shape_cast %get3A_158 : vector<1x16xf32> to vector<16xf32>
        %mul3A_160 = arith.mulf %get3A_159, %gather3A_141 : vector<16xf32>
        %swap3A_161 = arith.index_cast %add3A_145 : i32 to index
        %swap3A_162 = arith.constant 16 : index
        %swap3A_163 = tpu.vector_load %arg7[%swap3A_161, %swap3A_162] {strides = array<i32>} : memref<80x128xf32, #tpu.memory_space<vmem>>, vector<1x16xf32>,
        %swap3A_164 = vector.shape_cast %swap3A_163 : vector<1x16xf32> to vector<16xf32>
        %swap3A_165 = vector.shape_cast %mul3A_160 : vector<16xf32> to vector<1x16xf32>
        tpu.vector_store %arg7[%swap3A_161, %swap3A_162], %swap3A_165 {strides = array<i32>} : memref<80x128xf32, #tpu.memory_space<vmem>>, vector<1x16xf32>,
        %get3A_166 = arith.index_cast %add3A_145 : i32 to index
        %get3A_167 = arith.constant 32 : index
        %get3A_168 = tpu.vector_load %arg7[%get3A_166, %get3A_167] {strides = array<i32>} : memref<80x128xf32, #tpu.memory_space<vmem>>, vector<1x16xf32>,
        %get3A_169 = vector.shape_cast %get3A_168 : vector<1x16xf32> to vector<16xf32>
        %mul3A_170 = arith.mulf %get3A_169, %gather3A_141 : vector<16xf32>
        %swap3A_171 = arith.index_cast %add3A_145 : i32 to index
        %swap3A_172 = arith.constant 32 : index
        %swap3A_173 = tpu.vector_load %arg7[%swap3A_171, %swap3A_172] {strides = array<i32>} : memref<80x128xf32, #tpu.memory_space<vmem>>, vector<1x16xf32>,
        %swap3A_174 = vector.shape_cast %swap3A_173 : vector<1x16xf32> to vector<16xf32>
        %swap3A_175 = vector.shape_cast %mul3A_170 : vector<16xf32> to vector<1x16xf32>
        tpu.vector_store %arg7[%swap3A_171, %swap3A_172], %swap3A_175 {strides = array<i32>} : memref<80x128xf32, #tpu.memory_space<vmem>>, vector<1x16xf32>,
        %get3A_176 = arith.index_cast %add3A_145 : i32 to index
        %get3A_177 = arith.constant 48 : index
        %get3A_178 = tpu.vector_load %arg7[%get3A_176, %get3A_177] {strides = array<i32>} : memref<80x128xf32, #tpu.memory_space<vmem>>, vector<1x16xf32>,
        %get3A_179 = vector.shape_cast %get3A_178 : vector<1x16xf32> to vector<16xf32>
        %mul3A_180 = arith.mulf %get3A_179, %gather3A_141 : vector<16xf32>
        %swap3A_181 = arith.index_cast %add3A_145 : i32 to index
        %swap3A_182 = arith.constant 48 : index
        %swap3A_183 = tpu.vector_load %arg7[%swap3A_181, %swap3A_182] {strides = array<i32>} : memref<80x128xf32, #tpu.memory_space<vmem>>, vector<1x16xf32>,
        %swap3A_184 = vector.shape_cast %swap3A_183 : vector<1x16xf32> to vector<16xf32>
        %swap3A_185 = vector.shape_cast %mul3A_180 : vector<16xf32> to vector<1x16xf32>
        tpu.vector_store %arg7[%swap3A_181, %swap3A_182], %swap3A_185 {strides = array<i32>} : memref<80x128xf32, #tpu.memory_space<vmem>>, vector<1x16xf32>,
        %broadcast_in_dim3A_186 = arith.constant 2 : i32
        %broadcast_in_dim3A_187 = vector.broadcast %broadcast_in_dim3A_186 : i32 to vector<16x1xi32>
        %gather3A_188 = vector.shape_cast %broadcast_in_dim3A_187 : vector<16x1xi32> to vector<16xi32>
        %gather3A_189 = tpu.dynamic_gather %get3A_91[%gather3A_188] in [0] : vector<16xf32>, vector<16xi32> -> vector<16xf32>
        %mul3A_190 = arith.constant 16 : i32
        %mul3A_191 = arith.muli %scan3A_85, %mul3A_190 : i32
        %add3A_192 = arith.constant 2 : i32
        %add3A_193 = arith.addi %mul3A_191, %add3A_192 : i32
        %get3A_194 = arith.index_cast %add3A_193 : i32 to index
        %get3A_195 = arith.constant 0 : index
        %get3A_196 = tpu.vector_load %arg7[%get3A_194, %get3A_195] {strides = array<i32>} : memref<80x128xf32, #tpu.memory_space<vmem>>, vector<1x16xf32>,
        %get3A_197 = vector.shape_cast %get3A_196 : vector<1x16xf32> to vector<16xf32>
        %mul3A_198 = arith.mulf %get3A_197, %gather3A_189 : vector<16xf32>
        %swap3A_199 = arith.index_cast %add3A_193 : i32 to index
        %swap3A_200 = arith.constant 0 : index
        %swap3A_201 = tpu.vector_load %arg7[%swap3A_199, %swap3A_200] {strides = array<i32>} : memref<80x128xf32, #tpu.memory_space<vmem>>, vector<1x16xf32>,
        %swap3A_202 = vector.shape_cast %swap3A_201 : vector<1x16xf32> to vector<16xf32>
        %swap3A_203 = vector.shape_cast %mul3A_198 : vector<16xf32> to vector<1x16xf32>
        tpu.vector_store %arg7[%swap3A_199, %swap3A_200], %swap3A_203 {strides = array<i32>} : memref<80x128xf32, #tpu.memory_space<vmem>>, vector<1x16xf32>,
        %get3A_204 = arith.index_cast %add3A_193 : i32 to index
        %get3A_205 = arith.constant 16 : index
        %get3A_206 = tpu.vector_load %arg7[%get3A_204, %get3A_205] {strides = array<i32>} : memref<80x128xf32, #tpu.memory_space<vmem>>, vector<1x16xf32>,
        %get3A_207 = vector.shape_cast %get3A_206 : vector<1x16xf32> to vector<16xf32>
        %mul3A_208 = arith.mulf %get3A_207, %gather3A_189 : vector<16xf32>
        %swap3A_209 = arith.index_cast %add3A_193 : i32 to index
        %swap3A_210 = arith.constant 16 : index
        %swap3A_211 = tpu.vector_load %arg7[%swap3A_209, %swap3A_210] {strides = array<i32>} : memref<80x128xf32, #tpu.memory_space<vmem>>, vector<1x16xf32>,
        %swap3A_212 = vector.shape_cast %swap3A_211 : vector<1x16xf32> to vector<16xf32>
        %swap3A_213 = vector.shape_cast %mul3A_208 : vector<16xf32> to vector<1x16xf32>
        tpu.vector_store %arg7[%swap3A_209, %swap3A_210], %swap3A_213 {strides = array<i32>} : memref<80x128xf32, #tpu.memory_space<vmem>>, vector<1x16xf32>,
        %get3A_214 = arith.index_cast %add3A_193 : i32 to index
        %get3A_215 = arith.constant 32 : index
        %get3A_216 = tpu.vector_load %arg7[%get3A_214, %get3A_215] {strides = array<i32>} : memref<80x128xf32, #tpu.memory_space<vmem>>, vector<1x16xf32>,
        %get3A_217 = vector.shape_cast %get3A_216 : vector<1x16xf32> to vector<16xf32>
        %mul3A_218 = arith.mulf %get3A_217, %gather3A_189 : vector<16xf32>
        %swap3A_219 = arith.index_cast %add3A_193 : i32 to index
        %swap3A_220 = arith.constant 32 : index
        %swap3A_221 = tpu.vector_load %arg7[%swap3A_219, %swap3A_220] {strides = array<i32>} : memref<80x128xf32, #tpu.memory_space<vmem>>, vector<1x16xf32>,
        %swap3A_222 = vector.shape_cast %swap3A_221 : vector<1x16xf32> to vector<16xf32>
        %swap3A_223 = vector.shape_cast %mul3A_218 : vector<16xf32> to vector<1x16xf32>
        tpu.vector_store %arg7[%swap3A_219, %swap3A_220], %swap3A_223 {strides = array<i32>} : memref<80x128xf32, #tpu.memory_space<vmem>>, vector<1x16xf32>,
        %get3A_224 = arith.index_cast %add3A_193 : i32 to index
        %get3A_225 = arith.constant 48 : index
        %get3A_226 = tpu.vector_load %arg7[%get3A_224, %get3A_225] {strides = array<i32>} : memref<80x128xf32, #tpu.memory_space<vmem>>, vector<1x16xf32>,
        %get3A_227 = vector.shape_cast %get3A_226 : vector<1x16xf32> to vector<16xf32>
        %mul3A_228 = arith.mulf %get3A_227, %gather3A_189 : vector<16xf32>
        %swap3A_229 = arith.index_cast %add3A_193 : i32 to index
        %swap3A_230 = arith.constant 48 : index
        %swap3A_231 = tpu.vector_load %arg7[%swap3A_229, %swap3A_230] {strides = array<i32>} : memref<80x128xf32, #tpu.memory_space<vmem>>, vector<1x16xf32>,
        %swap3A_232 = vector.shape_cast %swap3A_231 : vector<1x16xf32> to vector<16xf32>
        %swap3A_233 = vector.shape_cast %mul3A_228 : vector<16xf32> to vector<1x16xf32>
        tpu.vector_store %arg7[%swap3A_229, %swap3A_230], %swap3A_233 {strides = array<i32>} : memref<80x128xf32, #tpu.memory_space<vmem>>, vector<1x16xf32>,
        %broadcast_in_dim3A_234 = arith.constant 3 : i32
        %broadcast_in_dim3A_235 = vector.broadcast %broadcast_in_dim3A_234 : i32 to vector<16x1xi32>
        %gather3A_236 = vector.shape_cast %broadcast_in_dim3A_235 : vector<16x1xi32> to vector<16xi32>
        %gather3A_237 = tpu.dynamic_gather %get3A_91[%gather3A_236] in [0] : vector<16xf32>, vector<16xi32> -> vector<16xf32>
        %mul3A_238 = arith.constant 16 : i32
        %mul3A_239 = arith.muli %scan3A_85, %mul3A_238 : i32
        %add3A_240 = arith.constant 3 : i32
        %add3A_241 = arith.addi %mul3A_239, %add3A_240 : i32
        %get3A_242 = arith.index_cast %add3A_241 : i32 to index
        %get3A_243 = arith.constant 0 : index
        %get3A_244 = tpu.vector_load %arg7[%get3A_242, %get3A_243] {strides = array<i32>} : memref<80x128xf32, #tpu.memory_space<vmem>>, vector<1x16xf32>,
        %get3A_245 = vector.shape_cast %get3A_244 : vector<1x16xf32> to vector<16xf32>
        %mul3A_246 = arith.mulf %get3A_245, %gather3A_237 : vector<16xf32>
        %swap3A_247 = arith.index_cast %add3A_241 : i32 to index
        %swap3A_248 = arith.constant 0 : index
        %swap3A_249 = tpu.vector_load %arg7[%swap3A_247, %swap3A_248] {strides = array<i32>} : memref<80x128xf32, #tpu.memory_space<vmem>>, vector<1x16xf32>,
        %swap3A_250 = vector.shape_cast %swap3A_249 : vector<1x16xf32> to vector<16xf32>
        %swap3A_251 = vector.shape_cast %mul3A_246 : vector<16xf32> to vector<1x16xf32>
        tpu.vector_store %arg7[%swap3A_247, %swap3A_248], %swap3A_251 {strides = array<i32>} : memref<80x128xf32, #tpu.memory_space<vmem>>, vector<1x16xf32>,
        %get3A_252 = arith.index_cast %add3A_241 : i32 to index
        %get3A_253 = arith.constant 16 : index
        %get3A_254 = tpu.vector_load %arg7[%get3A_252, %get3A_253] {strides = array<i32>} : memref<80x128xf32, #tpu.memory_space<vmem>>, vector<1x16xf32>,
        %get3A_255 = vector.shape_cast %get3A_254 : vector<1x16xf32> to vector<16xf32>
        %mul3A_256 = arith.mulf %get3A_255, %gather3A_237 : vector<16xf32>
        %swap3A_257 = arith.index_cast %add3A_241 : i32 to index
        %swap3A_258 = arith.constant 16 : index
        %swap3A_259 = tpu.vector_load %arg7[%swap3A_257, %swap3A_258] {strides = array<i32>} : memref<80x128xf32, #tpu.memory_space<vmem>>, vector<1x16xf32>,
        %swap3A_260 = vector.shape_cast %swap3A_259 : vector<1x16xf32> to vector<16xf32>
        %swap3A_261 = vector.shape_cast %mul3A_256 : vector<16xf32> to vector<1x16xf32>
        tpu.vector_store %arg7[%swap3A_257, %swap3A_258], %swap3A_261 {strides = array<i32>} : memref<80x128xf32, #tpu.memory_space<vmem>>, vector<1x16xf32>,
        %get3A_262 = arith.index_cast %add3A_241 : i32 to index
        %get3A_263 = arith.constant 32 : index
        %get3A_264 = tpu.vector_load %arg7[%get3A_262, %get3A_263] {strides = array<i32>} : memref<80x128xf32, #tpu.memory_space<vmem>>, vector<1x16xf32>,
        %get3A_265 = vector.shape_cast %get3A_264 : vector<1x16xf32> to vector<16xf32>
        %mul3A_266 = arith.mulf %get3A_265, %gather3A_237 : vector<16xf32>
        %swap3A_267 = arith.index_cast %add3A_241 : i32 to index
        %swap3A_268 = arith.constant 32 : index
        %swap3A_269 = tpu.vector_load %arg7[%swap3A_267, %swap3A_268] {strides = array<i32>} : memref<80x128xf32, #tpu.memory_space<vmem>>, vector<1x16xf32>,
        %swap3A_270 = vector.shape_cast %swap3A_269 : vector<1x16xf32> to vector<16xf32>
        %swap3A_271 = vector.shape_cast %mul3A_266 : vector<16xf32> to vector<1x16xf32>
        tpu.vector_store %arg7[%swap3A_267, %swap3A_268], %swap3A_271 {strides = array<i32>} : memref<80x128xf32, #tpu.memory_space<vmem>>, vector<1x16xf32>,
        %get3A_272 = arith.index_cast %add3A_241 : i32 to index
        %get3A_273 = arith.constant 48 : index
        %get3A_274 = tpu.vector_load %arg7[%get3A_272, %get3A_273] {strides = array<i32>} : memref<80x128xf32, #tpu.memory_space<vmem>>, vector<1x16xf32>,
        %get3A_275 = vector.shape_cast %get3A_274 : vector<1x16xf32> to vector<16xf32>
        %mul3A_276 = arith.mulf %get3A_275, %gather3A_237 : vector<16xf32>
        %swap3A_277 = arith.index_cast %add3A_241 : i32 to index
        %swap3A_278 = arith.constant 48 : index
        %swap3A_279 = tpu.vector_load %arg7[%swap3A_277, %swap3A_278] {strides = array<i32>} : memref<80x128xf32, #tpu.memory_space<vmem>>, vector<1x16xf32>,
        %swap3A_280 = vector.shape_cast %swap3A_279 : vector<1x16xf32> to vector<16xf32>
        %swap3A_281 = vector.shape_cast %mul3A_276 : vector<16xf32> to vector<1x16xf32>
        tpu.vector_store %arg7[%swap3A_277, %swap3A_278], %swap3A_281 {strides = array<i32>} : memref<80x128xf32, #tpu.memory_space<vmem>>, vector<1x16xf32>,
        %broadcast_in_dim3A_282 = arith.constant 4 : i32
        %broadcast_in_dim3A_283 = vector.broadcast %broadcast_in_dim3A_282 : i32 to vector<16x1xi32>
        %gather3A_284 = vector.shape_cast %broadcast_in_dim3A_283 : vector<16x1xi32> to vector<16xi32>
        %gather3A_285 = tpu.dynamic_gather %get3A_91[%gather3A_284] in [0] : vector<16xf32>, vector<16xi32> -> vector<16xf32>
        %mul3A_286 = arith.constant 16 : i32
        %mul3A_287 = arith.muli %scan3A_85, %mul3A_286 : i32
        %add3A_288 = arith.constant 4 : i32
        %add3A_289 = arith.addi %mul3A_287, %add3A_288 : i32
        %get3A_290 = arith.index_cast %add3A_289 : i32 to index
        %get3A_291 = arith.constant 0 : index
        %get3A_292 = tpu.vector_load %arg7[%get3A_290, %get3A_291] {strides = array<i32>} : memref<80x128xf32, #tpu.memory_space<vmem>>, vector<1x16xf32>,
        %get3A_293 = vector.shape_cast %get3A_292 : vector<1x16xf32> to vector<16xf32>
        %mul3A_294 = arith.mulf %get3A_293, %gather3A_285 : vector<16xf32>
        %swap3A_295 = arith.index_cast %add3A_289 : i32 to index
        %swap3A_296 = arith.constant 0 : index
        %swap3A_297 = tpu.vector_load %arg7[%swap3A_295, %swap3A_296] {strides = array<i32>} : memref<80x128xf32, #tpu.memory_space<vmem>>, vector<1x16xf32>,
        %swap3A_298 = vector.shape_cast %swap3A_297 : vector<1x16xf32> to vector<16xf32>
        %swap3A_299 = vector.shape_cast %mul3A_294 : vector<16xf32> to vector<1x16xf32>
        tpu.vector_store %arg7[%swap3A_295, %swap3A_296], %swap3A_299 {strides = array<i32>} : memref<80x128xf32, #tpu.memory_space<vmem>>, vector<1x16xf32>,
        %get3A_300 = arith.index_cast %add3A_289 : i32 to index
        %get3A_301 = arith.constant 16 : index
        %get3A_302 = tpu.vector_load %arg7[%get3A_300, %get3A_301] {strides = array<i32>} : memref<80x128xf32, #tpu.memory_space<vmem>>, vector<1x16xf32>,
        %get3A_303 = vector.shape_cast %get3A_302 : vector<1x16xf32> to vector<16xf32>
        %mul3A_304 = arith.mulf %get3A_303, %gather3A_285 : vector<16xf32>
        %swap3A_305 = arith.index_cast %add3A_289 : i32 to index
        %swap3A_306 = arith.constant 16 : index
        %swap3A_307 = tpu.vector_load %arg7[%swap3A_305, %swap3A_306] {strides = array<i32>} : memref<80x128xf32, #tpu.memory_space<vmem>>, vector<1x16xf32>,
        %swap3A_308 = vector.shape_cast %swap3A_307 : vector<1x16xf32> to vector<16xf32>
        %swap3A_309 = vector.shape_cast %mul3A_304 : vector<16xf32> to vector<1x16xf32>
        tpu.vector_store %arg7[%swap3A_305, %swap3A_306], %swap3A_309 {strides = array<i32>} : memref<80x128xf32, #tpu.memory_space<vmem>>, vector<1x16xf32>,
        %get3A_310 = arith.index_cast %add3A_289 : i32 to index
        %get3A_311 = arith.constant 32 : index
        %get3A_312 = tpu.vector_load %arg7[%get3A_310, %get3A_311] {strides = array<i32>} : memref<80x128xf32, #tpu.memory_space<vmem>>, vector<1x16xf32>,
        %get3A_313 = vector.shape_cast %get3A_312 : vector<1x16xf32> to vector<16xf32>
        %mul3A_314 = arith.mulf %get3A_313, %gather3A_285 : vector<16xf32>
        %swap3A_315 = arith.index_cast %add3A_289 : i32 to index
        %swap3A_316 = arith.constant 32 : index
        %swap3A_317 = tpu.vector_load %arg7[%swap3A_315, %swap3A_316] {strides = array<i32>} : memref<80x128xf32, #tpu.memory_space<vmem>>, vector<1x16xf32>,
        %swap3A_318 = vector.shape_cast %swap3A_317 : vector<1x16xf32> to vector<16xf32>
        %swap3A_319 = vector.shape_cast %mul3A_314 : vector<16xf32> to vector<1x16xf32>
        tpu.vector_store %arg7[%swap3A_315, %swap3A_316], %swap3A_319 {strides = array<i32>} : memref<80x128xf32, #tpu.memory_space<vmem>>, vector<1x16xf32>,
        %get3A_320 = arith.index_cast %add3A_289 : i32 to index
        %get3A_321 = arith.constant 48 : index
        %get3A_322 = tpu.vector_load %arg7[%get3A_320, %get3A_321] {strides = array<i32>} : memref<80x128xf32, #tpu.memory_space<vmem>>, vector<1x16xf32>,
        %get3A_323 = vector.shape_cast %get3A_322 : vector<1x16xf32> to vector<16xf32>
        %mul3A_324 = arith.mulf %get3A_323, %gather3A_285 : vector<16xf32>
        %swap3A_325 = arith.index_cast %add3A_289 : i32 to index
        %swap3A_326 = arith.constant 48 : index
        %swap3A_327 = tpu.vector_load %arg7[%swap3A_325, %swap3A_326] {strides = array<i32>} : memref<80x128xf32, #tpu.memory_space<vmem>>, vector<1x16xf32>,
        %swap3A_328 = vector.shape_cast %swap3A_327 : vector<1x16xf32> to vector<16xf32>
        %swap3A_329 = vector.shape_cast %mul3A_324 : vector<16xf32> to vector<1x16xf32>
        tpu.vector_store %arg7[%swap3A_325, %swap3A_326], %swap3A_329 {strides = array<i32>} : memref<80x128xf32, #tpu.memory_space<vmem>>, vector<1x16xf32>,
        %broadcast_in_dim3A_330 = arith.constant 5 : i32
        %broadcast_in_dim3A_331 = vector.broadcast %broadcast_in_dim3A_330 : i32 to vector<16x1xi32>
        %gather3A_332 = vector.shape_cast %broadcast_in_dim3A_331 : vector<16x1xi32> to vector<16xi32>
        %gather3A_333 = tpu.dynamic_gather %get3A_91[%gather3A_332] in [0] : vector<16xf32>, vector<16xi32> -> vector<16xf32>
        %mul3A_334 = arith.constant 16 : i32
        %mul3A_335 = arith.muli %scan3A_85, %mul3A_334 : i32
        %add3A_336 = arith.constant 5 : i32
        %add3A_337 = arith.addi %mul3A_335, %add3A_336 : i32
        %get3A_338 = arith.index_cast %add3A_337 : i32 to index
        %get3A_339 = arith.constant 0 : index
        %get3A_340 = tpu.vector_load %arg7[%get3A_338, %get3A_339] {strides = array<i32>} : memref<80x128xf32, #tpu.memory_space<vmem>>, vector<1x16xf32>,
        %get3A_341 = vector.shape_cast %get3A_340 : vector<1x16xf32> to vector<16xf32>
        %mul3A_342 = arith.mulf %get3A_341, %gather3A_333 : vector<16xf32>
        %swap3A_343 = arith.index_cast %add3A_337 : i32 to index
        %swap3A_344 = arith.constant 0 : index
        %swap3A_345 = tpu.vector_load %arg7[%swap3A_343, %swap3A_344] {strides = array<i32>} : memref<80x128xf32, #tpu.memory_space<vmem>>, vector<1x16xf32>,
        %swap3A_346 = vector.shape_cast %swap3A_345 : vector<1x16xf32> to vector<16xf32>
        %swap3A_347 = vector.shape_cast %mul3A_342 : vector<16xf32> to vector<1x16xf32>
        tpu.vector_store %arg7[%swap3A_343, %swap3A_344], %swap3A_347 {strides = array<i32>} : memref<80x128xf32, #tpu.memory_space<vmem>>, vector<1x16xf32>,
        %get3A_348 = arith.index_cast %add3A_337 : i32 to index
        %get3A_349 = arith.constant 16 : index
        %get3A_350 = tpu.vector_load %arg7[%get3A_348, %get3A_349] {strides = array<i32>} : memref<80x128xf32, #tpu.memory_space<vmem>>, vector<1x16xf32>,
        %get3A_351 = vector.shape_cast %get3A_350 : vector<1x16xf32> to vector<16xf32>
        %mul3A_352 = arith.mulf %get3A_351, %gather3A_333 : vector<16xf32>
        %swap3A_353 = arith.index_cast %add3A_337 : i32 to index
        %swap3A_354 = arith.constant 16 : index
        %swap3A_355 = tpu.vector_load %arg7[%swap3A_353, %swap3A_354] {strides = array<i32>} : memref<80x128xf32, #tpu.memory_space<vmem>>, vector<1x16xf32>,
        %swap3A_356 = vector.shape_cast %swap3A_355 : vector<1x16xf32> to vector<16xf32>
        %swap3A_357 = vector.shape_cast %mul3A_352 : vector<16xf32> to vector<1x16xf32>
        tpu.vector_store %arg7[%swap3A_353, %swap3A_354], %swap3A_357 {strides = array<i32>} : memref<80x128xf32, #tpu.memory_space<vmem>>, vector<1x16xf32>,
        %get3A_358 = arith.index_cast %add3A_337 : i32 to index
        %get3A_359 = arith.constant 32 : index
        %get3A_360 = tpu.vector_load %arg7[%get3A_358, %get3A_359] {strides = array<i32>} : memref<80x128xf32, #tpu.memory_space<vmem>>, vector<1x16xf32>,
        %get3A_361 = vector.shape_cast %get3A_360 : vector<1x16xf32> to vector<16xf32>
        %mul3A_362 = arith.mulf %get3A_361, %gather3A_333 : vector<16xf32>
        %swap3A_363 = arith.index_cast %add3A_337 : i32 to index
        %swap3A_364 = arith.constant 32 : index
        %swap3A_365 = tpu.vector_load %arg7[%swap3A_363, %swap3A_364] {strides = array<i32>} : memref<80x128xf32, #tpu.memory_space<vmem>>, vector<1x16xf32>,
        %swap3A_366 = vector.shape_cast %swap3A_365 : vector<1x16xf32> to vector<16xf32>
        %swap3A_367 = vector.shape_cast %mul3A_362 : vector<16xf32> to vector<1x16xf32>
        tpu.vector_store %arg7[%swap3A_363, %swap3A_364], %swap3A_367 {strides = array<i32>} : memref<80x128xf32, #tpu.memory_space<vmem>>, vector<1x16xf32>,
        %get3A_368 = arith.index_cast %add3A_337 : i32 to index
        %get3A_369 = arith.constant 48 : index
        %get3A_370 = tpu.vector_load %arg7[%get3A_368, %get3A_369] {strides = array<i32>} : memref<80x128xf32, #tpu.memory_space<vmem>>, vector<1x16xf32>,
        %get3A_371 = vector.shape_cast %get3A_370 : vector<1x16xf32> to vector<16xf32>
        %mul3A_372 = arith.mulf %get3A_371, %gather3A_333 : vector<16xf32>
        %swap3A_373 = arith.index_cast %add3A_337 : i32 to index
        %swap3A_374 = arith.constant 48 : index
        %swap3A_375 = tpu.vector_load %arg7[%swap3A_373, %swap3A_374] {strides = array<i32>} : memref<80x128xf32, #tpu.memory_space<vmem>>, vector<1x16xf32>,
        %swap3A_376 = vector.shape_cast %swap3A_375 : vector<1x16xf32> to vector<16xf32>
        %swap3A_377 = vector.shape_cast %mul3A_372 : vector<16xf32> to vector<1x16xf32>
        tpu.vector_store %arg7[%swap3A_373, %swap3A_374], %swap3A_377 {strides = array<i32>} : memref<80x128xf32, #tpu.memory_space<vmem>>, vector<1x16xf32>,
        %broadcast_in_dim3A_378 = arith.constant 6 : i32
        %broadcast_in_dim3A_379 = vector.broadcast %broadcast_in_dim3A_378 : i32 to vector<16x1xi32>
        %gather3A_380 = vector.shape_cast %broadcast_in_dim3A_379 : vector<16x1xi32> to vector<16xi32>
        %gather3A_381 = tpu.dynamic_gather %get3A_91[%gather3A_380] in [0] : vector<16xf32>, vector<16xi32> -> vector<16xf32>
        %mul3A_382 = arith.constant 16 : i32
        %mul3A_383 = arith.muli %scan3A_85, %mul3A_382 : i32
        %add3A_384 = arith.constant 6 : i32
        %add3A_385 = arith.addi %mul3A_383, %add3A_384 : i32
        %get3A_386 = arith.index_cast %add3A_385 : i32 to index
        %get3A_387 = arith.constant 0 : index
        %get3A_388 = tpu.vector_load %arg7[%get3A_386, %get3A_387] {strides = array<i32>} : memref<80x128xf32, #tpu.memory_space<vmem>>, vector<1x16xf32>,
        %get3A_389 = vector.shape_cast %get3A_388 : vector<1x16xf32> to vector<16xf32>
        %mul3A_390 = arith.mulf %get3A_389, %gather3A_381 : vector<16xf32>
        %swap3A_391 = arith.index_cast %add3A_385 : i32 to index
        %swap3A_392 = arith.constant 0 : index
        %swap3A_393 = tpu.vector_load %arg7[%swap3A_391, %swap3A_392] {strides = array<i32>} : memref<80x128xf32, #tpu.memory_space<vmem>>, vector<1x16xf32>,
        %swap3A_394 = vector.shape_cast %swap3A_393 : vector<1x16xf32> to vector<16xf32>
        %swap3A_395 = vector.shape_cast %mul3A_390 : vector<16xf32> to vector<1x16xf32>
        tpu.vector_store %arg7[%swap3A_391, %swap3A_392], %swap3A_395 {strides = array<i32>} : memref<80x128xf32, #tpu.memory_space<vmem>>, vector<1x16xf32>,
        %get3A_396 = arith.index_cast %add3A_385 : i32 to index
        %get3A_397 = arith.constant 16 : index
        %get3A_398 = tpu.vector_load %arg7[%get3A_396, %get3A_397] {strides = array<i32>} : memref<80x128xf32, #tpu.memory_space<vmem>>, vector<1x16xf32>,
        %get3A_399 = vector.shape_cast %get3A_398 : vector<1x16xf32> to vector<16xf32>
        %mul3A_400 = arith.mulf %get3A_399, %gather3A_381 : vector<16xf32>
        %swap3A_401 = arith.index_cast %add3A_385 : i32 to index
        %swap3A_402 = arith.constant 16 : index
        %swap3A_403 = tpu.vector_load %arg7[%swap3A_401, %swap3A_402] {strides = array<i32>} : memref<80x128xf32, #tpu.memory_space<vmem>>, vector<1x16xf32>,
        %swap3A_404 = vector.shape_cast %swap3A_403 : vector<1x16xf32> to vector<16xf32>
        %swap3A_405 = vector.shape_cast %mul3A_400 : vector<16xf32> to vector<1x16xf32>
        tpu.vector_store %arg7[%swap3A_401, %swap3A_402], %swap3A_405 {strides = array<i32>} : memref<80x128xf32, #tpu.memory_space<vmem>>, vector<1x16xf32>,
        %get3A_406 = arith.index_cast %add3A_385 : i32 to index
        %get3A_407 = arith.constant 32 : index
        %get3A_408 = tpu.vector_load %arg7[%get3A_406, %get3A_407] {strides = array<i32>} : memref<80x128xf32, #tpu.memory_space<vmem>>, vector<1x16xf32>,
        %get3A_409 = vector.shape_cast %get3A_408 : vector<1x16xf32> to vector<16xf32>
        %mul3A_410 = arith.mulf %get3A_409, %gather3A_381 : vector<16xf32>
        %swap3A_411 = arith.index_cast %add3A_385 : i32 to index
        %swap3A_412 = arith.constant 32 : index
        %swap3A_413 = tpu.vector_load %arg7[%swap3A_411, %swap3A_412] {strides = array<i32>} : memref<80x128xf32, #tpu.memory_space<vmem>>, vector<1x16xf32>,
        %swap3A_414 = vector.shape_cast %swap3A_413 : vector<1x16xf32> to vector<16xf32>
        %swap3A_415 = vector.shape_cast %mul3A_410 : vector<16xf32> to vector<1x16xf32>
        tpu.vector_store %arg7[%swap3A_411, %swap3A_412], %swap3A_415 {strides = array<i32>} : memref<80x128xf32, #tpu.memory_space<vmem>>, vector<1x16xf32>,
        %get3A_416 = arith.index_cast %add3A_385 : i32 to index
        %get3A_417 = arith.constant 48 : index
        %get3A_418 = tpu.vector_load %arg7[%get3A_416, %get3A_417] {strides = array<i32>} : memref<80x128xf32, #tpu.memory_space<vmem>>, vector<1x16xf32>,
        %get3A_419 = vector.shape_cast %get3A_418 : vector<1x16xf32> to vector<16xf32>
        %mul3A_420 = arith.mulf %get3A_419, %gather3A_381 : vector<16xf32>
        %swap3A_421 = arith.index_cast %add3A_385 : i32 to index
        %swap3A_422 = arith.constant 48 : index
        %swap3A_423 = tpu.vector_load %arg7[%swap3A_421, %swap3A_422] {strides = array<i32>} : memref<80x128xf32, #tpu.memory_space<vmem>>, vector<1x16xf32>,
        %swap3A_424 = vector.shape_cast %swap3A_423 : vector<1x16xf32> to vector<16xf32>
        %swap3A_425 = vector.shape_cast %mul3A_420 : vector<16xf32> to vector<1x16xf32>
        tpu.vector_store %arg7[%swap3A_421, %swap3A_422], %swap3A_425 {strides = array<i32>} : memref<80x128xf32, #tpu.memory_space<vmem>>, vector<1x16xf32>,
        %broadcast_in_dim3A_426 = arith.constant 7 : i32
        %broadcast_in_dim3A_427 = vector.broadcast %broadcast_in_dim3A_426 : i32 to vector<16x1xi32>
        %gather3A_428 = vector.shape_cast %broadcast_in_dim3A_427 : vector<16x1xi32> to vector<16xi32>
        %gather3A_429 = tpu.dynamic_gather %get3A_91[%gather3A_428] in [0] : vector<16xf32>, vector<16xi32> -> vector<16xf32>
        %mul3A_430 = arith.constant 16 : i32
        %mul3A_431 = arith.muli %scan3A_85, %mul3A_430 : i32
        %add3A_432 = arith.constant 7 : i32
        %add3A_433 = arith.addi %mul3A_431, %add3A_432 : i32
        %get3A_434 = arith.index_cast %add3A_433 : i32 to index
        %get3A_435 = arith.constant 0 : index
        %get3A_436 = tpu.vector_load %arg7[%get3A_434, %get3A_435] {strides = array<i32>} : memref<80x128xf32, #tpu.memory_space<vmem>>, vector<1x16xf32>,
        %get3A_437 = vector.shape_cast %get3A_436 : vector<1x16xf32> to vector<16xf32>
        %mul3A_438 = arith.mulf %get3A_437, %gather3A_429 : vector<16xf32>
        %swap3A_439 = arith.index_cast %add3A_433 : i32 to index
        %swap3A_440 = arith.constant 0 : index
        %swap3A_441 = tpu.vector_load %arg7[%swap3A_439, %swap3A_440] {strides = array<i32>} : memref<80x128xf32, #tpu.memory_space<vmem>>, vector<1x16xf32>,
        %swap3A_442 = vector.shape_cast %swap3A_441 : vector<1x16xf32> to vector<16xf32>
        %swap3A_443 = vector.shape_cast %mul3A_438 : vector<16xf32> to vector<1x16xf32>
        tpu.vector_store %arg7[%swap3A_439, %swap3A_440], %swap3A_443 {strides = array<i32>} : memref<80x128xf32, #tpu.memory_space<vmem>>, vector<1x16xf32>,
        %get3A_444 = arith.index_cast %add3A_433 : i32 to index
        %get3A_445 = arith.constant 16 : index
        %get3A_446 = tpu.vector_load %arg7[%get3A_444, %get3A_445] {strides = array<i32>} : memref<80x128xf32, #tpu.memory_space<vmem>>, vector<1x16xf32>,
        %get3A_447 = vector.shape_cast %get3A_446 : vector<1x16xf32> to vector<16xf32>
        %mul3A_448 = arith.mulf %get3A_447, %gather3A_429 : vector<16xf32>
        %swap3A_449 = arith.index_cast %add3A_433 : i32 to index
        %swap3A_450 = arith.constant 16 : index
        %swap3A_451 = tpu.vector_load %arg7[%swap3A_449, %swap3A_450] {strides = array<i32>} : memref<80x128xf32, #tpu.memory_space<vmem>>, vector<1x16xf32>,
        %swap3A_452 = vector.shape_cast %swap3A_451 : vector<1x16xf32> to vector<16xf32>
        %swap3A_453 = vector.shape_cast %mul3A_448 : vector<16xf32> to vector<1x16xf32>
        tpu.vector_store %arg7[%swap3A_449, %swap3A_450], %swap3A_453 {strides = array<i32>} : memref<80x128xf32, #tpu.memory_space<vmem>>, vector<1x16xf32>,
        %get3A_454 = arith.index_cast %add3A_433 : i32 to index
        %get3A_455 = arith.constant 32 : index
        %get3A_456 = tpu.vector_load %arg7[%get3A_454, %get3A_455] {strides = array<i32>} : memref<80x128xf32, #tpu.memory_space<vmem>>, vector<1x16xf32>,
        %get3A_457 = vector.shape_cast %get3A_456 : vector<1x16xf32> to vector<16xf32>
        %mul3A_458 = arith.mulf %get3A_457, %gather3A_429 : vector<16xf32>
        %swap3A_459 = arith.index_cast %add3A_433 : i32 to index
        %swap3A_460 = arith.constant 32 : index
        %swap3A_461 = tpu.vector_load %arg7[%swap3A_459, %swap3A_460] {strides = array<i32>} : memref<80x128xf32, #tpu.memory_space<vmem>>, vector<1x16xf32>,
        %swap3A_462 = vector.shape_cast %swap3A_461 : vector<1x16xf32> to vector<16xf32>
        %swap3A_463 = vector.shape_cast %mul3A_458 : vector<16xf32> to vector<1x16xf32>
        tpu.vector_store %arg7[%swap3A_459, %swap3A_460], %swap3A_463 {strides = array<i32>} : memref<80x128xf32, #tpu.memory_space<vmem>>, vector<1x16xf32>,
        %get3A_464 = arith.index_cast %add3A_433 : i32 to index
        %get3A_465 = arith.constant 48 : index
        %get3A_466 = tpu.vector_load %arg7[%get3A_464, %get3A_465] {strides = array<i32>} : memref<80x128xf32, #tpu.memory_space<vmem>>, vector<1x16xf32>,
        %get3A_467 = vector.shape_cast %get3A_466 : vector<1x16xf32> to vector<16xf32>
        %mul3A_468 = arith.mulf %get3A_467, %gather3A_429 : vector<16xf32>
        %swap3A_469 = arith.index_cast %add3A_433 : i32 to index
        %swap3A_470 = arith.constant 48 : index
        %swap3A_471 = tpu.vector_load %arg7[%swap3A_469, %swap3A_470] {strides = array<i32>} : memref<80x128xf32, #tpu.memory_space<vmem>>, vector<1x16xf32>,
        %swap3A_472 = vector.shape_cast %swap3A_471 : vector<1x16xf32> to vector<16xf32>
        %swap3A_473 = vector.shape_cast %mul3A_468 : vector<16xf32> to vector<1x16xf32>
        tpu.vector_store %arg7[%swap3A_469, %swap3A_470], %swap3A_473 {strides = array<i32>} : memref<80x128xf32, #tpu.memory_space<vmem>>, vector<1x16xf32>,
        %broadcast_in_dim3A_474 = arith.constant 8 : i32
        %broadcast_in_dim3A_475 = vector.broadcast %broadcast_in_dim3A_474 : i32 to vector<16x1xi32>
        %gather3A_476 = vector.shape_cast %broadcast_in_dim3A_475 : vector<16x1xi32> to vector<16xi32>
        %gather3A_477 = tpu.dynamic_gather %get3A_91[%gather3A_476] in [0] : vector<16xf32>, vector<16xi32> -> vector<16xf32>
        %mul3A_478 = arith.constant 16 : i32
        %mul3A_479 = arith.muli %scan3A_85, %mul3A_478 : i32
        %add3A_480 = arith.constant 8 : i32
        %add3A_481 = arith.addi %mul3A_479, %add3A_480 : i32
        %get3A_482 = arith.index_cast %add3A_481 : i32 to index
        %get3A_483 = arith.constant 0 : index
        %get3A_484 = tpu.vector_load %arg7[%get3A_482, %get3A_483] {strides = array<i32>} : memref<80x128xf32, #tpu.memory_space<vmem>>, vector<1x16xf32>,
        %get3A_485 = vector.shape_cast %get3A_484 : vector<1x16xf32> to vector<16xf32>
        %mul3A_486 = arith.mulf %get3A_485, %gather3A_477 : vector<16xf32>
        %swap3A_487 = arith.index_cast %add3A_481 : i32 to index
        %swap3A_488 = arith.constant 0 : index
        %swap3A_489 = tpu.vector_load %arg7[%swap3A_487, %swap3A_488] {strides = array<i32>} : memref<80x128xf32, #tpu.memory_space<vmem>>, vector<1x16xf32>,
        %swap3A_490 = vector.shape_cast %swap3A_489 : vector<1x16xf32> to vector<16xf32>
        %swap3A_491 = vector.shape_cast %mul3A_486 : vector<16xf32> to vector<1x16xf32>
        tpu.vector_store %arg7[%swap3A_487, %swap3A_488], %swap3A_491 {strides = array<i32>} : memref<80x128xf32, #tpu.memory_space<vmem>>, vector<1x16xf32>,
        %get3A_492 = arith.index_cast %add3A_481 : i32 to index
        %get3A_493 = arith.constant 16 : index
        %get3A_494 = tpu.vector_load %arg7[%get3A_492, %get3A_493] {strides = array<i32>} : memref<80x128xf32, #tpu.memory_space<vmem>>, vector<1x16xf32>,
        %get3A_495 = vector.shape_cast %get3A_494 : vector<1x16xf32> to vector<16xf32>
        %mul3A_496 = arith.mulf %get3A_495, %gather3A_477 : vector<16xf32>
        %swap3A_497 = arith.index_cast %add3A_481 : i32 to index
        %swap3A_498 = arith.constant 16 : index
        %swap3A_499 = tpu.vector_load %arg7[%swap3A_497, %swap3A_498] {strides = array<i32>} : memref<80x128xf32, #tpu.memory_space<vmem>>, vector<1x16xf32>,
        %swap3A_500 = vector.shape_cast %swap3A_499 : vector<1x16xf32> to vector<16xf32>
        %swap3A_501 = vector.shape_cast %mul3A_496 : vector<16xf32> to vector<1x16xf32>
        tpu.vector_store %arg7[%swap3A_497, %swap3A_498], %swap3A_501 {strides = array<i32>} : memref<80x128xf32, #tpu.memory_space<vmem>>, vector<1x16xf32>,
        %get3A_502 = arith.index_cast %add3A_481 : i32 to index
        %get3A_503 = arith.constant 32 : index
        %get3A_504 = tpu.vector_load %arg7[%get3A_502, %get3A_503] {strides = array<i32>} : memref<80x128xf32, #tpu.memory_space<vmem>>, vector<1x16xf32>,
        %get3A_505 = vector.shape_cast %get3A_504 : vector<1x16xf32> to vector<16xf32>
        %mul3A_506 = arith.mulf %get3A_505, %gather3A_477 : vector<16xf32>
        %swap3A_507 = arith.index_cast %add3A_481 : i32 to index
        %swap3A_508 = arith.constant 32 : index
        %swap3A_509 = tpu.vector_load %arg7[%swap3A_507, %swap3A_508] {strides = array<i32>} : memref<80x128xf32, #tpu.memory_space<vmem>>, vector<1x16xf32>,
        %swap3A_510 = vector.shape_cast %swap3A_509 : vector<1x16xf32> to vector<16xf32>
        %swap3A_511 = vector.shape_cast %mul3A_506 : vector<16xf32> to vector<1x16xf32>
        tpu.vector_store %arg7[%swap3A_507, %swap3A_508], %swap3A_511 {strides = array<i32>} : memref<80x128xf32, #tpu.memory_space<vmem>>, vector<1x16xf32>,
        %get3A_512 = arith.index_cast %add3A_481 : i32 to index
        %get3A_513 = arith.constant 48 : index
        %get3A_514 = tpu.vector_load %arg7[%get3A_512, %get3A_513] {strides = array<i32>} : memref<80x128xf32, #tpu.memory_space<vmem>>, vector<1x16xf32>,
        %get3A_515 = vector.shape_cast %get3A_514 : vector<1x16xf32> to vector<16xf32>
        %mul3A_516 = arith.mulf %get3A_515, %gather3A_477 : vector<16xf32>
        %swap3A_517 = arith.index_cast %add3A_481 : i32 to index
        %swap3A_518 = arith.constant 48 : index
        %swap3A_519 = tpu.vector_load %arg7[%swap3A_517, %swap3A_518] {strides = array<i32>} : memref<80x128xf32, #tpu.memory_space<vmem>>, vector<1x16xf32>,
        %swap3A_520 = vector.shape_cast %swap3A_519 : vector<1x16xf32> to vector<16xf32>
        %swap3A_521 = vector.shape_cast %mul3A_516 : vector<16xf32> to vector<1x16xf32>
        tpu.vector_store %arg7[%swap3A_517, %swap3A_518], %swap3A_521 {strides = array<i32>} : memref<80x128xf32, #tpu.memory_space<vmem>>, vector<1x16xf32>,
        %broadcast_in_dim3A_522 = arith.constant 9 : i32
        %broadcast_in_dim3A_523 = vector.broadcast %broadcast_in_dim3A_522 : i32 to vector<16x1xi32>
        %gather3A_524 = vector.shape_cast %broadcast_in_dim3A_523 : vector<16x1xi32> to vector<16xi32>
        %gather3A_525 = tpu.dynamic_gather %get3A_91[%gather3A_524] in [0] : vector<16xf32>, vector<16xi32> -> vector<16xf32>
        %mul3A_526 = arith.constant 16 : i32
        %mul3A_527 = arith.muli %scan3A_85, %mul3A_526 : i32
        %add3A_528 = arith.constant 9 : i32
        %add3A_529 = arith.addi %mul3A_527, %add3A_528 : i32
        %get3A_530 = arith.index_cast %add3A_529 : i32 to index
        %get3A_531 = arith.constant 0 : index
        %get3A_532 = tpu.vector_load %arg7[%get3A_530, %get3A_531] {strides = array<i32>} : memref<80x128xf32, #tpu.memory_space<vmem>>, vector<1x16xf32>,
        %get3A_533 = vector.shape_cast %get3A_532 : vector<1x16xf32> to vector<16xf32>
        %mul3A_534 = arith.mulf %get3A_533, %gather3A_525 : vector<16xf32>
        %swap3A_535 = arith.index_cast %add3A_529 : i32 to index
        %swap3A_536 = arith.constant 0 : index
        %swap3A_537 = tpu.vector_load %arg7[%swap3A_535, %swap3A_536] {strides = array<i32>} : memref<80x128xf32, #tpu.memory_space<vmem>>, vector<1x16xf32>,
        %swap3A_538 = vector.shape_cast %swap3A_537 : vector<1x16xf32> to vector<16xf32>
        %swap3A_539 = vector.shape_cast %mul3A_534 : vector<16xf32> to vector<1x16xf32>
        tpu.vector_store %arg7[%swap3A_535, %swap3A_536], %swap3A_539 {strides = array<i32>} : memref<80x128xf32, #tpu.memory_space<vmem>>, vector<1x16xf32>,
        %get3A_540 = arith.index_cast %add3A_529 : i32 to index
        %get3A_541 = arith.constant 16 : index
        %get3A_542 = tpu.vector_load %arg7[%get3A_540, %get3A_541] {strides = array<i32>} : memref<80x128xf32, #tpu.memory_space<vmem>>, vector<1x16xf32>,
        %get3A_543 = vector.shape_cast %get3A_542 : vector<1x16xf32> to vector<16xf32>
        %mul3A_544 = arith.mulf %get3A_543, %gather3A_525 : vector<16xf32>
        %swap3A_545 = arith.index_cast %add3A_529 : i32 to index
        %swap3A_546 = arith.constant 16 : index
        %swap3A_547 = tpu.vector_load %arg7[%swap3A_545, %swap3A_546] {strides = array<i32>} : memref<80x128xf32, #tpu.memory_space<vmem>>, vector<1x16xf32>,
        %swap3A_548 = vector.shape_cast %swap3A_547 : vector<1x16xf32> to vector<16xf32>
        %swap3A_549 = vector.shape_cast %mul3A_544 : vector<16xf32> to vector<1x16xf32>
        tpu.vector_store %arg7[%swap3A_545, %swap3A_546], %swap3A_549 {strides = array<i32>} : memref<80x128xf32, #tpu.memory_space<vmem>>, vector<1x16xf32>,
        %get3A_550 = arith.index_cast %add3A_529 : i32 to index
        %get3A_551 = arith.constant 32 : index
        %get3A_552 = tpu.vector_load %arg7[%get3A_550, %get3A_551] {strides = array<i32>} : memref<80x128xf32, #tpu.memory_space<vmem>>, vector<1x16xf32>,
        %get3A_553 = vector.shape_cast %get3A_552 : vector<1x16xf32> to vector<16xf32>
        %mul3A_554 = arith.mulf %get3A_553, %gather3A_525 : vector<16xf32>
        %swap3A_555 = arith.index_cast %add3A_529 : i32 to index
        %swap3A_556 = arith.constant 32 : index
        %swap3A_557 = tpu.vector_load %arg7[%swap3A_555, %swap3A_556] {strides = array<i32>} : memref<80x128xf32, #tpu.memory_space<vmem>>, vector<1x16xf32>,
        %swap3A_558 = vector.shape_cast %swap3A_557 : vector<1x16xf32> to vector<16xf32>
        %swap3A_559 = vector.shape_cast %mul3A_554 : vector<16xf32> to vector<1x16xf32>
        tpu.vector_store %arg7[%swap3A_555, %swap3A_556], %swap3A_559 {strides = array<i32>} : memref<80x128xf32, #tpu.memory_space<vmem>>, vector<1x16xf32>,
        %get3A_560 = arith.index_cast %add3A_529 : i32 to index
        %get3A_561 = arith.constant 48 : index
        %get3A_562 = tpu.vector_load %arg7[%get3A_560, %get3A_561] {strides = array<i32>} : memref<80x128xf32, #tpu.memory_space<vmem>>, vector<1x16xf32>,
        %get3A_563 = vector.shape_cast %get3A_562 : vector<1x16xf32> to vector<16xf32>
        %mul3A_564 = arith.mulf %get3A_563, %gather3A_525 : vector<16xf32>
        %swap3A_565 = arith.index_cast %add3A_529 : i32 to index
        %swap3A_566 = arith.constant 48 : index
        %swap3A_567 = tpu.vector_load %arg7[%swap3A_565, %swap3A_566] {strides = array<i32>} : memref<80x128xf32, #tpu.memory_space<vmem>>, vector<1x16xf32>,
        %swap3A_568 = vector.shape_cast %swap3A_567 : vector<1x16xf32> to vector<16xf32>
        %swap3A_569 = vector.shape_cast %mul3A_564 : vector<16xf32> to vector<1x16xf32>
        tpu.vector_store %arg7[%swap3A_565, %swap3A_566], %swap3A_569 {strides = array<i32>} : memref<80x128xf32, #tpu.memory_space<vmem>>, vector<1x16xf32>,
        %broadcast_in_dim3A_570 = arith.constant 10 : i32
        %broadcast_in_dim3A_571 = vector.broadcast %broadcast_in_dim3A_570 : i32 to vector<16x1xi32>
        %gather3A_572 = vector.shape_cast %broadcast_in_dim3A_571 : vector<16x1xi32> to vector<16xi32>
        %gather3A_573 = tpu.dynamic_gather %get3A_91[%gather3A_572] in [0] : vector<16xf32>, vector<16xi32> -> vector<16xf32>
        %mul3A_574 = arith.constant 16 : i32
        %mul3A_575 = arith.muli %scan3A_85, %mul3A_574 : i32
        %add3A_576 = arith.constant 10 : i32
        %add3A_577 = arith.addi %mul3A_575, %add3A_576 : i32
        %get3A_578 = arith.index_cast %add3A_577 : i32 to index
        %get3A_579 = arith.constant 0 : index
        %get3A_580 = tpu.vector_load %arg7[%get3A_578, %get3A_579] {strides = array<i32>} : memref<80x128xf32, #tpu.memory_space<vmem>>, vector<1x16xf32>,
        %get3A_581 = vector.shape_cast %get3A_580 : vector<1x16xf32> to vector<16xf32>
        %mul3A_582 = arith.mulf %get3A_581, %gather3A_573 : vector<16xf32>
        %swap3A_583 = arith.index_cast %add3A_577 : i32 to index
        %swap3A_584 = arith.constant 0 : index
        %swap3A_585 = tpu.vector_load %arg7[%swap3A_583, %swap3A_584] {strides = array<i32>} : memref<80x128xf32, #tpu.memory_space<vmem>>, vector<1x16xf32>,
        %swap3A_586 = vector.shape_cast %swap3A_585 : vector<1x16xf32> to vector<16xf32>
        %swap3A_587 = vector.shape_cast %mul3A_582 : vector<16xf32> to vector<1x16xf32>
        tpu.vector_store %arg7[%swap3A_583, %swap3A_584], %swap3A_587 {strides = array<i32>} : memref<80x128xf32, #tpu.memory_space<vmem>>, vector<1x16xf32>,
        %get3A_588 = arith.index_cast %add3A_577 : i32 to index
        %get3A_589 = arith.constant 16 : index
        %get3A_590 = tpu.vector_load %arg7[%get3A_588, %get3A_589] {strides = array<i32>} : memref<80x128xf32, #tpu.memory_space<vmem>>, vector<1x16xf32>,
        %get3A_591 = vector.shape_cast %get3A_590 : vector<1x16xf32> to vector<16xf32>
        %mul3A_592 = arith.mulf %get3A_591, %gather3A_573 : vector<16xf32>
        %swap3A_593 = arith.index_cast %add3A_577 : i32 to index
        %swap3A_594 = arith.constant 16 : index
        %swap3A_595 = tpu.vector_load %arg7[%swap3A_593, %swap3A_594] {strides = array<i32>} : memref<80x128xf32, #tpu.memory_space<vmem>>, vector<1x16xf32>,
        %swap3A_596 = vector.shape_cast %swap3A_595 : vector<1x16xf32> to vector<16xf32>
        %swap3A_597 = vector.shape_cast %mul3A_592 : vector<16xf32> to vector<1x16xf32>
        tpu.vector_store %arg7[%swap3A_593, %swap3A_594], %swap3A_597 {strides = array<i32>} : memref<80x128xf32, #tpu.memory_space<vmem>>, vector<1x16xf32>,
        %get3A_598 = arith.index_cast %add3A_577 : i32 to index
        %get3A_599 = arith.constant 32 : index
        %get3A_600 = tpu.vector_load %arg7[%get3A_598, %get3A_599] {strides = array<i32>} : memref<80x128xf32, #tpu.memory_space<vmem>>, vector<1x16xf32>,
        %get3A_601 = vector.shape_cast %get3A_600 : vector<1x16xf32> to vector<16xf32>
        %mul3A_602 = arith.mulf %get3A_601, %gather3A_573 : vector<16xf32>
        %swap3A_603 = arith.index_cast %add3A_577 : i32 to index
        %swap3A_604 = arith.constant 32 : index
        %swap3A_605 = tpu.vector_load %arg7[%swap3A_603, %swap3A_604] {strides = array<i32>} : memref<80x128xf32, #tpu.memory_space<vmem>>, vector<1x16xf32>,
        %swap3A_606 = vector.shape_cast %swap3A_605 : vector<1x16xf32> to vector<16xf32>
        %swap3A_607 = vector.shape_cast %mul3A_602 : vector<16xf32> to vector<1x16xf32>
        tpu.vector_store %arg7[%swap3A_603, %swap3A_604], %swap3A_607 {strides = array<i32>} : memref<80x128xf32, #tpu.memory_space<vmem>>, vector<1x16xf32>,
        %get3A_608 = arith.index_cast %add3A_577 : i32 to index
        %get3A_609 = arith.constant 48 : index
        %get3A_610 = tpu.vector_load %arg7[%get3A_608, %get3A_609] {strides = array<i32>} : memref<80x128xf32, #tpu.memory_space<vmem>>, vector<1x16xf32>,
        %get3A_611 = vector.shape_cast %get3A_610 : vector<1x16xf32> to vector<16xf32>
        %mul3A_612 = arith.mulf %get3A_611, %gather3A_573 : vector<16xf32>
        %swap3A_613 = arith.index_cast %add3A_577 : i32 to index
        %swap3A_614 = arith.constant 48 : index
        %swap3A_615 = tpu.vector_load %arg7[%swap3A_613, %swap3A_614] {strides = array<i32>} : memref<80x128xf32, #tpu.memory_space<vmem>>, vector<1x16xf32>,
        %swap3A_616 = vector.shape_cast %swap3A_615 : vector<1x16xf32> to vector<16xf32>
        %swap3A_617 = vector.shape_cast %mul3A_612 : vector<16xf32> to vector<1x16xf32>
        tpu.vector_store %arg7[%swap3A_613, %swap3A_614], %swap3A_617 {strides = array<i32>} : memref<80x128xf32, #tpu.memory_space<vmem>>, vector<1x16xf32>,
        %broadcast_in_dim3A_618 = arith.constant 11 : i32
        %broadcast_in_dim3A_619 = vector.broadcast %broadcast_in_dim3A_618 : i32 to vector<16x1xi32>
        %gather3A_620 = vector.shape_cast %broadcast_in_dim3A_619 : vector<16x1xi32> to vector<16xi32>
        %gather3A_621 = tpu.dynamic_gather %get3A_91[%gather3A_620] in [0] : vector<16xf32>, vector<16xi32> -> vector<16xf32>
        %mul3A_622 = arith.constant 16 : i32
        %mul3A_623 = arith.muli %scan3A_85, %mul3A_622 : i32
        %add3A_624 = arith.constant 11 : i32
        %add3A_625 = arith.addi %mul3A_623, %add3A_624 : i32
        %get3A_626 = arith.index_cast %add3A_625 : i32 to index
        %get3A_627 = arith.constant 0 : index
        %get3A_628 = tpu.vector_load %arg7[%get3A_626, %get3A_627] {strides = array<i32>} : memref<80x128xf32, #tpu.memory_space<vmem>>, vector<1x16xf32>,
        %get3A_629 = vector.shape_cast %get3A_628 : vector<1x16xf32> to vector<16xf32>
        %mul3A_630 = arith.mulf %get3A_629, %gather3A_621 : vector<16xf32>
        %swap3A_631 = arith.index_cast %add3A_625 : i32 to index
        %swap3A_632 = arith.constant 0 : index
        %swap3A_633 = tpu.vector_load %arg7[%swap3A_631, %swap3A_632] {strides = array<i32>} : memref<80x128xf32, #tpu.memory_space<vmem>>, vector<1x16xf32>,
        %swap3A_634 = vector.shape_cast %swap3A_633 : vector<1x16xf32> to vector<16xf32>
        %swap3A_635 = vector.shape_cast %mul3A_630 : vector<16xf32> to vector<1x16xf32>
        tpu.vector_store %arg7[%swap3A_631, %swap3A_632], %swap3A_635 {strides = array<i32>} : memref<80x128xf32, #tpu.memory_space<vmem>>, vector<1x16xf32>,
        %get3A_636 = arith.index_cast %add3A_625 : i32 to index
        %get3A_637 = arith.constant 16 : index
        %get3A_638 = tpu.vector_load %arg7[%get3A_636, %get3A_637] {strides = array<i32>} : memref<80x128xf32, #tpu.memory_space<vmem>>, vector<1x16xf32>,
        %get3A_639 = vector.shape_cast %get3A_638 : vector<1x16xf32> to vector<16xf32>
        %mul3A_640 = arith.mulf %get3A_639, %gather3A_621 : vector<16xf32>
        %swap3A_641 = arith.index_cast %add3A_625 : i32 to index
        %swap3A_642 = arith.constant 16 : index
        %swap3A_643 = tpu.vector_load %arg7[%swap3A_641, %swap3A_642] {strides = array<i32>} : memref<80x128xf32, #tpu.memory_space<vmem>>, vector<1x16xf32>,
        %swap3A_644 = vector.shape_cast %swap3A_643 : vector<1x16xf32> to vector<16xf32>
        %swap3A_645 = vector.shape_cast %mul3A_640 : vector<16xf32> to vector<1x16xf32>
        tpu.vector_store %arg7[%swap3A_641, %swap3A_642], %swap3A_645 {strides = array<i32>} : memref<80x128xf32, #tpu.memory_space<vmem>>, vector<1x16xf32>,
        %get3A_646 = arith.index_cast %add3A_625 : i32 to index
        %get3A_647 = arith.constant 32 : index
        %get3A_648 = tpu.vector_load %arg7[%get3A_646, %get3A_647] {strides = array<i32>} : memref<80x128xf32, #tpu.memory_space<vmem>>, vector<1x16xf32>,
        %get3A_649 = vector.shape_cast %get3A_648 : vector<1x16xf32> to vector<16xf32>
        %mul3A_650 = arith.mulf %get3A_649, %gather3A_621 : vector<16xf32>
        %swap3A_651 = arith.index_cast %add3A_625 : i32 to index
        %swap3A_652 = arith.constant 32 : index
        %swap3A_653 = tpu.vector_load %arg7[%swap3A_651, %swap3A_652] {strides = array<i32>} : memref<80x128xf32, #tpu.memory_space<vmem>>, vector<1x16xf32>,
        %swap3A_654 = vector.shape_cast %swap3A_653 : vector<1x16xf32> to vector<16xf32>
        %swap3A_655 = vector.shape_cast %mul3A_650 : vector<16xf32> to vector<1x16xf32>
        tpu.vector_store %arg7[%swap3A_651, %swap3A_652], %swap3A_655 {strides = array<i32>} : memref<80x128xf32, #tpu.memory_space<vmem>>, vector<1x16xf32>,
        %get3A_656 = arith.index_cast %add3A_625 : i32 to index
        %get3A_657 = arith.constant 48 : index
        %get3A_658 = tpu.vector_load %arg7[%get3A_656, %get3A_657] {strides = array<i32>} : memref<80x128xf32, #tpu.memory_space<vmem>>, vector<1x16xf32>,
        %get3A_659 = vector.shape_cast %get3A_658 : vector<1x16xf32> to vector<16xf32>
        %mul3A_660 = arith.mulf %get3A_659, %gather3A_621 : vector<16xf32>
        %swap3A_661 = arith.index_cast %add3A_625 : i32 to index
        %swap3A_662 = arith.constant 48 : index
        %swap3A_663 = tpu.vector_load %arg7[%swap3A_661, %swap3A_662] {strides = array<i32>} : memref<80x128xf32, #tpu.memory_space<vmem>>, vector<1x16xf32>,
        %swap3A_664 = vector.shape_cast %swap3A_663 : vector<1x16xf32> to vector<16xf32>
        %swap3A_665 = vector.shape_cast %mul3A_660 : vector<16xf32> to vector<1x16xf32>
        tpu.vector_store %arg7[%swap3A_661, %swap3A_662], %swap3A_665 {strides = array<i32>} : memref<80x128xf32, #tpu.memory_space<vmem>>, vector<1x16xf32>,
        %broadcast_in_dim3A_666 = arith.constant 12 : i32
        %broadcast_in_dim3A_667 = vector.broadcast %broadcast_in_dim3A_666 : i32 to vector<16x1xi32>
        %gather3A_668 = vector.shape_cast %broadcast_in_dim3A_667 : vector<16x1xi32> to vector<16xi32>
        %gather3A_669 = tpu.dynamic_gather %get3A_91[%gather3A_668] in [0] : vector<16xf32>, vector<16xi32> -> vector<16xf32>
        %mul3A_670 = arith.constant 16 : i32
        %mul3A_671 = arith.muli %scan3A_85, %mul3A_670 : i32
        %add3A_672 = arith.constant 12 : i32
        %add3A_673 = arith.addi %mul3A_671, %add3A_672 : i32
        %get3A_674 = arith.index_cast %add3A_673 : i32 to index
        %get3A_675 = arith.constant 0 : index
        %get3A_676 = tpu.vector_load %arg7[%get3A_674, %get3A_675] {strides = array<i32>} : memref<80x128xf32, #tpu.memory_space<vmem>>, vector<1x16xf32>,
        %get3A_677 = vector.shape_cast %get3A_676 : vector<1x16xf32> to vector<16xf32>
        %mul3A_678 = arith.mulf %get3A_677, %gather3A_669 : vector<16xf32>
        %swap3A_679 = arith.index_cast %add3A_673 : i32 to index
        %swap3A_680 = arith.constant 0 : index
        %swap3A_681 = tpu.vector_load %arg7[%swap3A_679, %swap3A_680] {strides = array<i32>} : memref<80x128xf32, #tpu.memory_space<vmem>>, vector<1x16xf32>,
        %swap3A_682 = vector.shape_cast %swap3A_681 : vector<1x16xf32> to vector<16xf32>
        %swap3A_683 = vector.shape_cast %mul3A_678 : vector<16xf32> to vector<1x16xf32>
        tpu.vector_store %arg7[%swap3A_679, %swap3A_680], %swap3A_683 {strides = array<i32>} : memref<80x128xf32, #tpu.memory_space<vmem>>, vector<1x16xf32>,
        %get3A_684 = arith.index_cast %add3A_673 : i32 to index
        %get3A_685 = arith.constant 16 : index
        %get3A_686 = tpu.vector_load %arg7[%get3A_684, %get3A_685] {strides = array<i32>} : memref<80x128xf32, #tpu.memory_space<vmem>>, vector<1x16xf32>,
        %get3A_687 = vector.shape_cast %get3A_686 : vector<1x16xf32> to vector<16xf32>
        %mul3A_688 = arith.mulf %get3A_687, %gather3A_669 : vector<16xf32>
        %swap3A_689 = arith.index_cast %add3A_673 : i32 to index
        %swap3A_690 = arith.constant 16 : index
        %swap3A_691 = tpu.vector_load %arg7[%swap3A_689, %swap3A_690] {strides = array<i32>} : memref<80x128xf32, #tpu.memory_space<vmem>>, vector<1x16xf32>,
        %swap3A_692 = vector.shape_cast %swap3A_691 : vector<1x16xf32> to vector<16xf32>
        %swap3A_693 = vector.shape_cast %mul3A_688 : vector<16xf32> to vector<1x16xf32>
        tpu.vector_store %arg7[%swap3A_689, %swap3A_690], %swap3A_693 {strides = array<i32>} : memref<80x128xf32, #tpu.memory_space<vmem>>, vector<1x16xf32>,
        %get3A_694 = arith.index_cast %add3A_673 : i32 to index
        %get3A_695 = arith.constant 32 : index
        %get3A_696 = tpu.vector_load %arg7[%get3A_694, %get3A_695] {strides = array<i32>} : memref<80x128xf32, #tpu.memory_space<vmem>>, vector<1x16xf32>,
        %get3A_697 = vector.shape_cast %get3A_696 : vector<1x16xf32> to vector<16xf32>
        %mul3A_698 = arith.mulf %get3A_697, %gather3A_669 : vector<16xf32>
        %swap3A_699 = arith.index_cast %add3A_673 : i32 to index
        %swap3A_700 = arith.constant 32 : index
        %swap3A_701 = tpu.vector_load %arg7[%swap3A_699, %swap3A_700] {strides = array<i32>} : memref<80x128xf32, #tpu.memory_space<vmem>>, vector<1x16xf32>,
        %swap3A_702 = vector.shape_cast %swap3A_701 : vector<1x16xf32> to vector<16xf32>
        %swap3A_703 = vector.shape_cast %mul3A_698 : vector<16xf32> to vector<1x16xf32>
        tpu.vector_store %arg7[%swap3A_699, %swap3A_700], %swap3A_703 {strides = array<i32>} : memref<80x128xf32, #tpu.memory_space<vmem>>, vector<1x16xf32>,
        %get3A_704 = arith.index_cast %add3A_673 : i32 to index
        %get3A_705 = arith.constant 48 : index
        %get3A_706 = tpu.vector_load %arg7[%get3A_704, %get3A_705] {strides = array<i32>} : memref<80x128xf32, #tpu.memory_space<vmem>>, vector<1x16xf32>,
        %get3A_707 = vector.shape_cast %get3A_706 : vector<1x16xf32> to vector<16xf32>
        %mul3A_708 = arith.mulf %get3A_707, %gather3A_669 : vector<16xf32>
        %swap3A_709 = arith.index_cast %add3A_673 : i32 to index
        %swap3A_710 = arith.constant 48 : index
        %swap3A_711 = tpu.vector_load %arg7[%swap3A_709, %swap3A_710] {strides = array<i32>} : memref<80x128xf32, #tpu.memory_space<vmem>>, vector<1x16xf32>,
        %swap3A_712 = vector.shape_cast %swap3A_711 : vector<1x16xf32> to vector<16xf32>
        %swap3A_713 = vector.shape_cast %mul3A_708 : vector<16xf32> to vector<1x16xf32>
        tpu.vector_store %arg7[%swap3A_709, %swap3A_710], %swap3A_713 {strides = array<i32>} : memref<80x128xf32, #tpu.memory_space<vmem>>, vector<1x16xf32>,
        %broadcast_in_dim3A_714 = arith.constant 13 : i32
        %broadcast_in_dim3A_715 = vector.broadcast %broadcast_in_dim3A_714 : i32 to vector<16x1xi32>
        %gather3A_716 = vector.shape_cast %broadcast_in_dim3A_715 : vector<16x1xi32> to vector<16xi32>
        %gather3A_717 = tpu.dynamic_gather %get3A_91[%gather3A_716] in [0] : vector<16xf32>, vector<16xi32> -> vector<16xf32>
        %mul3A_718 = arith.constant 16 : i32
        %mul3A_719 = arith.muli %scan3A_85, %mul3A_718 : i32
        %add3A_720 = arith.constant 13 : i32
        %add3A_721 = arith.addi %mul3A_719, %add3A_720 : i32
        %get3A_722 = arith.index_cast %add3A_721 : i32 to index
        %get3A_723 = arith.constant 0 : index
        %get3A_724 = tpu.vector_load %arg7[%get3A_722, %get3A_723] {strides = array<i32>} : memref<80x128xf32, #tpu.memory_space<vmem>>, vector<1x16xf32>,
        %get3A_725 = vector.shape_cast %get3A_724 : vector<1x16xf32> to vector<16xf32>
        %mul3A_726 = arith.mulf %get3A_725, %gather3A_717 : vector<16xf32>
        %swap3A_727 = arith.index_cast %add3A_721 : i32 to index
        %swap3A_728 = arith.constant 0 : index
        %swap3A_729 = tpu.vector_load %arg7[%swap3A_727, %swap3A_728] {strides = array<i32>} : memref<80x128xf32, #tpu.memory_space<vmem>>, vector<1x16xf32>,
        %swap3A_730 = vector.shape_cast %swap3A_729 : vector<1x16xf32> to vector<16xf32>
        %swap3A_731 = vector.shape_cast %mul3A_726 : vector<16xf32> to vector<1x16xf32>
        tpu.vector_store %arg7[%swap3A_727, %swap3A_728], %swap3A_731 {strides = array<i32>} : memref<80x128xf32, #tpu.memory_space<vmem>>, vector<1x16xf32>,
        %get3A_732 = arith.index_cast %add3A_721 : i32 to index
        %get3A_733 = arith.constant 16 : index
        %get3A_734 = tpu.vector_load %arg7[%get3A_732, %get3A_733] {strides = array<i32>} : memref<80x128xf32, #tpu.memory_space<vmem>>, vector<1x16xf32>,
        %get3A_735 = vector.shape_cast %get3A_734 : vector<1x16xf32> to vector<16xf32>
        %mul3A_736 = arith.mulf %get3A_735, %gather3A_717 : vector<16xf32>
        %swap3A_737 = arith.index_cast %add3A_721 : i32 to index
        %swap3A_738 = arith.constant 16 : index
        %swap3A_739 = tpu.vector_load %arg7[%swap3A_737, %swap3A_738] {strides = array<i32>} : memref<80x128xf32, #tpu.memory_space<vmem>>, vector<1x16xf32>,
        %swap3A_740 = vector.shape_cast %swap3A_739 : vector<1x16xf32> to vector<16xf32>
        %swap3A_741 = vector.shape_cast %mul3A_736 : vector<16xf32> to vector<1x16xf32>
        tpu.vector_store %arg7[%swap3A_737, %swap3A_738], %swap3A_741 {strides = array<i32>} : memref<80x128xf32, #tpu.memory_space<vmem>>, vector<1x16xf32>,
        %get3A_742 = arith.index_cast %add3A_721 : i32 to index
        %get3A_743 = arith.constant 32 : index
        %get3A_744 = tpu.vector_load %arg7[%get3A_742, %get3A_743] {strides = array<i32>} : memref<80x128xf32, #tpu.memory_space<vmem>>, vector<1x16xf32>,
        %get3A_745 = vector.shape_cast %get3A_744 : vector<1x16xf32> to vector<16xf32>
        %mul3A_746 = arith.mulf %get3A_745, %gather3A_717 : vector<16xf32>
        %swap3A_747 = arith.index_cast %add3A_721 : i32 to index
        %swap3A_748 = arith.constant 32 : index
        %swap3A_749 = tpu.vector_load %arg7[%swap3A_747, %swap3A_748] {strides = array<i32>} : memref<80x128xf32, #tpu.memory_space<vmem>>, vector<1x16xf32>,
        %swap3A_750 = vector.shape_cast %swap3A_749 : vector<1x16xf32> to vector<16xf32>
        %swap3A_751 = vector.shape_cast %mul3A_746 : vector<16xf32> to vector<1x16xf32>
        tpu.vector_store %arg7[%swap3A_747, %swap3A_748], %swap3A_751 {strides = array<i32>} : memref<80x128xf32, #tpu.memory_space<vmem>>, vector<1x16xf32>,
        %get3A_752 = arith.index_cast %add3A_721 : i32 to index
        %get3A_753 = arith.constant 48 : index
        %get3A_754 = tpu.vector_load %arg7[%get3A_752, %get3A_753] {strides = array<i32>} : memref<80x128xf32, #tpu.memory_space<vmem>>, vector<1x16xf32>,
        %get3A_755 = vector.shape_cast %get3A_754 : vector<1x16xf32> to vector<16xf32>
        %mul3A_756 = arith.mulf %get3A_755, %gather3A_717 : vector<16xf32>
        %swap3A_757 = arith.index_cast %add3A_721 : i32 to index
        %swap3A_758 = arith.constant 48 : index
        %swap3A_759 = tpu.vector_load %arg7[%swap3A_757, %swap3A_758] {strides = array<i32>} : memref<80x128xf32, #tpu.memory_space<vmem>>, vector<1x16xf32>,
        %swap3A_760 = vector.shape_cast %swap3A_759 : vector<1x16xf32> to vector<16xf32>
        %swap3A_761 = vector.shape_cast %mul3A_756 : vector<16xf32> to vector<1x16xf32>
        tpu.vector_store %arg7[%swap3A_757, %swap3A_758], %swap3A_761 {strides = array<i32>} : memref<80x128xf32, #tpu.memory_space<vmem>>, vector<1x16xf32>,
        %broadcast_in_dim3A_762 = arith.constant 14 : i32
        %broadcast_in_dim3A_763 = vector.broadcast %broadcast_in_dim3A_762 : i32 to vector<16x1xi32>
        %gather3A_764 = vector.shape_cast %broadcast_in_dim3A_763 : vector<16x1xi32> to vector<16xi32>
        %gather3A_765 = tpu.dynamic_gather %get3A_91[%gather3A_764] in [0] : vector<16xf32>, vector<16xi32> -> vector<16xf32>
        %mul3A_766 = arith.constant 16 : i32
        %mul3A_767 = arith.muli %scan3A_85, %mul3A_766 : i32
        %add3A_768 = arith.constant 14 : i32
        %add3A_769 = arith.addi %mul3A_767, %add3A_768 : i32
        %get3A_770 = arith.index_cast %add3A_769 : i32 to index
        %get3A_771 = arith.constant 0 : index
        %get3A_772 = tpu.vector_load %arg7[%get3A_770, %get3A_771] {strides = array<i32>} : memref<80x128xf32, #tpu.memory_space<vmem>>, vector<1x16xf32>,
        %get3A_773 = vector.shape_cast %get3A_772 : vector<1x16xf32> to vector<16xf32>
        %mul3A_774 = arith.mulf %get3A_773, %gather3A_765 : vector<16xf32>
        %swap3A_775 = arith.index_cast %add3A_769 : i32 to index
        %swap3A_776 = arith.constant 0 : index
        %swap3A_777 = tpu.vector_load %arg7[%swap3A_775, %swap3A_776] {strides = array<i32>} : memref<80x128xf32, #tpu.memory_space<vmem>>, vector<1x16xf32>,
        %swap3A_778 = vector.shape_cast %swap3A_777 : vector<1x16xf32> to vector<16xf32>
        %swap3A_779 = vector.shape_cast %mul3A_774 : vector<16xf32> to vector<1x16xf32>
        tpu.vector_store %arg7[%swap3A_775, %swap3A_776], %swap3A_779 {strides = array<i32>} : memref<80x128xf32, #tpu.memory_space<vmem>>, vector<1x16xf32>,
        %get3A_780 = arith.index_cast %add3A_769 : i32 to index
        %get3A_781 = arith.constant 16 : index
        %get3A_782 = tpu.vector_load %arg7[%get3A_780, %get3A_781] {strides = array<i32>} : memref<80x128xf32, #tpu.memory_space<vmem>>, vector<1x16xf32>,
        %get3A_783 = vector.shape_cast %get3A_782 : vector<1x16xf32> to vector<16xf32>
        %mul3A_784 = arith.mulf %get3A_783, %gather3A_765 : vector<16xf32>
        %swap3A_785 = arith.index_cast %add3A_769 : i32 to index
        %swap3A_786 = arith.constant 16 : index
        %swap3A_787 = tpu.vector_load %arg7[%swap3A_785, %swap3A_786] {strides = array<i32>} : memref<80x128xf32, #tpu.memory_space<vmem>>, vector<1x16xf32>,
        %swap3A_788 = vector.shape_cast %swap3A_787 : vector<1x16xf32> to vector<16xf32>
        %swap3A_789 = vector.shape_cast %mul3A_784 : vector<16xf32> to vector<1x16xf32>
        tpu.vector_store %arg7[%swap3A_785, %swap3A_786], %swap3A_789 {strides = array<i32>} : memref<80x128xf32, #tpu.memory_space<vmem>>, vector<1x16xf32>,
        %get3A_790 = arith.index_cast %add3A_769 : i32 to index
        %get3A_791 = arith.constant 32 : index
        %get3A_792 = tpu.vector_load %arg7[%get3A_790, %get3A_791] {strides = array<i32>} : memref<80x128xf32, #tpu.memory_space<vmem>>, vector<1x16xf32>,
        %get3A_793 = vector.shape_cast %get3A_792 : vector<1x16xf32> to vector<16xf32>
        %mul3A_794 = arith.mulf %get3A_793, %gather3A_765 : vector<16xf32>
        %swap3A_795 = arith.index_cast %add3A_769 : i32 to index
        %swap3A_796 = arith.constant 32 : index
        %swap3A_797 = tpu.vector_load %arg7[%swap3A_795, %swap3A_796] {strides = array<i32>} : memref<80x128xf32, #tpu.memory_space<vmem>>, vector<1x16xf32>,
        %swap3A_798 = vector.shape_cast %swap3A_797 : vector<1x16xf32> to vector<16xf32>
        %swap3A_799 = vector.shape_cast %mul3A_794 : vector<16xf32> to vector<1x16xf32>
        tpu.vector_store %arg7[%swap3A_795, %swap3A_796], %swap3A_799 {strides = array<i32>} : memref<80x128xf32, #tpu.memory_space<vmem>>, vector<1x16xf32>,
        %get3A_800 = arith.index_cast %add3A_769 : i32 to index
        %get3A_801 = arith.constant 48 : index
        %get3A_802 = tpu.vector_load %arg7[%get3A_800, %get3A_801] {strides = array<i32>} : memref<80x128xf32, #tpu.memory_space<vmem>>, vector<1x16xf32>,
        %get3A_803 = vector.shape_cast %get3A_802 : vector<1x16xf32> to vector<16xf32>
        %mul3A_804 = arith.mulf %get3A_803, %gather3A_765 : vector<16xf32>
        %swap3A_805 = arith.index_cast %add3A_769 : i32 to index
        %swap3A_806 = arith.constant 48 : index
        %swap3A_807 = tpu.vector_load %arg7[%swap3A_805, %swap3A_806] {strides = array<i32>} : memref<80x128xf32, #tpu.memory_space<vmem>>, vector<1x16xf32>,
        %swap3A_808 = vector.shape_cast %swap3A_807 : vector<1x16xf32> to vector<16xf32>
        %swap3A_809 = vector.shape_cast %mul3A_804 : vector<16xf32> to vector<1x16xf32>
        tpu.vector_store %arg7[%swap3A_805, %swap3A_806], %swap3A_809 {strides = array<i32>} : memref<80x128xf32, #tpu.memory_space<vmem>>, vector<1x16xf32>,
        %broadcast_in_dim3A_810 = arith.constant 15 : i32
        %broadcast_in_dim3A_811 = vector.broadcast %broadcast_in_dim3A_810 : i32 to vector<16x1xi32>
        %gather3A_812 = vector.shape_cast %broadcast_in_dim3A_811 : vector<16x1xi32> to vector<16xi32>
        %gather3A_813 = tpu.dynamic_gather %get3A_91[%gather3A_812] in [0] : vector<16xf32>, vector<16xi32> -> vector<16xf32>
        %mul3A_814 = arith.constant 16 : i32
        %mul3A_815 = arith.muli %scan3A_85, %mul3A_814 : i32
        %add3A_816 = arith.constant 15 : i32
        %add3A_817 = arith.addi %mul3A_815, %add3A_816 : i32
        %get3A_818 = arith.index_cast %add3A_817 : i32 to index
        %get3A_819 = arith.constant 0 : index
        %get3A_820 = tpu.vector_load %arg7[%get3A_818, %get3A_819] {strides = array<i32>} : memref<80x128xf32, #tpu.memory_space<vmem>>, vector<1x16xf32>,
        %get3A_821 = vector.shape_cast %get3A_820 : vector<1x16xf32> to vector<16xf32>
        %mul3A_822 = arith.mulf %get3A_821, %gather3A_813 : vector<16xf32>
        %swap3A_823 = arith.index_cast %add3A_817 : i32 to index
        %swap3A_824 = arith.constant 0 : index
        %swap3A_825 = tpu.vector_load %arg7[%swap3A_823, %swap3A_824] {strides = array<i32>} : memref<80x128xf32, #tpu.memory_space<vmem>>, vector<1x16xf32>,
        %swap3A_826 = vector.shape_cast %swap3A_825 : vector<1x16xf32> to vector<16xf32>
        %swap3A_827 = vector.shape_cast %mul3A_822 : vector<16xf32> to vector<1x16xf32>
        tpu.vector_store %arg7[%swap3A_823, %swap3A_824], %swap3A_827 {strides = array<i32>} : memref<80x128xf32, #tpu.memory_space<vmem>>, vector<1x16xf32>,
        %get3A_828 = arith.index_cast %add3A_817 : i32 to index
        %get3A_829 = arith.constant 16 : index
        %get3A_830 = tpu.vector_load %arg7[%get3A_828, %get3A_829] {strides = array<i32>} : memref<80x128xf32, #tpu.memory_space<vmem>>, vector<1x16xf32>,
        %get3A_831 = vector.shape_cast %get3A_830 : vector<1x16xf32> to vector<16xf32>
        %mul3A_832 = arith.mulf %get3A_831, %gather3A_813 : vector<16xf32>
        %swap3A_833 = arith.index_cast %add3A_817 : i32 to index
        %swap3A_834 = arith.constant 16 : index
        %swap3A_835 = tpu.vector_load %arg7[%swap3A_833, %swap3A_834] {strides = array<i32>} : memref<80x128xf32, #tpu.memory_space<vmem>>, vector<1x16xf32>,
        %swap3A_836 = vector.shape_cast %swap3A_835 : vector<1x16xf32> to vector<16xf32>
        %swap3A_837 = vector.shape_cast %mul3A_832 : vector<16xf32> to vector<1x16xf32>
        tpu.vector_store %arg7[%swap3A_833, %swap3A_834], %swap3A_837 {strides = array<i32>} : memref<80x128xf32, #tpu.memory_space<vmem>>, vector<1x16xf32>,
        %get3A_838 = arith.index_cast %add3A_817 : i32 to index
        %get3A_839 = arith.constant 32 : index
        %get3A_840 = tpu.vector_load %arg7[%get3A_838, %get3A_839] {strides = array<i32>} : memref<80x128xf32, #tpu.memory_space<vmem>>, vector<1x16xf32>,
        %get3A_841 = vector.shape_cast %get3A_840 : vector<1x16xf32> to vector<16xf32>
        %mul3A_842 = arith.mulf %get3A_841, %gather3A_813 : vector<16xf32>
        %swap3A_843 = arith.index_cast %add3A_817 : i32 to index
        %swap3A_844 = arith.constant 32 : index
        %swap3A_845 = tpu.vector_load %arg7[%swap3A_843, %swap3A_844] {strides = array<i32>} : memref<80x128xf32, #tpu.memory_space<vmem>>, vector<1x16xf32>,
        %swap3A_846 = vector.shape_cast %swap3A_845 : vector<1x16xf32> to vector<16xf32>
        %swap3A_847 = vector.shape_cast %mul3A_842 : vector<16xf32> to vector<1x16xf32>
        tpu.vector_store %arg7[%swap3A_843, %swap3A_844], %swap3A_847 {strides = array<i32>} : memref<80x128xf32, #tpu.memory_space<vmem>>, vector<1x16xf32>,
        %get3A_848 = arith.index_cast %add3A_817 : i32 to index
        %get3A_849 = arith.constant 48 : index
        %get3A_850 = tpu.vector_load %arg7[%get3A_848, %get3A_849] {strides = array<i32>} : memref<80x128xf32, #tpu.memory_space<vmem>>, vector<1x16xf32>,
        %get3A_851 = vector.shape_cast %get3A_850 : vector<1x16xf32> to vector<16xf32>
        %mul3A_852 = arith.mulf %get3A_851, %gather3A_813 : vector<16xf32>
        %swap3A_853 = arith.index_cast %add3A_817 : i32 to index
        %swap3A_854 = arith.constant 48 : index
        %swap3A_855 = tpu.vector_load %arg7[%swap3A_853, %swap3A_854] {strides = array<i32>} : memref<80x128xf32, #tpu.memory_space<vmem>>, vector<1x16xf32>,
        %swap3A_856 = vector.shape_cast %swap3A_855 : vector<1x16xf32> to vector<16xf32>
        %swap3A_857 = vector.shape_cast %mul3A_852 : vector<16xf32> to vector<1x16xf32>
        tpu.vector_store %arg7[%swap3A_853, %swap3A_854], %swap3A_857 {strides = array<i32>} : memref<80x128xf32, #tpu.memory_space<vmem>>, vector<1x16xf32>,
        %scan3A_858 = arith.constant 0 : i32
        scf.yield %scan3A_858 : i32
      }
      %scan3A_76 = arith.constant 5 : i32
      %scan3A_77 = arith.constant 0 : i32
      %scan3A_78 = arith.constant 0 : i32
      %scan3A_79 = arith.constant 5 : i32
      %scan3A_80 = arith.addi %scan3A_78, %scan3A_79 : i32
      %scan3A_81 = arith.constant 1 : i32
      %scan3A_82 = scf.for %scan3A_85 = %scan3A_78 to %scan3A_80 step %scan3A_81 iter_args(%scan3A_86 = %scan3A_77) -> (i32)  : i32 {
        %mul3A_87 = arith.constant 16 : i32
        %mul3A_88 = arith.muli %scan3A_85, %mul3A_87 : i32
        %get3A = arith.index_cast %add3A_69 : i32 to index
        %get3A_89 = arith.index_cast %mul3A_88 : i32 to index
        %get3A_90 = tpu.vector_load %arg8[%get3A, %get3A_89] {strides = array<i32>} : memref<136x80xi32, #tpu.memory_space<vmem>>, vector<1x16xi32>,
        %get3A_91 = vector.shape_cast %get3A_90 : vector<1x16xi32> to vector<16xi32>
        %shift_right_arithmetic3A = arith.constant 14 : i32
        %shift_right_arithmetic3A_92 = vector.broadcast %shift_right_arithmetic3A : i32 to vector<16xi32>
        %shift_right_arithmetic3A_93 = arith.shrsi %get3A_91, %shift_right_arithmetic3A_92 : vector<16xi32>
        %mul3A_94 = arith.constant 16 : i32
        %mul3A_95 = arith.muli %scan3A_85, %mul3A_94 : i32
        %swap3A = arith.index_cast %mul3A_95 : i32 to index
        %swap3A_96 = tpu.vector_load %arg12[%swap3A] {strides = array<i32>} : memref<80xi32, #tpu.memory_space<vmem>>, vector<16xi32>,
        %swap3A_97 = vector.shape_cast %swap3A_96 : vector<16xi32> to vector<16xi32>
        %swap3A_98 = vector.shape_cast %shift_right_arithmetic3A_93 : vector<16xi32> to vector<16xi32>
        tpu.vector_store %arg12[%swap3A], %swap3A_98 {strides = array<i32>} : memref<80xi32, #tpu.memory_space<vmem>>, vector<16xi32>,
        %scan3A_99 = arith.constant 0 : i32
        scf.yield %scan3A_99 : i32
      }
      %scan3A_83 = arith.constant 5 : i32
      "tpu.region"() ({
        %run_scoped3A = tpu.sem_alloc : memref<!tpu.dma_semaphore, #tpu.memory_space<semaphore_mem>>
        %dma_start3A_85 = arith.constant 0 : i32
        %dma_start3A_86 = arith.constant 0 : i32
        %dma_start3A_87 = tpu.memref_slice %arg13[%dma_start3A_85, %dma_start3A_86] : memref<5120x128xf32, #tpu.memory_space<vmem_shared>> -> memref<5120x128xf32, #tpu.memory_space<vmem_shared>>
        tpu.enqueue_indirect_dma source(%arg7 : memref<80x128xf32, #tpu.memory_space<vmem>>) target(%dma_start3A_87 : memref<5120x128xf32, #tpu.memory_space<vmem_shared>>) offsets(%arg12 : memref<80xi32, #tpu.memory_space<vmem>>) semaphore(%run_scoped3A : memref<!tpu.dma_semaphore, #tpu.memory_space<semaphore_mem>>) {add = true}
        %dma_wait3A_88 = arith.constant 0 : i32
        %dma_wait3A_89 = arith.constant 0 : i32
        %dma_wait3A_90 = tpu.memref_slice %arg13[%dma_wait3A_88, %dma_wait3A_89] : memref<5120x128xf32, #tpu.memory_space<vmem_shared>> -> memref<5120x128xf32, #tpu.memory_space<vmem_shared>>
        tpu.wait_indirect_dma semaphore(%run_scoped3A : memref<!tpu.dma_semaphore, #tpu.memory_space<semaphore_mem>>) src(%arg7 : memref<80x128xf32, #tpu.memory_space<vmem>>) dst(%dma_wait3A_90 : memref<5120x128xf32, #tpu.memory_space<vmem_shared>>)
        tpu.yield
      }) : () -> ()
      %scan3A_84 = arith.constant 0 : i32
      scf.yield %scan3A_84 : i32
    }
    %scan3A_20 = arith.constant 68 : i32
    %barrier3A_21 = arith.constant 0 : index
    tpu.barrier barrier_id(%barrier3A_21)
    %mul3A = arith.constant 320 : i32
    %mul3A_22 = arith.muli %arg1, %mul3A : i32
    %mul3A_23 = arith.constant 320 : i32
    %mul3A_24 = arith.muli %arg1, %mul3A_23 : i32
    "tpu.region"() ({
      %run_scoped3A = tpu.sem_alloc : memref<!tpu.dma_semaphore, #tpu.memory_space<semaphore_mem>>
      %dma_start3A = arith.constant 0 : i32
      %dma_start3A_25 = tpu.memref_slice %arg5[%arg0, %mul3A_24, %dma_start3A] : memref<2x5120x128xf32, #tpu.memory_space<hbm>> -> memref<1x320x128xf32, #tpu.memory_space<hbm>>
      %dma_start3A_26 = tpu.memref_squeeze %dma_start3A_25 : memref<1x320x128xf32, #tpu.memory_space<hbm>> -> memref<320x128xf32, #tpu.memory_space<hbm>>
      %dma_start3A_27 = arith.constant 0 : i32
      %dma_start3A_28 = tpu.memref_slice %arg13[%mul3A_22, %dma_start3A_27] : memref<5120x128xf32, #tpu.memory_space<vmem_shared>> -> memref<320x128xf32, #tpu.memory_space<vmem_shared>>
      tpu.enqueue_dma source(%dma_start3A_28 : memref<320x128xf32, #tpu.memory_space<vmem_shared>>) target(%dma_start3A_26 : memref<320x128xf32, #tpu.memory_space<hbm>>) target_semaphore(%run_scoped3A : memref<!tpu.dma_semaphore, #tpu.memory_space<semaphore_mem>>)
      %dma_wait3A = arith.constant 0 : i32
      %dma_wait3A_29 = tpu.memref_slice %arg5[%arg0, %mul3A_24, %dma_wait3A] : memref<2x5120x128xf32, #tpu.memory_space<hbm>> -> memref<1x320x128xf32, #tpu.memory_space<hbm>>
      %dma_wait3A_30 = tpu.memref_squeeze %dma_wait3A_29 : memref<1x320x128xf32, #tpu.memory_space<hbm>> -> memref<320x128xf32, #tpu.memory_space<hbm>>
      %dma_wait3A_31 = arith.constant 0 : i32
      %dma_wait3A_32 = tpu.memref_slice %arg13[%mul3A_22, %dma_wait3A_31] : memref<5120x128xf32, #tpu.memory_space<vmem_shared>> -> memref<320x128xf32, #tpu.memory_space<vmem_shared>>
      tpu.wait_dma2 semaphore(%run_scoped3A : memref<!tpu.dma_semaphore, #tpu.memory_space<semaphore_mem>>) src(%dma_wait3A_32 : memref<320x128xf32, #tpu.memory_space<vmem_shared>>) dst(%dma_wait3A_30 : memref<320x128xf32, #tpu.memory_space<hbm>>)
      tpu.yield
    }) : () -> ()
    return
  }
}

module attributes {stable_mosaic.version = 14 : i64} {
  func.func @_proj_body(%arg0: memref<100x100xf32, #tpu.memory_space<vmem>>, %arg1: memref<100x100xf32, #tpu.memory_space<vmem>>, %arg2: memref<128x128xf32, #tpu.memory_space<vmem>>, %arg3: memref<128x128xf32, #tpu.memory_space<vmem>>) attributes {dimension_semantics = [], scalar_prefetch = 0 : i64, scratch_operands = 0 : i64, tpu.core_type = #tpu.core_type<tc>} {
    %get3A = arith.constant 0 : index
    %get3A_0 = arith.constant 0 : index
    %get3A_1 = vector.load %arg0[%get3A, %get3A_0] : memref<100x100xf32, #tpu.memory_space<vmem>>, vector<100x100xf32>
    %get3A_2 = arith.constant 0 : index
    %get3A_3 = arith.constant 0 : index
    %get3A_4 = vector.load %arg1[%get3A_2, %get3A_3] : memref<100x100xf32, #tpu.memory_space<vmem>>, vector<100x100xf32>
    %abs3A = math.absf %get3A_1 : vector<100x100xf32>
    %reduce_max3A = vector.shape_cast %abs3A : vector<100x100xf32> to vector<1x100x100xf32>
    %reduce_max3A_5 = arith.constant dense<0xFF800000> : vector<1xf32>
    %reduce_max3A_6 = vector.multi_reduction <maximumf>, %reduce_max3A, %reduce_max3A_5 [1, 2] : vector<1x100x100xf32> to vector<1xf32>
    %reduce_max3A_7 = vector.shape_cast %reduce_max3A_6 : vector<1xf32> to vector<1x1x1xf32>
    %reduce_max3A_8 = vector.extract %reduce_max3A_7[0, 0, 0] : f32 from vector<1x1x1xf32>
    %max3A = arith.constant 1.000000e-30 : f32
    %max3A_9 = arith.maximumf %reduce_max3A_8, %max3A : f32
    %div3A = vector.broadcast %max3A_9 : f32 to vector<100x100xf32>
    %div3A_10 = arith.divf %get3A_1, %div3A : vector<100x100xf32>
    %div3A_11 = vector.broadcast %max3A_9 : f32 to vector<100x100xf32>
    %div3A_12 = arith.divf %get3A_4, %div3A_11 : vector<100x100xf32>
    %mul3A = arith.mulf %div3A_12, %div3A_12 : vector<100x100xf32>
    %reduce_sum3A = vector.shape_cast %mul3A : vector<100x100xf32> to vector<1x100x100xf32>
    %reduce_sum3A_13 = arith.constant dense<0.000000e+00> : vector<1xf32>
    %reduce_sum3A_14 = vector.multi_reduction <add>, %reduce_sum3A, %reduce_sum3A_13 [1, 2] : vector<1x100x100xf32> to vector<1xf32>
    %reduce_sum3A_15 = vector.shape_cast %reduce_sum3A_14 : vector<1xf32> to vector<1x1x1xf32>
    %reduce_sum3A_16 = vector.extract %reduce_sum3A_15[0, 0, 0] : f32 from vector<1x1x1xf32>
    %mul3A_17 = arith.mulf %div3A_10, %div3A_10 : vector<100x100xf32>
    %reduce_sum3A_18 = vector.shape_cast %mul3A_17 : vector<100x100xf32> to vector<1x100x100xf32>
    %reduce_sum3A_19 = arith.constant dense<0.000000e+00> : vector<1xf32>
    %reduce_sum3A_20 = vector.multi_reduction <add>, %reduce_sum3A_18, %reduce_sum3A_19 [1, 2] : vector<1x100x100xf32> to vector<1xf32>
    %reduce_sum3A_21 = vector.shape_cast %reduce_sum3A_20 : vector<1xf32> to vector<1x1x1xf32>
    %reduce_sum3A_22 = vector.extract %reduce_sum3A_21[0, 0, 0] : f32 from vector<1x1x1xf32>
    %max3A_23 = arith.constant 1.000000e-30 : f32
    %max3A_24 = arith.maximumf %reduce_sum3A_22, %max3A_23 : f32
    %div3A_25 = arith.divf %reduce_sum3A_16, %max3A_24 : f32
    %sqrt3A = math.sqrt %div3A_25 : f32
    %max3A_26 = arith.constant 9.99999997E-7 : f32
    %max3A_27 = arith.maximumf %sqrt3A, %max3A_26 : f32
    %div3A_28 = arith.constant 9.900000e-01 : f32
    %div3A_29 = arith.divf %div3A_28, %max3A_27 : f32
    %get3A_30 = arith.constant 0 : index
    %get3A_31 = arith.constant 0 : index
    %get3A_32 = vector.load %arg2[%get3A_30, %get3A_31] : memref<128x128xf32, #tpu.memory_space<vmem>>, vector<128x128xf32>
    %abs3A_33 = math.absf %get3A_32 : vector<128x128xf32>
    %reduce_sum3A_34 = arith.constant dense<0.000000e+00> : vector<128xf32>
    %reduce_sum3A_35 = vector.multi_reduction <add>, %abs3A_33, %reduce_sum3A_34 [1] : vector<128x128xf32> to vector<128xf32>
    %broadcast_in_dim3A = vector.shape_cast %reduce_sum3A_35 : vector<128xf32> to vector<128x1xf32>
    %reduce_max3A_36 = arith.constant dense<0xFF800000> : vector<128xf32>
    %reduce_max3A_37 = vector.multi_reduction <maximumf>, %abs3A_33, %reduce_max3A_36 [1] : vector<128x128xf32> to vector<128xf32>
    %broadcast_in_dim3A_38 = vector.shape_cast %reduce_max3A_37 : vector<128xf32> to vector<128x1xf32>
    %broadcast_in_dim3A_39 = arith.constant 0.000000e+00 : f32
    %broadcast_in_dim3A_40 = vector.broadcast %broadcast_in_dim3A_39 : f32 to vector<128x1xf32>
    %scan3A = arith.constant 0 : i32
    %scan3A_41 = arith.constant 50 : i32
    %scan3A_42 = arith.addi %scan3A, %scan3A_41 : i32
    %scan3A_43 = arith.constant 1 : i32
    %scan3A_44:2 = scf.for %scan3A_70 = %scan3A to %scan3A_42 step %scan3A_43 iter_args(%scan3A_71 = %broadcast_in_dim3A_40, %scan3A_72 = %broadcast_in_dim3A_38) -> (vector<128x1xf32>, vector<128x1xf32>)  : i32 {
      %add3A_73 = arith.addf %scan3A_71, %scan3A_72 : vector<128x1xf32>
      %mul3A_74 = arith.constant 5.000000e-01 : f32
      %mul3A_75 = vector.broadcast %mul3A_74 : f32 to vector<128x1xf32>
      %mul3A_76 = arith.mulf %mul3A_75, %add3A_73 : vector<128x1xf32>
      %sub3A_77 = vector.broadcast %mul3A_76 : vector<128x1xf32> to vector<128x128xf32>
      %sub3A_78 = arith.subf %abs3A_33, %sub3A_77 : vector<128x128xf32>
      %max3A_79 = arith.constant 0.000000e+00 : f32
      %max3A_80 = vector.broadcast %max3A_79 : f32 to vector<128x128xf32>
      %max3A_81 = arith.maximumf %sub3A_78, %max3A_80 : vector<128x128xf32>
      %reduce_sum3A_82 = arith.constant dense<0.000000e+00> : vector<128xf32>
      %reduce_sum3A_83 = vector.multi_reduction <add>, %max3A_81, %reduce_sum3A_82 [1] : vector<128x128xf32> to vector<128xf32>
      %broadcast_in_dim3A_84 = vector.shape_cast %reduce_sum3A_83 : vector<128xf32> to vector<128x1xf32>
      %gt3A_85 = vector.broadcast %div3A_29 : f32 to vector<128x1xf32>
      %gt3A_86 = arith.cmpf ogt, %broadcast_in_dim3A_84, %gt3A_85 : vector<128x1xf32>
      %select_n3A_87 = arith.select %gt3A_86, %mul3A_76, %scan3A_71 : vector<128x1xi1>, vector<128x1xf32>
      %select_n3A_88 = arith.select %gt3A_86, %scan3A_72, %mul3A_76 : vector<128x1xi1>, vector<128x1xf32>
      scf.yield %select_n3A_87, %select_n3A_88 : vector<128x1xf32>, vector<128x1xf32>
    }
    %add3A = arith.addf %scan3A_44#0, %scan3A_44#1 : vector<128x1xf32>
    %mul3A_45 = arith.constant 5.000000e-01 : f32
    %mul3A_46 = vector.broadcast %mul3A_45 : f32 to vector<128x1xf32>
    %mul3A_47 = arith.mulf %mul3A_46, %add3A : vector<128x1xf32>
    %sign3A = tpu.bitcast %get3A_32 : vector<128x128xf32> -> vector<128x128xi32>
    %sign3A_48 = arith.constant -2147483648 : i32
    %sign3A_49 = vector.broadcast %sign3A_48 : i32 to vector<128x128xi32>
    %sign3A_50 = arith.andi %sign3A, %sign3A_49 : vector<128x128xi32>
    %sign3A_51 = arith.constant 1065353216 : i32
    %sign3A_52 = vector.broadcast %sign3A_51 : i32 to vector<128x128xi32>
    %sign3A_53 = arith.ori %sign3A_52, %sign3A_50 : vector<128x128xi32>
    %sign3A_54 = tpu.bitcast %sign3A_53 : vector<128x128xi32> -> vector<128x128xf32>
    %sign3A_55 = math.absf %get3A_32 : vector<128x128xf32>
    %sign3A_56 = arith.constant 0.000000e+00 : f32
    %sign3A_57 = vector.broadcast %sign3A_56 : f32 to vector<128x128xf32>
    %sign3A_58 = arith.cmpf ogt, %sign3A_55, %sign3A_57 : vector<128x128xf32>
    %sign3A_59 = arith.select %sign3A_58, %sign3A_54, %get3A_32 : vector<128x128xi1>, vector<128x128xf32>
    %sub3A = vector.broadcast %mul3A_47 : vector<128x1xf32> to vector<128x128xf32>
    %sub3A_60 = arith.subf %abs3A_33, %sub3A : vector<128x128xf32>
    %max3A_61 = arith.constant 0.000000e+00 : f32
    %max3A_62 = vector.broadcast %max3A_61 : f32 to vector<128x128xf32>
    %max3A_63 = arith.maximumf %sub3A_60, %max3A_62 : vector<128x128xf32>
    %mul3A_64 = arith.mulf %sign3A_59, %max3A_63 : vector<128x128xf32>
    %gt3A = vector.broadcast %div3A_29 : f32 to vector<128x1xf32>
    %gt3A_65 = arith.cmpf ogt, %broadcast_in_dim3A, %gt3A : vector<128x1xf32>
    %broadcast_in_dim3A_66 = vector.shape_cast %gt3A_65 : vector<128x1xi1> to vector<128x1xi1>
    %broadcast_in_dim3A_67 = vector.broadcast %broadcast_in_dim3A_66 : vector<128x1xi1> to vector<128x128xi1>
    %select_n3A = arith.select %broadcast_in_dim3A_67, %mul3A_64, %get3A_32 : vector<128x128xi1>, vector<128x128xf32>
    %swap3A = arith.constant 0 : index
    %swap3A_68 = arith.constant 0 : index
    %swap3A_69 = vector.load %arg3[%swap3A, %swap3A_68] : memref<128x128xf32, #tpu.memory_space<vmem>>, vector<128x128xf32>
    tpu.vector_store %arg3[%swap3A, %swap3A_68], %select_n3A {strides = array<i32>} : memref<128x128xf32, #tpu.memory_space<vmem>>, vector<128x128xf32>,
    return
  }
}

module attributes {stable_mosaic.version = 14 : i64} {
  func.func @_init_body(%arg0: i32, %arg1: memref<2000x128xf32, #tpu.memory_space<vmem>>, %arg2: memref<2000x128xf32, #tpu.memory_space<vmem>>, %arg3: memref<128x128xf32, #tpu.memory_space<vmem>>, %arg4: memref<128x128xf32, #tpu.memory_space<vmem>>, %arg5: memref<2000x128xf32, #tpu.memory_space<vmem>>, %arg6: memref<2000x128xf32, #tpu.memory_space<vmem>>) attributes {dimension_semantics = [#tpu.dimension_semantics<arbitrary>], iteration_bounds = array<i64: 5>, scalar_prefetch = 0 : i64, scratch_operands = 0 : i64, tpu.core_type = #tpu.core_type<tc>, window_params = [{transform_indices = @transform_0, window_bounds = array<i64: 2000, 128>}, {transform_indices = @transform_1, window_bounds = array<i64: 2000, 128>}, {pipeline_mode = #tpu.pipeline_mode<synchronous>, transform_indices = @transform_2, window_bounds = array<i64: 128, 128>}, {pipeline_mode = #tpu.pipeline_mode<synchronous>, transform_indices = @transform_3, window_bounds = array<i64: 128, 128>}, {transform_indices = @transform_4, window_bounds = array<i64: 2000, 128>}, {transform_indices = @transform_5, window_bounds = array<i64: 2000, 128>}]} {
    %get3A = arith.constant 0 : index
    %get3A_0 = arith.constant 0 : index
    %get3A_1 = vector.load %arg1[%get3A, %get3A_0] : memref<2000x128xf32, #tpu.memory_space<vmem>>, vector<2000x128xf32>
    %get3A_2 = arith.constant 0 : index
    %get3A_3 = arith.constant 0 : index
    %get3A_4 = vector.load %arg3[%get3A_2, %get3A_3] : memref<128x128xf32, #tpu.memory_space<vmem>>, vector<128x128xf32>
    %dot_general3A = arith.constant dense<0.000000e+00> : vector<2000x128xf32>
    %dot_general3A_5 = tpu.matmul %get3A_1, %get3A_4, %dot_general3A {dimension_numbers = #tpu.dot_dimension_numbers<[1], [0], [0], [1], [0, 0, 1, 1], [], []>, precision = #tpu.contract_precision<fp32>, transpose_lhs_hint = false} : vector<2000x128xf32>, vector<128x128xf32>, vector<2000x128xf32> -> vector<2000x128xf32>
    %swap3A = arith.constant 0 : index
    %swap3A_6 = arith.constant 0 : index
    %swap3A_7 = vector.load %arg5[%swap3A, %swap3A_6] : memref<2000x128xf32, #tpu.memory_space<vmem>>, vector<2000x128xf32>
    tpu.vector_store %arg5[%swap3A, %swap3A_6], %dot_general3A_5 {strides = array<i32>} : memref<2000x128xf32, #tpu.memory_space<vmem>>, vector<2000x128xf32>,
    %get3A_8 = arith.constant 0 : index
    %get3A_9 = arith.constant 0 : index
    %get3A_10 = vector.load %arg2[%get3A_8, %get3A_9] : memref<2000x128xf32, #tpu.memory_space<vmem>>, vector<2000x128xf32>
    %get3A_11 = arith.constant 0 : index
    %get3A_12 = arith.constant 0 : index
    %get3A_13 = vector.load %arg4[%get3A_11, %get3A_12] : memref<128x128xf32, #tpu.memory_space<vmem>>, vector<128x128xf32>
    %dot_general3A_14 = arith.constant dense<0.000000e+00> : vector<2000x128xf32>
    %dot_general3A_15 = tpu.matmul %get3A_10, %get3A_13, %dot_general3A_14 {dimension_numbers = #tpu.dot_dimension_numbers<[1], [0], [0], [1], [0, 0, 1, 1], [], []>, precision = #tpu.contract_precision<fp32>, transpose_lhs_hint = false} : vector<2000x128xf32>, vector<128x128xf32>, vector<2000x128xf32> -> vector<2000x128xf32>
    %swap3A_16 = arith.constant 0 : index
    %swap3A_17 = arith.constant 0 : index
    %swap3A_18 = vector.load %arg6[%swap3A_16, %swap3A_17] : memref<2000x128xf32, #tpu.memory_space<vmem>>, vector<2000x128xf32>
    tpu.vector_store %arg6[%swap3A_16, %swap3A_17], %dot_general3A_15 {strides = array<i32>} : memref<2000x128xf32, #tpu.memory_space<vmem>>, vector<2000x128xf32>,
    return
  }
  func.func @transform_0(%arg0: i32) -> (i32, i32) {
    %c0_i32 = arith.constant 0 : i32
    %c0_i32_0 = arith.constant 0 : i32
    return %arg0, %c0_i32 : i32, i32
  }
  func.func @transform_1(%arg0: i32) -> (i32, i32) {
    %c0_i32 = arith.constant 0 : i32
    %c0_i32_0 = arith.constant 0 : i32
    return %arg0, %c0_i32 : i32, i32
  }
  func.func @transform_2(%arg0: i32) -> (i32, i32) {
    %c0_i32 = arith.constant 0 : i32
    %c0_i32_0 = arith.constant 0 : i32
    %c0_i32_1 = arith.constant 0 : i32
    return %c0_i32, %c0_i32_0 : i32, i32
  }
  func.func @transform_3(%arg0: i32) -> (i32, i32) {
    %c0_i32 = arith.constant 0 : i32
    %c0_i32_0 = arith.constant 0 : i32
    %c0_i32_1 = arith.constant 0 : i32
    return %c0_i32, %c0_i32_0 : i32, i32
  }
  func.func @transform_4(%arg0: i32) -> (i32, i32) {
    %c0_i32 = arith.constant 0 : i32
    %c0_i32_0 = arith.constant 0 : i32
    return %arg0, %c0_i32 : i32, i32
  }
  func.func @transform_5(%arg0: i32) -> (i32, i32) {
    %c0_i32 = arith.constant 0 : i32
    %c0_i32_0 = arith.constant 0 : i32
    return %arg0, %c0_i32 : i32, i32
  }
}

module attributes {stable_mosaic.version = 14 : i64} {
  func.func @_iter_body(%arg0: i32, %arg1: memref<2000x128xf32, #tpu.memory_space<vmem>>, %arg2: memref<128x128xf32, #tpu.memory_space<vmem>>, %arg3: memref<2000x128xf32, #tpu.memory_space<vmem>>, %arg4: memref<2000x128xf32, #tpu.memory_space<vmem>>) attributes {dimension_semantics = [#tpu.dimension_semantics<arbitrary>], iteration_bounds = array<i64: 5>, scalar_prefetch = 0 : i64, scratch_operands = 0 : i64, tpu.core_type = #tpu.core_type<tc>, window_params = [{transform_indices = @transform_0, window_bounds = array<i64: 2000, 128>}, {pipeline_mode = #tpu.pipeline_mode<synchronous>, transform_indices = @transform_1, window_bounds = array<i64: 128, 128>}, {transform_indices = @transform_2, window_bounds = array<i64: 2000, 128>}, {transform_indices = @transform_3, window_bounds = array<i64: 2000, 128>}]} {
    %get3A = arith.constant 0 : index
    %get3A_0 = arith.constant 0 : index
    %get3A_1 = vector.load %arg1[%get3A, %get3A_0] : memref<2000x128xf32, #tpu.memory_space<vmem>>, vector<2000x128xf32>
    %get3A_2 = arith.constant 0 : index
    %get3A_3 = arith.constant 0 : index
    %get3A_4 = vector.load %arg2[%get3A_2, %get3A_3] : memref<128x128xf32, #tpu.memory_space<vmem>>, vector<128x128xf32>
    %dot_general3A = arith.constant dense<0.000000e+00> : vector<2000x128xf32>
    %dot_general3A_5 = tpu.matmul %get3A_1, %get3A_4, %dot_general3A {dimension_numbers = #tpu.dot_dimension_numbers<[1], [0], [0], [1], [0, 0, 1, 1], [], []>, precision = #tpu.contract_precision<fp32>, transpose_lhs_hint = false} : vector<2000x128xf32>, vector<128x128xf32>, vector<2000x128xf32> -> vector<2000x128xf32>
    %get3A_6 = arith.constant 0 : index
    %get3A_7 = arith.constant 0 : index
    %get3A_8 = vector.load %arg3[%get3A_6, %get3A_7] : memref<2000x128xf32, #tpu.memory_space<vmem>>, vector<2000x128xf32>
    %add3A = arith.addf %dot_general3A_5, %get3A_8 : vector<2000x128xf32>
    %max3A = arith.constant 0.000000e+00 : f32
    %max3A_9 = vector.broadcast %max3A : f32 to vector<2000x128xf32>
    %max3A_10 = arith.maximumf %add3A, %max3A_9 : vector<2000x128xf32>
    %swap3A = arith.constant 0 : index
    %swap3A_11 = arith.constant 0 : index
    %swap3A_12 = vector.load %arg4[%swap3A, %swap3A_11] : memref<2000x128xf32, #tpu.memory_space<vmem>>, vector<2000x128xf32>
    tpu.vector_store %arg4[%swap3A, %swap3A_11], %max3A_10 {strides = array<i32>} : memref<2000x128xf32, #tpu.memory_space<vmem>>, vector<2000x128xf32>,
    return
  }
  func.func @transform_0(%arg0: i32) -> (i32, i32) {
    %c0_i32 = arith.constant 0 : i32
    %c0_i32_0 = arith.constant 0 : i32
    return %arg0, %c0_i32 : i32, i32
  }
  func.func @transform_1(%arg0: i32) -> (i32, i32) {
    %c0_i32 = arith.constant 0 : i32
    %c0_i32_0 = arith.constant 0 : i32
    %c0_i32_1 = arith.constant 0 : i32
    return %c0_i32, %c0_i32_0 : i32, i32
  }
  func.func @transform_2(%arg0: i32) -> (i32, i32) {
    %c0_i32 = arith.constant 0 : i32
    %c0_i32_0 = arith.constant 0 : i32
    return %arg0, %c0_i32 : i32, i32
  }
  func.func @transform_3(%arg0: i32) -> (i32, i32) {
    %c0_i32 = arith.constant 0 : i32
    %c0_i32_0 = arith.constant 0 : i32
    return %arg0, %c0_i32 : i32, i32
  }
}

module attributes {stable_mosaic.version = 14 : i64} {
  func.func @_out_body(%arg0: i32, %arg1: memref<2000x128xf32, #tpu.memory_space<vmem>>, %arg2: memref<128x64xf32, #tpu.memory_space<vmem>>, %arg3: memref<2000x64xf32, #tpu.memory_space<vmem>>) attributes {dimension_semantics = [#tpu.dimension_semantics<arbitrary>], iteration_bounds = array<i64: 5>, scalar_prefetch = 0 : i64, scratch_operands = 0 : i64, tpu.core_type = #tpu.core_type<tc>, window_params = [{transform_indices = @transform_0, window_bounds = array<i64: 2000, 128>}, {pipeline_mode = #tpu.pipeline_mode<synchronous>, transform_indices = @transform_1, window_bounds = array<i64: 128, 64>}, {transform_indices = @transform_2, window_bounds = array<i64: 2000, 64>}]} {
    %get3A = arith.constant 0 : index
    %get3A_0 = arith.constant 0 : index
    %get3A_1 = vector.load %arg1[%get3A, %get3A_0] : memref<2000x128xf32, #tpu.memory_space<vmem>>, vector<2000x128xf32>
    %get3A_2 = arith.constant 0 : index
    %get3A_3 = arith.constant 0 : index
    %get3A_4 = vector.load %arg2[%get3A_2, %get3A_3] : memref<128x64xf32, #tpu.memory_space<vmem>>, vector<128x64xf32>
    %dot_general3A = arith.constant dense<0.000000e+00> : vector<2000x64xf32>
    %dot_general3A_5 = tpu.matmul %get3A_1, %get3A_4, %dot_general3A {dimension_numbers = #tpu.dot_dimension_numbers<[1], [0], [0], [1], [0, 0, 1, 1], [], []>, precision = #tpu.contract_precision<fp32>, transpose_lhs_hint = false} : vector<2000x128xf32>, vector<128x64xf32>, vector<2000x64xf32> -> vector<2000x64xf32>
    %swap3A = arith.constant 0 : index
    %swap3A_6 = arith.constant 0 : index
    %swap3A_7 = vector.load %arg3[%swap3A, %swap3A_6] : memref<2000x64xf32, #tpu.memory_space<vmem>>, vector<2000x64xf32>
    tpu.vector_store %arg3[%swap3A, %swap3A_6], %dot_general3A_5 {strides = array<i32>} : memref<2000x64xf32, #tpu.memory_space<vmem>>, vector<2000x64xf32>,
    return
  }
  func.func @transform_0(%arg0: i32) -> (i32, i32) {
    %c0_i32 = arith.constant 0 : i32
    %c0_i32_0 = arith.constant 0 : i32
    return %arg0, %c0_i32 : i32, i32
  }
  func.func @transform_1(%arg0: i32) -> (i32, i32) {
    %c0_i32 = arith.constant 0 : i32
    %c0_i32_0 = arith.constant 0 : i32
    %c0_i32_1 = arith.constant 0 : i32
    return %c0_i32, %c0_i32_0 : i32, i32
  }
  func.func @transform_2(%arg0: i32) -> (i32, i32) {
    %c0_i32 = arith.constant 0 : i32
    %c0_i32_0 = arith.constant 0 : i32
    return %arg0, %c0_i32 : i32, i32
  }
}

</mosaic_0001>

<sc_bundles>
// kernel: closed_call.9.cloned.1.call-start
scs
__scs_entry_jumppad:
0x0: {  	(pc) =	sbr.rel $0x88, $3  }
0x1: {  	(tag) =	ssettag $0x0;
	lr =	simm.s32 $0x1  }
0x2: {  	[smem:$0x3F9A] =	sst lr;
	_ =	strace $0xD0000000  }
0x3: {  	_ = 	snop  }
0x4: {  	_ = 	snop  }
0x5: {  	_ = 	snop  }
0x6: {  	_ = 	snop  }
0x7: {  	_ = 	snop  }
__scs_overlays_trampoline_lowered:
0x8: {  	[smem:$0x3FA9] =	sst s0  }
0x9: {  	[smem:$0x3FAA] =	sst s1  }
0xa: {  	[smem:$0x3FAB] =	sst s2  }
0xb: {  	[smem:$0x3FAC] =	sst s3  }
0xc: {  	[smem:$0x3FAD] =	sst s4  }
0xd: {  	[smem:$0x3FAE] =	sst s5  }
0xe: {  	[smem:$0x3FAF] =	sst s6  }
0xf: {  	[smem:$0x3FB0] =	sst s7  }
0x10: {  	[smem:$0x3FB1] =	sst s8  }
0x11: {  	[smem:$0x3FB2] =	sst s9;
	s0 =	simm.s32 @!p0 $0x0  }
0x12: {  	s1 =	sld [smem:$0x3F98];
	s0 =	simm.s32 @p0 $0x1  }
0x13: {  	[smem:$0x3FB3] =	sst s0;
	s0 =	simm.s32 @!p1 $0x0  }
0x14: {  	s2 =	sld [smem:$0x3F97];
	s0 =	simm.s32 @p1 $0x1  }
0x15: {  	[smem:$0x3FB4] =	sst s0;
	s0 =	simm.s32 @!p2 $0x0  }
0x16: {  	s3 =	sld [smem:$0x3FDB];
	s0 =	simm.s32 @p2 $0x1  }
0x17: {  	s4 =	simm.s32 $0x1BF5;
	[smem:$0x3FB6] =	sst s0  }
0x18: {  	s0 =	sld [smem:$0x3F99];
	_ =	swait.ge [sflag:s4], $0x0  }
0x19: {  	s7 =	sld [smem:$0x3F9A]  }
0x1a: {  	s8 =	sadd.s32 $0xFFFFE003, lr  }
0x1b: {  	s9 =	sadd.s32 $0xFFFFFEF7, lr;
	s5 =	simm.s32 $0xFFFFFFFF;
	p2 =	slt.u32 s8, $0xFFFFF086  }
0x1c: {  	p1 =	slt.u32 s9, $0xF7A;
	s5 =	simm.s32 @!p2 $0x0  }
0x1d: {  	s5 =	simm.s32 @p1 $0x1;
	p0 =	seq.s32 s7, s2  }
0x1e: {  	s7 =	smul.u32 @!p0 $0xF7A, s2;
	p2 =	seq.s32 @!p0 s5, $0x0  }
0x1f: {  	s9 =	smul.u32 $0xF7A, s1;
	s8 =	simm.s32 @!p0 $0x1BF5;
	p2 =	por !p2, p0  }
0x20: {  	[sflag:s8] =	ssyncset.s32 @!p0 $0xFFFFF086;
	s6 =	sadd.s32 @!p0 s3, s7;
	s7 =	simm.s32 @!p0 $0x108  }
0x21: {  	s3 =	sadd.s32 s3, s9;
	s6 =	sadd.s32 @!p0 $0x88, s6;
	s7 =	simm.s32 @p2 $0x1082  }
0x22: {  	[simem:s7], [sflag:s8] =	dma.local @!p0 [hbm:s6], $0xF7A  }
0x23: {  	s9 =	sor.u32 $0xD0000000, s2;
	s6 =	simm.s32 $0x108;
	_ =	swait.ge @!p0 [sflag:s8], $0x0  }
0x24: {  	s3 =	sadd.s32 $0x88, s3;
	s6 =	simm.s32 @!p1 $0x1082;
	[sflag:s4] =	ssyncset.s32 $0xFFFFF086  }
0x25: {  	[simem:s6], [sflag:s4] =	dma.local [hbm:s3], $0xF7A  }
0x26: {  	[smem:$0x3F9A] =	sst s1;
	(tag) =	ssettag s2;
	_ =	strace s9  }
0x27: {  	s1 =	sld [smem:$0x3FAA]  }
0x28: {  	s2 =	sld [smem:$0x3FAB]  }
0x29: {  	s4 =	sld [smem:$0x3FAD]  }
0x2a: {  	p0 =	seq.s32 s5, $0x0;
	s5 =	sld [smem:$0x3FAE]  }
0x2b: {  	s6 =	sld [smem:$0x3FAF]  }
0x2c: {  	s7 =	sld [smem:$0x3FB0]  }
0x2d: {  	s3 =	simm.s32 $0x108;
	s8 =	sld [smem:$0x3FB1]  }
0x2e: {  	s3 =	simm.s32 @!p0 $0x1082;
	s9 =	sld [smem:$0x3FB2]  }
0x2f: {  	lr =	sadd.s32 s0, s3;
	s0 =	sld [smem:$0x3FA9]  }
0x30: {  	s3 =	sld [smem:$0x3FAC]  }
0x31: {  	[smem:$0x3FB5] =	sst s10  }
0x32: {  	s10 =	sld [smem:$0x3FB3];
	_ =	sdelay $0x3  }
0x33: {  	p0 =	seq.s32 s10, $0x1;
	s10 =	sld [smem:$0x3FB5];
	_ =	sdelay $0x3  }
0x34: {  	[smem:$0x3FB5] =	sst s10  }
0x35: {  	s10 =	sld [smem:$0x3FB4];
	_ =	sdelay $0x3  }
0x36: {  	p1 =	seq.s32 s10, $0x1;
	s10 =	sld [smem:$0x3FB5];
	_ =	sdelay $0x3  }
0x37: {  	[smem:$0x3FB5] =	sst s10  }
0x38: {  	s10 =	sld [smem:$0x3FB6]  }
0x39: {  	_ = 	snop;
	(pc) =	sbr.ind lr, $3  }
0x3a: {  	_ = 	snop  }
0x3b: {  	_ = 	snop  }
0x3c: {  	p2 =	seq.s32 s10, $0x1;
	s10 =	sld [smem:$0x3FB5]  }
0x3d: {  	_ =	shalt  }
0x3e: {  	_ =	shalt  }
0x3f: {  	_ =	shalt  }
0x40: {  	_ =	shalt  }
0x41: {  	_ =	shalt  }
0x42: {  	_ =	shalt  }
0x43: {  	_ =	shalt  }
0x44: {  	_ =	shalt  }
0x45: {  	_ =	shalt  }
0x46: {  	_ =	shalt  }
0x47: {  	_ =	shalt  }
0x48: {  	_ =	shalt  }
0x49: {  	_ =	shalt  }
0x4a: {  	_ =	shalt  }
0x4b: {  	_ =	shalt  }
0x4c: {  	_ =	shalt  }
0x4d: {  	_ =	shalt  }
0x4e: {  	_ =	shalt  }
0x4f: {  	_ =	shalt  }
0x50: {  	_ =	shalt  }
0x51: {  	_ =	shalt  }
0x52: {  	_ =	shalt  }
0x53: {  	_ =	shalt  }
0x54: {  	_ =	shalt  }
0x55: {  	_ =	shalt  }
0x56: {  	_ =	shalt  }
0x57: {  	_ =	shalt  }
0x58: {  	_ =	shalt  }
0x59: {  	_ =	shalt  }
0x5a: {  	_ =	shalt  }
0x5b: {  	_ =	shalt  }
0x5c: {  	_ =	shalt  }
0x5d: {  	_ =	shalt  }
0x5e: {  	_ =	shalt  }
0x5f: {  	_ =	shalt  }
0x60: {  	_ =	shalt  }
0x61: {  	_ =	shalt  }
0x62: {  	_ =	shalt  }
0x63: {  	_ =	shalt  }
0x64: {  	_ =	shalt  }
0x65: {  	_ =	shalt  }
0x66: {  	_ =	shalt  }
0x67: {  	_ =	shalt  }
0x68: {  	_ =	shalt  }
0x69: {  	_ =	shalt  }
0x6a: {  	_ =	shalt  }
0x6b: {  	_ =	shalt  }
0x6c: {  	_ =	shalt  }
0x6d: {  	_ =	shalt  }
0x6e: {  	_ =	shalt  }
0x6f: {  	_ =	shalt  }
0x70: {  	_ =	shalt  }
0x71: {  	_ =	shalt  }
0x72: {  	_ =	shalt  }
0x73: {  	_ =	shalt  }
0x74: {  	_ =	shalt  }
0x75: {  	_ =	shalt  }
0x76: {  	_ =	shalt  }
0x77: {  	_ =	shalt  }
0x78: {  	_ =	shalt  }
0x79: {  	_ =	shalt  }
0x7a: {  	_ =	shalt  }
0x7b: {  	_ =	shalt  }
0x7c: {  	_ =	shalt  }
0x7d: {  	_ =	shalt  }
0x7e: {  	_ =	shalt  }
0x7f: {  	_ =	shalt  }
0x80: {  	_ =	shalt  }
0x81: {  	_ =	shalt  }
0x82: {  	_ =	shalt  }
0x83: {  	_ =	shalt  }
0x84: {  	_ =	shalt  }
0x85: {  	_ =	shalt  }
0x86: {  	_ =	shalt  }
0x87: {  	_ =	shalt  }
.Lfunc_end0:
.L_simem_size_0:
called_computation_lowered:
.L_overlay_start_0:
0x88: {  	s2 =	sld [smem:$0x3FD9]  }
0x89: {  	s3 =	sld [smem:$0x3FFE];
	_ =	sdelay $0x1  }
0x8a: {  	s1 =	srdreg.scid  }
0x8b: {  	s0 =	sand.u32 $0x1, s1  }
0x8c: {  	s17 =	sshll.u32 s0, $0xA;
	s2 =	sadd.s32 s3, s2  }
0x8d: {  	s2 =	sadd.s32 s2, s17  }
0x8e: {  	[smem:$0x3FC1] =	sst s2  }
0x8f: {  	_ = 	snop  }
0x90: {  	s2 =	sld [smem:$0x3FD0];
	(tm) =	ssettm $0x1  }
0x91: {  	s18 =	sld [smem:$0x3FFB];
	_ =	sdelay $0x3  }
0x92: {  	_ =	strace s18  }
0x93: {  	s3 =	sld [smem:$0x3FFC];
	_ =	sdelay $0x3  }
0x94: {  	_ =	strace s3  }
0x95: {  	s3 =	sld [smem:$0x3FFD];
	_ =	sdelay $0x3  }
0x96: {  	_ =	strace s3  }
0x97: {  	_ =	strace $0x8FFFFFFF  }
0x98: {  	s19 =	sld [smem:$0x3FDB];
	_ =	sdelay $0x1  }
0x99: {  	s4 =	simm.s32 $_scs_section_size  }
0x9a: {  	s5 =	simm.s32 $_size__tile_overlayer_lowered;
	s6 =	simm.s32 $_tile_overlayer_lowered  }
0x9b: {  	s22 =	simm.s32 $0x1BFF;
	s21 =	sshll.u32 s6, $0x1;
	s3 =	sadd.s32 s4, s19  }
0x9c: {  	s7 =	simm.s32 $0x0;
	s20 =	sshll.u32 s5, $0x1;
	s5 =	sadd.s32 s21, s3  }
0x9d: {  	[timem:s7], [sflag:s22] =	dma.local [hbm:s5], s20  }
0x9e: {  	_ =	swait.ge [sflag:s22], s20  }
0x9f: {  	s4 =	ssub.s32 $0x0, s20;
	[sflag:s22] =	ssyncset.done $0x0  }
0xa0: {  	[sflag:s22] =	ssyncadd.s32 s4;
	_ =	sdelay $0x1  }
0xa1: {  	s23 =	simm.s32 $0x1B8B  }
0xa2: {  	_ =	swait.ge [sflag:s23], $0x1  }
0xa3: {  	[sflag:s23] =	ssyncset.done $0x0  }
0xa4: {  	s25 =	simm.s32 $0x1B8E;
	s24 =	sld [smem:$0x3FFE];
	[sflag:s23] =	ssyncadd.s32 $0xFFFFFFFF  }
0xa5: {  	s26 =	simm.s32 $execute0_lowered;
	[smem:$0x3FD2] =	sst s25  }
0xa6: {  	s5 =	sshll.u32 s26, $0x1;
	_ =	strace $0x8000004C;
	[dreg:$0x1] =	wrdreg $0xFFFFFFFF  }
0xa7: {  	s28 =	simm.s32 $_size_execute0_lowered;
	s3 =	sadd.s32 s3, s5;
	[dreg:$0x0] =	wrdreg $0x0  }
0xa8: {  	s5 =	sshll.u32 s28, $0x1;
	[dreg:$0x2] =	wrdreg s3  }
0xa9: {  	[dreg:$0x3] =	wrdreg s5  }
0xaa: {  	[dreg:$0x4] =	wrdreg $0xC0  }
0xab: {  	_ =	task [dreg:s7], $0x5FFFF  }
0xac: {  	[dreg:$0x1] =	wrdreg $0xFFFFFFFF  }
0xad: {  	[dreg:$0x0] =	wrdreg $0x60  }
0xae: {  	[dreg:$0x2] =	wrdreg s24  }
0xaf: {  	[dreg:$0x3] =	wrdreg s2  }
0xb0: {  	[dreg:$0x4] =	wrdreg $0xD9800  }
0xb1: {  	[dreg:$0x5] =	wrdreg $0x9  }
0xb2: {  	_ =	task.clear_ibuf [dreg:s7], $0x6FFFF;
	_ =	strace $0x9000004C  }
0xb3: {  	s29 =	simm.s32 $0x9;
	_ =	strace $0x8000004E  }
0xb4: {  	_ =	swait.ge [sflag:s29], $0x1  }
0xb5: {  	[sflag:s29] =	ssyncadd.s32 $0xFFFFFFFF  }
0xb6: {  	_ =	strace $0x9000004E  }
0xb7: {  	_ =	sfence  }
0xb8: {  	s30 =	sld [smem:$0x0];
	_ =	sdelay $0x2  }
0xb9: {  	s31 =	sshll.u32 s1, $0xD;
	s1 =	sshrl.u32 s1, $0x2  }
0xba: {  	s3 =	sand.u32 $0x4000, s31;
	s1 =	sadd.s32 s1, s30  }
0xbb: {  	s0 =	sor.u32 s3, s0;
	s1 =	sshll.u32 s1, $0x11  }
0xbc: {  	s0 =	sor.u32 s1, s0  }
0xbd: {  	s0 =	sadd.s32 $0x8F2B, s0  }
0xbe: {  	[sflag:s0] =	ssyncadd.remote.s32 $0x1  }
0xbf: {  	_ =	sfence.sel $0xFFFF  }
0xc0: {  	[dreg:$0x0] =	wrdreg $0xFFFFFFFF;
	(pc) =	sbr.abs _section_cstart, $3  }
0xc1: {  	[dreg:$0x1] =	wrdreg $0xFFFFFFFF  }
0xc2: {  	_ =	task.clear_ibuf [dreg:s7], $0x2FFFF;
	_ =	strace $0x9FFFFFFF  }
0xc3: {  	(tm) =	ssettm $0x7FFFFFFF  }
tec
execute0_lowered:
.L_overlay_start_1:
0x0: {  	(tag) =	ssettag $0x1  }
0x1: {  	s1 =	rddreg [dreg:$0x0]  }
0x2: {  	s0 =	srdreg.scid;
	s6 =	rddreg [dreg:$0x1]  }
0x3: {  	s3 =	rddreg [dreg:$0x2];
	s4 =	simm.s32 $0x0;
	s14 =	simm.s32 $0x3  }
0x4: {  	s15 =	simm.s32 $0x9400;
	s16 =	simm.s32 $0x50;
	s2 =	sand.u32 $0x1, s0  }
0x5: {  	s17 =	simm.s32 $0xD800;
	s0 =	stileid.u32;
	s5 =	smul.u32 $0x44000, s2  }
0x6: {  	s18 =	simm.s32 $0xD880;
	s19 =	simm.s32 $0x2800;
	s7 =	smul.u32 $0x4400, s0  }
0x7: {  	s20 =	simm.s32 $0x1;
	s21 =	simm.s32 $0xD900;
	s8 =	smul.u32 $0xA0000, s2  }
0x8: {  	s22 =	simm.s32 $0x2;
	s23 =	simm.s32 $0x0;
	s9 =	smul.u32 $0xA000, s0  }
0x9: {  	[smem:$0x7FF] =	sst s4;
	s2 =	ssub.s32 $0x2, s2;
	s30 =	smul.u32 $0x28000, s0  }
0xa: {  	v0 =	vimm.f32 $0.0e+00;
	v1 =	vimm.s32 $0x0;
	_ =	strace $0x8000004D;
	s10 =	sshrl.u32 s2, $0x1;
	s5 =	sadd.s32 s7, s5  }
0xb: {  	v2 =	vimm.s32 $0x1;
	v3 =	vimm.s32 $0x2;
	v4 =	vimm.s32 $0x3;
	s29 =	sadd.s32 s9, s8;
	s2 =	ssub.s32 s2, s10;
	s8 =	sshrl.u32 s30, $0x2  }
0xc: {  	v5 =	vimm.s32 $0x4;
	v6 =	vimm.s32 $0x5;
	v7 =	vimm.s32 $0x6;
	s5 =	sshrl.u32 s5, $0x3;
	s7 =	sshrl.u32 s29, $0x3;
	s8 =	sadd.s32 s8, s3  }
0xd: {  	v8 =	vimm.s32 $0x7;
	v9 =	vimm.s32 $0x8;
	v10 =	vimm.s32 $0x9;
	s9 =	smax.u32 s2, $0x1;
	s31 =	sadd.s32 s5, s1;
	s7 =	sadd.s32 s7, s1  }
0xe: {  	v11 =	vimm.s32 $0xA;
	v12 =	vimm.s32 $0xB;
	v13 =	vimm.s32 $0xC;
	s5 =	sadd.s32 s6, s5;
	s10 =	sadd.s32 $0x2800, s8;
	s11 =	sadd.s32 $0x5000, s8  }
0xf: {  	v14 =	vimm.s32 $0xD;
	v15 =	vimm.s32 $0xE;
	v16 =	vimm.s32 $0xF;
	s12 =	sadd.s32 $0x7800, s8;
	s6 =	sadd.s32 $0x30E00, s31;
	s7 =	sadd.s32 $0x41E00, s7  }
.LBB2_1:
0x10: {  	s2 =	simm.s32 $0x5000  }
0x11: {  	[tilespmem:s2], [sflag:$0x3] =	stream.linear.gather [hbm4b:s5+s4], $0x4400, $0x38;
	[tilespmem:$0x17980] =	vst v63  }
0x12: {  	_ =	swait.ge [sflag:s14], $0x4400  }
0x13: {  	[sflag:s14] =	ssyncset.done $0x0  }
0x14: {  	[sflag:s14] =	ssyncadd.s32 $0xFFFFBC00  }
0x15: {  	[tilespmem:s15], [sflag:$0x3] =	stream.linear.gather [hbm4b:s6+s4], $0x4400, $0x38;
	[tilespmem:$0x17980] =	vst v63  }
0x16: {  	_ =	swait.ge [sflag:s14], $0x4400  }
0x17: {  	[sflag:s14] =	ssyncset.done $0x0  }
0x18: {  	s24 =	simm.s32 $0x200;
	s2 =	simm.s32 $0x0;
	[sflag:s14] =	ssyncadd.s32 $0xFFFFBC00  }
.LBB2_2:
0x19: {  	p0 =	sne.s32 s24, $0x9E00;
	[tilespmem:s2+$0x70] =	vst v0  }
0x1a: {  	[tilespmem:s2+$0x0] =	vst v0  }
0x1b: {  	[tilespmem:s2+$0x10] =	vst v0  }
.Ltmp0:
0x1c: {  	[tilespmem:s2+$0x20] =	vst v0;
	(pc) =	sbr.rel @p0 .LBB2_2-.Ltmp0, $4  }
0x1d: {  	[tilespmem:s2+$0x30] =	vst v0  }
0x1e: {  	[tilespmem:s2+$0x40] =	vst v0  }
0x1f: {  	[tilespmem:s2+$0x50] =	vst v0  }
0x20: {  	[tilespmem:s2+$0x60] =	vst v0;
	s2 =	sshra.s32 s24, $0x2;
	s24 =	sadd.s32 $0x200, s24  }
0x21: {  	[tilespmem:s2+$0x70] =	vst v0  }
0x22: {  	[tilespmem:s2+$0x0] =	vst v0  }
0x23: {  	[tilespmem:s2+$0x10] =	vst v0  }
0x24: {  	[tilespmem:s2+$0x20] =	vst v0  }
0x25: {  	[tilespmem:s2+$0x30] =	vst v0  }
0x26: {  	[tilespmem:s2+$0x40] =	vst v0  }
0x27: {  	[tilespmem:s2+$0x50] =	vst v0  }
0x28: {  	[tilespmem:s2+$0x60] =	vst v0;
	s24 =	simm.s32 $0x0  }
0x29: {  	[spmem:s8] =	stream.linear.scatter [tilespmem:s24], [sflag:$0x3], $0x2800, $0x38;
	[tilespmem:$0x17980] =	vst v63  }
0x2a: {  	_ =	swait.ge [sflag:s14], $0x2800  }
0x2b: {  	[sflag:s14] =	ssyncset.done $0x0  }
0x2c: {  	[sflag:s14] =	ssyncadd.s32 $0xFFFFD800  }
0x2d: {  	[spmem:s10] =	stream.linear.scatter [tilespmem:s24], [sflag:$0x3], $0x2800, $0x38;
	[tilespmem:$0x17980] =	vst v63  }
0x2e: {  	_ =	swait.ge [sflag:s14], $0x2800  }
0x2f: {  	[sflag:s14] =	ssyncset.done $0x0  }
0x30: {  	[sflag:s14] =	ssyncadd.s32 $0xFFFFD800  }
0x31: {  	[spmem:s11] =	stream.linear.scatter [tilespmem:s24], [sflag:$0x3], $0x2800, $0x38;
	[tilespmem:$0x17980] =	vst v63  }
0x32: {  	_ =	swait.ge [sflag:s14], $0x2800  }
0x33: {  	[sflag:s14] =	ssyncset.done $0x0  }
0x34: {  	[sflag:s14] =	ssyncadd.s32 $0xFFFFD800  }
0x35: {  	[spmem:s12] =	stream.linear.scatter [tilespmem:s24], [sflag:$0x3], $0x2800, $0x38;
	[tilespmem:$0x17980] =	vst v63  }
0x36: {  	_ =	swait.ge [sflag:s14], $0x2800  }
0x37: {  	[sflag:s14] =	ssyncset.done $0x0  }
0x38: {  	s25 =	simm.s32 $0x9400;
	[sflag:s14] =	ssyncadd.s32 $0xFFFFD800  }
0x39: {  	s26 =	simm.s32 $0x9480;
	s28 =	simm.s32 $0x0;
	[bflag:$0x0] =	sbarrier.arrive $0xFFFF  }
.LBB2_4:
0x3a: {  	s2 =	sshll.u32 s28, $0x8  }
0x3b: {  	s30 =	sand.u32 $0x3FFFFF00, s2  }
0x3c: {  	v17 =	vld [tilespmem:s30+$0x5000];
	_ =	sdelay $0x4  }
0x3d: {  	v17 =	vand.u32 $0x3FFF, v17  }
0x3e: {  	[tilespmem:$0xD800] =	vst v17  }
0x3f: {  	v17 =	vld [tilespmem:s30+$0x5010];
	_ =	sdelay $0x4  }
0x40: {  	v17 =	vand.u32 $0x3FFF, v17  }
0x41: {  	[tilespmem:$0xD810] =	vst v17  }
0x42: {  	v17 =	vld [tilespmem:s30+$0x5020];
	_ =	sdelay $0x4  }
0x43: {  	v17 =	vand.u32 $0x3FFF, v17  }
0x44: {  	[tilespmem:$0xD820] =	vst v17  }
0x45: {  	v17 =	vld [tilespmem:s30+$0x5030];
	_ =	sdelay $0x4  }
0x46: {  	v17 =	vand.u32 $0x3FFF, v17  }
0x47: {  	[tilespmem:$0xD830] =	vst v17  }
0x48: {  	v17 =	vld [tilespmem:s30+$0x5040];
	_ =	sdelay $0x4  }
0x49: {  	v17 =	vand.u32 $0x3FFF, v17  }
0x4a: {  	[tilespmem:$0xD840] =	vst v17  }
0x4b: {  	v17 =	vld [tilespmem:s30+$0x5080];
	_ =	sdelay $0x4  }
0x4c: {  	v17 =	vand.u32 $0x3FFF, v17  }
0x4d: {  	[tilespmem:$0xD880] =	vst v17  }
0x4e: {  	v17 =	vld [tilespmem:s30+$0x5090];
	_ =	sdelay $0x4  }
0x4f: {  	v17 =	vand.u32 $0x3FFF, v17  }
0x50: {  	[tilespmem:$0xD890] =	vst v17  }
0x51: {  	v17 =	vld [tilespmem:s30+$0x50A0];
	_ =	sdelay $0x4  }
0x52: {  	v17 =	vand.u32 $0x3FFF, v17  }
0x53: {  	[tilespmem:$0xD8A0] =	vst v17  }
0x54: {  	v17 =	vld [tilespmem:s30+$0x50B0];
	_ =	sdelay $0x4  }
0x55: {  	v17 =	vand.u32 $0x3FFF, v17  }
0x56: {  	[tilespmem:$0xD8B0] =	vst v17  }
0x57: {  	v17 =	vld [tilespmem:s30+$0x50C0];
	_ =	sdelay $0x4  }
0x58: {  	v17 =	vand.u32 $0x3FFF, v17  }
0x59: {  	[tilespmem:$0xD8C0] =	vst v17  }
0x5a: {  	[tilespmem:s24], [sflag:$0x1] =	stream.indirect.gather [hbm4b:s1+s16], $0x80, s17, s16, $0xb8;
	[tilespmem:$0x17980] =	vst v63  }
0x5b: {  	_ = 	snop  }
0x5c: {  	v17 =	vmov s25;
	[tilespmem:s19], [sflag:$0x2] =	stream.indirect.gather [hbm4b:s1+s16], $0x80, s18, s16, $0xb8;
	[tilespmem:$0x17980] =	vst v63  }
0x5d: {  	_ =	swait.ge [sflag:s20], $0x2800  }
0x5e: {  	s31 =	simm.s32 $0x400;
	[sflag:s20] =	ssyncset.done $0x0  }
0x5f: {  	s2 =	simm.s32 $0x0;
	s29 =	sor.u32 $0x80, s30;
	[sflag:s20] =	ssyncadd.s32 $0xFFFFD800  }
.LBB2_5:
0x60: {  	s13 =	sshra.s32 s2, $0x2  }
0x61: {  	v18 =	vld.idx.msk [tilespmem:v17+s13+$0x0 ss:$0x1], $0xffff;
	_ =	sdelay $0x1  }
0x62: {  	v19 =	vld [tilespmem:s31+$0xFFFFFC00]  }
0x63: {  	v20 =	vld [tilespmem:s31+$0xFFFFFC80]  }
0x64: {  	v23 =	vld [tilespmem:s31+$0xFFFFFD80]  }
0x65: {  	v21 =	vld [tilespmem:s31+$0xFFFFFD00];
	v22 =	vperm.xlane v18, v1  }
0x66: {  	v27 =	vld [tilespmem:s31+$0xFFFFFE80];
	v24 =	vperm.xlane v18, v2  }
0x67: {  	v25 =	vld [tilespmem:s31+$0xFFFFFE00];
	v28 =	vperm.xlane v18, v4;
	v19 =	vmul.f32 v19, v22  }
0x68: {  	v29 =	vld [tilespmem:s31+$0xFFFFFF00];
	v26 =	vperm.xlane v18, v3;
	v20 =	vmul.f32 v20, v24  }
0x69: {  	v30 =	vld [tilespmem:s31+$0xFFFFFF80];
	v58 =	vperm.xlane v18, v6;
	v57 =	vmul.f32 v23, v28;
	[tilespmem:s31+$0xFFFFFC00] =	vst v19  }
0x6a: {  	v31 =	vld [tilespmem:s31+$0xFFFFFC10];
	v56 =	vperm.xlane v18, v5;
	v19 =	vmul.f32 v21, v26;
	[tilespmem:s31+$0xFFFFFC80] =	vst v20  }
0x6b: {  	v32 =	vld [tilespmem:s31+$0xFFFFFC90];
	v59 =	vperm.xlane v18, v7;
	v60 =	vmul.f32 v27, v58;
	[tilespmem:s31+$0xFFFFFD80] =	vst v57  }
0x6c: {  	v33 =	vld [tilespmem:s31+$0xFFFFFD10];
	v61 =	vperm.xlane v18, v8;
	[tilespmem:s31+$0xFFFFFD00] =	vst v19;
	v19 =	vmul.f32 v25, v56  }
0x6d: {  	v38 =	vld [tilespmem:s31+$0xFFFFFF90];
	v29 =	vmul.f32 v29, v59;
	[tilespmem:s31+$0xFFFFFE80] =	vst v60  }
0x6e: {  	v30 =	vmul.f32 v30, v61;
	[tilespmem:s31+$0xFFFFFE00] =	vst v19;
	v19 =	vld [tilespmem:s31+$0xFFFFFD90]  }
0x6f: {  	v49 =	vld [tilespmem:s31+$0xFFFFFE30];
	v31 =	vmul.f32 v31, v22;
	[tilespmem:s31+$0xFFFFFF00] =	vst v29  }
0x70: {  	v62 =	vld [tilespmem:s31+$0xFFFFFE10];
	v32 =	vmul.f32 v32, v24;
	[tilespmem:s31+$0xFFFFFF80] =	vst v30  }
0x71: {  	v63 =	vld [tilespmem:s31+$0xFFFFFE90];
	v37 =	vmul.f32 v33, v26;
	[tilespmem:s31+$0xFFFFFC10] =	vst v31  }
0x72: {  	v36 =	vld [tilespmem:s31+$0xFFFFFF10];
	v33 =	vmul.f32 v38, v61;
	[tilespmem:s31+$0xFFFFFC90] =	vst v32  }
0x73: {  	v39 =	vld [tilespmem:s31+$0xFFFFFC20];
	[tilespmem:s31+$0xFFFFFD10] =	vst v37;
	v19 =	vmul.f32 v19, v28  }
0x74: {  	v40 =	vld [tilespmem:s31+$0xFFFFFCA0];
	v54 =	vmul.f32 v49, v56;
	[tilespmem:s31+$0xFFFFFF90] =	vst v33  }
0x75: {  	v20 =	vmul.f32 v62, v56;
	[tilespmem:s31+$0xFFFFFD90] =	vst v19;
	v19 =	vld [tilespmem:s31+$0xFFFFFD20]  }
0x76: {  	v44 =	vld [tilespmem:s31+$0xFFFFFF20];
	v29 =	vmul.f32 v63, v58;
	[tilespmem:s31+$0xFFFFFE30] =	vst v54  }
0x77: {  	v46 =	vld [tilespmem:s31+$0xFFFFFC30];
	v30 =	vmul.f32 v36, v59;
	[tilespmem:s31+$0xFFFFFE10] =	vst v20  }
0x78: {  	v51 =	vld [tilespmem:s31+$0xFFFFFF30];
	v32 =	vmul.f32 v39, v22;
	[tilespmem:s31+$0xFFFFFE90] =	vst v29  }
0x79: {  	v41 =	vld [tilespmem:s31+$0xFFFFFDA0];
	v31 =	vmul.f32 v40, v24;
	[tilespmem:s31+$0xFFFFFF10] =	vst v30  }
0x7a: {  	v42 =	vld [tilespmem:s31+$0xFFFFFE20];
	[tilespmem:s31+$0xFFFFFC20] =	vst v32;
	v19 =	vmul.f32 v19, v26  }
0x7b: {  	v43 =	vld [tilespmem:s31+$0xFFFFFEA0];
	v33 =	vmul.f32 v44, v59;
	[tilespmem:s31+$0xFFFFFCA0] =	vst v31  }
0x7c: {  	v22 =	vmul.f32 v46, v22;
	[tilespmem:s31+$0xFFFFFD20] =	vst v19;
	v19 =	vld [tilespmem:s31+$0xFFFFFCB0]  }
0x7d: {  	v45 =	vld [tilespmem:s31+$0xFFFFFFA0];
	v57 =	vmul.f32 v51, v59;
	[tilespmem:s31+$0xFFFFFF20] =	vst v33  }
0x7e: {  	v48 =	vld [tilespmem:s31+$0xFFFFFDB0];
	v20 =	vmul.f32 v41, v28;
	[tilespmem:s31+$0xFFFFFC30] =	vst v22  }
0x7f: {  	v47 =	vld [tilespmem:s31+$0xFFFFFD30];
	v29 =	vmul.f32 v42, v56;
	[tilespmem:s31+$0xFFFFFF30] =	vst v57  }
0x80: {  	v50 =	vld [tilespmem:s31+$0xFFFFFEB0];
	v30 =	vmul.f32 v43, v58;
	[tilespmem:s31+$0xFFFFFDA0] =	vst v20  }
0x81: {  	v59 =	vld [tilespmem:s31+$0x200];
	[tilespmem:s31+$0xFFFFFE20] =	vst v29;
	v19 =	vmul.f32 v19, v24  }
0x82: {  	v52 =	vld [tilespmem:s31+$0xFFFFFFB0];
	v32 =	vmul.f32 v45, v61;
	[tilespmem:s31+$0xFFFFFEA0] =	vst v30  }
0x83: {  	v62 =	vld [tilespmem:s31+$0x300];
	[tilespmem:s31+$0xFFFFFCB0] =	vst v19;
	v19 =	vmul.f32 v48, v28  }
0x84: {  	v55 =	vld [tilespmem:s31+$0x80];
	v36 =	vperm.xlane v18, v13;
	[tilespmem:s31+$0xFFFFFFA0] =	vst v32;
	v20 =	vmul.f32 v47, v26  }
0x85: {  	v40 =	vld [tilespmem:s31+$0x90];
	[tilespmem:s31+$0xFFFFFDB0] =	vst v19;
	v19 =	vmul.f32 v50, v58  }
0x86: {  	v42 =	vperm.xlane v18, v15;
	v41 =	vmul.f32 v59, v36;
	[tilespmem:s31+$0xFFFFFD30] =	vst v20;
	v58 =	vld [tilespmem:s31+$0x180]  }
0x87: {  	v22 =	vperm.xlane v18, v10;
	v43 =	vld [tilespmem:s31+$0x190];
	[tilespmem:s31+$0xFFFFFEB0] =	vst v19;
	v19 =	vmul.f32 v52, v61  }
0x88: {  	v45 =	vld [tilespmem:s31+$0x290];
	v29 =	vmul.f32 v62, v42;
	[tilespmem:s31+$0x200] =	vst v41  }
0x89: {  	v21 =	vperm.xlane v18, v12;
	v57 =	vld [tilespmem:s31+$0x1B0];
	[tilespmem:s31+$0xFFFFFFB0] =	vst v19;
	v19 =	vmul.f32 v55, v22  }
0x8a: {  	v51 =	vld [tilespmem:s31+$0x220];
	v32 =	vmul.f32 v40, v22;
	[tilespmem:s31+$0x300] =	vst v29  }
0x8b: {  	v39 =	vperm.xlane v18, v14;
	v56 =	vld [tilespmem:s31+$0x100];
	[tilespmem:s31+$0x80] =	vst v19;
	v19 =	vmul.f32 v58, v21  }
0x8c: {  	v49 =	vld [tilespmem:s31+$0x120];
	[tilespmem:s31+$0x90] =	vst v32;
	v20 =	vmul.f32 v43, v21  }
0x8d: {  	v29 =	vmul.f32 v45, v39;
	[tilespmem:s31+$0x180] =	vst v19;
	v19 =	vld [tilespmem:s31+$0x110]  }
0x8e: {  	v59 =	vld [tilespmem:s31+$0x2B0];
	v62 =	vmul.f32 v57, v21;
	[tilespmem:s31+$0x190] =	vst v20;
	v26 =	vperm.xlane v18, v11  }
0x8f: {  	v53 =	vld [tilespmem:s31+$0x0];
	[tilespmem:s31+$0x290] =	vst v29;
	v29 =	vmul.f32 v51, v36  }
0x90: {  	v37 =	vld [tilespmem:s31+$0x380];
	[tilespmem:s31+$0x1B0] =	vst v62;
	v63 =	vmul.f32 v56, v26  }
0x91: {  	v38 =	vld [tilespmem:s31+$0x10];
	[tilespmem:s31+$0x220] =	vst v29;
	v20 =	vmul.f32 v49, v26  }
0x92: {  	v46 =	vld [tilespmem:s31+$0x310];
	[tilespmem:s31+$0x100] =	vst v63;
	v24 =	vperm.xlane v18, v9;
	v19 =	vmul.f32 v19, v26  }
0x93: {  	v47 =	vld [tilespmem:s31+$0x390];
	[tilespmem:s31+$0x120] =	vst v20;
	v63 =	vmul.f32 v59, v39;
	v18 =	vperm.xlane v18, v16  }
0x94: {  	v60 =	vmul.f32 v53, v24;
	[tilespmem:s31+$0x110] =	vst v19;
	v19 =	vld [tilespmem:s31+$0xA0]  }
0x95: {  	[tilespmem:s31+$0x2B0] =	vst v63;
	v30 =	vmul.f32 v37, v18;
	v48 =	vld [tilespmem:s31+$0x20]  }
0x96: {  	v31 =	vmul.f32 v38, v24;
	v53 =	vld [tilespmem:s31+$0x320];
	[tilespmem:s31+$0x0] =	vst v60  }
0x97: {  	v54 =	vld [tilespmem:s31+$0x3A0];
	[tilespmem:s31+$0x380] =	vst v30;
	v30 =	vmul.f32 v46, v42  }
0x98: {  	[tilespmem:s31+$0x10] =	vst v31;
	v31 =	vmul.f32 v47, v18;
	v61 =	vld [tilespmem:s31+$0x280]  }
0x99: {  	[tilespmem:s31+$0x310] =	vst v30;
	v52 =	vld [tilespmem:s31+$0x2A0];
	v19 =	vmul.f32 v19, v22  }
0x9a: {  	v44 =	vld [tilespmem:s31+$0x210];
	[tilespmem:s31+$0x390] =	vst v31;
	v32 =	vmul.f32 v48, v24  }
0x9b: {  	v31 =	vmul.f32 v53, v42;
	[tilespmem:s31+$0xA0] =	vst v19;
	v19 =	vld [tilespmem:s31+$0x30]  }
0x9c: {  	v55 =	vld [tilespmem:s31+$0xB0];
	[tilespmem:s31+$0x20] =	vst v32;
	v32 =	vmul.f32 v54, v18  }
0x9d: {  	v56 =	vld [tilespmem:s31+$0x130];
	[tilespmem:s31+$0x320] =	vst v31;
	v28 =	vmul.f32 v61, v39  }
0x9e: {  	v50 =	vld [tilespmem:s31+$0x1A0];
	v30 =	vmul.f32 v52, v39;
	[tilespmem:s31+$0x3A0] =	vst v32  }
0x9f: {  	v58 =	vld [tilespmem:s31+$0x230];
	[tilespmem:s31+$0x280] =	vst v28;
	v28 =	vmul.f32 v44, v36  }
0xa0: {  	v61 =	vld [tilespmem:s31+$0x3B0];
	[tilespmem:s31+$0x2A0] =	vst v30;
	v19 =	vmul.f32 v19, v24  }
0xa1: {  	v60 =	vld [tilespmem:s31+$0x330];
	v20 =	vmul.f32 v55, v22;
	[tilespmem:s31+$0x210] =	vst v28  }
0xa2: {  	[tilespmem:s31+$0x30] =	vst v19;
	v19 =	vmul.f32 v56, v26  }
0xa3: {  	p0 =	seq.s32 s2, $0x100;
	v28 =	vmul.f32 v50, v21;
	[tilespmem:s31+$0xB0] =	vst v20  }
.Ltmp1:
0xa4: {  	[tilespmem:s31+$0x130] =	vst v19;
	v19 =	vmul.f32 v58, v36;
	(pc) =	sbr.rel @!p0 .LBB2_5-.Ltmp1, $4  }
0xa5: {  	v18 =	vmul.f32 v61, v18;
	[tilespmem:s31+$0x1A0] =	vst v28  }
0xa6: {  	[tilespmem:s31+$0x230] =	vst v19;
	v19 =	vmul.f32 v60, v42  }
0xa7: {  	[tilespmem:s31+$0x3B0] =	vst v18  }
0xa8: {  	s2 =	sadd.s32 $0x40, s2;
	[tilespmem:s31+$0x330] =	vst v19;
	s31 =	sadd.s32 $0x800, s31  }
0xa9: {  	v17 =	vld [tilespmem:s30+$0x5000];
	_ =	sdelay $0x4  }
0xaa: {  	v17 =	vshra.s32 v17, $0xE  }
0xab: {  	[tilespmem:$0xD900] =	vst v17  }
0xac: {  	v17 =	vld [tilespmem:s30+$0x5010];
	_ =	sdelay $0x4  }
0xad: {  	v17 =	vshra.s32 v17, $0xE  }
0xae: {  	[tilespmem:$0xD910] =	vst v17  }
0xaf: {  	v17 =	vld [tilespmem:s30+$0x5020];
	_ =	sdelay $0x4  }
0xb0: {  	v17 =	vshra.s32 v17, $0xE  }
0xb1: {  	[tilespmem:$0xD920] =	vst v17  }
0xb2: {  	v17 =	vld [tilespmem:s30+$0x5030];
	_ =	sdelay $0x4  }
0xb3: {  	v17 =	vshra.s32 v17, $0xE  }
0xb4: {  	[tilespmem:$0xD930] =	vst v17  }
0xb5: {  	v17 =	vld [tilespmem:s30+$0x5040];
	_ =	sdelay $0x4  }
0xb6: {  	v17 =	vshra.s32 v17, $0xE  }
0xb7: {  	s30 =	simm.s32 $0x0;
	[tilespmem:$0xD940] =	vst v17  }
0xb8: {  	[spmem:s3] =	stream.indirect.scatter.add.f32 [tilespmem:s30], [sflag:$0x3], $0x80, s21, s16, $0xb8;
	[tilespmem:$0x17980] =	vst v63  }
0xb9: {  	_ =	swait.ge [sflag:s14], $0x2800  }
0xba: {  	[sflag:s14] =	ssyncset.done $0x0  }
0xbb: {  	v17 =	vmov s26;
	[sflag:s14] =	ssyncadd.s32 $0xFFFFD800  }
0xbc: {  	_ =	swait.ge [sflag:s22], $0x2800  }
0xbd: {  	[sflag:s22] =	ssyncset.done $0x0  }
0xbe: {  	s31 =	simm.s32 $0x2C00;
	[sflag:s22] =	ssyncadd.s32 $0xFFFFD800  }
.LBB2_7:
0xbf: {  	s2 =	sshra.s32 s30, $0x2  }
0xc0: {  	v18 =	vld.idx.msk [tilespmem:v17+s2+$0x0 ss:$0x1], $0xffff;
	_ =	sdelay $0x1  }
0xc1: {  	v19 =	vld [tilespmem:s31+$0xFFFFFC00]  }
0xc2: {  	v20 =	vld [tilespmem:s31+$0xFFFFFC80]  }
0xc3: {  	v23 =	vld [tilespmem:s31+$0xFFFFFD80]  }
0xc4: {  	v21 =	vld [tilespmem:s31+$0xFFFFFD00];
	v22 =	vperm.xlane v18, v1  }
0xc5: {  	v27 =	vld [tilespmem:s31+$0xFFFFFE80];
	v24 =	vperm.xlane v18, v2  }
0xc6: {  	v25 =	vld [tilespmem:s31+$0xFFFFFE00];
	v28 =	vperm.xlane v18, v4;
	v19 =	vmul.f32 v19, v22  }
0xc7: {  	v29 =	vld [tilespmem:s31+$0xFFFFFF00];
	v26 =	vperm.xlane v18, v3;
	v20 =	vmul.f32 v20, v24  }
0xc8: {  	v30 =	vld [tilespmem:s31+$0xFFFFFF80];
	v58 =	vperm.xlane v18, v6;
	v57 =	vmul.f32 v23, v28;
	[tilespmem:s31+$0xFFFFFC00] =	vst v19  }
0xc9: {  	v31 =	vld [tilespmem:s31+$0xFFFFFC10];
	v56 =	vperm.xlane v18, v5;
	v19 =	vmul.f32 v21, v26;
	[tilespmem:s31+$0xFFFFFC80] =	vst v20  }
0xca: {  	v32 =	vld [tilespmem:s31+$0xFFFFFC90];
	v59 =	vperm.xlane v18, v7;
	v60 =	vmul.f32 v27, v58;
	[tilespmem:s31+$0xFFFFFD80] =	vst v57  }
0xcb: {  	v33 =	vld [tilespmem:s31+$0xFFFFFD10];
	v61 =	vperm.xlane v18, v8;
	[tilespmem:s31+$0xFFFFFD00] =	vst v19;
	v19 =	vmul.f32 v25, v56  }
0xcc: {  	v38 =	vld [tilespmem:s31+$0xFFFFFF90];
	v29 =	vmul.f32 v29, v59;
	[tilespmem:s31+$0xFFFFFE80] =	vst v60  }
0xcd: {  	v30 =	vmul.f32 v30, v61;
	[tilespmem:s31+$0xFFFFFE00] =	vst v19;
	v19 =	vld [tilespmem:s31+$0xFFFFFD90]  }
0xce: {  	v49 =	vld [tilespmem:s31+$0xFFFFFE30];
	v31 =	vmul.f32 v31, v22;
	[tilespmem:s31+$0xFFFFFF00] =	vst v29  }
0xcf: {  	v62 =	vld [tilespmem:s31+$0xFFFFFE10];
	v32 =	vmul.f32 v32, v24;
	[tilespmem:s31+$0xFFFFFF80] =	vst v30  }
0xd0: {  	v63 =	vld [tilespmem:s31+$0xFFFFFE90];
	v37 =	vmul.f32 v33, v26;
	[tilespmem:s31+$0xFFFFFC10] =	vst v31  }
0xd1: {  	v36 =	vld [tilespmem:s31+$0xFFFFFF10];
	v33 =	vmul.f32 v38, v61;
	[tilespmem:s31+$0xFFFFFC90] =	vst v32  }
0xd2: {  	v39 =	vld [tilespmem:s31+$0xFFFFFC20];
	[tilespmem:s31+$0xFFFFFD10] =	vst v37;
	v19 =	vmul.f32 v19, v28  }
0xd3: {  	v40 =	vld [tilespmem:s31+$0xFFFFFCA0];
	v54 =	vmul.f32 v49, v56;
	[tilespmem:s31+$0xFFFFFF90] =	vst v33  }
0xd4: {  	v20 =	vmul.f32 v62, v56;
	[tilespmem:s31+$0xFFFFFD90] =	vst v19;
	v19 =	vld [tilespmem:s31+$0xFFFFFD20]  }
0xd5: {  	v44 =	vld [tilespmem:s31+$0xFFFFFF20];
	v29 =	vmul.f32 v63, v58;
	[tilespmem:s31+$0xFFFFFE30] =	vst v54  }
0xd6: {  	v46 =	vld [tilespmem:s31+$0xFFFFFC30];
	v30 =	vmul.f32 v36, v59;
	[tilespmem:s31+$0xFFFFFE10] =	vst v20  }
0xd7: {  	v51 =	vld [tilespmem:s31+$0xFFFFFF30];
	v32 =	vmul.f32 v39, v22;
	[tilespmem:s31+$0xFFFFFE90] =	vst v29  }
0xd8: {  	v41 =	vld [tilespmem:s31+$0xFFFFFDA0];
	v31 =	vmul.f32 v40, v24;
	[tilespmem:s31+$0xFFFFFF10] =	vst v30  }
0xd9: {  	v42 =	vld [tilespmem:s31+$0xFFFFFE20];
	[tilespmem:s31+$0xFFFFFC20] =	vst v32;
	v19 =	vmul.f32 v19, v26  }
0xda: {  	v43 =	vld [tilespmem:s31+$0xFFFFFEA0];
	v33 =	vmul.f32 v44, v59;
	[tilespmem:s31+$0xFFFFFCA0] =	vst v31  }
0xdb: {  	v22 =	vmul.f32 v46, v22;
	[tilespmem:s31+$0xFFFFFD20] =	vst v19;
	v19 =	vld [tilespmem:s31+$0xFFFFFCB0]  }
0xdc: {  	v45 =	vld [tilespmem:s31+$0xFFFFFFA0];
	v57 =	vmul.f32 v51, v59;
	[tilespmem:s31+$0xFFFFFF20] =	vst v33  }
0xdd: {  	v48 =	vld [tilespmem:s31+$0xFFFFFDB0];
	v20 =	vmul.f32 v41, v28;
	[tilespmem:s31+$0xFFFFFC30] =	vst v22  }
0xde: {  	v47 =	vld [tilespmem:s31+$0xFFFFFD30];
	v29 =	vmul.f32 v42, v56;
	[tilespmem:s31+$0xFFFFFF30] =	vst v57  }
0xdf: {  	v50 =	vld [tilespmem:s31+$0xFFFFFEB0];
	v30 =	vmul.f32 v43, v58;
	[tilespmem:s31+$0xFFFFFDA0] =	vst v20  }
0xe0: {  	v59 =	vld [tilespmem:s31+$0x200];
	[tilespmem:s31+$0xFFFFFE20] =	vst v29;
	v19 =	vmul.f32 v19, v24  }
0xe1: {  	v52 =	vld [tilespmem:s31+$0xFFFFFFB0];
	v32 =	vmul.f32 v45, v61;
	[tilespmem:s31+$0xFFFFFEA0] =	vst v30  }
0xe2: {  	v62 =	vld [tilespmem:s31+$0x300];
	[tilespmem:s31+$0xFFFFFCB0] =	vst v19;
	v19 =	vmul.f32 v48, v28  }
0xe3: {  	v55 =	vld [tilespmem:s31+$0x80];
	v36 =	vperm.xlane v18, v13;
	[tilespmem:s31+$0xFFFFFFA0] =	vst v32;
	v20 =	vmul.f32 v47, v26  }
0xe4: {  	v40 =	vld [tilespmem:s31+$0x90];
	[tilespmem:s31+$0xFFFFFDB0] =	vst v19;
	v19 =	vmul.f32 v50, v58  }
0xe5: {  	v42 =	vperm.xlane v18, v15;
	v41 =	vmul.f32 v59, v36;
	[tilespmem:s31+$0xFFFFFD30] =	vst v20;
	v58 =	vld [tilespmem:s31+$0x180]  }
0xe6: {  	v22 =	vperm.xlane v18, v10;
	v43 =	vld [tilespmem:s31+$0x190];
	[tilespmem:s31+$0xFFFFFEB0] =	vst v19;
	v19 =	vmul.f32 v52, v61  }
0xe7: {  	v45 =	vld [tilespmem:s31+$0x290];
	v29 =	vmul.f32 v62, v42;
	[tilespmem:s31+$0x200] =	vst v41  }
0xe8: {  	v21 =	vperm.xlane v18, v12;
	v57 =	vld [tilespmem:s31+$0x1B0];
	[tilespmem:s31+$0xFFFFFFB0] =	vst v19;
	v19 =	vmul.f32 v55, v22  }
0xe9: {  	v51 =	vld [tilespmem:s31+$0x220];
	v32 =	vmul.f32 v40, v22;
	[tilespmem:s31+$0x300] =	vst v29  }
0xea: {  	v39 =	vperm.xlane v18, v14;
	v56 =	vld [tilespmem:s31+$0x100];
	[tilespmem:s31+$0x80] =	vst v19;
	v19 =	vmul.f32 v58, v21  }
0xeb: {  	v49 =	vld [tilespmem:s31+$0x120];
	[tilespmem:s31+$0x90] =	vst v32;
	v20 =	vmul.f32 v43, v21  }
0xec: {  	v29 =	vmul.f32 v45, v39;
	[tilespmem:s31+$0x180] =	vst v19;
	v19 =	vld [tilespmem:s31+$0x110]  }
0xed: {  	v59 =	vld [tilespmem:s31+$0x2B0];
	v62 =	vmul.f32 v57, v21;
	[tilespmem:s31+$0x190] =	vst v20;
	v26 =	vperm.xlane v18, v11  }
0xee: {  	v53 =	vld [tilespmem:s31+$0x0];
	[tilespmem:s31+$0x290] =	vst v29;
	v29 =	vmul.f32 v51, v36  }
0xef: {  	v37 =	vld [tilespmem:s31+$0x380];
	[tilespmem:s31+$0x1B0] =	vst v62;
	v63 =	vmul.f32 v56, v26  }
0xf0: {  	v38 =	vld [tilespmem:s31+$0x10];
	[tilespmem:s31+$0x220] =	vst v29;
	v20 =	vmul.f32 v49, v26  }
0xf1: {  	v46 =	vld [tilespmem:s31+$0x310];
	[tilespmem:s31+$0x100] =	vst v63;
	v24 =	vperm.xlane v18, v9;
	v19 =	vmul.f32 v19, v26  }
0xf2: {  	v47 =	vld [tilespmem:s31+$0x390];
	[tilespmem:s31+$0x120] =	vst v20;
	v63 =	vmul.f32 v59, v39;
	v18 =	vperm.xlane v18, v16  }
0xf3: {  	v60 =	vmul.f32 v53, v24;
	[tilespmem:s31+$0x110] =	vst v19;
	v19 =	vld [tilespmem:s31+$0xA0]  }
0xf4: {  	[tilespmem:s31+$0x2B0] =	vst v63;
	v30 =	vmul.f32 v37, v18;
	v48 =	vld [tilespmem:s31+$0x20]  }
0xf5: {  	v31 =	vmul.f32 v38, v24;
	v53 =	vld [tilespmem:s31+$0x320];
	[tilespmem:s31+$0x0] =	vst v60  }
0xf6: {  	v54 =	vld [tilespmem:s31+$0x3A0];
	[tilespmem:s31+$0x380] =	vst v30;
	v30 =	vmul.f32 v46, v42  }
0xf7: {  	[tilespmem:s31+$0x10] =	vst v31;
	v31 =	vmul.f32 v47, v18;
	v61 =	vld [tilespmem:s31+$0x280]  }
0xf8: {  	[tilespmem:s31+$0x310] =	vst v30;
	v52 =	vld [tilespmem:s31+$0x2A0];
	v19 =	vmul.f32 v19, v22  }
0xf9: {  	v44 =	vld [tilespmem:s31+$0x210];
	[tilespmem:s31+$0x390] =	vst v31;
	v32 =	vmul.f32 v48, v24  }
0xfa: {  	v31 =	vmul.f32 v53, v42;
	[tilespmem:s31+$0xA0] =	vst v19;
	v19 =	vld [tilespmem:s31+$0x30]  }
0xfb: {  	v55 =	vld [tilespmem:s31+$0xB0];
	[tilespmem:s31+$0x20] =	vst v32;
	v32 =	vmul.f32 v54, v18  }
0xfc: {  	v56 =	vld [tilespmem:s31+$0x130];
	[tilespmem:s31+$0x320] =	vst v31;
	v28 =	vmul.f32 v61, v39  }
0xfd: {  	v50 =	vld [tilespmem:s31+$0x1A0];
	v30 =	vmul.f32 v52, v39;
	[tilespmem:s31+$0x3A0] =	vst v32  }
0xfe: {  	v58 =	vld [tilespmem:s31+$0x230];
	[tilespmem:s31+$0x280] =	vst v28;
	v28 =	vmul.f32 v44, v36  }
0xff: {  	v61 =	vld [tilespmem:s31+$0x3B0];
	[tilespmem:s31+$0x2A0] =	vst v30;
	v19 =	vmul.f32 v19, v24  }
0x100: {  	v60 =	vld [tilespmem:s31+$0x330];
	v20 =	vmul.f32 v55, v22;
	[tilespmem:s31+$0x210] =	vst v28  }
0x101: {  	[tilespmem:s31+$0x30] =	vst v19;
	v19 =	vmul.f32 v56, v26  }
0x102: {  	p0 =	seq.s32 s30, $0x100;
	v28 =	vmul.f32 v50, v21;
	[tilespmem:s31+$0xB0] =	vst v20  }
.Ltmp2:
0x103: {  	[tilespmem:s31+$0x130] =	vst v19;
	v19 =	vmul.f32 v58, v36;
	(pc) =	sbr.rel @!p0 .LBB2_7-.Ltmp2, $4  }
0x104: {  	v18 =	vmul.f32 v61, v18;
	[tilespmem:s31+$0x1A0] =	vst v28  }
0x105: {  	[tilespmem:s31+$0x230] =	vst v19;
	v19 =	vmul.f32 v60, v42  }
0x106: {  	[tilespmem:s31+$0x3B0] =	vst v18  }
0x107: {  	s30 =	sadd.s32 $0x40, s30;
	[tilespmem:s31+$0x330] =	vst v19;
	s31 =	sadd.s32 $0x800, s31  }
0x108: {  	v17 =	vld [tilespmem:s29+$0x5000];
	_ =	sdelay $0x4  }
0x109: {  	v17 =	vshra.s32 v17, $0xE  }
0x10a: {  	[tilespmem:$0xD900] =	vst v17  }
0x10b: {  	v17 =	vld [tilespmem:s29+$0x5010];
	_ =	sdelay $0x4  }
0x10c: {  	v17 =	vshra.s32 v17, $0xE  }
0x10d: {  	[tilespmem:$0xD910] =	vst v17  }
0x10e: {  	v17 =	vld [tilespmem:s29+$0x5020];
	_ =	sdelay $0x4  }
0x10f: {  	v17 =	vshra.s32 v17, $0xE  }
0x110: {  	[tilespmem:$0xD920] =	vst v17  }
0x111: {  	v17 =	vld [tilespmem:s29+$0x5030];
	_ =	sdelay $0x4  }
0x112: {  	v17 =	vshra.s32 v17, $0xE  }
0x113: {  	[tilespmem:$0xD930] =	vst v17  }
0x114: {  	v17 =	vld [tilespmem:s29+$0x5040];
	_ =	sdelay $0x3  }
0x115: {  	s28 =	sadd.s32 $0x1, s28  }
0x116: {  	p0 =	seq.s32 s28, $0x44;
	v17 =	vshra.s32 v17, $0xE  }
.Ltmp3:
0x117: {  	[tilespmem:$0xD940] =	vst v17;
	(pc) =	sbr.rel @!p0 .LBB2_4-.Ltmp3, $4  }
0x118: {  	[spmem:s3] =	stream.indirect.scatter.add.f32 [tilespmem:s19], [sflag:$0x3], $0x80, s21, s16, $0xb8;
	[tilespmem:$0x17980] =	vst v63  }
0x119: {  	_ =	swait.ge [sflag:s14], $0x2800  }
0x11a: {  	[sflag:s14] =	ssyncset.done $0x0  }
0x11b: {  	s25 =	sadd.s32 $0x100, s25;
	s26 =	sadd.s32 $0x100, s26;
	[sflag:s14] =	ssyncadd.s32 $0xFFFFD800  }
0x11c: {  	s23 =	sadd.s32 $0x1, s23  }
0x11d: {  	s2 =	sshll.u32 s0, $0x6;
	[bflag:$0x0] =	sbarrier.arrive $0xFFFF;
	p0 =	sne.s32 s23, s9  }
.Ltmp4:
0x11e: {  	s13 =	sshrl.u32 s8, $0x3;
	s2 =	sor.u32 $0x1C03, s2;
	(pc) =	sbr.rel @p0 .LBB2_1-.Ltmp4, $4  }
0x11f: {  	[hbm:s7], [sflag:s2] =	dma.local [spmem:s13], $0x1400  }
0x120: {  	_ =	swait.ge [sflag:s14], $0x1400  }
0x121: {  	[sflag:s14] =	ssyncset.done $0x0  }
0x122: {  	[sflag:s14] =	ssyncadd.s32 $0xFFFFEC00  }
0x123: {  	_ =	sfence.sel $0x180000  }
0x124: {  	[bflag:$0x0] =	sbarrier.arrive $0xFFFF  }
0x125: {  	_ =	strace $0x9000004D  }
0x126: {  	[bflag:$0x2] =	sbarrier.arrive $0xFFFF  }
0x127: {  	p0 =	sne.s32 s0, $0x0;
	s0 =	rddreg [dreg:$0x3]  }
0x128: {  	s0 =	sadd.s32 @!p0 $0x100000, s0  }
0x129: {  	[sflag:s0] =	ssyncadd.tile.s32 @!p0 $0x1;
	_ =	shalt  }
.Lfunc_end2:
_tile_overlayer_lowered:
.L_overlay_start_2:
0x12a: {  	(tag) =	ssettag $0x2  }
0x12b: {  	s0 =	rddreg [dreg:$0x0];
	s2 =	stileid.u32  }
0x12c: {  	s1 =	rddreg [dreg:$0x1];
	p0 =	sne.s32 s2, $0x0  }
0x12d: {  	s3 =	rddreg [dreg:$0x2];
	[bflag:$0x3] =	sbarrier.arrive $0xFFFF;
	s2 =	simm.s32 @!p0 $0x1C03  }
0x12e: {  	[timem:s3], [sflag:s2] =	dma.local @!p0 [hbm:s0], s1  }
0x12f: {  	s0 =	simm.s32 @!p0 $0x3  }
0x130: {  	_ =	swait.ge @!p0 [sflag:s0], s1  }
0x131: {  	s1 =	ssub.s32 @!p0 $0x0, s1;
	[sflag:s0] =	ssyncset.done @!p0 $0x0  }
0x132: {  	[sflag:s0] =	ssyncadd.s32 @!p0 s1  }
0x133: {  	[bflag:$0x3] =	sbarrier.arrive $0xFFFF  }
0x134: {  	_ =	shalt  }

// kernel: kernel.10.cloned.1.call-start
scs
__scs_entry_jumppad:
0x0: {  	(pc) =	sbr.rel $0x88, $3  }
0x1: {  	(tag) =	ssettag $0x0;
	lr =	simm.s32 $0x1  }
0x2: {  	[smem:$0x3F9A] =	sst lr;
	_ =	strace $0xD0000000  }
0x3: {  	_ = 	snop  }
0x4: {  	_ = 	snop  }
0x5: {  	_ = 	snop  }
0x6: {  	_ = 	snop  }
0x7: {  	_ = 	snop  }
__scs_overlays_trampoline_lowered:
0x8: {  	[smem:$0x3FA9] =	sst s0  }
0x9: {  	[smem:$0x3FAA] =	sst s1  }
0xa: {  	[smem:$0x3FAB] =	sst s2  }
0xb: {  	[smem:$0x3FAC] =	sst s3  }
0xc: {  	[smem:$0x3FAD] =	sst s4  }
0xd: {  	[smem:$0x3FAE] =	sst s5  }
0xe: {  	[smem:$0x3FAF] =	sst s6  }
0xf: {  	[smem:$0x3FB0] =	sst s7  }
0x10: {  	[smem:$0x3FB1] =	sst s8  }
0x11: {  	[smem:$0x3FB2] =	sst s9;
	s0 =	simm.s32 @!p0 $0x0  }
0x12: {  	s1 =	sld [smem:$0x3F98];
	s0 =	simm.s32 @p0 $0x1  }
0x13: {  	[smem:$0x3FB3] =	sst s0;
	s0 =	simm.s32 @!p1 $0x0  }
0x14: {  	s2 =	sld [smem:$0x3F97];
	s0 =	simm.s32 @p1 $0x1  }
0x15: {  	[smem:$0x3FB4] =	sst s0;
	s0 =	simm.s32 @!p2 $0x0  }
0x16: {  	s3 =	sld [smem:$0x3FDB];
	s0 =	simm.s32 @p2 $0x1  }
0x17: {  	s4 =	simm.s32 $0x1BF5;
	[smem:$0x3FB6] =	sst s0  }
0x18: {  	s0 =	sld [smem:$0x3F99];
	_ =	swait.ge [sflag:s4], $0x0  }
0x19: {  	s7 =	sld [smem:$0x3F9A]  }
0x1a: {  	s8 =	sadd.s32 $0xFFFFE003, lr  }
0x1b: {  	s9 =	sadd.s32 $0xFFFFFEF7, lr;
	s5 =	simm.s32 $0xFFFFFFFF;
	p2 =	slt.u32 s8, $0xFFFFF086  }
0x1c: {  	p1 =	slt.u32 s9, $0xF7A;
	s5 =	simm.s32 @!p2 $0x0  }
0x1d: {  	s5 =	simm.s32 @p1 $0x1;
	p0 =	seq.s32 s7, s2  }
0x1e: {  	s7 =	smul.u32 @!p0 $0xF7A, s2;
	p2 =	seq.s32 @!p0 s5, $0x0  }
0x1f: {  	s9 =	smul.u32 $0xF7A, s1;
	s8 =	simm.s32 @!p0 $0x1BF5;
	p2 =	por !p2, p0  }
0x20: {  	[sflag:s8] =	ssyncset.s32 @!p0 $0xFFFFF086;
	s6 =	sadd.s32 @!p0 s3, s7;
	s7 =	simm.s32 @!p0 $0x108  }
0x21: {  	s3 =	sadd.s32 s3, s9;
	s6 =	sadd.s32 @!p0 $0x88, s6;
	s7 =	simm.s32 @p2 $0x1082  }
0x22: {  	[simem:s7], [sflag:s8] =	dma.local @!p0 [hbm:s6], $0xF7A  }
0x23: {  	s9 =	sor.u32 $0xD0000000, s2;
	s6 =	simm.s32 $0x108;
	_ =	swait.ge @!p0 [sflag:s8], $0x0  }
0x24: {  	s3 =	sadd.s32 $0x88, s3;
	s6 =	simm.s32 @!p1 $0x1082;
	[sflag:s4] =	ssyncset.s32 $0xFFFFF086  }
0x25: {  	[simem:s6], [sflag:s4] =	dma.local [hbm:s3], $0xF7A  }
0x26: {  	[smem:$0x3F9A] =	sst s1;
	(tag) =	ssettag s2;
	_ =	strace s9  }
0x27: {  	s1 =	sld [smem:$0x3FAA]  }
0x28: {  	s2 =	sld [smem:$0x3FAB]  }
0x29: {  	s4 =	sld [smem:$0x3FAD]  }
0x2a: {  	p0 =	seq.s32 s5, $0x0;
	s5 =	sld [smem:$0x3FAE]  }
0x2b: {  	s6 =	sld [smem:$0x3FAF]  }
0x2c: {  	s7 =	sld [smem:$0x3FB0]  }
0x2d: {  	s3 =	simm.s32 $0x108;
	s8 =	sld [smem:$0x3FB1]  }
0x2e: {  	s3 =	simm.s32 @!p0 $0x1082;
	s9 =	sld [smem:$0x3FB2]  }
0x2f: {  	lr =	sadd.s32 s0, s3;
	s0 =	sld [smem:$0x3FA9]  }
0x30: {  	s3 =	sld [smem:$0x3FAC]  }
0x31: {  	[smem:$0x3FB5] =	sst s10  }
0x32: {  	s10 =	sld [smem:$0x3FB3];
	_ =	sdelay $0x3  }
0x33: {  	p0 =	seq.s32 s10, $0x1;
	s10 =	sld [smem:$0x3FB5];
	_ =	sdelay $0x3  }
0x34: {  	[smem:$0x3FB5] =	sst s10  }
0x35: {  	s10 =	sld [smem:$0x3FB4];
	_ =	sdelay $0x3  }
0x36: {  	p1 =	seq.s32 s10, $0x1;
	s10 =	sld [smem:$0x3FB5];
	_ =	sdelay $0x3  }
0x37: {  	[smem:$0x3FB5] =	sst s10  }
0x38: {  	s10 =	sld [smem:$0x3FB6]  }
0x39: {  	_ = 	snop;
	(pc) =	sbr.ind lr, $3  }
0x3a: {  	_ = 	snop  }
0x3b: {  	_ = 	snop  }
0x3c: {  	p2 =	seq.s32 s10, $0x1;
	s10 =	sld [smem:$0x3FB5]  }
0x3d: {  	_ =	shalt  }
0x3e: {  	_ =	shalt  }
0x3f: {  	_ =	shalt  }
0x40: {  	_ =	shalt  }
0x41: {  	_ =	shalt  }
0x42: {  	_ =	shalt  }
0x43: {  	_ =	shalt  }
0x44: {  	_ =	shalt  }
0x45: {  	_ =	shalt  }
0x46: {  	_ =	shalt  }
0x47: {  	_ =	shalt  }
0x48: {  	_ =	shalt  }
0x49: {  	_ =	shalt  }
0x4a: {  	_ =	shalt  }
0x4b: {  	_ =	shalt  }
0x4c: {  	_ =	shalt  }
0x4d: {  	_ =	shalt  }
0x4e: {  	_ =	shalt  }
0x4f: {  	_ =	shalt  }
0x50: {  	_ =	shalt  }
0x51: {  	_ =	shalt  }
0x52: {  	_ =	shalt  }
0x53: {  	_ =	shalt  }
0x54: {  	_ =	shalt  }
0x55: {  	_ =	shalt  }
0x56: {  	_ =	shalt  }
0x57: {  	_ =	shalt  }
0x58: {  	_ =	shalt  }
0x59: {  	_ =	shalt  }
0x5a: {  	_ =	shalt  }
0x5b: {  	_ =	shalt  }
0x5c: {  	_ =	shalt  }
0x5d: {  	_ =	shalt  }
0x5e: {  	_ =	shalt  }
0x5f: {  	_ =	shalt  }
0x60: {  	_ =	shalt  }
0x61: {  	_ =	shalt  }
0x62: {  	_ =	shalt  }
0x63: {  	_ =	shalt  }
0x64: {  	_ =	shalt  }
0x65: {  	_ =	shalt  }
0x66: {  	_ =	shalt  }
0x67: {  	_ =	shalt  }
0x68: {  	_ =	shalt  }
0x69: {  	_ =	shalt  }
0x6a: {  	_ =	shalt  }
0x6b: {  	_ =	shalt  }
0x6c: {  	_ =	shalt  }
0x6d: {  	_ =	shalt  }
0x6e: {  	_ =	shalt  }
0x6f: {  	_ =	shalt  }
0x70: {  	_ =	shalt  }
0x71: {  	_ =	shalt  }
0x72: {  	_ =	shalt  }
0x73: {  	_ =	shalt  }
0x74: {  	_ =	shalt  }
0x75: {  	_ =	shalt  }
0x76: {  	_ =	shalt  }
0x77: {  	_ =	shalt  }
0x78: {  	_ =	shalt  }
0x79: {  	_ =	shalt  }
0x7a: {  	_ =	shalt  }
0x7b: {  	_ =	shalt  }
0x7c: {  	_ =	shalt  }
0x7d: {  	_ =	shalt  }
0x7e: {  	_ =	shalt  }
0x7f: {  	_ =	shalt  }
0x80: {  	_ =	shalt  }
0x81: {  	_ =	shalt  }
0x82: {  	_ =	shalt  }
0x83: {  	_ =	shalt  }
0x84: {  	_ =	shalt  }
0x85: {  	_ =	shalt  }
0x86: {  	_ =	shalt  }
0x87: {  	_ =	shalt  }
.Lfunc_end0:
.L_simem_size_0:
called_computation.2_lowered:
.L_overlay_start_0:
0x88: {  	s2 =	sld [smem:$0x3FD9]  }
0x89: {  	s3 =	sld [smem:$0x3FFE];
	_ =	sdelay $0x1  }
0x8a: {  	s1 =	srdreg.scid  }
0x8b: {  	s0 =	sand.u32 $0x1, s1  }
0x8c: {  	s17 =	sshll.u32 s0, $0xA;
	s2 =	sadd.s32 s3, s2  }
0x8d: {  	s2 =	sadd.s32 s2, s17  }
0x8e: {  	[smem:$0x3FC1] =	sst s2  }
0x8f: {  	_ = 	snop  }
0x90: {  	s18 =	sld [smem:$0x3FC9]  }
0x91: {  	s4 =	sld [smem:$0x3FD0];
	(tm) =	ssettm $0x1  }
0x92: {  	s19 =	sld [smem:$0x3FFB];
	_ =	sdelay $0x3  }
0x93: {  	_ =	strace s19  }
0x94: {  	s2 =	sld [smem:$0x3FFC];
	_ =	sdelay $0x3  }
0x95: {  	_ =	strace s2  }
0x96: {  	s2 =	sld [smem:$0x3FFD];
	_ =	sdelay $0x3  }
0x97: {  	_ =	strace s2  }
0x98: {  	_ =	strace $0x8FFFFFFF  }
0x99: {  	s20 =	sld [smem:$0x3FDB];
	_ =	sdelay $0x1  }
0x9a: {  	s5 =	simm.s32 $_scs_section_size  }
0x9b: {  	s6 =	simm.s32 $_size__tile_overlayer_lowered;
	s7 =	simm.s32 $_tile_overlayer_lowered  }
0x9c: {  	s8 =	simm.s32 $0x1BFF;
	s21 =	sshll.u32 s7, $0x1;
	s5 =	sadd.s32 s5, s20  }
0x9d: {  	s22 =	simm.s32 $0x0;
	s6 =	sshll.u32 s6, $0x1;
	s7 =	sadd.s32 s21, s5  }
0x9e: {  	[timem:s22], [sflag:s8] =	dma.local [hbm:s7], s6  }
0x9f: {  	_ =	swait.ge [sflag:s8], s6  }
0xa0: {  	s6 =	ssub.s32 $0x0, s6;
	[sflag:s8] =	ssyncset.done $0x0  }
0xa1: {  	[sflag:s8] =	ssyncadd.s32 s6;
	_ =	sdelay $0x1  }
0xa2: {  	s23 =	simm.s32 $0x1B8B  }
0xa3: {  	_ =	swait.ge [sflag:s23], $0x1  }
0xa4: {  	[sflag:s23] =	ssyncset.done $0x0  }
0xa5: {  	[sflag:s23] =	ssyncadd.s32 $0xFFFFFFFF  }
0xa6: {  	s6 =	sld [smem:$0x0]  }
0xa7: {  	s7 =	sand.u32 $0xFFFFFFFE, s1  }
0xa8: {  	p0 =	sne.s32 s1, s7  }
0xa9: {  	s7 =	sshll.u32 @p0 s7, $0xE  }
0xaa: {  	s7 =	sadd.s32 @p0 $0x11B8D, s7;
	s8 =	sshll.u32 @p0 s6, $0x11  }
0xab: {  	s7 =	sor.u32 @p0 s8, s7  }
0xac: {  	[sflag:s7] =	ssyncadd.remote.s32 @p0 $0x1;
	_ =	sdelay $0x1  }
0xad: {  	s7 =	simm.s32 @p0 $0x1B8D  }
0xae: {  	_ =	swait.eq @p0 [sflag:s7], $0x1  }
0xaf: {  	[sflag:s7] =	ssyncadd.s32 @p0 $0xFFFFFFFF  }
0xb0: {  	s8 =	sshll.u32 @!p0 s1, $0xE  }
0xb1: {  	s8 =	sor.u32 @!p0 $0x4000, s8;
	s7 =	simm.s32 @!p0 $0x1B8D  }
0xb2: {  	s6 =	sshll.u32 @!p0 s6, $0x11;
	s8 =	sadd.s32 @!p0 $0x11B8D, s8;
	_ =	swait.eq @!p0 [sflag:s7], $0x1  }
0xb3: {  	s6 =	sor.u32 @!p0 s6, s8;
	[sflag:s7] =	ssyncadd.s32 @!p0 $0xFFFFFFFF  }
0xb4: {  	s25 =	simm.s32 $0x1B8E;
	s24 =	sld [smem:$0x3FFE];
	[sflag:s6] =	ssyncadd.remote.s32 @!p0 $0x1  }
0xb5: {  	s26 =	simm.s32 $execute0_lowered;
	[smem:$0x3FD2] =	sst s25  }
0xb6: {  	s7 =	sshll.u32 s26, $0x1;
	_ =	strace $0x80000049;
	[dreg:$0x1] =	wrdreg $0xFFFFFFFF  }
0xb7: {  	s28 =	simm.s32 $_size_execute0_lowered;
	s5 =	sadd.s32 s5, s7;
	[dreg:$0x0] =	wrdreg $0x0  }
0xb8: {  	s7 =	sshll.u32 s28, $0x1;
	[dreg:$0x2] =	wrdreg s5  }
0xb9: {  	[dreg:$0x3] =	wrdreg s7  }
0xba: {  	[dreg:$0x4] =	wrdreg $0xC0  }
0xbb: {  	_ =	task [dreg:s22], $0x5FFFF  }
0xbc: {  	[dreg:$0x1] =	wrdreg $0xFFFFFFFF  }
0xbd: {  	[dreg:$0x0] =	wrdreg $0x60  }
0xbe: {  	[dreg:$0x2] =	wrdreg s18  }
0xbf: {  	[dreg:$0x3] =	wrdreg s4  }
0xc0: {  	[dreg:$0x4] =	wrdreg s24  }
0xc1: {  	[dreg:$0x5] =	wrdreg $0xD9800  }
0xc2: {  	[dreg:$0x6] =	wrdreg $0xA  }
0xc3: {  	_ =	task.clear_ibuf [dreg:s22], $0x7FFFF;
	_ =	strace $0x90000049  }
0xc4: {  	s29 =	simm.s32 $0xA;
	_ =	strace $0x8000004B  }
0xc5: {  	_ =	swait.ge [sflag:s29], $0x1  }
0xc6: {  	[sflag:s29] =	ssyncadd.s32 $0xFFFFFFFF  }
0xc7: {  	_ =	strace $0x9000004B  }
0xc8: {  	_ =	sfence  }
0xc9: {  	s30 =	sld [smem:$0x0];
	_ =	sdelay $0x2  }
0xca: {  	s31 =	sshll.u32 s1, $0xD;
	s1 =	sshrl.u32 s1, $0x2  }
0xcb: {  	s4 =	sand.u32 $0x4000, s31;
	s1 =	sadd.s32 s1, s30  }
0xcc: {  	s0 =	sor.u32 s4, s0;
	s1 =	sshll.u32 s1, $0x11  }
0xcd: {  	s0 =	sor.u32 s1, s0  }
0xce: {  	s0 =	sadd.s32 $0x8F2B, s0  }
0xcf: {  	[sflag:s0] =	ssyncadd.remote.s32 $0x1  }
0xd0: {  	_ =	sfence.sel $0xFFFF  }
0xd1: {  	[dreg:$0x0] =	wrdreg $0xFFFFFFFF;
	(pc) =	sbr.abs _section_cstart, $3  }
0xd2: {  	[dreg:$0x1] =	wrdreg $0xFFFFFFFF  }
0xd3: {  	_ =	task.clear_ibuf [dreg:s22], $0x2FFFF;
	_ =	strace $0x9FFFFFFF  }
0xd4: {  	(tm) =	ssettm $0x7FFFFFFF  }
0xd5: {  	_ =	shalt  }
tec
execute0_lowered:
.L_overlay_start_1:
0x0: {  	(tag) =	ssettag $0x1  }
0x1: {  	s1 =	rddreg [dreg:$0x0]  }
0x2: {  	s2 =	rddreg [dreg:$0x1]  }
0x3: {  	s0 =	srdreg.scid;
	s7 =	rddreg [dreg:$0x2]  }
0x4: {  	s3 =	rddreg [dreg:$0x3];
	s4 =	simm.s32 $0x0;
	s14 =	simm.s32 $0x3  }
0x5: {  	s15 =	simm.s32 $0x9400;
	s16 =	simm.s32 $0x50;
	s5 =	sand.u32 $0x1, s0  }
0x6: {  	s17 =	simm.s32 $0xD800;
	s0 =	stileid.u32;
	s6 =	smul.u32 $0x44000, s5  }
0x7: {  	s18 =	simm.s32 $0xD880;
	s19 =	simm.s32 $0x2800;
	s8 =	smul.u32 $0x4400, s0  }
0x8: {  	s20 =	simm.s32 $0x1;
	s21 =	simm.s32 $0xD900;
	s9 =	smul.u32 $0xA0000, s5  }
0x9: {  	s22 =	simm.s32 $0x2;
	s23 =	simm.s32 $0x0;
	s10 =	smul.u32 $0xA000, s0  }
0xa: {  	[smem:$0x7FF] =	sst s4;
	s5 =	ssub.s32 $0x2, s5;
	s28 =	smul.u32 $0x28000, s0  }
0xb: {  	v0 =	vimm.f32 $0.0e+00;
	v1 =	vimm.s32 $0x0;
	_ =	strace $0x8000004A;
	s30 =	sshrl.u32 s5, $0x1;
	s6 =	sadd.s32 s8, s6  }
0xc: {  	v2 =	vimm.s32 $0x1;
	v3 =	vimm.s32 $0x2;
	v4 =	vimm.s32 $0x3;
	s26 =	sadd.s32 s10, s9;
	s11 =	ssub.s32 s5, s30;
	s31 =	sshrl.u32 s28, $0x2  }
0xd: {  	v5 =	vimm.s32 $0x4;
	v6 =	vimm.s32 $0x5;
	v7 =	vimm.s32 $0x6;
	s6 =	sshrl.u32 s6, $0x3;
	s8 =	sshrl.u32 s26, $0x3;
	s9 =	smax.u32 s11, $0x1  }
0xe: {  	v8 =	vimm.s32 $0x7;
	v9 =	vimm.s32 $0x8;
	v10 =	vimm.s32 $0x9;
	s29 =	sadd.s32 s6, s7;
	s7 =	sadd.s32 s8, s7;
	s5 =	sadd.s32 s2, s6  }
0xf: {  	v11 =	vimm.s32 $0xA;
	v12 =	vimm.s32 $0xB;
	v13 =	vimm.s32 $0xC;
	s8 =	sadd.s32 s31, s3;
	s6 =	sadd.s32 $0x30E00, s29;
	s7 =	sadd.s32 $0x41E00, s7  }
0x10: {  	v14 =	vimm.s32 $0xD;
	v15 =	vimm.s32 $0xE;
	v16 =	vimm.s32 $0xF;
	s10 =	sadd.s32 $0x2800, s8;
	s11 =	sadd.s32 $0x5000, s8;
	s12 =	sadd.s32 $0x7800, s8  }
.LBB2_1:
0x11: {  	s2 =	simm.s32 $0x5000  }
0x12: {  	[tilespmem:s2], [sflag:$0x3] =	stream.linear.gather [hbm4b:s5+s4], $0x4400, $0x38;
	[tilespmem:$0x17980] =	vst v63  }
0x13: {  	_ =	swait.ge [sflag:s14], $0x4400  }
0x14: {  	[sflag:s14] =	ssyncset.done $0x0  }
0x15: {  	[sflag:s14] =	ssyncadd.s32 $0xFFFFBC00  }
0x16: {  	[tilespmem:s15], [sflag:$0x3] =	stream.linear.gather [hbm4b:s6+s4], $0x4400, $0x38;
	[tilespmem:$0x17980] =	vst v63  }
0x17: {  	_ =	swait.ge [sflag:s14], $0x4400  }
0x18: {  	[sflag:s14] =	ssyncset.done $0x0  }
0x19: {  	s24 =	simm.s32 $0x200;
	s2 =	simm.s32 $0x0;
	[sflag:s14] =	ssyncadd.s32 $0xFFFFBC00  }
.LBB2_2:
0x1a: {  	p0 =	sne.s32 s24, $0x9E00;
	[tilespmem:s2+$0x70] =	vst v0  }
0x1b: {  	[tilespmem:s2+$0x0] =	vst v0  }
0x1c: {  	[tilespmem:s2+$0x10] =	vst v0  }
.Ltmp0:
0x1d: {  	[tilespmem:s2+$0x20] =	vst v0;
	(pc) =	sbr.rel @p0 .LBB2_2-.Ltmp0, $4  }
0x1e: {  	[tilespmem:s2+$0x30] =	vst v0  }
0x1f: {  	[tilespmem:s2+$0x40] =	vst v0  }
0x20: {  	[tilespmem:s2+$0x50] =	vst v0  }
0x21: {  	[tilespmem:s2+$0x60] =	vst v0;
	s2 =	sshra.s32 s24, $0x2;
	s24 =	sadd.s32 $0x200, s24  }
0x22: {  	[tilespmem:s2+$0x70] =	vst v0  }
0x23: {  	[tilespmem:s2+$0x0] =	vst v0  }
0x24: {  	[tilespmem:s2+$0x10] =	vst v0  }
0x25: {  	[tilespmem:s2+$0x20] =	vst v0  }
0x26: {  	[tilespmem:s2+$0x30] =	vst v0  }
0x27: {  	[tilespmem:s2+$0x40] =	vst v0  }
0x28: {  	[tilespmem:s2+$0x50] =	vst v0  }
0x29: {  	[tilespmem:s2+$0x60] =	vst v0;
	s24 =	simm.s32 $0x0  }
0x2a: {  	[spmem:s8] =	stream.linear.scatter [tilespmem:s24], [sflag:$0x3], $0x2800, $0x38;
	[tilespmem:$0x17980] =	vst v63  }
0x2b: {  	_ =	swait.ge [sflag:s14], $0x2800  }
0x2c: {  	[sflag:s14] =	ssyncset.done $0x0  }
0x2d: {  	[sflag:s14] =	ssyncadd.s32 $0xFFFFD800  }
0x2e: {  	[spmem:s10] =	stream.linear.scatter [tilespmem:s24], [sflag:$0x3], $0x2800, $0x38;
	[tilespmem:$0x17980] =	vst v63  }
0x2f: {  	_ =	swait.ge [sflag:s14], $0x2800  }
0x30: {  	[sflag:s14] =	ssyncset.done $0x0  }
0x31: {  	[sflag:s14] =	ssyncadd.s32 $0xFFFFD800  }
0x32: {  	[spmem:s11] =	stream.linear.scatter [tilespmem:s24], [sflag:$0x3], $0x2800, $0x38;
	[tilespmem:$0x17980] =	vst v63  }
0x33: {  	_ =	swait.ge [sflag:s14], $0x2800  }
0x34: {  	[sflag:s14] =	ssyncset.done $0x0  }
0x35: {  	[sflag:s14] =	ssyncadd.s32 $0xFFFFD800  }
0x36: {  	[spmem:s12] =	stream.linear.scatter [tilespmem:s24], [sflag:$0x3], $0x2800, $0x38;
	[tilespmem:$0x17980] =	vst v63  }
0x37: {  	_ =	swait.ge [sflag:s14], $0x2800  }
0x38: {  	[sflag:s14] =	ssyncset.done $0x0  }
0x39: {  	s25 =	simm.s32 $0x9400;
	[sflag:s14] =	ssyncadd.s32 $0xFFFFD800  }
0x3a: {  	s26 =	simm.s32 $0x9480;
	s28 =	simm.s32 $0x0;
	[bflag:$0x0] =	sbarrier.arrive $0xFFFF  }
.LBB2_4:
0x3b: {  	s2 =	sshll.u32 s28, $0x8  }
0x3c: {  	s30 =	sand.u32 $0x3FFFFF00, s2  }
0x3d: {  	v17 =	vld [tilespmem:s30+$0x5000];
	_ =	sdelay $0x4  }
0x3e: {  	v17 =	vand.u32 $0x3FFF, v17  }
0x3f: {  	[tilespmem:$0xD800] =	vst v17  }
0x40: {  	v17 =	vld [tilespmem:s30+$0x5010];
	_ =	sdelay $0x4  }
0x41: {  	v17 =	vand.u32 $0x3FFF, v17  }
0x42: {  	[tilespmem:$0xD810] =	vst v17  }
0x43: {  	v17 =	vld [tilespmem:s30+$0x5020];
	_ =	sdelay $0x4  }
0x44: {  	v17 =	vand.u32 $0x3FFF, v17  }
0x45: {  	[tilespmem:$0xD820] =	vst v17  }
0x46: {  	v17 =	vld [tilespmem:s30+$0x5030];
	_ =	sdelay $0x4  }
0x47: {  	v17 =	vand.u32 $0x3FFF, v17  }
0x48: {  	[tilespmem:$0xD830] =	vst v17  }
0x49: {  	v17 =	vld [tilespmem:s30+$0x5040];
	_ =	sdelay $0x4  }
0x4a: {  	v17 =	vand.u32 $0x3FFF, v17  }
0x4b: {  	[tilespmem:$0xD840] =	vst v17  }
0x4c: {  	v17 =	vld [tilespmem:s30+$0x5080];
	_ =	sdelay $0x4  }
0x4d: {  	v17 =	vand.u32 $0x3FFF, v17  }
0x4e: {  	[tilespmem:$0xD880] =	vst v17  }
0x4f: {  	v17 =	vld [tilespmem:s30+$0x5090];
	_ =	sdelay $0x4  }
0x50: {  	v17 =	vand.u32 $0x3FFF, v17  }
0x51: {  	[tilespmem:$0xD890] =	vst v17  }
0x52: {  	v17 =	vld [tilespmem:s30+$0x50A0];
	_ =	sdelay $0x4  }
0x53: {  	v17 =	vand.u32 $0x3FFF, v17  }
0x54: {  	[tilespmem:$0xD8A0] =	vst v17  }
0x55: {  	v17 =	vld [tilespmem:s30+$0x50B0];
	_ =	sdelay $0x4  }
0x56: {  	v17 =	vand.u32 $0x3FFF, v17  }
0x57: {  	[tilespmem:$0xD8B0] =	vst v17  }
0x58: {  	v17 =	vld [tilespmem:s30+$0x50C0];
	_ =	sdelay $0x4  }
0x59: {  	v17 =	vand.u32 $0x3FFF, v17  }
0x5a: {  	[tilespmem:$0xD8C0] =	vst v17  }
0x5b: {  	[tilespmem:s24], [sflag:$0x1] =	stream.indirect.gather [hbm4b:s1+s16], $0x80, s17, s16, $0xb8;
	[tilespmem:$0x17980] =	vst v63  }
0x5c: {  	_ = 	snop  }
0x5d: {  	v17 =	vmov s25;
	[tilespmem:s19], [sflag:$0x2] =	stream.indirect.gather [hbm4b:s1+s16], $0x80, s18, s16, $0xb8;
	[tilespmem:$0x17980] =	vst v63  }
0x5e: {  	_ =	swait.ge [sflag:s20], $0x2800  }
0x5f: {  	s31 =	simm.s32 $0x400;
	[sflag:s20] =	ssyncset.done $0x0  }
0x60: {  	s2 =	simm.s32 $0x0;
	s29 =	sor.u32 $0x80, s30;
	[sflag:s20] =	ssyncadd.s32 $0xFFFFD800  }
.LBB2_5:
0x61: {  	s13 =	sshra.s32 s2, $0x2  }
0x62: {  	v18 =	vld.idx.msk [tilespmem:v17+s13+$0x0 ss:$0x1], $0xffff;
	_ =	sdelay $0x1  }
0x63: {  	v19 =	vld [tilespmem:s31+$0xFFFFFC00]  }
0x64: {  	v20 =	vld [tilespmem:s31+$0xFFFFFC80]  }
0x65: {  	v23 =	vld [tilespmem:s31+$0xFFFFFD80]  }
0x66: {  	v21 =	vld [tilespmem:s31+$0xFFFFFD00];
	v22 =	vperm.xlane v18, v1  }
0x67: {  	v27 =	vld [tilespmem:s31+$0xFFFFFE80];
	v24 =	vperm.xlane v18, v2  }
0x68: {  	v25 =	vld [tilespmem:s31+$0xFFFFFE00];
	v28 =	vperm.xlane v18, v4;
	v19 =	vmul.f32 v19, v22  }
0x69: {  	v29 =	vld [tilespmem:s31+$0xFFFFFF00];
	v26 =	vperm.xlane v18, v3;
	v20 =	vmul.f32 v20, v24  }
0x6a: {  	v30 =	vld [tilespmem:s31+$0xFFFFFF80];
	v58 =	vperm.xlane v18, v6;
	v57 =	vmul.f32 v23, v28;
	[tilespmem:s31+$0xFFFFFC00] =	vst v19  }
0x6b: {  	v31 =	vld [tilespmem:s31+$0xFFFFFC10];
	v56 =	vperm.xlane v18, v5;
	v19 =	vmul.f32 v21, v26;
	[tilespmem:s31+$0xFFFFFC80] =	vst v20  }
0x6c: {  	v32 =	vld [tilespmem:s31+$0xFFFFFC90];
	v59 =	vperm.xlane v18, v7;
	v60 =	vmul.f32 v27, v58;
	[tilespmem:s31+$0xFFFFFD80] =	vst v57  }
0x6d: {  	v33 =	vld [tilespmem:s31+$0xFFFFFD10];
	v61 =	vperm.xlane v18, v8;
	[tilespmem:s31+$0xFFFFFD00] =	vst v19;
	v19 =	vmul.f32 v25, v56  }
0x6e: {  	v38 =	vld [tilespmem:s31+$0xFFFFFF90];
	v29 =	vmul.f32 v29, v59;
	[tilespmem:s31+$0xFFFFFE80] =	vst v60  }
0x6f: {  	v30 =	vmul.f32 v30, v61;
	[tilespmem:s31+$0xFFFFFE00] =	vst v19;
	v19 =	vld [tilespmem:s31+$0xFFFFFD90]  }
0x70: {  	v49 =	vld [tilespmem:s31+$0xFFFFFE30];
	v31 =	vmul.f32 v31, v22;
	[tilespmem:s31+$0xFFFFFF00] =	vst v29  }
0x71: {  	v62 =	vld [tilespmem:s31+$0xFFFFFE10];
	v32 =	vmul.f32 v32, v24;
	[tilespmem:s31+$0xFFFFFF80] =	vst v30  }
0x72: {  	v63 =	vld [tilespmem:s31+$0xFFFFFE90];
	v37 =	vmul.f32 v33, v26;
	[tilespmem:s31+$0xFFFFFC10] =	vst v31  }
0x73: {  	v36 =	vld [tilespmem:s31+$0xFFFFFF10];
	v33 =	vmul.f32 v38, v61;
	[tilespmem:s31+$0xFFFFFC90] =	vst v32  }
0x74: {  	v39 =	vld [tilespmem:s31+$0xFFFFFC20];
	[tilespmem:s31+$0xFFFFFD10] =	vst v37;
	v19 =	vmul.f32 v19, v28  }
0x75: {  	v40 =	vld [tilespmem:s31+$0xFFFFFCA0];
	v54 =	vmul.f32 v49, v56;
	[tilespmem:s31+$0xFFFFFF90] =	vst v33  }
0x76: {  	v20 =	vmul.f32 v62, v56;
	[tilespmem:s31+$0xFFFFFD90] =	vst v19;
	v19 =	vld [tilespmem:s31+$0xFFFFFD20]  }
0x77: {  	v44 =	vld [tilespmem:s31+$0xFFFFFF20];
	v29 =	vmul.f32 v63, v58;
	[tilespmem:s31+$0xFFFFFE30] =	vst v54  }
0x78: {  	v46 =	vld [tilespmem:s31+$0xFFFFFC30];
	v30 =	vmul.f32 v36, v59;
	[tilespmem:s31+$0xFFFFFE10] =	vst v20  }
0x79: {  	v51 =	vld [tilespmem:s31+$0xFFFFFF30];
	v32 =	vmul.f32 v39, v22;
	[tilespmem:s31+$0xFFFFFE90] =	vst v29  }
0x7a: {  	v41 =	vld [tilespmem:s31+$0xFFFFFDA0];
	v31 =	vmul.f32 v40, v24;
	[tilespmem:s31+$0xFFFFFF10] =	vst v30  }
0x7b: {  	v42 =	vld [tilespmem:s31+$0xFFFFFE20];
	[tilespmem:s31+$0xFFFFFC20] =	vst v32;
	v19 =	vmul.f32 v19, v26  }
0x7c: {  	v43 =	vld [tilespmem:s31+$0xFFFFFEA0];
	v33 =	vmul.f32 v44, v59;
	[tilespmem:s31+$0xFFFFFCA0] =	vst v31  }
0x7d: {  	v22 =	vmul.f32 v46, v22;
	[tilespmem:s31+$0xFFFFFD20] =	vst v19;
	v19 =	vld [tilespmem:s31+$0xFFFFFCB0]  }
0x7e: {  	v45 =	vld [tilespmem:s31+$0xFFFFFFA0];
	v57 =	vmul.f32 v51, v59;
	[tilespmem:s31+$0xFFFFFF20] =	vst v33  }
0x7f: {  	v48 =	vld [tilespmem:s31+$0xFFFFFDB0];
	v20 =	vmul.f32 v41, v28;
	[tilespmem:s31+$0xFFFFFC30] =	vst v22  }
0x80: {  	v47 =	vld [tilespmem:s31+$0xFFFFFD30];
	v29 =	vmul.f32 v42, v56;
	[tilespmem:s31+$0xFFFFFF30] =	vst v57  }
0x81: {  	v50 =	vld [tilespmem:s31+$0xFFFFFEB0];
	v30 =	vmul.f32 v43, v58;
	[tilespmem:s31+$0xFFFFFDA0] =	vst v20  }
0x82: {  	v59 =	vld [tilespmem:s31+$0x200];
	[tilespmem:s31+$0xFFFFFE20] =	vst v29;
	v19 =	vmul.f32 v19, v24  }
0x83: {  	v52 =	vld [tilespmem:s31+$0xFFFFFFB0];
	v32 =	vmul.f32 v45, v61;
	[tilespmem:s31+$0xFFFFFEA0] =	vst v30  }
0x84: {  	v62 =	vld [tilespmem:s31+$0x300];
	[tilespmem:s31+$0xFFFFFCB0] =	vst v19;
	v19 =	vmul.f32 v48, v28  }
0x85: {  	v55 =	vld [tilespmem:s31+$0x80];
	v36 =	vperm.xlane v18, v13;
	[tilespmem:s31+$0xFFFFFFA0] =	vst v32;
	v20 =	vmul.f32 v47, v26  }
0x86: {  	v40 =	vld [tilespmem:s31+$0x90];
	[tilespmem:s31+$0xFFFFFDB0] =	vst v19;
	v19 =	vmul.f32 v50, v58  }
0x87: {  	v42 =	vperm.xlane v18, v15;
	v41 =	vmul.f32 v59, v36;
	[tilespmem:s31+$0xFFFFFD30] =	vst v20;
	v58 =	vld [tilespmem:s31+$0x180]  }
0x88: {  	v22 =	vperm.xlane v18, v10;
	v43 =	vld [tilespmem:s31+$0x190];
	[tilespmem:s31+$0xFFFFFEB0] =	vst v19;
	v19 =	vmul.f32 v52, v61  }
0x89: {  	v45 =	vld [tilespmem:s31+$0x290];
	v29 =	vmul.f32 v62, v42;
	[tilespmem:s31+$0x200] =	vst v41  }
0x8a: {  	v21 =	vperm.xlane v18, v12;
	v57 =	vld [tilespmem:s31+$0x1B0];
	[tilespmem:s31+$0xFFFFFFB0] =	vst v19;
	v19 =	vmul.f32 v55, v22  }
0x8b: {  	v51 =	vld [tilespmem:s31+$0x220];
	v32 =	vmul.f32 v40, v22;
	[tilespmem:s31+$0x300] =	vst v29  }
0x8c: {  	v39 =	vperm.xlane v18, v14;
	v56 =	vld [tilespmem:s31+$0x100];
	[tilespmem:s31+$0x80] =	vst v19;
	v19 =	vmul.f32 v58, v21  }
0x8d: {  	v49 =	vld [tilespmem:s31+$0x120];
	[tilespmem:s31+$0x90] =	vst v32;
	v20 =	vmul.f32 v43, v21  }
0x8e: {  	v29 =	vmul.f32 v45, v39;
	[tilespmem:s31+$0x180] =	vst v19;
	v19 =	vld [tilespmem:s31+$0x110]  }
0x8f: {  	v59 =	vld [tilespmem:s31+$0x2B0];
	v62 =	vmul.f32 v57, v21;
	[tilespmem:s31+$0x190] =	vst v20;
	v26 =	vperm.xlane v18, v11  }
0x90: {  	v53 =	vld [tilespmem:s31+$0x0];
	[tilespmem:s31+$0x290] =	vst v29;
	v29 =	vmul.f32 v51, v36  }
0x91: {  	v37 =	vld [tilespmem:s31+$0x380];
	[tilespmem:s31+$0x1B0] =	vst v62;
	v63 =	vmul.f32 v56, v26  }
0x92: {  	v38 =	vld [tilespmem:s31+$0x10];
	[tilespmem:s31+$0x220] =	vst v29;
	v20 =	vmul.f32 v49, v26  }
0x93: {  	v46 =	vld [tilespmem:s31+$0x310];
	[tilespmem:s31+$0x100] =	vst v63;
	v24 =	vperm.xlane v18, v9;
	v19 =	vmul.f32 v19, v26  }
0x94: {  	v47 =	vld [tilespmem:s31+$0x390];
	[tilespmem:s31+$0x120] =	vst v20;
	v63 =	vmul.f32 v59, v39;
	v18 =	vperm.xlane v18, v16  }
0x95: {  	v60 =	vmul.f32 v53, v24;
	[tilespmem:s31+$0x110] =	vst v19;
	v19 =	vld [tilespmem:s31+$0xA0]  }
0x96: {  	[tilespmem:s31+$0x2B0] =	vst v63;
	v30 =	vmul.f32 v37, v18;
	v48 =	vld [tilespmem:s31+$0x20]  }
0x97: {  	v31 =	vmul.f32 v38, v24;
	v53 =	vld [tilespmem:s31+$0x320];
	[tilespmem:s31+$0x0] =	vst v60  }
0x98: {  	v54 =	vld [tilespmem:s31+$0x3A0];
	[tilespmem:s31+$0x380] =	vst v30;
	v30 =	vmul.f32 v46, v42  }
0x99: {  	[tilespmem:s31+$0x10] =	vst v31;
	v31 =	vmul.f32 v47, v18;
	v61 =	vld [tilespmem:s31+$0x280]  }
0x9a: {  	[tilespmem:s31+$0x310] =	vst v30;
	v52 =	vld [tilespmem:s31+$0x2A0];
	v19 =	vmul.f32 v19, v22  }
0x9b: {  	v44 =	vld [tilespmem:s31+$0x210];
	[tilespmem:s31+$0x390] =	vst v31;
	v32 =	vmul.f32 v48, v24  }
0x9c: {  	v31 =	vmul.f32 v53, v42;
	[tilespmem:s31+$0xA0] =	vst v19;
	v19 =	vld [tilespmem:s31+$0x30]  }
0x9d: {  	v55 =	vld [tilespmem:s31+$0xB0];
	[tilespmem:s31+$0x20] =	vst v32;
	v32 =	vmul.f32 v54, v18  }
0x9e: {  	v56 =	vld [tilespmem:s31+$0x130];
	[tilespmem:s31+$0x320] =	vst v31;
	v28 =	vmul.f32 v61, v39  }
0x9f: {  	v50 =	vld [tilespmem:s31+$0x1A0];
	v30 =	vmul.f32 v52, v39;
	[tilespmem:s31+$0x3A0] =	vst v32  }
0xa0: {  	v58 =	vld [tilespmem:s31+$0x230];
	[tilespmem:s31+$0x280] =	vst v28;
	v28 =	vmul.f32 v44, v36  }
0xa1: {  	v61 =	vld [tilespmem:s31+$0x3B0];
	[tilespmem:s31+$0x2A0] =	vst v30;
	v19 =	vmul.f32 v19, v24  }
0xa2: {  	v60 =	vld [tilespmem:s31+$0x330];
	v20 =	vmul.f32 v55, v22;
	[tilespmem:s31+$0x210] =	vst v28  }
0xa3: {  	[tilespmem:s31+$0x30] =	vst v19;
	v19 =	vmul.f32 v56, v26  }
0xa4: {  	p0 =	seq.s32 s2, $0x100;
	v28 =	vmul.f32 v50, v21;
	[tilespmem:s31+$0xB0] =	vst v20  }
.Ltmp1:
0xa5: {  	[tilespmem:s31+$0x130] =	vst v19;
	v19 =	vmul.f32 v58, v36;
	(pc) =	sbr.rel @!p0 .LBB2_5-.Ltmp1, $4  }
0xa6: {  	v18 =	vmul.f32 v61, v18;
	[tilespmem:s31+$0x1A0] =	vst v28  }
0xa7: {  	[tilespmem:s31+$0x230] =	vst v19;
	v19 =	vmul.f32 v60, v42  }
0xa8: {  	[tilespmem:s31+$0x3B0] =	vst v18  }
0xa9: {  	s2 =	sadd.s32 $0x40, s2;
	[tilespmem:s31+$0x330] =	vst v19;
	s31 =	sadd.s32 $0x800, s31  }
0xaa: {  	v17 =	vld [tilespmem:s30+$0x5000];
	_ =	sdelay $0x4  }
0xab: {  	v17 =	vshra.s32 v17, $0xE  }
0xac: {  	[tilespmem:$0xD900] =	vst v17  }
0xad: {  	v17 =	vld [tilespmem:s30+$0x5010];
	_ =	sdelay $0x4  }
0xae: {  	v17 =	vshra.s32 v17, $0xE  }
0xaf: {  	[tilespmem:$0xD910] =	vst v17  }
0xb0: {  	v17 =	vld [tilespmem:s30+$0x5020];
	_ =	sdelay $0x4  }
0xb1: {  	v17 =	vshra.s32 v17, $0xE  }
0xb2: {  	[tilespmem:$0xD920] =	vst v17  }
0xb3: {  	v17 =	vld [tilespmem:s30+$0x5030];
	_ =	sdelay $0x4  }
0xb4: {  	v17 =	vshra.s32 v17, $0xE  }
0xb5: {  	[tilespmem:$0xD930] =	vst v17  }
0xb6: {  	v17 =	vld [tilespmem:s30+$0x5040];
	_ =	sdelay $0x4  }
0xb7: {  	v17 =	vshra.s32 v17, $0xE  }
0xb8: {  	s30 =	simm.s32 $0x0;
	[tilespmem:$0xD940] =	vst v17  }
0xb9: {  	[spmem:s3] =	stream.indirect.scatter.add.f32 [tilespmem:s30], [sflag:$0x3], $0x80, s21, s16, $0xb8;
	[tilespmem:$0x17980] =	vst v63  }
0xba: {  	_ =	swait.ge [sflag:s14], $0x2800  }
0xbb: {  	[sflag:s14] =	ssyncset.done $0x0  }
0xbc: {  	v17 =	vmov s26;
	[sflag:s14] =	ssyncadd.s32 $0xFFFFD800  }
0xbd: {  	_ =	swait.ge [sflag:s22], $0x2800  }
0xbe: {  	[sflag:s22] =	ssyncset.done $0x0  }
0xbf: {  	s31 =	simm.s32 $0x2C00;
	[sflag:s22] =	ssyncadd.s32 $0xFFFFD800  }
.LBB2_7:
0xc0: {  	s2 =	sshra.s32 s30, $0x2  }
0xc1: {  	v18 =	vld.idx.msk [tilespmem:v17+s2+$0x0 ss:$0x1], $0xffff;
	_ =	sdelay $0x1  }
0xc2: {  	v19 =	vld [tilespmem:s31+$0xFFFFFC00]  }
0xc3: {  	v20 =	vld [tilespmem:s31+$0xFFFFFC80]  }
0xc4: {  	v23 =	vld [tilespmem:s31+$0xFFFFFD80]  }
0xc5: {  	v21 =	vld [tilespmem:s31+$0xFFFFFD00];
	v22 =	vperm.xlane v18, v1  }
0xc6: {  	v27 =	vld [tilespmem:s31+$0xFFFFFE80];
	v24 =	vperm.xlane v18, v2  }
0xc7: {  	v25 =	vld [tilespmem:s31+$0xFFFFFE00];
	v28 =	vperm.xlane v18, v4;
	v19 =	vmul.f32 v19, v22  }
0xc8: {  	v29 =	vld [tilespmem:s31+$0xFFFFFF00];
	v26 =	vperm.xlane v18, v3;
	v20 =	vmul.f32 v20, v24  }
0xc9: {  	v30 =	vld [tilespmem:s31+$0xFFFFFF80];
	v58 =	vperm.xlane v18, v6;
	v57 =	vmul.f32 v23, v28;
	[tilespmem:s31+$0xFFFFFC00] =	vst v19  }
0xca: {  	v31 =	vld [tilespmem:s31+$0xFFFFFC10];
	v56 =	vperm.xlane v18, v5;
	v19 =	vmul.f32 v21, v26;
	[tilespmem:s31+$0xFFFFFC80] =	vst v20  }
0xcb: {  	v32 =	vld [tilespmem:s31+$0xFFFFFC90];
	v59 =	vperm.xlane v18, v7;
	v60 =	vmul.f32 v27, v58;
	[tilespmem:s31+$0xFFFFFD80] =	vst v57  }
0xcc: {  	v33 =	vld [tilespmem:s31+$0xFFFFFD10];
	v61 =	vperm.xlane v18, v8;
	[tilespmem:s31+$0xFFFFFD00] =	vst v19;
	v19 =	vmul.f32 v25, v56  }
0xcd: {  	v38 =	vld [tilespmem:s31+$0xFFFFFF90];
	v29 =	vmul.f32 v29, v59;
	[tilespmem:s31+$0xFFFFFE80] =	vst v60  }
0xce: {  	v30 =	vmul.f32 v30, v61;
	[tilespmem:s31+$0xFFFFFE00] =	vst v19;
	v19 =	vld [tilespmem:s31+$0xFFFFFD90]  }
0xcf: {  	v49 =	vld [tilespmem:s31+$0xFFFFFE30];
	v31 =	vmul.f32 v31, v22;
	[tilespmem:s31+$0xFFFFFF00] =	vst v29  }
0xd0: {  	v62 =	vld [tilespmem:s31+$0xFFFFFE10];
	v32 =	vmul.f32 v32, v24;
	[tilespmem:s31+$0xFFFFFF80] =	vst v30  }
0xd1: {  	v63 =	vld [tilespmem:s31+$0xFFFFFE90];
	v37 =	vmul.f32 v33, v26;
	[tilespmem:s31+$0xFFFFFC10] =	vst v31  }
0xd2: {  	v36 =	vld [tilespmem:s31+$0xFFFFFF10];
	v33 =	vmul.f32 v38, v61;
	[tilespmem:s31+$0xFFFFFC90] =	vst v32  }
0xd3: {  	v39 =	vld [tilespmem:s31+$0xFFFFFC20];
	[tilespmem:s31+$0xFFFFFD10] =	vst v37;
	v19 =	vmul.f32 v19, v28  }
0xd4: {  	v40 =	vld [tilespmem:s31+$0xFFFFFCA0];
	v54 =	vmul.f32 v49, v56;
	[tilespmem:s31+$0xFFFFFF90] =	vst v33  }
0xd5: {  	v20 =	vmul.f32 v62, v56;
	[tilespmem:s31+$0xFFFFFD90] =	vst v19;
	v19 =	vld [tilespmem:s31+$0xFFFFFD20]  }
0xd6: {  	v44 =	vld [tilespmem:s31+$0xFFFFFF20];
	v29 =	vmul.f32 v63, v58;
	[tilespmem:s31+$0xFFFFFE30] =	vst v54  }
0xd7: {  	v46 =	vld [tilespmem:s31+$0xFFFFFC30];
	v30 =	vmul.f32 v36, v59;
	[tilespmem:s31+$0xFFFFFE10] =	vst v20  }
0xd8: {  	v51 =	vld [tilespmem:s31+$0xFFFFFF30];
	v32 =	vmul.f32 v39, v22;
	[tilespmem:s31+$0xFFFFFE90] =	vst v29  }
0xd9: {  	v41 =	vld [tilespmem:s31+$0xFFFFFDA0];
	v31 =	vmul.f32 v40, v24;
	[tilespmem:s31+$0xFFFFFF10] =	vst v30  }
0xda: {  	v42 =	vld [tilespmem:s31+$0xFFFFFE20];
	[tilespmem:s31+$0xFFFFFC20] =	vst v32;
	v19 =	vmul.f32 v19, v26  }
0xdb: {  	v43 =	vld [tilespmem:s31+$0xFFFFFEA0];
	v33 =	vmul.f32 v44, v59;
	[tilespmem:s31+$0xFFFFFCA0] =	vst v31  }
0xdc: {  	v22 =	vmul.f32 v46, v22;
	[tilespmem:s31+$0xFFFFFD20] =	vst v19;
	v19 =	vld [tilespmem:s31+$0xFFFFFCB0]  }
0xdd: {  	v45 =	vld [tilespmem:s31+$0xFFFFFFA0];
	v57 =	vmul.f32 v51, v59;
	[tilespmem:s31+$0xFFFFFF20] =	vst v33  }
0xde: {  	v48 =	vld [tilespmem:s31+$0xFFFFFDB0];
	v20 =	vmul.f32 v41, v28;
	[tilespmem:s31+$0xFFFFFC30] =	vst v22  }
0xdf: {  	v47 =	vld [tilespmem:s31+$0xFFFFFD30];
	v29 =	vmul.f32 v42, v56;
	[tilespmem:s31+$0xFFFFFF30] =	vst v57  }
0xe0: {  	v50 =	vld [tilespmem:s31+$0xFFFFFEB0];
	v30 =	vmul.f32 v43, v58;
	[tilespmem:s31+$0xFFFFFDA0] =	vst v20  }
0xe1: {  	v59 =	vld [tilespmem:s31+$0x200];
	[tilespmem:s31+$0xFFFFFE20] =	vst v29;
	v19 =	vmul.f32 v19, v24  }
0xe2: {  	v52 =	vld [tilespmem:s31+$0xFFFFFFB0];
	v32 =	vmul.f32 v45, v61;
	[tilespmem:s31+$0xFFFFFEA0] =	vst v30  }
0xe3: {  	v62 =	vld [tilespmem:s31+$0x300];
	[tilespmem:s31+$0xFFFFFCB0] =	vst v19;
	v19 =	vmul.f32 v48, v28  }
0xe4: {  	v55 =	vld [tilespmem:s31+$0x80];
	v36 =	vperm.xlane v18, v13;
	[tilespmem:s31+$0xFFFFFFA0] =	vst v32;
	v20 =	vmul.f32 v47, v26  }
0xe5: {  	v40 =	vld [tilespmem:s31+$0x90];
	[tilespmem:s31+$0xFFFFFDB0] =	vst v19;
	v19 =	vmul.f32 v50, v58  }
0xe6: {  	v42 =	vperm.xlane v18, v15;
	v41 =	vmul.f32 v59, v36;
	[tilespmem:s31+$0xFFFFFD30] =	vst v20;
	v58 =	vld [tilespmem:s31+$0x180]  }
0xe7: {  	v22 =	vperm.xlane v18, v10;
	v43 =	vld [tilespmem:s31+$0x190];
	[tilespmem:s31+$0xFFFFFEB0] =	vst v19;
	v19 =	vmul.f32 v52, v61  }
0xe8: {  	v45 =	vld [tilespmem:s31+$0x290];
	v29 =	vmul.f32 v62, v42;
	[tilespmem:s31+$0x200] =	vst v41  }
0xe9: {  	v21 =	vperm.xlane v18, v12;
	v57 =	vld [tilespmem:s31+$0x1B0];
	[tilespmem:s31+$0xFFFFFFB0] =	vst v19;
	v19 =	vmul.f32 v55, v22  }
0xea: {  	v51 =	vld [tilespmem:s31+$0x220];
	v32 =	vmul.f32 v40, v22;
	[tilespmem:s31+$0x300] =	vst v29  }
0xeb: {  	v39 =	vperm.xlane v18, v14;
	v56 =	vld [tilespmem:s31+$0x100];
	[tilespmem:s31+$0x80] =	vst v19;
	v19 =	vmul.f32 v58, v21  }
0xec: {  	v49 =	vld [tilespmem:s31+$0x120];
	[tilespmem:s31+$0x90] =	vst v32;
	v20 =	vmul.f32 v43, v21  }
0xed: {  	v29 =	vmul.f32 v45, v39;
	[tilespmem:s31+$0x180] =	vst v19;
	v19 =	vld [tilespmem:s31+$0x110]  }
0xee: {  	v59 =	vld [tilespmem:s31+$0x2B0];
	v62 =	vmul.f32 v57, v21;
	[tilespmem:s31+$0x190] =	vst v20;
	v26 =	vperm.xlane v18, v11  }
0xef: {  	v53 =	vld [tilespmem:s31+$0x0];
	[tilespmem:s31+$0x290] =	vst v29;
	v29 =	vmul.f32 v51, v36  }
0xf0: {  	v37 =	vld [tilespmem:s31+$0x380];
	[tilespmem:s31+$0x1B0] =	vst v62;
	v63 =	vmul.f32 v56, v26  }
0xf1: {  	v38 =	vld [tilespmem:s31+$0x10];
	[tilespmem:s31+$0x220] =	vst v29;
	v20 =	vmul.f32 v49, v26  }
0xf2: {  	v46 =	vld [tilespmem:s31+$0x310];
	[tilespmem:s31+$0x100] =	vst v63;
	v24 =	vperm.xlane v18, v9;
	v19 =	vmul.f32 v19, v26  }
0xf3: {  	v47 =	vld [tilespmem:s31+$0x390];
	[tilespmem:s31+$0x120] =	vst v20;
	v63 =	vmul.f32 v59, v39;
	v18 =	vperm.xlane v18, v16  }
0xf4: {  	v60 =	vmul.f32 v53, v24;
	[tilespmem:s31+$0x110] =	vst v19;
	v19 =	vld [tilespmem:s31+$0xA0]  }
0xf5: {  	[tilespmem:s31+$0x2B0] =	vst v63;
	v30 =	vmul.f32 v37, v18;
	v48 =	vld [tilespmem:s31+$0x20]  }
0xf6: {  	v31 =	vmul.f32 v38, v24;
	v53 =	vld [tilespmem:s31+$0x320];
	[tilespmem:s31+$0x0] =	vst v60  }
0xf7: {  	v54 =	vld [tilespmem:s31+$0x3A0];
	[tilespmem:s31+$0x380] =	vst v30;
	v30 =	vmul.f32 v46, v42  }
0xf8: {  	[tilespmem:s31+$0x10] =	vst v31;
	v31 =	vmul.f32 v47, v18;
	v61 =	vld [tilespmem:s31+$0x280]  }
0xf9: {  	[tilespmem:s31+$0x310] =	vst v30;
	v52 =	vld [tilespmem:s31+$0x2A0];
	v19 =	vmul.f32 v19, v22  }
0xfa: {  	v44 =	vld [tilespmem:s31+$0x210];
	[tilespmem:s31+$0x390] =	vst v31;
	v32 =	vmul.f32 v48, v24  }
0xfb: {  	v31 =	vmul.f32 v53, v42;
	[tilespmem:s31+$0xA0] =	vst v19;
	v19 =	vld [tilespmem:s31+$0x30]  }
0xfc: {  	v55 =	vld [tilespmem:s31+$0xB0];
	[tilespmem:s31+$0x20] =	vst v32;
	v32 =	vmul.f32 v54, v18  }
0xfd: {  	v56 =	vld [tilespmem:s31+$0x130];
	[tilespmem:s31+$0x320] =	vst v31;
	v28 =	vmul.f32 v61, v39  }
0xfe: {  	v50 =	vld [tilespmem:s31+$0x1A0];
	v30 =	vmul.f32 v52, v39;
	[tilespmem:s31+$0x3A0] =	vst v32  }
0xff: {  	v58 =	vld [tilespmem:s31+$0x230];
	[tilespmem:s31+$0x280] =	vst v28;
	v28 =	vmul.f32 v44, v36  }
0x100: {  	v61 =	vld [tilespmem:s31+$0x3B0];
	[tilespmem:s31+$0x2A0] =	vst v30;
	v19 =	vmul.f32 v19, v24  }
0x101: {  	v60 =	vld [tilespmem:s31+$0x330];
	v20 =	vmul.f32 v55, v22;
	[tilespmem:s31+$0x210] =	vst v28  }
0x102: {  	[tilespmem:s31+$0x30] =	vst v19;
	v19 =	vmul.f32 v56, v26  }
0x103: {  	p0 =	seq.s32 s30, $0x100;
	v28 =	vmul.f32 v50, v21;
	[tilespmem:s31+$0xB0] =	vst v20  }
.Ltmp2:
0x104: {  	[tilespmem:s31+$0x130] =	vst v19;
	v19 =	vmul.f32 v58, v36;
	(pc) =	sbr.rel @!p0 .LBB2_7-.Ltmp2, $4  }
0x105: {  	v18 =	vmul.f32 v61, v18;
	[tilespmem:s31+$0x1A0] =	vst v28  }
0x106: {  	[tilespmem:s31+$0x230] =	vst v19;
	v19 =	vmul.f32 v60, v42  }
0x107: {  	[tilespmem:s31+$0x3B0] =	vst v18  }
0x108: {  	s30 =	sadd.s32 $0x40, s30;
	[tilespmem:s31+$0x330] =	vst v19;
	s31 =	sadd.s32 $0x800, s31  }
0x109: {  	v17 =	vld [tilespmem:s29+$0x5000];
	_ =	sdelay $0x4  }
0x10a: {  	v17 =	vshra.s32 v17, $0xE  }
0x10b: {  	[tilespmem:$0xD900] =	vst v17  }
0x10c: {  	v17 =	vld [tilespmem:s29+$0x5010];
	_ =	sdelay $0x4  }
0x10d: {  	v17 =	vshra.s32 v17, $0xE  }
0x10e: {  	[tilespmem:$0xD910] =	vst v17  }
0x10f: {  	v17 =	vld [tilespmem:s29+$0x5020];
	_ =	sdelay $0x4  }
0x110: {  	v17 =	vshra.s32 v17, $0xE  }
0x111: {  	[tilespmem:$0xD920] =	vst v17  }
0x112: {  	v17 =	vld [tilespmem:s29+$0x5030];
	_ =	sdelay $0x4  }
0x113: {  	v17 =	vshra.s32 v17, $0xE  }
0x114: {  	[tilespmem:$0xD930] =	vst v17  }
0x115: {  	v17 =	vld [tilespmem:s29+$0x5040];
	_ =	sdelay $0x3  }
0x116: {  	s28 =	sadd.s32 $0x1, s28  }
0x117: {  	p0 =	seq.s32 s28, $0x44;
	v17 =	vshra.s32 v17, $0xE  }
.Ltmp3:
0x118: {  	[tilespmem:$0xD940] =	vst v17;
	(pc) =	sbr.rel @!p0 .LBB2_4-.Ltmp3, $4  }
0x119: {  	[spmem:s3] =	stream.indirect.scatter.add.f32 [tilespmem:s19], [sflag:$0x3], $0x80, s21, s16, $0xb8;
	[tilespmem:$0x17980] =	vst v63  }
0x11a: {  	_ =	swait.ge [sflag:s14], $0x2800  }
0x11b: {  	[sflag:s14] =	ssyncset.done $0x0  }
0x11c: {  	s25 =	sadd.s32 $0x100, s25;
	s26 =	sadd.s32 $0x100, s26;
	[sflag:s14] =	ssyncadd.s32 $0xFFFFD800  }
0x11d: {  	s23 =	sadd.s32 $0x1, s23  }
0x11e: {  	s2 =	sshll.u32 s0, $0x6;
	[bflag:$0x0] =	sbarrier.arrive $0xFFFF;
	p0 =	sne.s32 s23, s9  }
.Ltmp4:
0x11f: {  	s13 =	sshrl.u32 s8, $0x3;
	s2 =	sor.u32 $0x1C03, s2;
	(pc) =	sbr.rel @p0 .LBB2_1-.Ltmp4, $4  }
0x120: {  	[hbm:s7], [sflag:s2] =	dma.local [spmem:s13], $0x1400  }
0x121: {  	_ =	swait.ge [sflag:s14], $0x1400  }
0x122: {  	[sflag:s14] =	ssyncset.done $0x0  }
0x123: {  	[sflag:s14] =	ssyncadd.s32 $0xFFFFEC00  }
0x124: {  	_ =	sfence.sel $0x180000  }
0x125: {  	[bflag:$0x0] =	sbarrier.arrive $0xFFFF  }
0x126: {  	_ =	strace $0x9000004A  }
0x127: {  	[bflag:$0x2] =	sbarrier.arrive $0xFFFF  }
0x128: {  	p0 =	sne.s32 s0, $0x0;
	s0 =	rddreg [dreg:$0x4]  }
0x129: {  	s0 =	sadd.s32 @!p0 $0x100000, s0  }
0x12a: {  	[sflag:s0] =	ssyncadd.tile.s32 @!p0 $0x1;
	_ =	shalt  }
.Lfunc_end2:
_tile_overlayer_lowered:
.L_overlay_start_2:
0x12b: {  	(tag) =	ssettag $0x2  }
0x12c: {  	s0 =	rddreg [dreg:$0x0];
	s2 =	stileid.u32  }
0x12d: {  	s1 =	rddreg [dreg:$0x1];
	p0 =	sne.s32 s2, $0x0  }
0x12e: {  	s3 =	rddreg [dreg:$0x2];
	[bflag:$0x3] =	sbarrier.arrive $0xFFFF;
	s2 =	simm.s32 @!p0 $0x1C03  }
0x12f: {  	[timem:s3], [sflag:s2] =	dma.local @!p0 [hbm:s0], s1  }
0x130: {  	s0 =	simm.s32 @!p0 $0x3  }
0x131: {  	_ =	swait.ge @!p0 [sflag:s0], s1  }
0x132: {  	s1 =	ssub.s32 @!p0 $0x0, s1;
	[sflag:s0] =	ssyncset.done @!p0 $0x0  }
0x133: {  	[sflag:s0] =	ssyncadd.s32 @!p0 s1  }
0x134: {  	[bflag:$0x3] =	sbarrier.arrive $0xFFFF  }
0x135: {  	_ =	shalt  }

// kernel: kernel.7.cloned.1.call-start
scs
__scs_entry_jumppad:
0x0: {  	(pc) =	sbr.rel $0x88, $3  }
0x1: {  	(tag) =	ssettag $0x0;
	lr =	simm.s32 $0x1  }
0x2: {  	[smem:$0x3F9A] =	sst lr;
	_ =	strace $0xD0000000  }
0x3: {  	_ = 	snop  }
0x4: {  	_ = 	snop  }
0x5: {  	_ = 	snop  }
0x6: {  	_ = 	snop  }
0x7: {  	_ = 	snop  }
__scs_overlays_trampoline_lowered:
0x8: {  	[smem:$0x3FA9] =	sst s0  }
0x9: {  	[smem:$0x3FAA] =	sst s1  }
0xa: {  	[smem:$0x3FAB] =	sst s2  }
0xb: {  	[smem:$0x3FAC] =	sst s3  }
0xc: {  	[smem:$0x3FAD] =	sst s4  }
0xd: {  	[smem:$0x3FAE] =	sst s5  }
0xe: {  	[smem:$0x3FAF] =	sst s6  }
0xf: {  	[smem:$0x3FB0] =	sst s7  }
0x10: {  	[smem:$0x3FB1] =	sst s8  }
0x11: {  	[smem:$0x3FB2] =	sst s9;
	s0 =	simm.s32 @!p0 $0x0  }
0x12: {  	s1 =	sld [smem:$0x3F98];
	s0 =	simm.s32 @p0 $0x1  }
0x13: {  	[smem:$0x3FB3] =	sst s0;
	s0 =	simm.s32 @!p1 $0x0  }
0x14: {  	s2 =	sld [smem:$0x3F97];
	s0 =	simm.s32 @p1 $0x1  }
0x15: {  	[smem:$0x3FB4] =	sst s0;
	s0 =	simm.s32 @!p2 $0x0  }
0x16: {  	s3 =	sld [smem:$0x3FDB];
	s0 =	simm.s32 @p2 $0x1  }
0x17: {  	s4 =	simm.s32 $0x1BF5;
	[smem:$0x3FB6] =	sst s0  }
0x18: {  	s0 =	sld [smem:$0x3F99];
	_ =	swait.ge [sflag:s4], $0x0  }
0x19: {  	s7 =	sld [smem:$0x3F9A]  }
0x1a: {  	s8 =	sadd.s32 $0xFFFFE003, lr  }
0x1b: {  	s9 =	sadd.s32 $0xFFFFFEF7, lr;
	s5 =	simm.s32 $0xFFFFFFFF;
	p2 =	slt.u32 s8, $0xFFFFF086  }
0x1c: {  	p1 =	slt.u32 s9, $0xF7A;
	s5 =	simm.s32 @!p2 $0x0  }
0x1d: {  	s5 =	simm.s32 @p1 $0x1;
	p0 =	seq.s32 s7, s2  }
0x1e: {  	s7 =	smul.u32 @!p0 $0xF7A, s2;
	p2 =	seq.s32 @!p0 s5, $0x0  }
0x1f: {  	s9 =	smul.u32 $0xF7A, s1;
	s8 =	simm.s32 @!p0 $0x1BF5;
	p2 =	por !p2, p0  }
0x20: {  	[sflag:s8] =	ssyncset.s32 @!p0 $0xFFFFF086;
	s6 =	sadd.s32 @!p0 s3, s7;
	s7 =	simm.s32 @!p0 $0x108  }
0x21: {  	s3 =	sadd.s32 s3, s9;
	s6 =	sadd.s32 @!p0 $0x88, s6;
	s7 =	simm.s32 @p2 $0x1082  }
0x22: {  	[simem:s7], [sflag:s8] =	dma.local @!p0 [hbm:s6], $0xF7A  }
0x23: {  	s9 =	sor.u32 $0xD0000000, s2;
	s6 =	simm.s32 $0x108;
	_ =	swait.ge @!p0 [sflag:s8], $0x0  }
0x24: {  	s3 =	sadd.s32 $0x88, s3;
	s6 =	simm.s32 @!p1 $0x1082;
	[sflag:s4] =	ssyncset.s32 $0xFFFFF086  }
0x25: {  	[simem:s6], [sflag:s4] =	dma.local [hbm:s3], $0xF7A  }
0x26: {  	[smem:$0x3F9A] =	sst s1;
	(tag) =	ssettag s2;
	_ =	strace s9  }
0x27: {  	s1 =	sld [smem:$0x3FAA]  }
0x28: {  	s2 =	sld [smem:$0x3FAB]  }
0x29: {  	s4 =	sld [smem:$0x3FAD]  }
0x2a: {  	p0 =	seq.s32 s5, $0x0;
	s5 =	sld [smem:$0x3FAE]  }
0x2b: {  	s6 =	sld [smem:$0x3FAF]  }
0x2c: {  	s7 =	sld [smem:$0x3FB0]  }
0x2d: {  	s3 =	simm.s32 $0x108;
	s8 =	sld [smem:$0x3FB1]  }
0x2e: {  	s3 =	simm.s32 @!p0 $0x1082;
	s9 =	sld [smem:$0x3FB2]  }
0x2f: {  	lr =	sadd.s32 s0, s3;
	s0 =	sld [smem:$0x3FA9]  }
0x30: {  	s3 =	sld [smem:$0x3FAC]  }
0x31: {  	[smem:$0x3FB5] =	sst s10  }
0x32: {  	s10 =	sld [smem:$0x3FB3];
	_ =	sdelay $0x3  }
0x33: {  	p0 =	seq.s32 s10, $0x1;
	s10 =	sld [smem:$0x3FB5];
	_ =	sdelay $0x3  }
0x34: {  	[smem:$0x3FB5] =	sst s10  }
0x35: {  	s10 =	sld [smem:$0x3FB4];
	_ =	sdelay $0x3  }
0x36: {  	p1 =	seq.s32 s10, $0x1;
	s10 =	sld [smem:$0x3FB5];
	_ =	sdelay $0x3  }
0x37: {  	[smem:$0x3FB5] =	sst s10  }
0x38: {  	s10 =	sld [smem:$0x3FB6]  }
0x39: {  	_ = 	snop;
	(pc) =	sbr.ind lr, $3  }
0x3a: {  	_ = 	snop  }
0x3b: {  	_ = 	snop  }
0x3c: {  	p2 =	seq.s32 s10, $0x1;
	s10 =	sld [smem:$0x3FB5]  }
0x3d: {  	_ =	shalt  }
0x3e: {  	_ =	shalt  }
0x3f: {  	_ =	shalt  }
0x40: {  	_ =	shalt  }
0x41: {  	_ =	shalt  }
0x42: {  	_ =	shalt  }
0x43: {  	_ =	shalt  }
0x44: {  	_ =	shalt  }
0x45: {  	_ =	shalt  }
0x46: {  	_ =	shalt  }
0x47: {  	_ =	shalt  }
0x48: {  	_ =	shalt  }
0x49: {  	_ =	shalt  }
0x4a: {  	_ =	shalt  }
0x4b: {  	_ =	shalt  }
0x4c: {  	_ =	shalt  }
0x4d: {  	_ =	shalt  }
0x4e: {  	_ =	shalt  }
0x4f: {  	_ =	shalt  }
0x50: {  	_ =	shalt  }
0x51: {  	_ =	shalt  }
0x52: {  	_ =	shalt  }
0x53: {  	_ =	shalt  }
0x54: {  	_ =	shalt  }
0x55: {  	_ =	shalt  }
0x56: {  	_ =	shalt  }
0x57: {  	_ =	shalt  }
0x58: {  	_ =	shalt  }
0x59: {  	_ =	shalt  }
0x5a: {  	_ =	shalt  }
0x5b: {  	_ =	shalt  }
0x5c: {  	_ =	shalt  }
0x5d: {  	_ =	shalt  }
0x5e: {  	_ =	shalt  }
0x5f: {  	_ =	shalt  }
0x60: {  	_ =	shalt  }
0x61: {  	_ =	shalt  }
0x62: {  	_ =	shalt  }
0x63: {  	_ =	shalt  }
0x64: {  	_ =	shalt  }
0x65: {  	_ =	shalt  }
0x66: {  	_ =	shalt  }
0x67: {  	_ =	shalt  }
0x68: {  	_ =	shalt  }
0x69: {  	_ =	shalt  }
0x6a: {  	_ =	shalt  }
0x6b: {  	_ =	shalt  }
0x6c: {  	_ =	shalt  }
0x6d: {  	_ =	shalt  }
0x6e: {  	_ =	shalt  }
0x6f: {  	_ =	shalt  }
0x70: {  	_ =	shalt  }
0x71: {  	_ =	shalt  }
0x72: {  	_ =	shalt  }
0x73: {  	_ =	shalt  }
0x74: {  	_ =	shalt  }
0x75: {  	_ =	shalt  }
0x76: {  	_ =	shalt  }
0x77: {  	_ =	shalt  }
0x78: {  	_ =	shalt  }
0x79: {  	_ =	shalt  }
0x7a: {  	_ =	shalt  }
0x7b: {  	_ =	shalt  }
0x7c: {  	_ =	shalt  }
0x7d: {  	_ =	shalt  }
0x7e: {  	_ =	shalt  }
0x7f: {  	_ =	shalt  }
0x80: {  	_ =	shalt  }
0x81: {  	_ =	shalt  }
0x82: {  	_ =	shalt  }
0x83: {  	_ =	shalt  }
0x84: {  	_ =	shalt  }
0x85: {  	_ =	shalt  }
0x86: {  	_ =	shalt  }
0x87: {  	_ =	shalt  }
.Lfunc_end0:
.L_simem_size_0:
called_computation.1_lowered:
.L_overlay_start_0:
0x88: {  	s2 =	sld [smem:$0x3FD9]  }
0x89: {  	s3 =	sld [smem:$0x3FFE];
	_ =	sdelay $0x1  }
0x8a: {  	s1 =	srdreg.scid  }
0x8b: {  	s0 =	sand.u32 $0x1, s1  }
0x8c: {  	s16 =	sshll.u32 s0, $0xA;
	s2 =	sadd.s32 s3, s2  }
0x8d: {  	s2 =	sadd.s32 s2, s16  }
0x8e: {  	[smem:$0x3FC1] =	sst s2  }
0x8f: {  	_ = 	snop  }
0x90: {  	(tm) =	ssettm $0x1  }
0x91: {  	s17 =	sld [smem:$0x3FFB];
	_ =	sdelay $0x3  }
0x92: {  	_ =	strace s17  }
0x93: {  	s2 =	sld [smem:$0x3FFC];
	_ =	sdelay $0x3  }
0x94: {  	_ =	strace s2  }
0x95: {  	s2 =	sld [smem:$0x3FFD];
	_ =	sdelay $0x3  }
0x96: {  	_ =	strace s2  }
0x97: {  	_ =	strace $0x8FFFFFFF  }
0x98: {  	s18 =	sld [smem:$0x3FDB];
	_ =	sdelay $0x1  }
0x99: {  	s19 =	simm.s32 $_scs_section_size  }
0x9a: {  	s4 =	simm.s32 $_size__tile_overlayer_lowered;
	s5 =	simm.s32 $_tile_overlayer_lowered  }
0x9b: {  	s22 =	simm.s32 $0x1BFF;
	s21 =	sshll.u32 s5, $0x1;
	s2 =	sadd.s32 s19, s18  }
0x9c: {  	s6 =	simm.s32 $0x0;
	s20 =	sshll.u32 s4, $0x1;
	s4 =	sadd.s32 s21, s2  }
0x9d: {  	[timem:s6], [sflag:s22] =	dma.local [hbm:s4], s20  }
0x9e: {  	_ =	swait.ge [sflag:s22], s20  }
0x9f: {  	s3 =	ssub.s32 $0x0, s20;
	[sflag:s22] =	ssyncset.done $0x0  }
0xa0: {  	[sflag:s22] =	ssyncadd.s32 s3;
	_ =	sdelay $0x1  }
0xa1: {  	s23 =	simm.s32 $0x1B8B  }
0xa2: {  	_ =	swait.ge [sflag:s23], $0x1  }
0xa3: {  	[sflag:s23] =	ssyncset.done $0x0  }
0xa4: {  	s25 =	simm.s32 $0x1B8E;
	s24 =	sld [smem:$0x3FFE];
	[sflag:s23] =	ssyncadd.s32 $0xFFFFFFFF  }
0xa5: {  	s26 =	simm.s32 $execute0_lowered;
	[smem:$0x3FD2] =	sst s25  }
0xa6: {  	s4 =	sshll.u32 s26, $0x1;
	_ =	strace $0x80000046;
	[dreg:$0x1] =	wrdreg $0xFFFFFFFF  }
0xa7: {  	s28 =	simm.s32 $_size_execute0_lowered;
	s2 =	sadd.s32 s2, s4;
	[dreg:$0x0] =	wrdreg $0x0  }
0xa8: {  	s4 =	sshll.u32 s28, $0x1;
	[dreg:$0x2] =	wrdreg s2  }
0xa9: {  	[dreg:$0x3] =	wrdreg s4  }
0xaa: {  	[dreg:$0x4] =	wrdreg $0xC0  }
0xab: {  	_ =	task [dreg:s6], $0x5FFFF  }
0xac: {  	[dreg:$0x1] =	wrdreg $0xFFFFFFFF  }
0xad: {  	[dreg:$0x0] =	wrdreg $0x60  }
0xae: {  	[dreg:$0x2] =	wrdreg s24  }
0xaf: {  	[dreg:$0x3] =	wrdreg $0x185800  }
0xb0: {  	[dreg:$0x4] =	wrdreg $0x188000  }
0xb1: {  	[dreg:$0x5] =	wrdreg $0x9  }
0xb2: {  	_ =	task.clear_ibuf [dreg:s6], $0x6FFFF;
	_ =	strace $0x90000046  }
0xb3: {  	s29 =	simm.s32 $0x9;
	_ =	strace $0x80000048  }
0xb4: {  	_ =	swait.ge [sflag:s29], $0x1  }
0xb5: {  	[sflag:s29] =	ssyncadd.s32 $0xFFFFFFFF  }
0xb6: {  	_ =	strace $0x90000048  }
0xb7: {  	_ =	sfence  }
0xb8: {  	s30 =	sld [smem:$0x0];
	_ =	sdelay $0x2  }
0xb9: {  	s31 =	sshll.u32 s1, $0xD;
	s1 =	sshrl.u32 s1, $0x2  }
0xba: {  	s3 =	sand.u32 $0x4000, s31;
	s1 =	sadd.s32 s1, s30  }
0xbb: {  	s0 =	sor.u32 s3, s0;
	s1 =	sshll.u32 s1, $0x11  }
0xbc: {  	s0 =	sor.u32 s1, s0  }
0xbd: {  	s0 =	sadd.s32 $0x8F2B, s0  }
0xbe: {  	[sflag:s0] =	ssyncadd.remote.s32 $0x1  }
0xbf: {  	_ =	sfence.sel $0xFFFF  }
0xc0: {  	[dreg:$0x0] =	wrdreg $0xFFFFFFFF;
	(pc) =	sbr.abs _section_cstart, $3  }
0xc1: {  	[dreg:$0x1] =	wrdreg $0xFFFFFFFF  }
0xc2: {  	_ =	task.clear_ibuf [dreg:s6], $0x2FFFF;
	_ =	strace $0x9FFFFFFF  }
0xc3: {  	(tm) =	ssettm $0x7FFFFFFF  }
tec
execute0_lowered:
.L_overlay_start_1:
0x0: {  	(tag) =	ssettag $0x1  }
0x1: {  	s6 =	rddreg [dreg:$0x0]  }
0x2: {  	s2 =	rddreg [dreg:$0x1]  }
0x3: {  	s3 =	rddreg [dreg:$0x2]  }
0x4: {  	s0 =	rddreg [dreg:$0x3]  }
0x5: {  	s4 =	simm.s32 $0x0;
	s1 =	stileid.u32;
	s7 =	srdreg.scid  }
0x6: {  	s14 =	simm.s32 $0x2;
	s15 =	simm.s32 $0x8000;
	s16 =	simm.s32 $0x10000  }
0x7: {  	s17 =	simm.s32 $0x18300;
	s18 =	simm.s32 $0x18080;
	s19 =	simm.s32 $0x3  }
0x8: {  	s20 =	simm.s32 $0x50;
	s21 =	simm.s32 $0x18000;
	s22 =	simm.s32 $0x1  }
0x9: {  	[smem:$0x7FF] =	sst s4;
	s5 =	smul.u32 $0x280, s1;
	s23 =	sand.u32 $0x1, s7  }
0xa: {  	s10 =	sshll.u32 s1, $0xC;
	_ =	strace $0x80000047;
	s7 =	ssub.s32 $0x2, s23  }
.Ltmp0:
0xb: {  	p0 =	sne.s32 s23, $0x0;
	s23 =	simm.s32 $0x0;
	(pc) =	sbr.rel .LBB2_1-.Ltmp0, $4  }
0xc: {  	s8 =	sshrl.u32 s5, $0x3;
	s9 =	sshrl.u32 s7, $0x1;
	s11 =	sadd.s32 s5, s3  }
0xd: {  	s12 =	sadd.s32 s8, s6;
	s13 =	ssub.s32 s7, s9;
	s6 =	sadd.s32 s6, s10  }
0xe: {  	s9 =	sadd.s32 s5, s2;
	s7 =	sadd.s32 $0x20000, s6;
	s8 =	sadd.s32 $0x10000, s6  }
0xf: {  	v0 =	vimm.f32 $0.0e+00;
	v1 =	vimm.f32 $9.999999770e-03;
	s10 =	sadd.s32 $0x30600, s12;
	s12 =	sadd.s32 $0x30000, s12;
	s13 =	smax.u32 s13, $0x1  }
.LBB2_8:
0x10: {  	s24 =	sshll.u32 s1, $0x6  }
0x11: {  	s25 =	sshrl.u32 s11, $0x3;
	s24 =	sor.u32 $0x1C03, s24  }
0x12: {  	[hbm:s12], [sflag:s24] =	dma.local [spmem:s25], $0x50  }
0x13: {  	_ =	swait.ge [sflag:s19], $0x50  }
0x14: {  	[sflag:s19] =	ssyncset.done $0x0  }
0x15: {  	[sflag:s19] =	ssyncadd.s32 $0xFFFFFFB0  }
.LBB2_13:
0x16: {  	s23 =	sadd.s32 $0x1, s23  }
0x17: {  	p1 =	sne.s32 s23, s13  }
.Ltmp1:
0x18: {  	_ = 	snop;
	(pc) =	sbr.rel @!p1 .LBB2_14-.Ltmp1, $1  }
0x19: {  	_ =	sdelay $0x3  }
.LBB2_1:
0x1a: {  	[tilespmem:s4], [sflag:$0x2] =	stream.linear.gather [hbm4b:s7+s4], $0x7D00, $0x38;
	[tilespmem:$0x18A80] =	vst v63  }
0x1b: {  	_ =	swait.ge [sflag:s14], $0x7D00  }
0x1c: {  	[sflag:s14] =	ssyncset.done $0x0  }
0x1d: {  	[sflag:s14] =	ssyncadd.s32 $0xFFFF8300  }
0x1e: {  	[tilespmem:s15], [sflag:$0x2] =	stream.linear.gather [hbm4b:s8+s4], $0x7D00, $0x38;
	[tilespmem:$0x18A80] =	vst v63  }
0x1f: {  	_ =	swait.ge [sflag:s14], $0x7D00  }
0x20: {  	[sflag:s14] =	ssyncset.done $0x0  }
0x21: {  	[sflag:s14] =	ssyncadd.s32 $0xFFFF8300  }
0x22: {  	[tilespmem:s16], [sflag:$0x2] =	stream.linear.gather [hbm4b:s6+s4], $0x7D00, $0x38;
	[tilespmem:$0x18A80] =	vst v63  }
0x23: {  	_ =	swait.ge [sflag:s14], $0x7D00  }
0x24: {  	p1 =	slt.u32 s5, $0x2710;
	s24 =	simm.s32 $0x40;
	[sflag:s14] =	ssyncset.done $0x0  }
0x25: {  	s26 =	simm.s32 $0x0;
	s25 =	smov.u32 s5;
	v2 =	vpsel !p1, $0x0, v1;
	[sflag:s14] =	ssyncadd.s32 $0xFFFF8300  }
.LBB2_2:
0x26: {  	p1 =	sne.s32 s24, $0x9C0  }
0x27: {  	[tilespmem:s26+$0x18300] =	vst v2;
	s25 =	sadd.s32 $0x10, s25;
	s28 =	smov.u32 s24;
	s24 =	sadd.s32 $0x40, s24  }
.Ltmp2:
0x28: {  	[tilespmem:s26+$0x18080] =	vst v0;
	(pc) =	sbr.rel @p1 .LBB2_2-.Ltmp2, $3  }
0x29: {  	_ =	sdelay $0x1  }
0x2a: {  	p2 =	slt.u32 s25, $0x2710  }
0x2b: {  	s26 =	sshra.s32 s28, $0x2;
	v2 =	vpsel !p2, $0x0, v1  }
0x2c: {  	[tilespmem:s26+$0x18300] =	vst v2  }
0x2d: {  	[tilespmem:s26+$0x18080] =	vst v0  }
0x2e: {  	[spmem:s9] =	stream.linear.scatter [tilespmem:s17], [sflag:$0x2], $0x280, $0x38;
	[tilespmem:$0x18A80] =	vst v63  }
.Ltmp3:
0x2f: {  	_ =	swait.ge [sflag:s14], $0x280;
	(pc) =	sbr.rel .LBB2_4-.Ltmp3, $4  }
0x30: {  	[sflag:s14] =	ssyncset.done $0x0  }
0x31: {  	[sflag:s14] =	ssyncadd.s32 $0xFFFFFD80  }
0x32: {  	[bflag:$0x0] =	sbarrier.arrive $0xFFFF  }
0x33: {  	s24 =	simm.s32 $0x0  }
.LBB2_11:
0x34: {  	p1 =	sne.s32 @!p0 s24, $0x1D  }
0x35: {  	[sflag:s19] =	ssyncset.done $0x0;
	p1 =	por p1, p0  }
0x36: {  	[sflag:s19] =	ssyncadd.s32 $0xFFFFFFB0;
	s25 =	sshll.u32 @!p1 s1, $0x6  }
0x37: {  	[bflag:$0x0] =	sbarrier.arrive $0xFFFF;
	s26 =	sshrl.u32 @!p1 s9, $0x3;
	s25 =	sor.u32 @!p1 $0x1C03, s25  }
0x38: {  	[hbm:s10], [sflag:s25] =	dma.local @!p1 [spmem:s26], $0x50  }
0x39: {  	s25 =	simm.s32 @!p1 $0x3  }
0x3a: {  	_ =	swait.ge @!p1 [sflag:s25], $0x50  }
0x3b: {  	[sflag:s25] =	ssyncset.done @!p1 $0x0  }
0x3c: {  	[sflag:s25] =	ssyncadd.s32 @!p1 $0xFFFFFFB0  }
.LBB2_12:
0x3d: {  	s24 =	sadd.s32 $0x1, s24  }
0x3e: {  	p1 =	sne.s32 s24, $0x1F  }
.Ltmp4:
0x3f: {  	_ = 	snop;
	(pc) =	sbr.rel @!p1 .LBB2_13-.Ltmp4, $1  }
0x40: {  	_ =	sdelay $0x3  }
.LBB2_4:
0x41: {  	s25 =	sand.u32 $0x1, s24  }
0x42: {  	p1 =	seq.s32 s25, $0x1  }
.Ltmp5:
0x43: {  	_ = 	snop;
	(pc) =	sbr.rel @p1 .LBB2_9-.Ltmp5, $1  }
0x44: {  	_ =	sdelay $0x3  }
0x45: {  	[spmem:s11] =	stream.linear.scatter [tilespmem:s18], [sflag:$0x3], $0x280, $0x38;
	[tilespmem:$0x18A80] =	vst v63  }
0x46: {  	_ =	swait.ge [sflag:s19], $0x280  }
0x47: {  	[sflag:s19] =	ssyncset.done $0x0  }
0x48: {  	[sflag:s19] =	ssyncadd.s32 $0xFFFFFD80  }
0x49: {  	s25 =	simm.s32 $0x0;
	[bflag:$0x0] =	sbarrier.arrive $0xFFFF  }
0x4a: {  	[tilespmem:s21], [sflag:$0x1] =	stream.indirect.gather [spmem:s2], $0x1, s25, s20, $0xb8;
	[tilespmem:$0x18A80] =	vst v63  }
0x4b: {  	_ =	swait.ge [sflag:s22], $0x50  }
0x4c: {  	[sflag:s22] =	ssyncset.done $0x0  }
0x4d: {  	[sflag:s22] =	ssyncadd.s32 $0xFFFFFFB0  }
0x4e: {  	v2 =	vld [tilespmem:$0x18000]  }
0x4f: {  	v3 =	vld [tilespmem:s25+$0x10000];
	_ =	sdelay $0x4  }
0x50: {  	v2 =	vmul.f32 v3, v2;
	_ =	sdelay $0x1  }
0x51: {  	[tilespmem:$0x18000] =	vst v2;
	v2 =	vld [tilespmem:$0x18010]  }
0x52: {  	v3 =	vld [tilespmem:s25+$0x10010];
	_ =	sdelay $0x4  }
0x53: {  	v2 =	vmul.f32 v3, v2;
	_ =	sdelay $0x1  }
0x54: {  	[tilespmem:$0x18010] =	vst v2;
	v2 =	vld [tilespmem:$0x18020]  }
0x55: {  	v3 =	vld [tilespmem:s25+$0x10020];
	_ =	sdelay $0x4  }
0x56: {  	v2 =	vmul.f32 v3, v2;
	_ =	sdelay $0x1  }
0x57: {  	[tilespmem:$0x18020] =	vst v2;
	v2 =	vld [tilespmem:$0x18030]  }
0x58: {  	v3 =	vld [tilespmem:s25+$0x10030];
	_ =	sdelay $0x4  }
0x59: {  	v2 =	vmul.f32 v3, v2;
	_ =	sdelay $0x1  }
0x5a: {  	[tilespmem:$0x18030] =	vst v2;
	v2 =	vld [tilespmem:$0x18040]  }
0x5b: {  	v3 =	vld [tilespmem:s25+$0x10040];
	_ =	sdelay $0x4  }
0x5c: {  	v2 =	vmul.f32 v3, v2;
	_ =	sdelay $0x1  }
0x5d: {  	s31 =	simm.s32 $0x8000;
	[tilespmem:$0x18040] =	vst v2  }
0x5e: {  	[spmem:s3] =	stream.indirect.scatter.add.f32 [tilespmem:s21], [sflag:$0x3], $0x1, s31, s20, $0xb8;
	[tilespmem:$0x18A80] =	vst v63  }
0x5f: {  	s25 =	simm.s32 $0x200;
	_ =	swait.ge [sflag:s19], $0x50  }
.LBB2_6:
0x60: {  	p1 =	sne.s32 s25, $0x1F200  }
0x61: {  	[sflag:s19] =	ssyncset.done $0x0;
	s26 =	smov.u32 s25;
	s25 =	sadd.s32 $0x200, s25  }
0x62: {  	s26 =	sshra.s32 s26, $0x2;
	[sflag:s19] =	ssyncadd.s32 $0xFFFFFFB0  }
0x63: {  	[tilespmem:s21], [sflag:$0x1] =	stream.indirect.gather [spmem:s2], $0x1, s26, s20, $0xb8;
	[tilespmem:$0x18A80] =	vst v63  }
0x64: {  	_ =	swait.ge [sflag:s22], $0x50  }
0x65: {  	[sflag:s22] =	ssyncset.done $0x0  }
0x66: {  	[sflag:s22] =	ssyncadd.s32 $0xFFFFFFB0  }
0x67: {  	v2 =	vld [tilespmem:$0x18000]  }
0x68: {  	v3 =	vld [tilespmem:s26+$0x10000];
	_ =	sdelay $0x4  }
0x69: {  	v2 =	vmul.f32 v3, v2;
	_ =	sdelay $0x1  }
0x6a: {  	[tilespmem:$0x18000] =	vst v2;
	v2 =	vld [tilespmem:$0x18010]  }
0x6b: {  	v3 =	vld [tilespmem:s26+$0x10010];
	_ =	sdelay $0x4  }
0x6c: {  	v2 =	vmul.f32 v3, v2;
	_ =	sdelay $0x1  }
0x6d: {  	[tilespmem:$0x18010] =	vst v2;
	v2 =	vld [tilespmem:$0x18020]  }
0x6e: {  	v3 =	vld [tilespmem:s26+$0x10020];
	_ =	sdelay $0x4  }
0x6f: {  	v2 =	vmul.f32 v3, v2;
	_ =	sdelay $0x1  }
0x70: {  	[tilespmem:$0x18020] =	vst v2;
	v2 =	vld [tilespmem:$0x18030]  }
0x71: {  	v3 =	vld [tilespmem:s26+$0x10030];
	_ =	sdelay $0x4  }
0x72: {  	v2 =	vmul.f32 v3, v2;
	_ =	sdelay $0x1  }
0x73: {  	[tilespmem:$0x18030] =	vst v2;
	v2 =	vld [tilespmem:$0x18040]  }
0x74: {  	v3 =	vld [tilespmem:s26+$0x10040];
	_ =	sdelay $0x4  }
.Ltmp6:
0x75: {  	v2 =	vmul.f32 v3, v2;
	(pc) =	sbr.rel @p1 .LBB2_6-.Ltmp6, $4  }
0x76: {  	s26 =	sadd.s32 $0x8000, s26  }
0x77: {  	[tilespmem:$0x18040] =	vst v2  }
0x78: {  	[spmem:s3] =	stream.indirect.scatter.add.f32 [tilespmem:s21], [sflag:$0x3], $0x1, s26, s20, $0xb8;
	[tilespmem:$0x18A80] =	vst v63  }
0x79: {  	_ =	swait.ge [sflag:s19], $0x50  }
0x7a: {  	p1 =	sne.s32 @!p0 s24, $0x1E  }
0x7b: {  	p1 =	por p0, p1  }
.Ltmp7:
0x7c: {  	_ = 	snop;
	(pc) =	sbr.rel @p1 .LBB2_12-.Ltmp7, $4  }
.Ltmp8:
0x7d: {  	[sflag:s19] =	ssyncset.done $0x0;
	(pc) =	sbr.rel @!p1 .LBB2_8-.Ltmp8, $4  }
0x7e: {  	[sflag:s19] =	ssyncadd.s32 $0xFFFFFFB0  }
0x7f: {  	[bflag:$0x0] =	sbarrier.arrive $0xFFFF  }
0x80: {  	_ = 	snop  }
0x81: {  	_ = 	snop  }
.LBB2_9:
0x82: {  	[spmem:s9] =	stream.linear.scatter [tilespmem:s18], [sflag:$0x3], $0x280, $0x38;
	[tilespmem:$0x18A80] =	vst v63  }
0x83: {  	_ =	swait.ge [sflag:s19], $0x280  }
0x84: {  	[sflag:s19] =	ssyncset.done $0x0  }
0x85: {  	[sflag:s19] =	ssyncadd.s32 $0xFFFFFD80  }
0x86: {  	s25 =	simm.s32 $0x0;
	[bflag:$0x0] =	sbarrier.arrive $0xFFFF  }
0x87: {  	[tilespmem:s21], [sflag:$0x1] =	stream.indirect.gather [spmem:s3], $0x1, s25, s20, $0xb8;
	[tilespmem:$0x18A80] =	vst v63  }
0x88: {  	_ =	swait.ge [sflag:s22], $0x50  }
0x89: {  	[sflag:s22] =	ssyncset.done $0x0  }
0x8a: {  	[sflag:s22] =	ssyncadd.s32 $0xFFFFFFB0  }
0x8b: {  	v2 =	vld [tilespmem:$0x18000]  }
0x8c: {  	v3 =	vld [tilespmem:s25+$0x10000];
	_ =	sdelay $0x4  }
0x8d: {  	v2 =	vmul.f32 v3, v2;
	_ =	sdelay $0x1  }
0x8e: {  	[tilespmem:$0x18000] =	vst v2;
	v2 =	vld [tilespmem:$0x18010]  }
0x8f: {  	v3 =	vld [tilespmem:s25+$0x10010];
	_ =	sdelay $0x4  }
0x90: {  	v2 =	vmul.f32 v3, v2;
	_ =	sdelay $0x1  }
0x91: {  	[tilespmem:$0x18010] =	vst v2;
	v2 =	vld [tilespmem:$0x18020]  }
0x92: {  	v3 =	vld [tilespmem:s25+$0x10020];
	_ =	sdelay $0x4  }
0x93: {  	v2 =	vmul.f32 v3, v2;
	_ =	sdelay $0x1  }
0x94: {  	[tilespmem:$0x18020] =	vst v2;
	v2 =	vld [tilespmem:$0x18030]  }
0x95: {  	v3 =	vld [tilespmem:s25+$0x10030];
	_ =	sdelay $0x4  }
0x96: {  	v2 =	vmul.f32 v3, v2;
	_ =	sdelay $0x1  }
0x97: {  	[tilespmem:$0x18030] =	vst v2;
	v2 =	vld [tilespmem:$0x18040]  }
0x98: {  	v3 =	vld [tilespmem:s25+$0x10040];
	_ =	sdelay $0x4  }
0x99: {  	v2 =	vmul.f32 v3, v2;
	_ =	sdelay $0x1  }
0x9a: {  	s31 =	simm.s32 $0x8000;
	[tilespmem:$0x18040] =	vst v2  }
0x9b: {  	[spmem:s2] =	stream.indirect.scatter.add.f32 [tilespmem:s21], [sflag:$0x3], $0x1, s31, s20, $0xb8;
	[tilespmem:$0x18A80] =	vst v63  }
0x9c: {  	s25 =	simm.s32 $0x200;
	_ =	swait.ge [sflag:s19], $0x50  }
.LBB2_10:
0x9d: {  	p1 =	sne.s32 s25, $0x1F200  }
0x9e: {  	[sflag:s19] =	ssyncset.done $0x0;
	s26 =	smov.u32 s25;
	s25 =	sadd.s32 $0x200, s25  }
0x9f: {  	s26 =	sshra.s32 s26, $0x2;
	[sflag:s19] =	ssyncadd.s32 $0xFFFFFFB0  }
0xa0: {  	[tilespmem:s21], [sflag:$0x1] =	stream.indirect.gather [spmem:s3], $0x1, s26, s20, $0xb8;
	[tilespmem:$0x18A80] =	vst v63  }
0xa1: {  	_ =	swait.ge [sflag:s22], $0x50  }
0xa2: {  	[sflag:s22] =	ssyncset.done $0x0  }
0xa3: {  	[sflag:s22] =	ssyncadd.s32 $0xFFFFFFB0  }
0xa4: {  	v2 =	vld [tilespmem:$0x18000]  }
0xa5: {  	v3 =	vld [tilespmem:s26+$0x10000];
	_ =	sdelay $0x4  }
0xa6: {  	v2 =	vmul.f32 v3, v2;
	_ =	sdelay $0x1  }
0xa7: {  	[tilespmem:$0x18000] =	vst v2;
	v2 =	vld [tilespmem:$0x18010]  }
0xa8: {  	v3 =	vld [tilespmem:s26+$0x10010];
	_ =	sdelay $0x4  }
0xa9: {  	v2 =	vmul.f32 v3, v2;
	_ =	sdelay $0x1  }
0xaa: {  	[tilespmem:$0x18010] =	vst v2;
	v2 =	vld [tilespmem:$0x18020]  }
0xab: {  	v3 =	vld [tilespmem:s26+$0x10020];
	_ =	sdelay $0x4  }
0xac: {  	v2 =	vmul.f32 v3, v2;
	_ =	sdelay $0x1  }
0xad: {  	[tilespmem:$0x18020] =	vst v2;
	v2 =	vld [tilespmem:$0x18030]  }
0xae: {  	v3 =	vld [tilespmem:s26+$0x10030];
	_ =	sdelay $0x4  }
0xaf: {  	v2 =	vmul.f32 v3, v2;
	_ =	sdelay $0x1  }
0xb0: {  	[tilespmem:$0x18030] =	vst v2;
	v2 =	vld [tilespmem:$0x18040]  }
0xb1: {  	v3 =	vld [tilespmem:s26+$0x10040];
	_ =	sdelay $0x4  }
.Ltmp9:
0xb2: {  	v2 =	vmul.f32 v3, v2;
	(pc) =	sbr.rel @p1 .LBB2_10-.Ltmp9, $4  }
0xb3: {  	s26 =	sadd.s32 $0x8000, s26  }
0xb4: {  	[tilespmem:$0x18040] =	vst v2  }
0xb5: {  	[spmem:s2] =	stream.indirect.scatter.add.f32 [tilespmem:s21], [sflag:$0x3], $0x1, s26, s20, $0xb8;
	[tilespmem:$0x18A80] =	vst v63  }
0xb6: {  	_ =	swait.ge [sflag:s19], $0x50  }
.Ltmp10:
0xb7: {  	_ = 	snop;
	(pc) =	sbr.rel .LBB2_11-.Ltmp10, $1  }
0xb8: {  	_ =	sdelay $0x3  }
.LBB2_14:
0xb9: {  	_ =	sfence.sel $0x180000  }
0xba: {  	[bflag:$0x0] =	sbarrier.arrive $0xFFFF  }
0xbb: {  	p0 =	sne.s32 s1, $0x0;
	_ =	strace $0x90000047  }
0xbc: {  	s0 =	sadd.s32 @!p0 $0x100000, s0;
	[bflag:$0x2] =	sbarrier.arrive $0xFFFF  }
0xbd: {  	[sflag:s0] =	ssyncadd.tile.s32 @!p0 $0x1;
	_ =	shalt  }
.Lfunc_end2:
_tile_overlayer_lowered:
.L_overlay_start_2:
0xbe: {  	(tag) =	ssettag $0x2  }
0xbf: {  	s0 =	rddreg [dreg:$0x0];
	s2 =	stileid.u32  }
0xc0: {  	s1 =	rddreg [dreg:$0x1];
	p0 =	sne.s32 s2, $0x0  }
0xc1: {  	s3 =	rddreg [dreg:$0x2];
	[bflag:$0x3] =	sbarrier.arrive $0xFFFF;
	s2 =	simm.s32 @!p0 $0x1C02  }
0xc2: {  	[timem:s3], [sflag:s2] =	dma.local @!p0 [hbm:s0], s1  }
0xc3: {  	s0 =	simm.s32 @!p0 $0x2  }
0xc4: {  	_ =	swait.ge @!p0 [sflag:s0], s1  }
0xc5: {  	s1 =	ssub.s32 @!p0 $0x0, s1;
	[sflag:s0] =	ssyncset.done @!p0 $0x0  }
0xc6: {  	[sflag:s0] =	ssyncadd.s32 @!p0 s1  }
0xc7: {  	[bflag:$0x3] =	sbarrier.arrive $0xFFFF  }
0xc8: {  	_ =	shalt  }

</sc_bundles>
